<compile_context>
chip_gen: v7x
topology: tpu7x:2x2x1
jax: 0.10.2.dev20260603
libtpu: 0.0.44.dev20260713+nightly
codegen_flags: <defaults>
</compile_context>

<pallas_src>
import functools

import jax
import jax.numpy as jnp
from jax import lax
from jax.experimental import pallas as pl
from jax.experimental.pallas import tpu as pltpu
from jax.experimental.pallas import tpu_sc as plsc

N_NODES = 10000
N_EDGES = 320000
D = 128
N_GRAPHS = 64
N_CLASSES = 10
BN_EPS = 1e-5

NC = 2
NS = 16
NW = NC * NS
N_PAD = 10240
E_PER_W = 10240
E_PAD = NW * E_PER_W
CHUNK = 128
NSPLIT = 4
CHUNKS_PER_W = E_PER_W // CHUNK
ROWS_PER_S = N_PAD // NS


def _segsum_body(h_hbm, src_hbm, dst_hbm, out_hbm,
                 srcv, dst0, dst1, rows0, rows1, acc,
                 gsem0, gsem1, ssem0, ssem1, isem0, isem1):
    c = lax.axis_index("c")
    s = lax.axis_index("s")
    w = s * NC + c
    base = w * CHUNKS_PER_W
    last = CHUNKS_PER_W - 1
    sub = CHUNK // NSPLIT

    def _gather(j, buf, sem):
        for q in range(NSPLIT):
            pltpu.async_copy(h_hbm.at[srcv.at[j, pl.ds(q * sub, sub)]],
                             buf.at[pl.ds(q * sub, sub), :], sem)

    def _gwait(buf, sem):
        pltpu.make_async_copy(h_hbm.at[pl.ds(0, CHUNK), :], buf, sem).wait()

    zv = jnp.zeros((16,), jnp.float32)

    def _zrow(r, carry):
        for k in range(D // 16):
            rows0[r, pl.ds(k * 16, 16)] = zv
        return carry

    lax.fori_loop(0, CHUNK, _zrow, 0)

    def _zacc(j, carry):
        pltpu.sync_copy(rows0, acc.at[pl.ds(s * ROWS_PER_S + j * CHUNK, CHUNK), :])
        return carry

    lax.fori_loop(0, ROWS_PER_S // CHUNK, _zacc, 0)
    plsc.subcore_barrier()

    dsts = (dst0, dst1)
    rows = (rows0, rows1)
    gsems = (gsem0, gsem1)
    ssems = (ssem0, ssem1)
    isems = (isem0, isem1)

    pltpu.sync_copy(src_hbm.at[pl.ds(base, CHUNKS_PER_W), :], srcv)

    pltpu.async_copy(dst_hbm.at[base], dst0, isem0)
    _gather(0, rows0, gsem0)
    pltpu.async_copy(dst_hbm.at[base + 1], dst1, isem1)
    _gather(1, rows1, gsem1)
    _gwait(rows0, gsem0)
    pltpu.make_async_copy(dst_hbm.at[base], dst0, isem0).wait()
    pltpu.async_copy(rows0, acc.at[dst0], ssem0, add=True)

    def _pair(j2, carry):
        for u in range(2):
            j = 2 * j2 + 1 + u
            b = (1 + u) % 2
            nb = 1 - b
            pltpu.make_async_copy(h_hbm.at[pl.ds(0, CHUNK), :],
                                  rows[nb], ssems[nb]).wait()
            pltpu.async_copy(dst_hbm.at[base + j + 1], dsts[nb], isems[nb])
            _gather(j + 1, rows[nb], gsems[nb])
            _gwait(rows[b], gsems[b])
            pltpu.make_async_copy(dst_hbm.at[base + j], dsts[b], isems[b]).wait()
            pltpu.async_copy(rows[b], acc.at[dsts[b]], ssems[b], add=True)
        return carry

    lax.fori_loop(0, (CHUNKS_PER_W - 2) // 2, _pair, 0)
    pltpu.make_async_copy(h_hbm.at[pl.ds(0, CHUNK), :], rows0, ssem0).wait()
    _gwait(rows1, gsem1)
    pltpu.make_async_copy(dst_hbm.at[base + last], dst1, isem1).wait()
    pltpu.async_copy(rows1, acc.at[dst1], ssem1, add=True)
    pltpu.make_async_copy(h_hbm.at[pl.ds(0, CHUNK), :], rows1, ssem1).wait()
    plsc.subcore_barrier()

    def _out(j, carry):
        r0 = s * ROWS_PER_S + j * CHUNK
        pltpu.sync_copy(acc.at[pl.ds(r0, CHUNK), :], rows0)
        pltpu.sync_copy(rows0, out_hbm.at[c, pl.ds(r0, CHUNK), :])
        return carry

    lax.fori_loop(0, ROWS_PER_S // CHUNK, _out, 0)


@functools.lru_cache(maxsize=1)
def _get_segsum():
  return pl.kernel(
    _segsum_body,
    mesh=plsc.VectorSubcoreMesh(core_axis_name="c", subcore_axis_name="s"),
    out_type=jax.ShapeDtypeStruct((NC, N_PAD, D), jnp.float32),
    scratch_types=[
        pltpu.VMEM((CHUNKS_PER_W, CHUNK), jnp.int32),
        pltpu.VMEM((CHUNK,), jnp.int32),
        pltpu.VMEM((CHUNK,), jnp.int32),
        pltpu.VMEM((CHUNK, D), jnp.float32),
        pltpu.VMEM((CHUNK, D), jnp.float32),
        pltpu.VMEM_SHARED((N_PAD, D), jnp.float32),
        pltpu.SemaphoreType.DMA,
        pltpu.SemaphoreType.DMA,
        pltpu.SemaphoreType.DMA,
        pltpu.SemaphoreType.DMA,
        pltpu.SemaphoreType.DMA,
        pltpu.SemaphoreType.DMA,
    ],
  )


ROW_BLK = 2000


def _mlp_body(h_ref, p_ref, w0_ref, b0_ref, w1_ref, b1_ref, o_ref):
    t = h_ref[...] + p_ref[0] + p_ref[1]
    t = jnp.maximum(
        jnp.dot(t, w0_ref[...], preferred_element_type=jnp.float32) + b0_ref[...], 0.0)
    t = jnp.maximum(
        jnp.dot(t, w1_ref[...], preferred_element_type=jnp.float32) + b1_ref[...], 0.0)
    o_ref[...] = t


def _mlp(h, parts, w0, b0, w1, b1):
    n_blk = N_NODES // ROW_BLK
    return pl.pallas_call(
        _mlp_body,
        grid=(n_blk,),
        in_specs=[
            pl.BlockSpec((ROW_BLK, D), lambda i: (i, 0)),
            pl.BlockSpec((NC, ROW_BLK, D), lambda i: (0, i, 0)),
            pl.BlockSpec((D, D), lambda i: (0, 0)),
            pl.BlockSpec((1, D), lambda i: (0, 0)),
            pl.BlockSpec((D, D), lambda i: (0, 0)),
            pl.BlockSpec((1, D), lambda i: (0, 0)),
        ],
        out_specs=pl.BlockSpec((ROW_BLK, D), lambda i: (i, 0)),
        out_shape=jax.ShapeDtypeStruct((N_NODES, D), jnp.float32),
    )(h, parts, w0, b0, w1, b1)


def _pool_body(h_ref, batch_ref, wl_ref, bl_ref, o_ref, acc_ref):
    i = pl.program_id(0)

    @pl.when(i == 0)
    def _init():
        acc_ref[...] = jnp.full((N_GRAPHS, D), -jnp.inf, jnp.float32)

    bcol = batch_ref[0]
    h = h_ref[...]
    rows = []
    for g in range(N_GRAPHS):
        m = bcol == g
        rows.append(jnp.max(jnp.where(m, h, -jnp.inf), axis=0)[None, :])
    acc_ref[...] = jnp.maximum(acc_ref[...], jnp.concatenate(rows, axis=0))

    @pl.when(i == pl.num_programs(0) - 1)
    def _fin():
        pooled = acc_ref[...]
        logits = jnp.dot(pooled, wl_ref[...],
                         preferred_element_type=jnp.float32) + bl_ref[...]
        mx = jnp.max(logits, axis=-1, keepdims=True)
        lse = jnp.log(jnp.sum(jnp.exp(logits - mx), axis=-1, keepdims=True)) + mx
        o_ref[...] = logits - lse


def _pool(h, batch3, wl, bl):
    n_blk = N_NODES // ROW_BLK
    return pl.pallas_call(
        _pool_body,
        grid=(n_blk,),
        in_specs=[
            pl.BlockSpec((ROW_BLK, D), lambda i: (i, 0)),
            pl.BlockSpec((1, ROW_BLK, 1), lambda i: (i, 0, 0)),
            pl.BlockSpec((D, N_CLASSES), lambda i: (0, 0)),
            pl.BlockSpec((1, N_CLASSES), lambda i: (0, 0)),
        ],
        out_specs=pl.BlockSpec((N_GRAPHS, N_CLASSES), lambda i: (0, 0)),
        out_shape=jax.ShapeDtypeStruct((N_GRAPHS, N_CLASSES), jnp.float32),
        scratch_shapes=[pltpu.VMEM((N_GRAPHS, D), jnp.float32)],
    )(h, batch3, wl, bl)


def kernel(x, edge_index, batch, W, b, gamma, beta, Wl, bl):
    s = gamma * (1.0 / jnp.sqrt(1.0 + BN_EPS))
    Wf = W * s[:, None, :]
    bf = (b * s + beta).reshape(6, 1, D)

    pad = E_PAD - N_EDGES
    srcp = jnp.concatenate(
        [edge_index[0], jnp.zeros((pad,), jnp.int32)]).reshape(E_PAD // CHUNK, CHUNK)
    dstp = jnp.concatenate(
        [edge_index[1], jnp.full((pad,), N_NODES, jnp.int32)]).reshape(E_PAD // CHUNK, CHUNK)
    batch3 = batch.reshape(N_NODES // ROW_BLK, ROW_BLK, 1)

    h = x
    for layer in range(3):
        parts = _get_segsum()(h, srcp, dstp)
        h = _mlp(h, parts, Wf[2 * layer], bf[2 * layer],
                 Wf[2 * layer + 1], bf[2 * layer + 1])
    return _pool(h, batch3, Wl, bl.reshape(1, N_CLASSES))

# --- scband reference (transcript-rebuilt; emitter-appended) ---
"""Pipeline reference for scband-cluster-net-hetero-74947179315777 (READ-ONLY COPY).

The authoritative reference and input builder live on the scoring server;
editing this copy changes nothing except your own understanding.
"""

import jax, jax.numpy as jnp
import numpy as np

N_NODES = 10000
N_EDGES = 320000
D = 128
N_GRAPHS = 64
N_CLASSES = 10
BN_EPS = 1e-5


def setup_inputs(seed: int = 0) -> dict:
    key = jax.random.key(seed)
    ks = jax.random.split(key, 10)
    x = jax.random.normal(ks[0], (N_NODES, D), dtype=jnp.float32)
    edge_index = jax.random.randint(ks[1], (2, N_EDGES), 0, N_NODES, dtype=jnp.int64 if jax.config.jax_enable_x64 else jnp.int32).astype(jnp.int32)
    batch = jnp.sort(jax.random.randint(ks[2], (N_NODES,), 0, N_GRAPHS)).astype(jnp.int32)
    # 3 GIN layers, each with a 2-layer MLP (plain_last=False => Linear->BN->ReLU twice)
    # Stack the 6 Linear layers and their BatchNorm affine params.
    W = jax.random.normal(ks[3], (6, D, D), dtype=jnp.float32) * (1.0 / np.sqrt(D))
    b = jnp.zeros((6, D), dtype=jnp.float32)
    gamma = jnp.ones((6, D), dtype=jnp.float32)
    beta = jnp.zeros((6, D), dtype=jnp.float32)
    Wl = jax.random.normal(ks[4], (D, N_CLASSES), dtype=jnp.float32) * (1.0 / np.sqrt(D))
    bl = jnp.zeros((N_CLASSES,), dtype=jnp.float32)
    return {"x": x, "edge_index": edge_index, "batch": batch, "W": W, "b": b, "gamma": gamma, "beta": beta, "Wl": Wl, "bl": bl}


def reference(x, edge_index, batch, W, b, gamma, beta, Wl, bl):
    src = edge_index[0]
    dst = edge_index[1]
    inv_std = 1.0 / jnp.sqrt(1.0 + BN_EPS)  # BN eval mode: running_mean=0, running_var=1
    h = x
    idx = 0
    for layer in range(3):
        # GINConv: mlp((1+eps)*x + sum_{j->i} x_j), eps=0
        agg = jax.ops.segment_sum(h[src], dst, num_segments=N_NODES)
        h = h + agg
        for lin in range(2):
            h = h @ W[idx] + b[idx]
            h = (h * inv_std) * gamma[idx] + beta[idx]
            h = jax.nn.relu(h)
            idx += 1
    pooled = jax.ops.segment_max(h, batch, num_segments=N_GRAPHS)
    out = pooled @ Wl + bl
    return jax.nn.log_softmax(out, axis=-1)

if __name__ == "__main__":
    import jax
    _d = setup_inputs()
    print(jax.jit(kernel)(*tuple(_d.values())))

</pallas_src>

<mosaic_0001>
#map = affine_map<(d0, d1) -> (0, 0)>
#map1 = affine_map<(d0, d1) -> (0, 0, 0)>
module attributes {stable_mosaic.version = 14 : i64} {
  func.func @_segsum_body(%arg0: i32, %arg1: i32, %arg2: memref<10000x128xf32, #tpu.memory_space<hbm>>, %arg3: memref<2560x128xi32, #tpu.memory_space<hbm>>, %arg4: memref<2560x128xi32, #tpu.memory_space<hbm>>, %arg5: memref<2x10240x128xf32, #tpu.memory_space<hbm>>, %arg6: memref<80x128xi32, #tpu.memory_space<vmem>>, %arg7: memref<128xi32, #tpu.memory_space<vmem>>, %arg8: memref<128xi32, #tpu.memory_space<vmem>>, %arg9: memref<128x128xf32, #tpu.memory_space<vmem>>, %arg10: memref<128x128xf32, #tpu.memory_space<vmem>>, %arg11: memref<10240x128xf32, #tpu.memory_space<vmem_shared>>, %arg12: memref<!tpu.dma_semaphore, #tpu.memory_space<semaphore_mem>>, %arg13: memref<!tpu.dma_semaphore, #tpu.memory_space<semaphore_mem>>, %arg14: memref<!tpu.dma_semaphore, #tpu.memory_space<semaphore_mem>>, %arg15: memref<!tpu.dma_semaphore, #tpu.memory_space<semaphore_mem>>, %arg16: memref<!tpu.dma_semaphore, #tpu.memory_space<semaphore_mem>>, %arg17: memref<!tpu.dma_semaphore, #tpu.memory_space<semaphore_mem>>) attributes {dimension_semantics = [#tpu.dimension_semantics<core_parallel>, #tpu.dimension_semantics<subcore_parallel>], iteration_bounds = array<i64: 2, 16>, scalar_prefetch = 0 : i64, scratch_operands = 12 : i64, tpu.core_type = #tpu.core_type<sc_vector_subcore>, window_params = [{transform_indices = #map}, {transform_indices = #map}, {transform_indices = #map}, {transform_indices = #map1}]} {
    %mul3A = arith.constant 2 : i32
    %mul3A_0 = arith.muli %arg1, %mul3A : i32
    %add3A = arith.addi %mul3A_0, %arg0 : i32
    %mul3A_1 = arith.constant 80 : i32
    %mul3A_2 = arith.muli %add3A, %mul3A_1 : i32
    %broadcast_in_dim3A = arith.constant 0.000000e+00 : f32
    %broadcast_in_dim3A_3 = vector.broadcast %broadcast_in_dim3A : f32 to vector<16xf32>
    %scan3A = arith.constant 0 : i32
    %scan3A_4 = arith.constant 0 : i32
    %scan3A_5 = arith.constant 128 : i32
    %scan3A_6 = arith.addi %scan3A_4, %scan3A_5 : i32
    %scan3A_7 = arith.constant 1 : i32
    scf.for %scan3A_164 = %scan3A_4 to %scan3A_6 step %scan3A_7  : i32 {
      %swap3A = arith.index_cast %scan3A_164 : i32 to index
      %swap3A_165 = arith.constant 0 : index
      %swap3A_166 = tpu.vector_load %arg9[%swap3A, %swap3A_165] {strides = array<i32>} : memref<128x128xf32, #tpu.memory_space<vmem>>, vector<1x16xf32>,
      %swap3A_167 = vector.shape_cast %swap3A_166 : vector<1x16xf32> to vector<16xf32>
      %swap3A_168 = vector.shape_cast %broadcast_in_dim3A_3 : vector<16xf32> to vector<1x16xf32>
      tpu.vector_store %arg9[%swap3A, %swap3A_165], %swap3A_168 {strides = array<i32>} : memref<128x128xf32, #tpu.memory_space<vmem>>, vector<1x16xf32>,
      %swap3A_169 = arith.index_cast %scan3A_164 : i32 to index
      %swap3A_170 = arith.constant 16 : index
      %swap3A_171 = tpu.vector_load %arg9[%swap3A_169, %swap3A_170] {strides = array<i32>} : memref<128x128xf32, #tpu.memory_space<vmem>>, vector<1x16xf32>,
      %swap3A_172 = vector.shape_cast %swap3A_171 : vector<1x16xf32> to vector<16xf32>
      %swap3A_173 = vector.shape_cast %broadcast_in_dim3A_3 : vector<16xf32> to vector<1x16xf32>
      tpu.vector_store %arg9[%swap3A_169, %swap3A_170], %swap3A_173 {strides = array<i32>} : memref<128x128xf32, #tpu.memory_space<vmem>>, vector<1x16xf32>,
      %swap3A_174 = arith.index_cast %scan3A_164 : i32 to index
      %swap3A_175 = arith.constant 32 : index
      %swap3A_176 = tpu.vector_load %arg9[%swap3A_174, %swap3A_175] {strides = array<i32>} : memref<128x128xf32, #tpu.memory_space<vmem>>, vector<1x16xf32>,
      %swap3A_177 = vector.shape_cast %swap3A_176 : vector<1x16xf32> to vector<16xf32>
      %swap3A_178 = vector.shape_cast %broadcast_in_dim3A_3 : vector<16xf32> to vector<1x16xf32>
      tpu.vector_store %arg9[%swap3A_174, %swap3A_175], %swap3A_178 {strides = array<i32>} : memref<128x128xf32, #tpu.memory_space<vmem>>, vector<1x16xf32>,
      %swap3A_179 = arith.index_cast %scan3A_164 : i32 to index
      %swap3A_180 = arith.constant 48 : index
      %swap3A_181 = tpu.vector_load %arg9[%swap3A_179, %swap3A_180] {strides = array<i32>} : memref<128x128xf32, #tpu.memory_space<vmem>>, vector<1x16xf32>,
      %swap3A_182 = vector.shape_cast %swap3A_181 : vector<1x16xf32> to vector<16xf32>
      %swap3A_183 = vector.shape_cast %broadcast_in_dim3A_3 : vector<16xf32> to vector<1x16xf32>
      tpu.vector_store %arg9[%swap3A_179, %swap3A_180], %swap3A_183 {strides = array<i32>} : memref<128x128xf32, #tpu.memory_space<vmem>>, vector<1x16xf32>,
      %swap3A_184 = arith.index_cast %scan3A_164 : i32 to index
      %swap3A_185 = arith.constant 64 : index
      %swap3A_186 = tpu.vector_load %arg9[%swap3A_184, %swap3A_185] {strides = array<i32>} : memref<128x128xf32, #tpu.memory_space<vmem>>, vector<1x16xf32>,
      %swap3A_187 = vector.shape_cast %swap3A_186 : vector<1x16xf32> to vector<16xf32>
      %swap3A_188 = vector.shape_cast %broadcast_in_dim3A_3 : vector<16xf32> to vector<1x16xf32>
      tpu.vector_store %arg9[%swap3A_184, %swap3A_185], %swap3A_188 {strides = array<i32>} : memref<128x128xf32, #tpu.memory_space<vmem>>, vector<1x16xf32>,
      %swap3A_189 = arith.index_cast %scan3A_164 : i32 to index
      %swap3A_190 = arith.constant 80 : index
      %swap3A_191 = tpu.vector_load %arg9[%swap3A_189, %swap3A_190] {strides = array<i32>} : memref<128x128xf32, #tpu.memory_space<vmem>>, vector<1x16xf32>,
      %swap3A_192 = vector.shape_cast %swap3A_191 : vector<1x16xf32> to vector<16xf32>
      %swap3A_193 = vector.shape_cast %broadcast_in_dim3A_3 : vector<16xf32> to vector<1x16xf32>
      tpu.vector_store %arg9[%swap3A_189, %swap3A_190], %swap3A_193 {strides = array<i32>} : memref<128x128xf32, #tpu.memory_space<vmem>>, vector<1x16xf32>,
      %swap3A_194 = arith.index_cast %scan3A_164 : i32 to index
      %swap3A_195 = arith.constant 96 : index
      %swap3A_196 = tpu.vector_load %arg9[%swap3A_194, %swap3A_195] {strides = array<i32>} : memref<128x128xf32, #tpu.memory_space<vmem>>, vector<1x16xf32>,
      %swap3A_197 = vector.shape_cast %swap3A_196 : vector<1x16xf32> to vector<16xf32>
      %swap3A_198 = vector.shape_cast %broadcast_in_dim3A_3 : vector<16xf32> to vector<1x16xf32>
      tpu.vector_store %arg9[%swap3A_194, %swap3A_195], %swap3A_198 {strides = array<i32>} : memref<128x128xf32, #tpu.memory_space<vmem>>, vector<1x16xf32>,
      %swap3A_199 = arith.index_cast %scan3A_164 : i32 to index
      %swap3A_200 = arith.constant 112 : index
      %swap3A_201 = tpu.vector_load %arg9[%swap3A_199, %swap3A_200] {strides = array<i32>} : memref<128x128xf32, #tpu.memory_space<vmem>>, vector<1x16xf32>,
      %swap3A_202 = vector.shape_cast %swap3A_201 : vector<1x16xf32> to vector<16xf32>
      %swap3A_203 = vector.shape_cast %broadcast_in_dim3A_3 : vector<16xf32> to vector<1x16xf32>
      tpu.vector_store %arg9[%swap3A_199, %swap3A_200], %swap3A_203 {strides = array<i32>} : memref<128x128xf32, #tpu.memory_space<vmem>>, vector<1x16xf32>,
    }
    %scan3A_8 = arith.constant 128 : i32
    %scan3A_9 = arith.constant 0 : i32
    %scan3A_10 = arith.constant 0 : i32
    %scan3A_11 = arith.constant 5 : i32
    %scan3A_12 = arith.addi %scan3A_10, %scan3A_11 : i32
    %scan3A_13 = arith.constant 1 : i32
    scf.for %scan3A_164 = %scan3A_10 to %scan3A_12 step %scan3A_13  : i32 {
      %mul3A_165 = arith.constant 640 : i32
      %mul3A_166 = arith.muli %arg1, %mul3A_165 : i32
      %mul3A_167 = arith.constant 128 : i32
      %mul3A_168 = arith.muli %scan3A_164, %mul3A_167 : i32
      %add3A_169 = arith.addi %mul3A_166, %mul3A_168 : i32
      "tpu.region"() ({
        %run_scoped3A = tpu.sem_alloc : memref<!tpu.dma_semaphore, #tpu.memory_space<semaphore_mem>>
        %dma_start3A_170 = arith.constant 0 : i32
        %dma_start3A_171 = tpu.memref_slice %arg11[%add3A_169, %dma_start3A_170] : memref<10240x128xf32, #tpu.memory_space<vmem_shared>> -> memref<128x128xf32, #tpu.memory_space<vmem_shared>>
        %dma_start3A_172 = arith.constant 0 : i32
        %dma_start3A_173 = tpu.memref_slice %arg11[%add3A_169, %dma_start3A_172] : memref<10240x128xf32, #tpu.memory_space<vmem_shared>> -> memref<128x128xf32, #tpu.memory_space<vmem_shared>>
        tpu.enqueue_dma source(%arg9 : memref<128x128xf32, #tpu.memory_space<vmem>>) target(%dma_start3A_173 : memref<128x128xf32, #tpu.memory_space<vmem_shared>>) target_semaphore(%run_scoped3A : memref<!tpu.dma_semaphore, #tpu.memory_space<semaphore_mem>>)
        %dma_wait3A_174 = arith.constant 0 : i32
        %dma_wait3A_175 = tpu.memref_slice %arg11[%add3A_169, %dma_wait3A_174] : memref<10240x128xf32, #tpu.memory_space<vmem_shared>> -> memref<128x128xf32, #tpu.memory_space<vmem_shared>>
        %dma_wait3A_176 = arith.constant 0 : i32
        %dma_wait3A_177 = tpu.memref_slice %arg11[%add3A_169, %dma_wait3A_176] : memref<10240x128xf32, #tpu.memory_space<vmem_shared>> -> memref<128x128xf32, #tpu.memory_space<vmem_shared>>
        tpu.wait_dma2 semaphore(%run_scoped3A : memref<!tpu.dma_semaphore, #tpu.memory_space<semaphore_mem>>) src(%arg9 : memref<128x128xf32, #tpu.memory_space<vmem>>) dst(%dma_wait3A_177 : memref<128x128xf32, #tpu.memory_space<vmem_shared>>)
        tpu.yield
      }) : () -> ()
    }
    %scan3A_14 = arith.constant 5 : i32
    %barrier3A = arith.constant 0 : index
    tpu.barrier barrier_id(%barrier3A)
    "tpu.region"() ({
      %run_scoped3A = tpu.sem_alloc : memref<!tpu.dma_semaphore, #tpu.memory_space<semaphore_mem>>
      %dma_start3A_164 = arith.constant 0 : i32
      %dma_start3A_165 = tpu.memref_slice %arg3[%mul3A_2, %dma_start3A_164] : memref<2560x128xi32, #tpu.memory_space<hbm>> -> memref<80x128xi32, #tpu.memory_space<hbm>>
      %dma_start3A_166 = arith.constant 0 : i32
      %dma_start3A_167 = tpu.memref_slice %arg3[%mul3A_2, %dma_start3A_166] : memref<2560x128xi32, #tpu.memory_space<hbm>> -> memref<80x128xi32, #tpu.memory_space<hbm>>
      tpu.enqueue_dma source(%dma_start3A_167 : memref<80x128xi32, #tpu.memory_space<hbm>>) target(%arg6 : memref<80x128xi32, #tpu.memory_space<vmem>>) target_semaphore(%run_scoped3A : memref<!tpu.dma_semaphore, #tpu.memory_space<semaphore_mem>>)
      %dma_wait3A_168 = arith.constant 0 : i32
      %dma_wait3A_169 = tpu.memref_slice %arg3[%mul3A_2, %dma_wait3A_168] : memref<2560x128xi32, #tpu.memory_space<hbm>> -> memref<80x128xi32, #tpu.memory_space<hbm>>
      %dma_wait3A_170 = arith.constant 0 : i32
      %dma_wait3A_171 = tpu.memref_slice %arg3[%mul3A_2, %dma_wait3A_170] : memref<2560x128xi32, #tpu.memory_space<hbm>> -> memref<80x128xi32, #tpu.memory_space<hbm>>
      tpu.wait_dma2 semaphore(%run_scoped3A : memref<!tpu.dma_semaphore, #tpu.memory_space<semaphore_mem>>) src(%dma_wait3A_171 : memref<80x128xi32, #tpu.memory_space<hbm>>) dst(%arg6 : memref<80x128xi32, #tpu.memory_space<vmem>>)
      tpu.yield
    }) : () -> ()
    %dma_start3A = arith.constant 0 : i32
    %dma_start3A_15 = tpu.memref_slice %arg4[%mul3A_2, %dma_start3A] : memref<2560x128xi32, #tpu.memory_space<hbm>> -> memref<1x128xi32, #tpu.memory_space<hbm>>
    %dma_start3A_16 = tpu.memref_squeeze %dma_start3A_15 : memref<1x128xi32, #tpu.memory_space<hbm>> -> memref<128xi32, #tpu.memory_space<hbm>>
    %dma_start3A_17 = arith.constant 0 : i32
    %dma_start3A_18 = tpu.memref_slice %arg4[%mul3A_2, %dma_start3A_17] : memref<2560x128xi32, #tpu.memory_space<hbm>> -> memref<1x128xi32, #tpu.memory_space<hbm>>
    %dma_start3A_19 = tpu.memref_squeeze %dma_start3A_18 : memref<1x128xi32, #tpu.memory_space<hbm>> -> memref<128xi32, #tpu.memory_space<hbm>>
    tpu.enqueue_dma source(%dma_start3A_19 : memref<128xi32, #tpu.memory_space<hbm>>) target(%arg7 : memref<128xi32, #tpu.memory_space<vmem>>) target_semaphore(%arg16 : memref<!tpu.dma_semaphore, #tpu.memory_space<semaphore_mem>>)
    %dma_start3A_20 = arith.constant 0 : i32
    %dma_start3A_21 = arith.constant 0 : i32
    %dma_start3A_22 = arith.constant 0 : i32
    %dma_start3A_23 = tpu.memref_slice %arg9[%dma_start3A_21, %dma_start3A_22] : memref<128x128xf32, #tpu.memory_space<vmem>> -> memref<32x128xf32, #tpu.memory_space<vmem>>
    %dma_start3A_24 = arith.constant 0 : i32
    %dma_start3A_25 = tpu.memref_slice %arg6[%dma_start3A_20, %dma_start3A_24] : memref<80x128xi32, #tpu.memory_space<vmem>> -> memref<1x32xi32, #tpu.memory_space<vmem>>
    %dma_start3A_26 = tpu.memref_squeeze %dma_start3A_25 : memref<1x32xi32, #tpu.memory_space<vmem>> -> memref<32xi32, #tpu.memory_space<vmem>>
    %dma_start3A_27 = arith.constant 0 : i32
    %dma_start3A_28 = arith.constant 0 : i32
    %dma_start3A_29 = tpu.memref_slice %arg2[%dma_start3A_27, %dma_start3A_28] : memref<10000x128xf32, #tpu.memory_space<hbm>> -> memref<10000x128xf32, #tpu.memory_space<hbm>>
    tpu.enqueue_indirect_dma source(%dma_start3A_29 : memref<10000x128xf32, #tpu.memory_space<hbm>>) target(%dma_start3A_23 : memref<32x128xf32, #tpu.memory_space<vmem>>) offsets(%dma_start3A_26 : memref<32xi32, #tpu.memory_space<vmem>>) semaphore(%arg12 : memref<!tpu.dma_semaphore, #tpu.memory_space<semaphore_mem>>)
    %dma_start3A_30 = arith.constant 0 : i32
    %dma_start3A_31 = arith.constant 32 : i32
    %dma_start3A_32 = arith.constant 0 : i32
    %dma_start3A_33 = tpu.memref_slice %arg9[%dma_start3A_31, %dma_start3A_32] : memref<128x128xf32, #tpu.memory_space<vmem>> -> memref<32x128xf32, #tpu.memory_space<vmem>>
    %dma_start3A_34 = arith.constant 32 : i32
    %dma_start3A_35 = tpu.memref_slice %arg6[%dma_start3A_30, %dma_start3A_34] : memref<80x128xi32, #tpu.memory_space<vmem>> -> memref<1x32xi32, #tpu.memory_space<vmem>>
    %dma_start3A_36 = tpu.memref_squeeze %dma_start3A_35 : memref<1x32xi32, #tpu.memory_space<vmem>> -> memref<32xi32, #tpu.memory_space<vmem>>
    %dma_start3A_37 = arith.constant 0 : i32
    %dma_start3A_38 = arith.constant 0 : i32
    %dma_start3A_39 = tpu.memref_slice %arg2[%dma_start3A_37, %dma_start3A_38] : memref<10000x128xf32, #tpu.memory_space<hbm>> -> memref<10000x128xf32, #tpu.memory_space<hbm>>
    tpu.enqueue_indirect_dma source(%dma_start3A_39 : memref<10000x128xf32, #tpu.memory_space<hbm>>) target(%dma_start3A_33 : memref<32x128xf32, #tpu.memory_space<vmem>>) offsets(%dma_start3A_36 : memref<32xi32, #tpu.memory_space<vmem>>) semaphore(%arg12 : memref<!tpu.dma_semaphore, #tpu.memory_space<semaphore_mem>>)
    %dma_start3A_40 = arith.constant 0 : i32
    %dma_start3A_41 = arith.constant 64 : i32
    %dma_start3A_42 = arith.constant 0 : i32
    %dma_start3A_43 = tpu.memref_slice %arg9[%dma_start3A_41, %dma_start3A_42] : memref<128x128xf32, #tpu.memory_space<vmem>> -> memref<32x128xf32, #tpu.memory_space<vmem>>
    %dma_start3A_44 = arith.constant 64 : i32
    %dma_start3A_45 = tpu.memref_slice %arg6[%dma_start3A_40, %dma_start3A_44] : memref<80x128xi32, #tpu.memory_space<vmem>> -> memref<1x32xi32, #tpu.memory_space<vmem>>
    %dma_start3A_46 = tpu.memref_squeeze %dma_start3A_45 : memref<1x32xi32, #tpu.memory_space<vmem>> -> memref<32xi32, #tpu.memory_space<vmem>>
    %dma_start3A_47 = arith.constant 0 : i32
    %dma_start3A_48 = arith.constant 0 : i32
    %dma_start3A_49 = tpu.memref_slice %arg2[%dma_start3A_47, %dma_start3A_48] : memref<10000x128xf32, #tpu.memory_space<hbm>> -> memref<10000x128xf32, #tpu.memory_space<hbm>>
    tpu.enqueue_indirect_dma source(%dma_start3A_49 : memref<10000x128xf32, #tpu.memory_space<hbm>>) target(%dma_start3A_43 : memref<32x128xf32, #tpu.memory_space<vmem>>) offsets(%dma_start3A_46 : memref<32xi32, #tpu.memory_space<vmem>>) semaphore(%arg12 : memref<!tpu.dma_semaphore, #tpu.memory_space<semaphore_mem>>)
    %dma_start3A_50 = arith.constant 0 : i32
    %dma_start3A_51 = arith.constant 96 : i32
    %dma_start3A_52 = arith.constant 0 : i32
    %dma_start3A_53 = tpu.memref_slice %arg9[%dma_start3A_51, %dma_start3A_52] : memref<128x128xf32, #tpu.memory_space<vmem>> -> memref<32x128xf32, #tpu.memory_space<vmem>>
    %dma_start3A_54 = arith.constant 96 : i32
    %dma_start3A_55 = tpu.memref_slice %arg6[%dma_start3A_50, %dma_start3A_54] : memref<80x128xi32, #tpu.memory_space<vmem>> -> memref<1x32xi32, #tpu.memory_space<vmem>>
    %dma_start3A_56 = tpu.memref_squeeze %dma_start3A_55 : memref<1x32xi32, #tpu.memory_space<vmem>> -> memref<32xi32, #tpu.memory_space<vmem>>
    %dma_start3A_57 = arith.constant 0 : i32
    %dma_start3A_58 = arith.constant 0 : i32
    %dma_start3A_59 = tpu.memref_slice %arg2[%dma_start3A_57, %dma_start3A_58] : memref<10000x128xf32, #tpu.memory_space<hbm>> -> memref<10000x128xf32, #tpu.memory_space<hbm>>
    tpu.enqueue_indirect_dma source(%dma_start3A_59 : memref<10000x128xf32, #tpu.memory_space<hbm>>) target(%dma_start3A_53 : memref<32x128xf32, #tpu.memory_space<vmem>>) offsets(%dma_start3A_56 : memref<32xi32, #tpu.memory_space<vmem>>) semaphore(%arg12 : memref<!tpu.dma_semaphore, #tpu.memory_space<semaphore_mem>>)
    %add3A_60 = arith.constant 1 : i32
    %add3A_61 = arith.addi %mul3A_2, %add3A_60 : i32
    %dma_start3A_62 = arith.constant 0 : i32
    %dma_start3A_63 = tpu.memref_slice %arg4[%add3A_61, %dma_start3A_62] : memref<2560x128xi32, #tpu.memory_space<hbm>> -> memref<1x128xi32, #tpu.memory_space<hbm>>
    %dma_start3A_64 = tpu.memref_squeeze %dma_start3A_63 : memref<1x128xi32, #tpu.memory_space<hbm>> -> memref<128xi32, #tpu.memory_space<hbm>>
    %dma_start3A_65 = arith.constant 0 : i32
    %dma_start3A_66 = tpu.memref_slice %arg4[%add3A_61, %dma_start3A_65] : memref<2560x128xi32, #tpu.memory_space<hbm>> -> memref<1x128xi32, #tpu.memory_space<hbm>>
    %dma_start3A_67 = tpu.memref_squeeze %dma_start3A_66 : memref<1x128xi32, #tpu.memory_space<hbm>> -> memref<128xi32, #tpu.memory_space<hbm>>
    tpu.enqueue_dma source(%dma_start3A_67 : memref<128xi32, #tpu.memory_space<hbm>>) target(%arg8 : memref<128xi32, #tpu.memory_space<vmem>>) target_semaphore(%arg17 : memref<!tpu.dma_semaphore, #tpu.memory_space<semaphore_mem>>)
    %dma_start3A_68 = arith.constant 1 : i32
    %dma_start3A_69 = arith.constant 0 : i32
    %dma_start3A_70 = arith.constant 0 : i32
    %dma_start3A_71 = tpu.memref_slice %arg10[%dma_start3A_69, %dma_start3A_70] : memref<128x128xf32, #tpu.memory_space<vmem>> -> memref<32x128xf32, #tpu.memory_space<vmem>>
    %dma_start3A_72 = arith.constant 0 : i32
    %dma_start3A_73 = tpu.memref_slice %arg6[%dma_start3A_68, %dma_start3A_72] : memref<80x128xi32, #tpu.memory_space<vmem>> -> memref<1x32xi32, #tpu.memory_space<vmem>>
    %dma_start3A_74 = tpu.memref_squeeze %dma_start3A_73 : memref<1x32xi32, #tpu.memory_space<vmem>> -> memref<32xi32, #tpu.memory_space<vmem>>
    %dma_start3A_75 = arith.constant 0 : i32
    %dma_start3A_76 = arith.constant 0 : i32
    %dma_start3A_77 = tpu.memref_slice %arg2[%dma_start3A_75, %dma_start3A_76] : memref<10000x128xf32, #tpu.memory_space<hbm>> -> memref<10000x128xf32, #tpu.memory_space<hbm>>
    tpu.enqueue_indirect_dma source(%dma_start3A_77 : memref<10000x128xf32, #tpu.memory_space<hbm>>) target(%dma_start3A_71 : memref<32x128xf32, #tpu.memory_space<vmem>>) offsets(%dma_start3A_74 : memref<32xi32, #tpu.memory_space<vmem>>) semaphore(%arg13 : memref<!tpu.dma_semaphore, #tpu.memory_space<semaphore_mem>>)
    %dma_start3A_78 = arith.constant 1 : i32
    %dma_start3A_79 = arith.constant 32 : i32
    %dma_start3A_80 = arith.constant 0 : i32
    %dma_start3A_81 = tpu.memref_slice %arg10[%dma_start3A_79, %dma_start3A_80] : memref<128x128xf32, #tpu.memory_space<vmem>> -> memref<32x128xf32, #tpu.memory_space<vmem>>
    %dma_start3A_82 = arith.constant 32 : i32
    %dma_start3A_83 = tpu.memref_slice %arg6[%dma_start3A_78, %dma_start3A_82] : memref<80x128xi32, #tpu.memory_space<vmem>> -> memref<1x32xi32, #tpu.memory_space<vmem>>
    %dma_start3A_84 = tpu.memref_squeeze %dma_start3A_83 : memref<1x32xi32, #tpu.memory_space<vmem>> -> memref<32xi32, #tpu.memory_space<vmem>>
    %dma_start3A_85 = arith.constant 0 : i32
    %dma_start3A_86 = arith.constant 0 : i32
    %dma_start3A_87 = tpu.memref_slice %arg2[%dma_start3A_85, %dma_start3A_86] : memref<10000x128xf32, #tpu.memory_space<hbm>> -> memref<10000x128xf32, #tpu.memory_space<hbm>>
    tpu.enqueue_indirect_dma source(%dma_start3A_87 : memref<10000x128xf32, #tpu.memory_space<hbm>>) target(%dma_start3A_81 : memref<32x128xf32, #tpu.memory_space<vmem>>) offsets(%dma_start3A_84 : memref<32xi32, #tpu.memory_space<vmem>>) semaphore(%arg13 : memref<!tpu.dma_semaphore, #tpu.memory_space<semaphore_mem>>)
    %dma_start3A_88 = arith.constant 1 : i32
    %dma_start3A_89 = arith.constant 64 : i32
    %dma_start3A_90 = arith.constant 0 : i32
    %dma_start3A_91 = tpu.memref_slice %arg10[%dma_start3A_89, %dma_start3A_90] : memref<128x128xf32, #tpu.memory_space<vmem>> -> memref<32x128xf32, #tpu.memory_space<vmem>>
    %dma_start3A_92 = arith.constant 64 : i32
    %dma_start3A_93 = tpu.memref_slice %arg6[%dma_start3A_88, %dma_start3A_92] : memref<80x128xi32, #tpu.memory_space<vmem>> -> memref<1x32xi32, #tpu.memory_space<vmem>>
    %dma_start3A_94 = tpu.memref_squeeze %dma_start3A_93 : memref<1x32xi32, #tpu.memory_space<vmem>> -> memref<32xi32, #tpu.memory_space<vmem>>
    %dma_start3A_95 = arith.constant 0 : i32
    %dma_start3A_96 = arith.constant 0 : i32
    %dma_start3A_97 = tpu.memref_slice %arg2[%dma_start3A_95, %dma_start3A_96] : memref<10000x128xf32, #tpu.memory_space<hbm>> -> memref<10000x128xf32, #tpu.memory_space<hbm>>
    tpu.enqueue_indirect_dma source(%dma_start3A_97 : memref<10000x128xf32, #tpu.memory_space<hbm>>) target(%dma_start3A_91 : memref<32x128xf32, #tpu.memory_space<vmem>>) offsets(%dma_start3A_94 : memref<32xi32, #tpu.memory_space<vmem>>) semaphore(%arg13 : memref<!tpu.dma_semaphore, #tpu.memory_space<semaphore_mem>>)
    %dma_start3A_98 = arith.constant 1 : i32
    %dma_start3A_99 = arith.constant 96 : i32
    %dma_start3A_100 = arith.constant 0 : i32
    %dma_start3A_101 = tpu.memref_slice %arg10[%dma_start3A_99, %dma_start3A_100] : memref<128x128xf32, #tpu.memory_space<vmem>> -> memref<32x128xf32, #tpu.memory_space<vmem>>
    %dma_start3A_102 = arith.constant 96 : i32
    %dma_start3A_103 = tpu.memref_slice %arg6[%dma_start3A_98, %dma_start3A_102] : memref<80x128xi32, #tpu.memory_space<vmem>> -> memref<1x32xi32, #tpu.memory_space<vmem>>
    %dma_start3A_104 = tpu.memref_squeeze %dma_start3A_103 : memref<1x32xi32, #tpu.memory_space<vmem>> -> memref<32xi32, #tpu.memory_space<vmem>>
    %dma_start3A_105 = arith.constant 0 : i32
    %dma_start3A_106 = arith.constant 0 : i32
    %dma_start3A_107 = tpu.memref_slice %arg2[%dma_start3A_105, %dma_start3A_106] : memref<10000x128xf32, #tpu.memory_space<hbm>> -> memref<10000x128xf32, #tpu.memory_space<hbm>>
    tpu.enqueue_indirect_dma source(%dma_start3A_107 : memref<10000x128xf32, #tpu.memory_space<hbm>>) target(%dma_start3A_101 : memref<32x128xf32, #tpu.memory_space<vmem>>) offsets(%dma_start3A_104 : memref<32xi32, #tpu.memory_space<vmem>>) semaphore(%arg13 : memref<!tpu.dma_semaphore, #tpu.memory_space<semaphore_mem>>)
    %dma_wait3A = arith.constant 0 : i32
    %dma_wait3A_108 = arith.constant 0 : i32
    %dma_wait3A_109 = tpu.memref_slice %arg2[%dma_wait3A, %dma_wait3A_108] : memref<10000x128xf32, #tpu.memory_space<hbm>> -> memref<128x128xf32, #tpu.memory_space<hbm>>
    %dma_wait3A_110 = arith.constant 0 : i32
    %dma_wait3A_111 = arith.constant 0 : i32
    %dma_wait3A_112 = tpu.memref_slice %arg2[%dma_wait3A_110, %dma_wait3A_111] : memref<10000x128xf32, #tpu.memory_space<hbm>> -> memref<128x128xf32, #tpu.memory_space<hbm>>
    tpu.wait_dma2 semaphore(%arg12 : memref<!tpu.dma_semaphore, #tpu.memory_space<semaphore_mem>>) src(%dma_wait3A_112 : memref<128x128xf32, #tpu.memory_space<hbm>>) dst(%arg9 : memref<128x128xf32, #tpu.memory_space<vmem>>)
    %dma_wait3A_113 = arith.constant 0 : i32
    %dma_wait3A_114 = tpu.memref_slice %arg4[%mul3A_2, %dma_wait3A_113] : memref<2560x128xi32, #tpu.memory_space<hbm>> -> memref<1x128xi32, #tpu.memory_space<hbm>>
    %dma_wait3A_115 = tpu.memref_squeeze %dma_wait3A_114 : memref<1x128xi32, #tpu.memory_space<hbm>> -> memref<128xi32, #tpu.memory_space<hbm>>
    %dma_wait3A_116 = arith.constant 0 : i32
    %dma_wait3A_117 = tpu.memref_slice %arg4[%mul3A_2, %dma_wait3A_116] : memref<2560x128xi32, #tpu.memory_space<hbm>> -> memref<1x128xi32, #tpu.memory_space<hbm>>
    %dma_wait3A_118 = tpu.memref_squeeze %dma_wait3A_117 : memref<1x128xi32, #tpu.memory_space<hbm>> -> memref<128xi32, #tpu.memory_space<hbm>>
    tpu.wait_dma2 semaphore(%arg16 : memref<!tpu.dma_semaphore, #tpu.memory_space<semaphore_mem>>) src(%dma_wait3A_118 : memref<128xi32, #tpu.memory_space<hbm>>) dst(%arg7 : memref<128xi32, #tpu.memory_space<vmem>>)
    %dma_start3A_119 = arith.constant 0 : i32
    %dma_start3A_120 = arith.constant 0 : i32
    %dma_start3A_121 = tpu.memref_slice %arg11[%dma_start3A_119, %dma_start3A_120] : memref<10240x128xf32, #tpu.memory_space<vmem_shared>> -> memref<10240x128xf32, #tpu.memory_space<vmem_shared>>
    tpu.enqueue_indirect_dma source(%arg9 : memref<128x128xf32, #tpu.memory_space<vmem>>) target(%dma_start3A_121 : memref<10240x128xf32, #tpu.memory_space<vmem_shared>>) offsets(%arg7 : memref<128xi32, #tpu.memory_space<vmem>>) semaphore(%arg14 : memref<!tpu.dma_semaphore, #tpu.memory_space<semaphore_mem>>) {add = true}
    %scan3A_122 = arith.constant 0 : i32
    %scan3A_123 = arith.constant 0 : i32
    %scan3A_124 = arith.constant 39 : i32
    %scan3A_125 = arith.addi %scan3A_123, %scan3A_124 : i32
    %scan3A_126 = arith.constant 1 : i32
    scf.for %scan3A_164 = %scan3A_123 to %scan3A_125 step %scan3A_126  : i32 {
      %mul3A_165 = arith.constant 2 : i32
      %mul3A_166 = arith.muli %mul3A_165, %scan3A_164 : i32
      %add3A_167 = arith.constant 1 : i32
      %add3A_168 = arith.addi %mul3A_166, %add3A_167 : i32
      %add3A_169 = arith.constant 0 : i32
      %add3A_170 = arith.addi %add3A_168, %add3A_169 : i32
      %dma_wait3A_171 = arith.constant 0 : i32
      %dma_wait3A_172 = arith.constant 0 : i32
      %dma_wait3A_173 = tpu.memref_slice %arg2[%dma_wait3A_171, %dma_wait3A_172] : memref<10000x128xf32, #tpu.memory_space<hbm>> -> memref<128x128xf32, #tpu.memory_space<hbm>>
      %dma_wait3A_174 = arith.constant 0 : i32
      %dma_wait3A_175 = arith.constant 0 : i32
      %dma_wait3A_176 = tpu.memref_slice %arg2[%dma_wait3A_174, %dma_wait3A_175] : memref<10000x128xf32, #tpu.memory_space<hbm>> -> memref<128x128xf32, #tpu.memory_space<hbm>>
      tpu.wait_dma2 semaphore(%arg14 : memref<!tpu.dma_semaphore, #tpu.memory_space<semaphore_mem>>) src(%dma_wait3A_176 : memref<128x128xf32, #tpu.memory_space<hbm>>) dst(%arg9 : memref<128x128xf32, #tpu.memory_space<vmem>>)
      %add3A_177 = arith.addi %mul3A_2, %add3A_170 : i32
      %add3A_178 = arith.constant 1 : i32
      %add3A_179 = arith.addi %add3A_177, %add3A_178 : i32
      %dma_start3A_180 = arith.constant 0 : i32
      %dma_start3A_181 = tpu.memref_slice %arg4[%add3A_179, %dma_start3A_180] : memref<2560x128xi32, #tpu.memory_space<hbm>> -> memref<1x128xi32, #tpu.memory_space<hbm>>
      %dma_start3A_182 = tpu.memref_squeeze %dma_start3A_181 : memref<1x128xi32, #tpu.memory_space<hbm>> -> memref<128xi32, #tpu.memory_space<hbm>>
      %dma_start3A_183 = arith.constant 0 : i32
      %dma_start3A_184 = tpu.memref_slice %arg4[%add3A_179, %dma_start3A_183] : memref<2560x128xi32, #tpu.memory_space<hbm>> -> memref<1x128xi32, #tpu.memory_space<hbm>>
      %dma_start3A_185 = tpu.memref_squeeze %dma_start3A_184 : memref<1x128xi32, #tpu.memory_space<hbm>> -> memref<128xi32, #tpu.memory_space<hbm>>
      tpu.enqueue_dma source(%dma_start3A_185 : memref<128xi32, #tpu.memory_space<hbm>>) target(%arg7 : memref<128xi32, #tpu.memory_space<vmem>>) target_semaphore(%arg16 : memref<!tpu.dma_semaphore, #tpu.memory_space<semaphore_mem>>)
      %add3A_186 = arith.constant 1 : i32
      %add3A_187 = arith.addi %add3A_170, %add3A_186 : i32
      %dma_start3A_188 = arith.constant 0 : i32
      %dma_start3A_189 = arith.constant 0 : i32
      %dma_start3A_190 = tpu.memref_slice %arg9[%dma_start3A_188, %dma_start3A_189] : memref<128x128xf32, #tpu.memory_space<vmem>> -> memref<32x128xf32, #tpu.memory_space<vmem>>
      %dma_start3A_191 = arith.constant 0 : i32
      %dma_start3A_192 = tpu.memref_slice %arg6[%add3A_187, %dma_start3A_191] : memref<80x128xi32, #tpu.memory_space<vmem>> -> memref<1x32xi32, #tpu.memory_space<vmem>>
      %dma_start3A_193 = tpu.memref_squeeze %dma_start3A_192 : memref<1x32xi32, #tpu.memory_space<vmem>> -> memref<32xi32, #tpu.memory_space<vmem>>
      %dma_start3A_194 = arith.constant 0 : i32
      %dma_start3A_195 = arith.constant 0 : i32
      %dma_start3A_196 = tpu.memref_slice %arg2[%dma_start3A_194, %dma_start3A_195] : memref<10000x128xf32, #tpu.memory_space<hbm>> -> memref<10000x128xf32, #tpu.memory_space<hbm>>
      tpu.enqueue_indirect_dma source(%dma_start3A_196 : memref<10000x128xf32, #tpu.memory_space<hbm>>) target(%dma_start3A_190 : memref<32x128xf32, #tpu.memory_space<vmem>>) offsets(%dma_start3A_193 : memref<32xi32, #tpu.memory_space<vmem>>) semaphore(%arg12 : memref<!tpu.dma_semaphore, #tpu.memory_space<semaphore_mem>>)
      %dma_start3A_197 = arith.constant 32 : i32
      %dma_start3A_198 = arith.constant 0 : i32
      %dma_start3A_199 = tpu.memref_slice %arg9[%dma_start3A_197, %dma_start3A_198] : memref<128x128xf32, #tpu.memory_space<vmem>> -> memref<32x128xf32, #tpu.memory_space<vmem>>
      %dma_start3A_200 = arith.constant 32 : i32
      %dma_start3A_201 = tpu.memref_slice %arg6[%add3A_187, %dma_start3A_200] : memref<80x128xi32, #tpu.memory_space<vmem>> -> memref<1x32xi32, #tpu.memory_space<vmem>>
      %dma_start3A_202 = tpu.memref_squeeze %dma_start3A_201 : memref<1x32xi32, #tpu.memory_space<vmem>> -> memref<32xi32, #tpu.memory_space<vmem>>
      %dma_start3A_203 = arith.constant 0 : i32
      %dma_start3A_204 = arith.constant 0 : i32
      %dma_start3A_205 = tpu.memref_slice %arg2[%dma_start3A_203, %dma_start3A_204] : memref<10000x128xf32, #tpu.memory_space<hbm>> -> memref<10000x128xf32, #tpu.memory_space<hbm>>
      tpu.enqueue_indirect_dma source(%dma_start3A_205 : memref<10000x128xf32, #tpu.memory_space<hbm>>) target(%dma_start3A_199 : memref<32x128xf32, #tpu.memory_space<vmem>>) offsets(%dma_start3A_202 : memref<32xi32, #tpu.memory_space<vmem>>) semaphore(%arg12 : memref<!tpu.dma_semaphore, #tpu.memory_space<semaphore_mem>>)
      %dma_start3A_206 = arith.constant 64 : i32
      %dma_start3A_207 = arith.constant 0 : i32
      %dma_start3A_208 = tpu.memref_slice %arg9[%dma_start3A_206, %dma_start3A_207] : memref<128x128xf32, #tpu.memory_space<vmem>> -> memref<32x128xf32, #tpu.memory_space<vmem>>
      %dma_start3A_209 = arith.constant 64 : i32
      %dma_start3A_210 = tpu.memref_slice %arg6[%add3A_187, %dma_start3A_209] : memref<80x128xi32, #tpu.memory_space<vmem>> -> memref<1x32xi32, #tpu.memory_space<vmem>>
      %dma_start3A_211 = tpu.memref_squeeze %dma_start3A_210 : memref<1x32xi32, #tpu.memory_space<vmem>> -> memref<32xi32, #tpu.memory_space<vmem>>
      %dma_start3A_212 = arith.constant 0 : i32
      %dma_start3A_213 = arith.constant 0 : i32
      %dma_start3A_214 = tpu.memref_slice %arg2[%dma_start3A_212, %dma_start3A_213] : memref<10000x128xf32, #tpu.memory_space<hbm>> -> memref<10000x128xf32, #tpu.memory_space<hbm>>
      tpu.enqueue_indirect_dma source(%dma_start3A_214 : memref<10000x128xf32, #tpu.memory_space<hbm>>) target(%dma_start3A_208 : memref<32x128xf32, #tpu.memory_space<vmem>>) offsets(%dma_start3A_211 : memref<32xi32, #tpu.memory_space<vmem>>) semaphore(%arg12 : memref<!tpu.dma_semaphore, #tpu.memory_space<semaphore_mem>>)
      %dma_start3A_215 = arith.constant 96 : i32
      %dma_start3A_216 = arith.constant 0 : i32
      %dma_start3A_217 = tpu.memref_slice %arg9[%dma_start3A_215, %dma_start3A_216] : memref<128x128xf32, #tpu.memory_space<vmem>> -> memref<32x128xf32, #tpu.memory_space<vmem>>
      %dma_start3A_218 = arith.constant 96 : i32
      %dma_start3A_219 = tpu.memref_slice %arg6[%add3A_187, %dma_start3A_218] : memref<80x128xi32, #tpu.memory_space<vmem>> -> memref<1x32xi32, #tpu.memory_space<vmem>>
      %dma_start3A_220 = tpu.memref_squeeze %dma_start3A_219 : memref<1x32xi32, #tpu.memory_space<vmem>> -> memref<32xi32, #tpu.memory_space<vmem>>
      %dma_start3A_221 = arith.constant 0 : i32
      %dma_start3A_222 = arith.constant 0 : i32
      %dma_start3A_223 = tpu.memref_slice %arg2[%dma_start3A_221, %dma_start3A_222] : memref<10000x128xf32, #tpu.memory_space<hbm>> -> memref<10000x128xf32, #tpu.memory_space<hbm>>
      tpu.enqueue_indirect_dma source(%dma_start3A_223 : memref<10000x128xf32, #tpu.memory_space<hbm>>) target(%dma_start3A_217 : memref<32x128xf32, #tpu.memory_space<vmem>>) offsets(%dma_start3A_220 : memref<32xi32, #tpu.memory_space<vmem>>) semaphore(%arg12 : memref<!tpu.dma_semaphore, #tpu.memory_space<semaphore_mem>>)
      %dma_wait3A_224 = arith.constant 0 : i32
      %dma_wait3A_225 = arith.constant 0 : i32
      %dma_wait3A_226 = tpu.memref_slice %arg2[%dma_wait3A_224, %dma_wait3A_225] : memref<10000x128xf32, #tpu.memory_space<hbm>> -> memref<128x128xf32, #tpu.memory_space<hbm>>
      %dma_wait3A_227 = arith.constant 0 : i32
      %dma_wait3A_228 = arith.constant 0 : i32
      %dma_wait3A_229 = tpu.memref_slice %arg2[%dma_wait3A_227, %dma_wait3A_228] : memref<10000x128xf32, #tpu.memory_space<hbm>> -> memref<128x128xf32, #tpu.memory_space<hbm>>
      tpu.wait_dma2 semaphore(%arg13 : memref<!tpu.dma_semaphore, #tpu.memory_space<semaphore_mem>>) src(%dma_wait3A_229 : memref<128x128xf32, #tpu.memory_space<hbm>>) dst(%arg10 : memref<128x128xf32, #tpu.memory_space<vmem>>)
      %add3A_230 = arith.addi %mul3A_2, %add3A_170 : i32
      %dma_wait3A_231 = arith.constant 0 : i32
      %dma_wait3A_232 = tpu.memref_slice %arg4[%add3A_230, %dma_wait3A_231] : memref<2560x128xi32, #tpu.memory_space<hbm>> -> memref<1x128xi32, #tpu.memory_space<hbm>>
      %dma_wait3A_233 = tpu.memref_squeeze %dma_wait3A_232 : memref<1x128xi32, #tpu.memory_space<hbm>> -> memref<128xi32, #tpu.memory_space<hbm>>
      %dma_wait3A_234 = arith.constant 0 : i32
      %dma_wait3A_235 = tpu.memref_slice %arg4[%add3A_230, %dma_wait3A_234] : memref<2560x128xi32, #tpu.memory_space<hbm>> -> memref<1x128xi32, #tpu.memory_space<hbm>>
      %dma_wait3A_236 = tpu.memref_squeeze %dma_wait3A_235 : memref<1x128xi32, #tpu.memory_space<hbm>> -> memref<128xi32, #tpu.memory_space<hbm>>
      tpu.wait_dma2 semaphore(%arg17 : memref<!tpu.dma_semaphore, #tpu.memory_space<semaphore_mem>>) src(%dma_wait3A_236 : memref<128xi32, #tpu.memory_space<hbm>>) dst(%arg8 : memref<128xi32, #tpu.memory_space<vmem>>)
      %dma_start3A_237 = arith.constant 0 : i32
      %dma_start3A_238 = arith.constant 0 : i32
      %dma_start3A_239 = tpu.memref_slice %arg11[%dma_start3A_237, %dma_start3A_238] : memref<10240x128xf32, #tpu.memory_space<vmem_shared>> -> memref<10240x128xf32, #tpu.memory_space<vmem_shared>>
      tpu.enqueue_indirect_dma source(%arg10 : memref<128x128xf32, #tpu.memory_space<vmem>>) target(%dma_start3A_239 : memref<10240x128xf32, #tpu.memory_space<vmem_shared>>) offsets(%arg8 : memref<128xi32, #tpu.memory_space<vmem>>) semaphore(%arg15 : memref<!tpu.dma_semaphore, #tpu.memory_space<semaphore_mem>>) {add = true}
      %mul3A_240 = arith.constant 2 : i32
      %mul3A_241 = arith.muli %mul3A_240, %scan3A_164 : i32
      %add3A_242 = arith.constant 1 : i32
      %add3A_243 = arith.addi %mul3A_241, %add3A_242 : i32
      %add3A_244 = arith.constant 1 : i32
      %add3A_245 = arith.addi %add3A_243, %add3A_244 : i32
      %dma_wait3A_246 = arith.constant 0 : i32
      %dma_wait3A_247 = arith.constant 0 : i32
      %dma_wait3A_248 = tpu.memref_slice %arg2[%dma_wait3A_246, %dma_wait3A_247] : memref<10000x128xf32, #tpu.memory_space<hbm>> -> memref<128x128xf32, #tpu.memory_space<hbm>>
      %dma_wait3A_249 = arith.constant 0 : i32
      %dma_wait3A_250 = arith.constant 0 : i32
      %dma_wait3A_251 = tpu.memref_slice %arg2[%dma_wait3A_249, %dma_wait3A_250] : memref<10000x128xf32, #tpu.memory_space<hbm>> -> memref<128x128xf32, #tpu.memory_space<hbm>>
      tpu.wait_dma2 semaphore(%arg15 : memref<!tpu.dma_semaphore, #tpu.memory_space<semaphore_mem>>) src(%dma_wait3A_251 : memref<128x128xf32, #tpu.memory_space<hbm>>) dst(%arg10 : memref<128x128xf32, #tpu.memory_space<vmem>>)
      %add3A_252 = arith.addi %mul3A_2, %add3A_245 : i32
      %add3A_253 = arith.constant 1 : i32
      %add3A_254 = arith.addi %add3A_252, %add3A_253 : i32
      %dma_start3A_255 = arith.constant 0 : i32
      %dma_start3A_256 = tpu.memref_slice %arg4[%add3A_254, %dma_start3A_255] : memref<2560x128xi32, #tpu.memory_space<hbm>> -> memref<1x128xi32, #tpu.memory_space<hbm>>
      %dma_start3A_257 = tpu.memref_squeeze %dma_start3A_256 : memref<1x128xi32, #tpu.memory_space<hbm>> -> memref<128xi32, #tpu.memory_space<hbm>>
      %dma_start3A_258 = arith.constant 0 : i32
      %dma_start3A_259 = tpu.memref_slice %arg4[%add3A_254, %dma_start3A_258] : memref<2560x128xi32, #tpu.memory_space<hbm>> -> memref<1x128xi32, #tpu.memory_space<hbm>>
      %dma_start3A_260 = tpu.memref_squeeze %dma_start3A_259 : memref<1x128xi32, #tpu.memory_space<hbm>> -> memref<128xi32, #tpu.memory_space<hbm>>
      tpu.enqueue_dma source(%dma_start3A_260 : memref<128xi32, #tpu.memory_space<hbm>>) target(%arg8 : memref<128xi32, #tpu.memory_space<vmem>>) target_semaphore(%arg17 : memref<!tpu.dma_semaphore, #tpu.memory_space<semaphore_mem>>)
      %add3A_261 = arith.constant 1 : i32
      %add3A_262 = arith.addi %add3A_245, %add3A_261 : i32
      %dma_start3A_263 = arith.constant 0 : i32
      %dma_start3A_264 = arith.constant 0 : i32
      %dma_start3A_265 = tpu.memref_slice %arg10[%dma_start3A_263, %dma_start3A_264] : memref<128x128xf32, #tpu.memory_space<vmem>> -> memref<32x128xf32, #tpu.memory_space<vmem>>
      %dma_start3A_266 = arith.constant 0 : i32
      %dma_start3A_267 = tpu.memref_slice %arg6[%add3A_262, %dma_start3A_266] : memref<80x128xi32, #tpu.memory_space<vmem>> -> memref<1x32xi32, #tpu.memory_space<vmem>>
      %dma_start3A_268 = tpu.memref_squeeze %dma_start3A_267 : memref<1x32xi32, #tpu.memory_space<vmem>> -> memref<32xi32, #tpu.memory_space<vmem>>
      %dma_start3A_269 = arith.constant 0 : i32
      %dma_start3A_270 = arith.constant 0 : i32
      %dma_start3A_271 = tpu.memref_slice %arg2[%dma_start3A_269, %dma_start3A_270] : memref<10000x128xf32, #tpu.memory_space<hbm>> -> memref<10000x128xf32, #tpu.memory_space<hbm>>
      tpu.enqueue_indirect_dma source(%dma_start3A_271 : memref<10000x128xf32, #tpu.memory_space<hbm>>) target(%dma_start3A_265 : memref<32x128xf32, #tpu.memory_space<vmem>>) offsets(%dma_start3A_268 : memref<32xi32, #tpu.memory_space<vmem>>) semaphore(%arg13 : memref<!tpu.dma_semaphore, #tpu.memory_space<semaphore_mem>>)
      %dma_start3A_272 = arith.constant 32 : i32
      %dma_start3A_273 = arith.constant 0 : i32
      %dma_start3A_274 = tpu.memref_slice %arg10[%dma_start3A_272, %dma_start3A_273] : memref<128x128xf32, #tpu.memory_space<vmem>> -> memref<32x128xf32, #tpu.memory_space<vmem>>
      %dma_start3A_275 = arith.constant 32 : i32
      %dma_start3A_276 = tpu.memref_slice %arg6[%add3A_262, %dma_start3A_275] : memref<80x128xi32, #tpu.memory_space<vmem>> -> memref<1x32xi32, #tpu.memory_space<vmem>>
      %dma_start3A_277 = tpu.memref_squeeze %dma_start3A_276 : memref<1x32xi32, #tpu.memory_space<vmem>> -> memref<32xi32, #tpu.memory_space<vmem>>
      %dma_start3A_278 = arith.constant 0 : i32
      %dma_start3A_279 = arith.constant 0 : i32
      %dma_start3A_280 = tpu.memref_slice %arg2[%dma_start3A_278, %dma_start3A_279] : memref<10000x128xf32, #tpu.memory_space<hbm>> -> memref<10000x128xf32, #tpu.memory_space<hbm>>
      tpu.enqueue_indirect_dma source(%dma_start3A_280 : memref<10000x128xf32, #tpu.memory_space<hbm>>) target(%dma_start3A_274 : memref<32x128xf32, #tpu.memory_space<vmem>>) offsets(%dma_start3A_277 : memref<32xi32, #tpu.memory_space<vmem>>) semaphore(%arg13 : memref<!tpu.dma_semaphore, #tpu.memory_space<semaphore_mem>>)
      %dma_start3A_281 = arith.constant 64 : i32
      %dma_start3A_282 = arith.constant 0 : i32
      %dma_start3A_283 = tpu.memref_slice %arg10[%dma_start3A_281, %dma_start3A_282] : memref<128x128xf32, #tpu.memory_space<vmem>> -> memref<32x128xf32, #tpu.memory_space<vmem>>
      %dma_start3A_284 = arith.constant 64 : i32
      %dma_start3A_285 = tpu.memref_slice %arg6[%add3A_262, %dma_start3A_284] : memref<80x128xi32, #tpu.memory_space<vmem>> -> memref<1x32xi32, #tpu.memory_space<vmem>>
      %dma_start3A_286 = tpu.memref_squeeze %dma_start3A_285 : memref<1x32xi32, #tpu.memory_space<vmem>> -> memref<32xi32, #tpu.memory_space<vmem>>
      %dma_start3A_287 = arith.constant 0 : i32
      %dma_start3A_288 = arith.constant 0 : i32
      %dma_start3A_289 = tpu.memref_slice %arg2[%dma_start3A_287, %dma_start3A_288] : memref<10000x128xf32, #tpu.memory_space<hbm>> -> memref<10000x128xf32, #tpu.memory_space<hbm>>
      tpu.enqueue_indirect_dma source(%dma_start3A_289 : memref<10000x128xf32, #tpu.memory_space<hbm>>) target(%dma_start3A_283 : memref<32x128xf32, #tpu.memory_space<vmem>>) offsets(%dma_start3A_286 : memref<32xi32, #tpu.memory_space<vmem>>) semaphore(%arg13 : memref<!tpu.dma_semaphore, #tpu.memory_space<semaphore_mem>>)
      %dma_start3A_290 = arith.constant 96 : i32
      %dma_start3A_291 = arith.constant 0 : i32
      %dma_start3A_292 = tpu.memref_slice %arg10[%dma_start3A_290, %dma_start3A_291] : memref<128x128xf32, #tpu.memory_space<vmem>> -> memref<32x128xf32, #tpu.memory_space<vmem>>
      %dma_start3A_293 = arith.constant 96 : i32
      %dma_start3A_294 = tpu.memref_slice %arg6[%add3A_262, %dma_start3A_293] : memref<80x128xi32, #tpu.memory_space<vmem>> -> memref<1x32xi32, #tpu.memory_space<vmem>>
      %dma_start3A_295 = tpu.memref_squeeze %dma_start3A_294 : memref<1x32xi32, #tpu.memory_space<vmem>> -> memref<32xi32, #tpu.memory_space<vmem>>
      %dma_start3A_296 = arith.constant 0 : i32
      %dma_start3A_297 = arith.constant 0 : i32
      %dma_start3A_298 = tpu.memref_slice %arg2[%dma_start3A_296, %dma_start3A_297] : memref<10000x128xf32, #tpu.memory_space<hbm>> -> memref<10000x128xf32, #tpu.memory_space<hbm>>
      tpu.enqueue_indirect_dma source(%dma_start3A_298 : memref<10000x128xf32, #tpu.memory_space<hbm>>) target(%dma_start3A_292 : memref<32x128xf32, #tpu.memory_space<vmem>>) offsets(%dma_start3A_295 : memref<32xi32, #tpu.memory_space<vmem>>) semaphore(%arg13 : memref<!tpu.dma_semaphore, #tpu.memory_space<semaphore_mem>>)
      %dma_wait3A_299 = arith.constant 0 : i32
      %dma_wait3A_300 = arith.constant 0 : i32
      %dma_wait3A_301 = tpu.memref_slice %arg2[%dma_wait3A_299, %dma_wait3A_300] : memref<10000x128xf32, #tpu.memory_space<hbm>> -> memref<128x128xf32, #tpu.memory_space<hbm>>
      %dma_wait3A_302 = arith.constant 0 : i32
      %dma_wait3A_303 = arith.constant 0 : i32
      %dma_wait3A_304 = tpu.memref_slice %arg2[%dma_wait3A_302, %dma_wait3A_303] : memref<10000x128xf32, #tpu.memory_space<hbm>> -> memref<128x128xf32, #tpu.memory_space<hbm>>
      tpu.wait_dma2 semaphore(%arg12 : memref<!tpu.dma_semaphore, #tpu.memory_space<semaphore_mem>>) src(%dma_wait3A_304 : memref<128x128xf32, #tpu.memory_space<hbm>>) dst(%arg9 : memref<128x128xf32, #tpu.memory_space<vmem>>)
      %add3A_305 = arith.addi %mul3A_2, %add3A_245 : i32
      %dma_wait3A_306 = arith.constant 0 : i32
      %dma_wait3A_307 = tpu.memref_slice %arg4[%add3A_305, %dma_wait3A_306] : memref<2560x128xi32, #tpu.memory_space<hbm>> -> memref<1x128xi32, #tpu.memory_space<hbm>>
      %dma_wait3A_308 = tpu.memref_squeeze %dma_wait3A_307 : memref<1x128xi32, #tpu.memory_space<hbm>> -> memref<128xi32, #tpu.memory_space<hbm>>
      %dma_wait3A_309 = arith.constant 0 : i32
      %dma_wait3A_310 = tpu.memref_slice %arg4[%add3A_305, %dma_wait3A_309] : memref<2560x128xi32, #tpu.memory_space<hbm>> -> memref<1x128xi32, #tpu.memory_space<hbm>>
      %dma_wait3A_311 = tpu.memref_squeeze %dma_wait3A_310 : memref<1x128xi32, #tpu.memory_space<hbm>> -> memref<128xi32, #tpu.memory_space<hbm>>
      tpu.wait_dma2 semaphore(%arg16 : memref<!tpu.dma_semaphore, #tpu.memory_space<semaphore_mem>>) src(%dma_wait3A_311 : memref<128xi32, #tpu.memory_space<hbm>>) dst(%arg7 : memref<128xi32, #tpu.memory_space<vmem>>)
      %dma_start3A_312 = arith.constant 0 : i32
      %dma_start3A_313 = arith.constant 0 : i32
      %dma_start3A_314 = tpu.memref_slice %arg11[%dma_start3A_312, %dma_start3A_313] : memref<10240x128xf32, #tpu.memory_space<vmem_shared>> -> memref<10240x128xf32, #tpu.memory_space<vmem_shared>>
      tpu.enqueue_indirect_dma source(%arg9 : memref<128x128xf32, #tpu.memory_space<vmem>>) target(%dma_start3A_314 : memref<10240x128xf32, #tpu.memory_space<vmem_shared>>) offsets(%arg7 : memref<128xi32, #tpu.memory_space<vmem>>) semaphore(%arg14 : memref<!tpu.dma_semaphore, #tpu.memory_space<semaphore_mem>>) {add = true}
    }
    %scan3A_127 = arith.constant 39 : i32
    %dma_wait3A_128 = arith.constant 0 : i32
    %dma_wait3A_129 = arith.constant 0 : i32
    %dma_wait3A_130 = tpu.memref_slice %arg2[%dma_wait3A_128, %dma_wait3A_129] : memref<10000x128xf32, #tpu.memory_space<hbm>> -> memref<128x128xf32, #tpu.memory_space<hbm>>
    %dma_wait3A_131 = arith.constant 0 : i32
    %dma_wait3A_132 = arith.constant 0 : i32
    %dma_wait3A_133 = tpu.memref_slice %arg2[%dma_wait3A_131, %dma_wait3A_132] : memref<10000x128xf32, #tpu.memory_space<hbm>> -> memref<128x128xf32, #tpu.memory_space<hbm>>
    tpu.wait_dma2 semaphore(%arg14 : memref<!tpu.dma_semaphore, #tpu.memory_space<semaphore_mem>>) src(%dma_wait3A_133 : memref<128x128xf32, #tpu.memory_space<hbm>>) dst(%arg9 : memref<128x128xf32, #tpu.memory_space<vmem>>)
    %dma_wait3A_134 = arith.constant 0 : i32
    %dma_wait3A_135 = arith.constant 0 : i32
    %dma_wait3A_136 = tpu.memref_slice %arg2[%dma_wait3A_134, %dma_wait3A_135] : memref<10000x128xf32, #tpu.memory_space<hbm>> -> memref<128x128xf32, #tpu.memory_space<hbm>>
    %dma_wait3A_137 = arith.constant 0 : i32
    %dma_wait3A_138 = arith.constant 0 : i32
    %dma_wait3A_139 = tpu.memref_slice %arg2[%dma_wait3A_137, %dma_wait3A_138] : memref<10000x128xf32, #tpu.memory_space<hbm>> -> memref<128x128xf32, #tpu.memory_space<hbm>>
    tpu.wait_dma2 semaphore(%arg13 : memref<!tpu.dma_semaphore, #tpu.memory_space<semaphore_mem>>) src(%dma_wait3A_139 : memref<128x128xf32, #tpu.memory_space<hbm>>) dst(%arg10 : memref<128x128xf32, #tpu.memory_space<vmem>>)
    %add3A_140 = arith.constant 79 : i32
    %add3A_141 = arith.addi %mul3A_2, %add3A_140 : i32
    %dma_wait3A_142 = arith.constant 0 : i32
    %dma_wait3A_143 = tpu.memref_slice %arg4[%add3A_141, %dma_wait3A_142] : memref<2560x128xi32, #tpu.memory_space<hbm>> -> memref<1x128xi32, #tpu.memory_space<hbm>>
    %dma_wait3A_144 = tpu.memref_squeeze %dma_wait3A_143 : memref<1x128xi32, #tpu.memory_space<hbm>> -> memref<128xi32, #tpu.memory_space<hbm>>
    %dma_wait3A_145 = arith.constant 0 : i32
    %dma_wait3A_146 = tpu.memref_slice %arg4[%add3A_141, %dma_wait3A_145] : memref<2560x128xi32, #tpu.memory_space<hbm>> -> memref<1x128xi32, #tpu.memory_space<hbm>>
    %dma_wait3A_147 = tpu.memref_squeeze %dma_wait3A_146 : memref<1x128xi32, #tpu.memory_space<hbm>> -> memref<128xi32, #tpu.memory_space<hbm>>
    tpu.wait_dma2 semaphore(%arg17 : memref<!tpu.dma_semaphore, #tpu.memory_space<semaphore_mem>>) src(%dma_wait3A_147 : memref<128xi32, #tpu.memory_space<hbm>>) dst(%arg8 : memref<128xi32, #tpu.memory_space<vmem>>)
    %dma_start3A_148 = arith.constant 0 : i32
    %dma_start3A_149 = arith.constant 0 : i32
    %dma_start3A_150 = tpu.memref_slice %arg11[%dma_start3A_148, %dma_start3A_149] : memref<10240x128xf32, #tpu.memory_space<vmem_shared>> -> memref<10240x128xf32, #tpu.memory_space<vmem_shared>>
    tpu.enqueue_indirect_dma source(%arg10 : memref<128x128xf32, #tpu.memory_space<vmem>>) target(%dma_start3A_150 : memref<10240x128xf32, #tpu.memory_space<vmem_shared>>) offsets(%arg8 : memref<128xi32, #tpu.memory_space<vmem>>) semaphore(%arg15 : memref<!tpu.dma_semaphore, #tpu.memory_space<semaphore_mem>>) {add = true}
    %dma_wait3A_151 = arith.constant 0 : i32
    %dma_wait3A_152 = arith.constant 0 : i32
    %dma_wait3A_153 = tpu.memref_slice %arg2[%dma_wait3A_151, %dma_wait3A_152] : memref<10000x128xf32, #tpu.memory_space<hbm>> -> memref<128x128xf32, #tpu.memory_space<hbm>>
    %dma_wait3A_154 = arith.constant 0 : i32
    %dma_wait3A_155 = arith.constant 0 : i32
    %dma_wait3A_156 = tpu.memref_slice %arg2[%dma_wait3A_154, %dma_wait3A_155] : memref<10000x128xf32, #tpu.memory_space<hbm>> -> memref<128x128xf32, #tpu.memory_space<hbm>>
    tpu.wait_dma2 semaphore(%arg15 : memref<!tpu.dma_semaphore, #tpu.memory_space<semaphore_mem>>) src(%dma_wait3A_156 : memref<128x128xf32, #tpu.memory_space<hbm>>) dst(%arg10 : memref<128x128xf32, #tpu.memory_space<vmem>>)
    %barrier3A_157 = arith.constant 0 : index
    tpu.barrier barrier_id(%barrier3A_157)
    %scan3A_158 = arith.constant 0 : i32
    %scan3A_159 = arith.constant 0 : i32
    %scan3A_160 = arith.constant 5 : i32
    %scan3A_161 = arith.addi %scan3A_159, %scan3A_160 : i32
    %scan3A_162 = arith.constant 1 : i32
    scf.for %scan3A_164 = %scan3A_159 to %scan3A_161 step %scan3A_162  : i32 {
      %mul3A_165 = arith.constant 640 : i32
      %mul3A_166 = arith.muli %arg1, %mul3A_165 : i32
      %mul3A_167 = arith.constant 128 : i32
      %mul3A_168 = arith.muli %scan3A_164, %mul3A_167 : i32
      %add3A_169 = arith.addi %mul3A_166, %mul3A_168 : i32
      "tpu.region"() ({
        %run_scoped3A = tpu.sem_alloc : memref<!tpu.dma_semaphore, #tpu.memory_space<semaphore_mem>>
        %dma_start3A_170 = arith.constant 0 : i32
        %dma_start3A_171 = tpu.memref_slice %arg11[%add3A_169, %dma_start3A_170] : memref<10240x128xf32, #tpu.memory_space<vmem_shared>> -> memref<128x128xf32, #tpu.memory_space<vmem_shared>>
        %dma_start3A_172 = arith.constant 0 : i32
        %dma_start3A_173 = tpu.memref_slice %arg11[%add3A_169, %dma_start3A_172] : memref<10240x128xf32, #tpu.memory_space<vmem_shared>> -> memref<128x128xf32, #tpu.memory_space<vmem_shared>>
        tpu.enqueue_dma source(%dma_start3A_173 : memref<128x128xf32, #tpu.memory_space<vmem_shared>>) target(%arg9 : memref<128x128xf32, #tpu.memory_space<vmem>>) target_semaphore(%run_scoped3A : memref<!tpu.dma_semaphore, #tpu.memory_space<semaphore_mem>>)
        %dma_wait3A_174 = arith.constant 0 : i32
        %dma_wait3A_175 = tpu.memref_slice %arg11[%add3A_169, %dma_wait3A_174] : memref<10240x128xf32, #tpu.memory_space<vmem_shared>> -> memref<128x128xf32, #tpu.memory_space<vmem_shared>>
        %dma_wait3A_176 = arith.constant 0 : i32
        %dma_wait3A_177 = tpu.memref_slice %arg11[%add3A_169, %dma_wait3A_176] : memref<10240x128xf32, #tpu.memory_space<vmem_shared>> -> memref<128x128xf32, #tpu.memory_space<vmem_shared>>
        tpu.wait_dma2 semaphore(%run_scoped3A : memref<!tpu.dma_semaphore, #tpu.memory_space<semaphore_mem>>) src(%dma_wait3A_177 : memref<128x128xf32, #tpu.memory_space<vmem_shared>>) dst(%arg9 : memref<128x128xf32, #tpu.memory_space<vmem>>)
        tpu.yield
      }) : () -> ()
      "tpu.region"() ({
        %run_scoped3A = tpu.sem_alloc : memref<!tpu.dma_semaphore, #tpu.memory_space<semaphore_mem>>
        %dma_start3A_170 = arith.constant 0 : i32
        %dma_start3A_171 = tpu.memref_slice %arg5[%arg0, %add3A_169, %dma_start3A_170] : memref<2x10240x128xf32, #tpu.memory_space<hbm>> -> memref<1x128x128xf32, #tpu.memory_space<hbm>>
        %dma_start3A_172 = tpu.memref_squeeze %dma_start3A_171 : memref<1x128x128xf32, #tpu.memory_space<hbm>> -> memref<128x128xf32, #tpu.memory_space<hbm>>
        %dma_start3A_173 = arith.constant 0 : i32
        %dma_start3A_174 = tpu.memref_slice %arg5[%arg0, %add3A_169, %dma_start3A_173] : memref<2x10240x128xf32, #tpu.memory_space<hbm>> -> memref<1x128x128xf32, #tpu.memory_space<hbm>>
        %dma_start3A_175 = tpu.memref_squeeze %dma_start3A_174 : memref<1x128x128xf32, #tpu.memory_space<hbm>> -> memref<128x128xf32, #tpu.memory_space<hbm>>
        tpu.enqueue_dma source(%arg9 : memref<128x128xf32, #tpu.memory_space<vmem>>) target(%dma_start3A_175 : memref<128x128xf32, #tpu.memory_space<hbm>>) target_semaphore(%run_scoped3A : memref<!tpu.dma_semaphore, #tpu.memory_space<semaphore_mem>>)
        %dma_wait3A_176 = arith.constant 0 : i32
        %dma_wait3A_177 = tpu.memref_slice %arg5[%arg0, %add3A_169, %dma_wait3A_176] : memref<2x10240x128xf32, #tpu.memory_space<hbm>> -> memref<1x128x128xf32, #tpu.memory_space<hbm>>
        %dma_wait3A_178 = tpu.memref_squeeze %dma_wait3A_177 : memref<1x128x128xf32, #tpu.memory_space<hbm>> -> memref<128x128xf32, #tpu.memory_space<hbm>>
        %dma_wait3A_179 = arith.constant 0 : i32
        %dma_wait3A_180 = tpu.memref_slice %arg5[%arg0, %add3A_169, %dma_wait3A_179] : memref<2x10240x128xf32, #tpu.memory_space<hbm>> -> memref<1x128x128xf32, #tpu.memory_space<hbm>>
        %dma_wait3A_181 = tpu.memref_squeeze %dma_wait3A_180 : memref<1x128x128xf32, #tpu.memory_space<hbm>> -> memref<128x128xf32, #tpu.memory_space<hbm>>
        tpu.wait_dma2 semaphore(%run_scoped3A : memref<!tpu.dma_semaphore, #tpu.memory_space<semaphore_mem>>) src(%arg9 : memref<128x128xf32, #tpu.memory_space<vmem>>) dst(%dma_wait3A_181 : memref<128x128xf32, #tpu.memory_space<hbm>>)
        tpu.yield
      }) : () -> ()
    }
    %scan3A_163 = arith.constant 5 : i32
    return
  }
}

#map = affine_map<(d0, d1) -> (0, 0)>
#map1 = affine_map<(d0, d1) -> (0, 0, 0)>
module attributes {stable_mosaic.version = 14 : i64} {
  func.func @_segsum_body(%arg0: i32, %arg1: i32, %arg2: memref<10000x128xf32, #tpu.memory_space<hbm>>, %arg3: memref<2560x128xi32, #tpu.memory_space<hbm>>, %arg4: memref<2560x128xi32, #tpu.memory_space<hbm>>, %arg5: memref<2x10240x128xf32, #tpu.memory_space<hbm>>, %arg6: memref<80x128xi32, #tpu.memory_space<vmem>>, %arg7: memref<128xi32, #tpu.memory_space<vmem>>, %arg8: memref<128xi32, #tpu.memory_space<vmem>>, %arg9: memref<128x128xf32, #tpu.memory_space<vmem>>, %arg10: memref<128x128xf32, #tpu.memory_space<vmem>>, %arg11: memref<10240x128xf32, #tpu.memory_space<vmem_shared>>, %arg12: memref<!tpu.dma_semaphore, #tpu.memory_space<semaphore_mem>>, %arg13: memref<!tpu.dma_semaphore, #tpu.memory_space<semaphore_mem>>, %arg14: memref<!tpu.dma_semaphore, #tpu.memory_space<semaphore_mem>>, %arg15: memref<!tpu.dma_semaphore, #tpu.memory_space<semaphore_mem>>, %arg16: memref<!tpu.dma_semaphore, #tpu.memory_space<semaphore_mem>>, %arg17: memref<!tpu.dma_semaphore, #tpu.memory_space<semaphore_mem>>) attributes {dimension_semantics = [#tpu.dimension_semantics<core_parallel>, #tpu.dimension_semantics<subcore_parallel>], iteration_bounds = array<i64: 2, 16>, scalar_prefetch = 0 : i64, scratch_operands = 12 : i64, tpu.core_type = #tpu.core_type<sc_vector_subcore>, window_params = [{transform_indices = #map}, {transform_indices = #map}, {transform_indices = #map}, {transform_indices = #map1}]} {
    %mul3A = arith.constant 2 : i32
    %mul3A_0 = arith.muli %arg1, %mul3A : i32
    %add3A = arith.addi %mul3A_0, %arg0 : i32
    %mul3A_1 = arith.constant 80 : i32
    %mul3A_2 = arith.muli %add3A, %mul3A_1 : i32
    %broadcast_in_dim3A = arith.constant 0.000000e+00 : f32
    %broadcast_in_dim3A_3 = vector.broadcast %broadcast_in_dim3A : f32 to vector<16xf32>
    %scan3A = arith.constant 0 : i32
    %scan3A_4 = arith.constant 0 : i32
    %scan3A_5 = arith.constant 128 : i32
    %scan3A_6 = arith.addi %scan3A_4, %scan3A_5 : i32
    %scan3A_7 = arith.constant 1 : i32
    scf.for %scan3A_164 = %scan3A_4 to %scan3A_6 step %scan3A_7  : i32 {
      %swap3A = arith.index_cast %scan3A_164 : i32 to index
      %swap3A_165 = arith.constant 0 : index
      %swap3A_166 = tpu.vector_load %arg9[%swap3A, %swap3A_165] {strides = array<i32>} : memref<128x128xf32, #tpu.memory_space<vmem>>, vector<1x16xf32>,
      %swap3A_167 = vector.shape_cast %swap3A_166 : vector<1x16xf32> to vector<16xf32>
      %swap3A_168 = vector.shape_cast %broadcast_in_dim3A_3 : vector<16xf32> to vector<1x16xf32>
      tpu.vector_store %arg9[%swap3A, %swap3A_165], %swap3A_168 {strides = array<i32>} : memref<128x128xf32, #tpu.memory_space<vmem>>, vector<1x16xf32>,
      %swap3A_169 = arith.index_cast %scan3A_164 : i32 to index
      %swap3A_170 = arith.constant 16 : index
      %swap3A_171 = tpu.vector_load %arg9[%swap3A_169, %swap3A_170] {strides = array<i32>} : memref<128x128xf32, #tpu.memory_space<vmem>>, vector<1x16xf32>,
      %swap3A_172 = vector.shape_cast %swap3A_171 : vector<1x16xf32> to vector<16xf32>
      %swap3A_173 = vector.shape_cast %broadcast_in_dim3A_3 : vector<16xf32> to vector<1x16xf32>
      tpu.vector_store %arg9[%swap3A_169, %swap3A_170], %swap3A_173 {strides = array<i32>} : memref<128x128xf32, #tpu.memory_space<vmem>>, vector<1x16xf32>,
      %swap3A_174 = arith.index_cast %scan3A_164 : i32 to index
      %swap3A_175 = arith.constant 32 : index
      %swap3A_176 = tpu.vector_load %arg9[%swap3A_174, %swap3A_175] {strides = array<i32>} : memref<128x128xf32, #tpu.memory_space<vmem>>, vector<1x16xf32>,
      %swap3A_177 = vector.shape_cast %swap3A_176 : vector<1x16xf32> to vector<16xf32>
      %swap3A_178 = vector.shape_cast %broadcast_in_dim3A_3 : vector<16xf32> to vector<1x16xf32>
      tpu.vector_store %arg9[%swap3A_174, %swap3A_175], %swap3A_178 {strides = array<i32>} : memref<128x128xf32, #tpu.memory_space<vmem>>, vector<1x16xf32>,
      %swap3A_179 = arith.index_cast %scan3A_164 : i32 to index
      %swap3A_180 = arith.constant 48 : index
      %swap3A_181 = tpu.vector_load %arg9[%swap3A_179, %swap3A_180] {strides = array<i32>} : memref<128x128xf32, #tpu.memory_space<vmem>>, vector<1x16xf32>,
      %swap3A_182 = vector.shape_cast %swap3A_181 : vector<1x16xf32> to vector<16xf32>
      %swap3A_183 = vector.shape_cast %broadcast_in_dim3A_3 : vector<16xf32> to vector<1x16xf32>
      tpu.vector_store %arg9[%swap3A_179, %swap3A_180], %swap3A_183 {strides = array<i32>} : memref<128x128xf32, #tpu.memory_space<vmem>>, vector<1x16xf32>,
      %swap3A_184 = arith.index_cast %scan3A_164 : i32 to index
      %swap3A_185 = arith.constant 64 : index
      %swap3A_186 = tpu.vector_load %arg9[%swap3A_184, %swap3A_185] {strides = array<i32>} : memref<128x128xf32, #tpu.memory_space<vmem>>, vector<1x16xf32>,
      %swap3A_187 = vector.shape_cast %swap3A_186 : vector<1x16xf32> to vector<16xf32>
      %swap3A_188 = vector.shape_cast %broadcast_in_dim3A_3 : vector<16xf32> to vector<1x16xf32>
      tpu.vector_store %arg9[%swap3A_184, %swap3A_185], %swap3A_188 {strides = array<i32>} : memref<128x128xf32, #tpu.memory_space<vmem>>, vector<1x16xf32>,
      %swap3A_189 = arith.index_cast %scan3A_164 : i32 to index
      %swap3A_190 = arith.constant 80 : index
      %swap3A_191 = tpu.vector_load %arg9[%swap3A_189, %swap3A_190] {strides = array<i32>} : memref<128x128xf32, #tpu.memory_space<vmem>>, vector<1x16xf32>,
      %swap3A_192 = vector.shape_cast %swap3A_191 : vector<1x16xf32> to vector<16xf32>
      %swap3A_193 = vector.shape_cast %broadcast_in_dim3A_3 : vector<16xf32> to vector<1x16xf32>
      tpu.vector_store %arg9[%swap3A_189, %swap3A_190], %swap3A_193 {strides = array<i32>} : memref<128x128xf32, #tpu.memory_space<vmem>>, vector<1x16xf32>,
      %swap3A_194 = arith.index_cast %scan3A_164 : i32 to index
      %swap3A_195 = arith.constant 96 : index
      %swap3A_196 = tpu.vector_load %arg9[%swap3A_194, %swap3A_195] {strides = array<i32>} : memref<128x128xf32, #tpu.memory_space<vmem>>, vector<1x16xf32>,
      %swap3A_197 = vector.shape_cast %swap3A_196 : vector<1x16xf32> to vector<16xf32>
      %swap3A_198 = vector.shape_cast %broadcast_in_dim3A_3 : vector<16xf32> to vector<1x16xf32>
      tpu.vector_store %arg9[%swap3A_194, %swap3A_195], %swap3A_198 {strides = array<i32>} : memref<128x128xf32, #tpu.memory_space<vmem>>, vector<1x16xf32>,
      %swap3A_199 = arith.index_cast %scan3A_164 : i32 to index
      %swap3A_200 = arith.constant 112 : index
      %swap3A_201 = tpu.vector_load %arg9[%swap3A_199, %swap3A_200] {strides = array<i32>} : memref<128x128xf32, #tpu.memory_space<vmem>>, vector<1x16xf32>,
      %swap3A_202 = vector.shape_cast %swap3A_201 : vector<1x16xf32> to vector<16xf32>
      %swap3A_203 = vector.shape_cast %broadcast_in_dim3A_3 : vector<16xf32> to vector<1x16xf32>
      tpu.vector_store %arg9[%swap3A_199, %swap3A_200], %swap3A_203 {strides = array<i32>} : memref<128x128xf32, #tpu.memory_space<vmem>>, vector<1x16xf32>,
    }
    %scan3A_8 = arith.constant 128 : i32
    %scan3A_9 = arith.constant 0 : i32
    %scan3A_10 = arith.constant 0 : i32
    %scan3A_11 = arith.constant 5 : i32
    %scan3A_12 = arith.addi %scan3A_10, %scan3A_11 : i32
    %scan3A_13 = arith.constant 1 : i32
    scf.for %scan3A_164 = %scan3A_10 to %scan3A_12 step %scan3A_13  : i32 {
      %mul3A_165 = arith.constant 640 : i32
      %mul3A_166 = arith.muli %arg1, %mul3A_165 : i32
      %mul3A_167 = arith.constant 128 : i32
      %mul3A_168 = arith.muli %scan3A_164, %mul3A_167 : i32
      %add3A_169 = arith.addi %mul3A_166, %mul3A_168 : i32
      "tpu.region"() ({
        %run_scoped3A = tpu.sem_alloc : memref<!tpu.dma_semaphore, #tpu.memory_space<semaphore_mem>>
        %dma_start3A_170 = arith.constant 0 : i32
        %dma_start3A_171 = tpu.memref_slice %arg11[%add3A_169, %dma_start3A_170] : memref<10240x128xf32, #tpu.memory_space<vmem_shared>> -> memref<128x128xf32, #tpu.memory_space<vmem_shared>>
        %dma_start3A_172 = arith.constant 0 : i32
        %dma_start3A_173 = tpu.memref_slice %arg11[%add3A_169, %dma_start3A_172] : memref<10240x128xf32, #tpu.memory_space<vmem_shared>> -> memref<128x128xf32, #tpu.memory_space<vmem_shared>>
        tpu.enqueue_dma source(%arg9 : memref<128x128xf32, #tpu.memory_space<vmem>>) target(%dma_start3A_173 : memref<128x128xf32, #tpu.memory_space<vmem_shared>>) target_semaphore(%run_scoped3A : memref<!tpu.dma_semaphore, #tpu.memory_space<semaphore_mem>>)
        %dma_wait3A_174 = arith.constant 0 : i32
        %dma_wait3A_175 = tpu.memref_slice %arg11[%add3A_169, %dma_wait3A_174] : memref<10240x128xf32, #tpu.memory_space<vmem_shared>> -> memref<128x128xf32, #tpu.memory_space<vmem_shared>>
        %dma_wait3A_176 = arith.constant 0 : i32
        %dma_wait3A_177 = tpu.memref_slice %arg11[%add3A_169, %dma_wait3A_176] : memref<10240x128xf32, #tpu.memory_space<vmem_shared>> -> memref<128x128xf32, #tpu.memory_space<vmem_shared>>
        tpu.wait_dma2 semaphore(%run_scoped3A : memref<!tpu.dma_semaphore, #tpu.memory_space<semaphore_mem>>) src(%arg9 : memref<128x128xf32, #tpu.memory_space<vmem>>) dst(%dma_wait3A_177 : memref<128x128xf32, #tpu.memory_space<vmem_shared>>)
        tpu.yield
      }) : () -> ()
    }
    %scan3A_14 = arith.constant 5 : i32
    %barrier3A = arith.constant 0 : index
    tpu.barrier barrier_id(%barrier3A)
    "tpu.region"() ({
      %run_scoped3A = tpu.sem_alloc : memref<!tpu.dma_semaphore, #tpu.memory_space<semaphore_mem>>
      %dma_start3A_164 = arith.constant 0 : i32
      %dma_start3A_165 = tpu.memref_slice %arg3[%mul3A_2, %dma_start3A_164] : memref<2560x128xi32, #tpu.memory_space<hbm>> -> memref<80x128xi32, #tpu.memory_space<hbm>>
      %dma_start3A_166 = arith.constant 0 : i32
      %dma_start3A_167 = tpu.memref_slice %arg3[%mul3A_2, %dma_start3A_166] : memref<2560x128xi32, #tpu.memory_space<hbm>> -> memref<80x128xi32, #tpu.memory_space<hbm>>
      tpu.enqueue_dma source(%dma_start3A_167 : memref<80x128xi32, #tpu.memory_space<hbm>>) target(%arg6 : memref<80x128xi32, #tpu.memory_space<vmem>>) target_semaphore(%run_scoped3A : memref<!tpu.dma_semaphore, #tpu.memory_space<semaphore_mem>>)
      %dma_wait3A_168 = arith.constant 0 : i32
      %dma_wait3A_169 = tpu.memref_slice %arg3[%mul3A_2, %dma_wait3A_168] : memref<2560x128xi32, #tpu.memory_space<hbm>> -> memref<80x128xi32, #tpu.memory_space<hbm>>
      %dma_wait3A_170 = arith.constant 0 : i32
      %dma_wait3A_171 = tpu.memref_slice %arg3[%mul3A_2, %dma_wait3A_170] : memref<2560x128xi32, #tpu.memory_space<hbm>> -> memref<80x128xi32, #tpu.memory_space<hbm>>
      tpu.wait_dma2 semaphore(%run_scoped3A : memref<!tpu.dma_semaphore, #tpu.memory_space<semaphore_mem>>) src(%dma_wait3A_171 : memref<80x128xi32, #tpu.memory_space<hbm>>) dst(%arg6 : memref<80x128xi32, #tpu.memory_space<vmem>>)
      tpu.yield
    }) : () -> ()
    %dma_start3A = arith.constant 0 : i32
    %dma_start3A_15 = tpu.memref_slice %arg4[%mul3A_2, %dma_start3A] : memref<2560x128xi32, #tpu.memory_space<hbm>> -> memref<1x128xi32, #tpu.memory_space<hbm>>
    %dma_start3A_16 = tpu.memref_squeeze %dma_start3A_15 : memref<1x128xi32, #tpu.memory_space<hbm>> -> memref<128xi32, #tpu.memory_space<hbm>>
    %dma_start3A_17 = arith.constant 0 : i32
    %dma_start3A_18 = tpu.memref_slice %arg4[%mul3A_2, %dma_start3A_17] : memref<2560x128xi32, #tpu.memory_space<hbm>> -> memref<1x128xi32, #tpu.memory_space<hbm>>
    %dma_start3A_19 = tpu.memref_squeeze %dma_start3A_18 : memref<1x128xi32, #tpu.memory_space<hbm>> -> memref<128xi32, #tpu.memory_space<hbm>>
    tpu.enqueue_dma source(%dma_start3A_19 : memref<128xi32, #tpu.memory_space<hbm>>) target(%arg7 : memref<128xi32, #tpu.memory_space<vmem>>) target_semaphore(%arg16 : memref<!tpu.dma_semaphore, #tpu.memory_space<semaphore_mem>>)
    %dma_start3A_20 = arith.constant 0 : i32
    %dma_start3A_21 = arith.constant 0 : i32
    %dma_start3A_22 = arith.constant 0 : i32
    %dma_start3A_23 = tpu.memref_slice %arg9[%dma_start3A_21, %dma_start3A_22] : memref<128x128xf32, #tpu.memory_space<vmem>> -> memref<32x128xf32, #tpu.memory_space<vmem>>
    %dma_start3A_24 = arith.constant 0 : i32
    %dma_start3A_25 = tpu.memref_slice %arg6[%dma_start3A_20, %dma_start3A_24] : memref<80x128xi32, #tpu.memory_space<vmem>> -> memref<1x32xi32, #tpu.memory_space<vmem>>
    %dma_start3A_26 = tpu.memref_squeeze %dma_start3A_25 : memref<1x32xi32, #tpu.memory_space<vmem>> -> memref<32xi32, #tpu.memory_space<vmem>>
    %dma_start3A_27 = arith.constant 0 : i32
    %dma_start3A_28 = arith.constant 0 : i32
    %dma_start3A_29 = tpu.memref_slice %arg2[%dma_start3A_27, %dma_start3A_28] : memref<10000x128xf32, #tpu.memory_space<hbm>> -> memref<10000x128xf32, #tpu.memory_space<hbm>>
    tpu.enqueue_indirect_dma source(%dma_start3A_29 : memref<10000x128xf32, #tpu.memory_space<hbm>>) target(%dma_start3A_23 : memref<32x128xf32, #tpu.memory_space<vmem>>) offsets(%dma_start3A_26 : memref<32xi32, #tpu.memory_space<vmem>>) semaphore(%arg12 : memref<!tpu.dma_semaphore, #tpu.memory_space<semaphore_mem>>)
    %dma_start3A_30 = arith.constant 0 : i32
    %dma_start3A_31 = arith.constant 32 : i32
    %dma_start3A_32 = arith.constant 0 : i32
    %dma_start3A_33 = tpu.memref_slice %arg9[%dma_start3A_31, %dma_start3A_32] : memref<128x128xf32, #tpu.memory_space<vmem>> -> memref<32x128xf32, #tpu.memory_space<vmem>>
    %dma_start3A_34 = arith.constant 32 : i32
    %dma_start3A_35 = tpu.memref_slice %arg6[%dma_start3A_30, %dma_start3A_34] : memref<80x128xi32, #tpu.memory_space<vmem>> -> memref<1x32xi32, #tpu.memory_space<vmem>>
    %dma_start3A_36 = tpu.memref_squeeze %dma_start3A_35 : memref<1x32xi32, #tpu.memory_space<vmem>> -> memref<32xi32, #tpu.memory_space<vmem>>
    %dma_start3A_37 = arith.constant 0 : i32
    %dma_start3A_38 = arith.constant 0 : i32
    %dma_start3A_39 = tpu.memref_slice %arg2[%dma_start3A_37, %dma_start3A_38] : memref<10000x128xf32, #tpu.memory_space<hbm>> -> memref<10000x128xf32, #tpu.memory_space<hbm>>
    tpu.enqueue_indirect_dma source(%dma_start3A_39 : memref<10000x128xf32, #tpu.memory_space<hbm>>) target(%dma_start3A_33 : memref<32x128xf32, #tpu.memory_space<vmem>>) offsets(%dma_start3A_36 : memref<32xi32, #tpu.memory_space<vmem>>) semaphore(%arg12 : memref<!tpu.dma_semaphore, #tpu.memory_space<semaphore_mem>>)
    %dma_start3A_40 = arith.constant 0 : i32
    %dma_start3A_41 = arith.constant 64 : i32
    %dma_start3A_42 = arith.constant 0 : i32
    %dma_start3A_43 = tpu.memref_slice %arg9[%dma_start3A_41, %dma_start3A_42] : memref<128x128xf32, #tpu.memory_space<vmem>> -> memref<32x128xf32, #tpu.memory_space<vmem>>
    %dma_start3A_44 = arith.constant 64 : i32
    %dma_start3A_45 = tpu.memref_slice %arg6[%dma_start3A_40, %dma_start3A_44] : memref<80x128xi32, #tpu.memory_space<vmem>> -> memref<1x32xi32, #tpu.memory_space<vmem>>
    %dma_start3A_46 = tpu.memref_squeeze %dma_start3A_45 : memref<1x32xi32, #tpu.memory_space<vmem>> -> memref<32xi32, #tpu.memory_space<vmem>>
    %dma_start3A_47 = arith.constant 0 : i32
    %dma_start3A_48 = arith.constant 0 : i32
    %dma_start3A_49 = tpu.memref_slice %arg2[%dma_start3A_47, %dma_start3A_48] : memref<10000x128xf32, #tpu.memory_space<hbm>> -> memref<10000x128xf32, #tpu.memory_space<hbm>>
    tpu.enqueue_indirect_dma source(%dma_start3A_49 : memref<10000x128xf32, #tpu.memory_space<hbm>>) target(%dma_start3A_43 : memref<32x128xf32, #tpu.memory_space<vmem>>) offsets(%dma_start3A_46 : memref<32xi32, #tpu.memory_space<vmem>>) semaphore(%arg12 : memref<!tpu.dma_semaphore, #tpu.memory_space<semaphore_mem>>)
    %dma_start3A_50 = arith.constant 0 : i32
    %dma_start3A_51 = arith.constant 96 : i32
    %dma_start3A_52 = arith.constant 0 : i32
    %dma_start3A_53 = tpu.memref_slice %arg9[%dma_start3A_51, %dma_start3A_52] : memref<128x128xf32, #tpu.memory_space<vmem>> -> memref<32x128xf32, #tpu.memory_space<vmem>>
    %dma_start3A_54 = arith.constant 96 : i32
    %dma_start3A_55 = tpu.memref_slice %arg6[%dma_start3A_50, %dma_start3A_54] : memref<80x128xi32, #tpu.memory_space<vmem>> -> memref<1x32xi32, #tpu.memory_space<vmem>>
    %dma_start3A_56 = tpu.memref_squeeze %dma_start3A_55 : memref<1x32xi32, #tpu.memory_space<vmem>> -> memref<32xi32, #tpu.memory_space<vmem>>
    %dma_start3A_57 = arith.constant 0 : i32
    %dma_start3A_58 = arith.constant 0 : i32
    %dma_start3A_59 = tpu.memref_slice %arg2[%dma_start3A_57, %dma_start3A_58] : memref<10000x128xf32, #tpu.memory_space<hbm>> -> memref<10000x128xf32, #tpu.memory_space<hbm>>
    tpu.enqueue_indirect_dma source(%dma_start3A_59 : memref<10000x128xf32, #tpu.memory_space<hbm>>) target(%dma_start3A_53 : memref<32x128xf32, #tpu.memory_space<vmem>>) offsets(%dma_start3A_56 : memref<32xi32, #tpu.memory_space<vmem>>) semaphore(%arg12 : memref<!tpu.dma_semaphore, #tpu.memory_space<semaphore_mem>>)
    %add3A_60 = arith.constant 1 : i32
    %add3A_61 = arith.addi %mul3A_2, %add3A_60 : i32
    %dma_start3A_62 = arith.constant 0 : i32
    %dma_start3A_63 = tpu.memref_slice %arg4[%add3A_61, %dma_start3A_62] : memref<2560x128xi32, #tpu.memory_space<hbm>> -> memref<1x128xi32, #tpu.memory_space<hbm>>
    %dma_start3A_64 = tpu.memref_squeeze %dma_start3A_63 : memref<1x128xi32, #tpu.memory_space<hbm>> -> memref<128xi32, #tpu.memory_space<hbm>>
    %dma_start3A_65 = arith.constant 0 : i32
    %dma_start3A_66 = tpu.memref_slice %arg4[%add3A_61, %dma_start3A_65] : memref<2560x128xi32, #tpu.memory_space<hbm>> -> memref<1x128xi32, #tpu.memory_space<hbm>>
    %dma_start3A_67 = tpu.memref_squeeze %dma_start3A_66 : memref<1x128xi32, #tpu.memory_space<hbm>> -> memref<128xi32, #tpu.memory_space<hbm>>
    tpu.enqueue_dma source(%dma_start3A_67 : memref<128xi32, #tpu.memory_space<hbm>>) target(%arg8 : memref<128xi32, #tpu.memory_space<vmem>>) target_semaphore(%arg17 : memref<!tpu.dma_semaphore, #tpu.memory_space<semaphore_mem>>)
    %dma_start3A_68 = arith.constant 1 : i32
    %dma_start3A_69 = arith.constant 0 : i32
    %dma_start3A_70 = arith.constant 0 : i32
    %dma_start3A_71 = tpu.memref_slice %arg10[%dma_start3A_69, %dma_start3A_70] : memref<128x128xf32, #tpu.memory_space<vmem>> -> memref<32x128xf32, #tpu.memory_space<vmem>>
    %dma_start3A_72 = arith.constant 0 : i32
    %dma_start3A_73 = tpu.memref_slice %arg6[%dma_start3A_68, %dma_start3A_72] : memref<80x128xi32, #tpu.memory_space<vmem>> -> memref<1x32xi32, #tpu.memory_space<vmem>>
    %dma_start3A_74 = tpu.memref_squeeze %dma_start3A_73 : memref<1x32xi32, #tpu.memory_space<vmem>> -> memref<32xi32, #tpu.memory_space<vmem>>
    %dma_start3A_75 = arith.constant 0 : i32
    %dma_start3A_76 = arith.constant 0 : i32
    %dma_start3A_77 = tpu.memref_slice %arg2[%dma_start3A_75, %dma_start3A_76] : memref<10000x128xf32, #tpu.memory_space<hbm>> -> memref<10000x128xf32, #tpu.memory_space<hbm>>
    tpu.enqueue_indirect_dma source(%dma_start3A_77 : memref<10000x128xf32, #tpu.memory_space<hbm>>) target(%dma_start3A_71 : memref<32x128xf32, #tpu.memory_space<vmem>>) offsets(%dma_start3A_74 : memref<32xi32, #tpu.memory_space<vmem>>) semaphore(%arg13 : memref<!tpu.dma_semaphore, #tpu.memory_space<semaphore_mem>>)
    %dma_start3A_78 = arith.constant 1 : i32
    %dma_start3A_79 = arith.constant 32 : i32
    %dma_start3A_80 = arith.constant 0 : i32
    %dma_start3A_81 = tpu.memref_slice %arg10[%dma_start3A_79, %dma_start3A_80] : memref<128x128xf32, #tpu.memory_space<vmem>> -> memref<32x128xf32, #tpu.memory_space<vmem>>
    %dma_start3A_82 = arith.constant 32 : i32
    %dma_start3A_83 = tpu.memref_slice %arg6[%dma_start3A_78, %dma_start3A_82] : memref<80x128xi32, #tpu.memory_space<vmem>> -> memref<1x32xi32, #tpu.memory_space<vmem>>
    %dma_start3A_84 = tpu.memref_squeeze %dma_start3A_83 : memref<1x32xi32, #tpu.memory_space<vmem>> -> memref<32xi32, #tpu.memory_space<vmem>>
    %dma_start3A_85 = arith.constant 0 : i32
    %dma_start3A_86 = arith.constant 0 : i32
    %dma_start3A_87 = tpu.memref_slice %arg2[%dma_start3A_85, %dma_start3A_86] : memref<10000x128xf32, #tpu.memory_space<hbm>> -> memref<10000x128xf32, #tpu.memory_space<hbm>>
    tpu.enqueue_indirect_dma source(%dma_start3A_87 : memref<10000x128xf32, #tpu.memory_space<hbm>>) target(%dma_start3A_81 : memref<32x128xf32, #tpu.memory_space<vmem>>) offsets(%dma_start3A_84 : memref<32xi32, #tpu.memory_space<vmem>>) semaphore(%arg13 : memref<!tpu.dma_semaphore, #tpu.memory_space<semaphore_mem>>)
    %dma_start3A_88 = arith.constant 1 : i32
    %dma_start3A_89 = arith.constant 64 : i32
    %dma_start3A_90 = arith.constant 0 : i32
    %dma_start3A_91 = tpu.memref_slice %arg10[%dma_start3A_89, %dma_start3A_90] : memref<128x128xf32, #tpu.memory_space<vmem>> -> memref<32x128xf32, #tpu.memory_space<vmem>>
    %dma_start3A_92 = arith.constant 64 : i32
    %dma_start3A_93 = tpu.memref_slice %arg6[%dma_start3A_88, %dma_start3A_92] : memref<80x128xi32, #tpu.memory_space<vmem>> -> memref<1x32xi32, #tpu.memory_space<vmem>>
    %dma_start3A_94 = tpu.memref_squeeze %dma_start3A_93 : memref<1x32xi32, #tpu.memory_space<vmem>> -> memref<32xi32, #tpu.memory_space<vmem>>
    %dma_start3A_95 = arith.constant 0 : i32
    %dma_start3A_96 = arith.constant 0 : i32
    %dma_start3A_97 = tpu.memref_slice %arg2[%dma_start3A_95, %dma_start3A_96] : memref<10000x128xf32, #tpu.memory_space<hbm>> -> memref<10000x128xf32, #tpu.memory_space<hbm>>
    tpu.enqueue_indirect_dma source(%dma_start3A_97 : memref<10000x128xf32, #tpu.memory_space<hbm>>) target(%dma_start3A_91 : memref<32x128xf32, #tpu.memory_space<vmem>>) offsets(%dma_start3A_94 : memref<32xi32, #tpu.memory_space<vmem>>) semaphore(%arg13 : memref<!tpu.dma_semaphore, #tpu.memory_space<semaphore_mem>>)
    %dma_start3A_98 = arith.constant 1 : i32
    %dma_start3A_99 = arith.constant 96 : i32
    %dma_start3A_100 = arith.constant 0 : i32
    %dma_start3A_101 = tpu.memref_slice %arg10[%dma_start3A_99, %dma_start3A_100] : memref<128x128xf32, #tpu.memory_space<vmem>> -> memref<32x128xf32, #tpu.memory_space<vmem>>
    %dma_start3A_102 = arith.constant 96 : i32
    %dma_start3A_103 = tpu.memref_slice %arg6[%dma_start3A_98, %dma_start3A_102] : memref<80x128xi32, #tpu.memory_space<vmem>> -> memref<1x32xi32, #tpu.memory_space<vmem>>
    %dma_start3A_104 = tpu.memref_squeeze %dma_start3A_103 : memref<1x32xi32, #tpu.memory_space<vmem>> -> memref<32xi32, #tpu.memory_space<vmem>>
    %dma_start3A_105 = arith.constant 0 : i32
    %dma_start3A_106 = arith.constant 0 : i32
    %dma_start3A_107 = tpu.memref_slice %arg2[%dma_start3A_105, %dma_start3A_106] : memref<10000x128xf32, #tpu.memory_space<hbm>> -> memref<10000x128xf32, #tpu.memory_space<hbm>>
    tpu.enqueue_indirect_dma source(%dma_start3A_107 : memref<10000x128xf32, #tpu.memory_space<hbm>>) target(%dma_start3A_101 : memref<32x128xf32, #tpu.memory_space<vmem>>) offsets(%dma_start3A_104 : memref<32xi32, #tpu.memory_space<vmem>>) semaphore(%arg13 : memref<!tpu.dma_semaphore, #tpu.memory_space<semaphore_mem>>)
    %dma_wait3A = arith.constant 0 : i32
    %dma_wait3A_108 = arith.constant 0 : i32
    %dma_wait3A_109 = tpu.memref_slice %arg2[%dma_wait3A, %dma_wait3A_108] : memref<10000x128xf32, #tpu.memory_space<hbm>> -> memref<128x128xf32, #tpu.memory_space<hbm>>
    %dma_wait3A_110 = arith.constant 0 : i32
    %dma_wait3A_111 = arith.constant 0 : i32
    %dma_wait3A_112 = tpu.memref_slice %arg2[%dma_wait3A_110, %dma_wait3A_111] : memref<10000x128xf32, #tpu.memory_space<hbm>> -> memref<128x128xf32, #tpu.memory_space<hbm>>
    tpu.wait_dma2 semaphore(%arg12 : memref<!tpu.dma_semaphore, #tpu.memory_space<semaphore_mem>>) src(%dma_wait3A_112 : memref<128x128xf32, #tpu.memory_space<hbm>>) dst(%arg9 : memref<128x128xf32, #tpu.memory_space<vmem>>)
    %dma_wait3A_113 = arith.constant 0 : i32
    %dma_wait3A_114 = tpu.memref_slice %arg4[%mul3A_2, %dma_wait3A_113] : memref<2560x128xi32, #tpu.memory_space<hbm>> -> memref<1x128xi32, #tpu.memory_space<hbm>>
    %dma_wait3A_115 = tpu.memref_squeeze %dma_wait3A_114 : memref<1x128xi32, #tpu.memory_space<hbm>> -> memref<128xi32, #tpu.memory_space<hbm>>
    %dma_wait3A_116 = arith.constant 0 : i32
    %dma_wait3A_117 = tpu.memref_slice %arg4[%mul3A_2, %dma_wait3A_116] : memref<2560x128xi32, #tpu.memory_space<hbm>> -> memref<1x128xi32, #tpu.memory_space<hbm>>
    %dma_wait3A_118 = tpu.memref_squeeze %dma_wait3A_117 : memref<1x128xi32, #tpu.memory_space<hbm>> -> memref<128xi32, #tpu.memory_space<hbm>>
    tpu.wait_dma2 semaphore(%arg16 : memref<!tpu.dma_semaphore, #tpu.memory_space<semaphore_mem>>) src(%dma_wait3A_118 : memref<128xi32, #tpu.memory_space<hbm>>) dst(%arg7 : memref<128xi32, #tpu.memory_space<vmem>>)
    %dma_start3A_119 = arith.constant 0 : i32
    %dma_start3A_120 = arith.constant 0 : i32
    %dma_start3A_121 = tpu.memref_slice %arg11[%dma_start3A_119, %dma_start3A_120] : memref<10240x128xf32, #tpu.memory_space<vmem_shared>> -> memref<10240x128xf32, #tpu.memory_space<vmem_shared>>
    tpu.enqueue_indirect_dma source(%arg9 : memref<128x128xf32, #tpu.memory_space<vmem>>) target(%dma_start3A_121 : memref<10240x128xf32, #tpu.memory_space<vmem_shared>>) offsets(%arg7 : memref<128xi32, #tpu.memory_space<vmem>>) semaphore(%arg14 : memref<!tpu.dma_semaphore, #tpu.memory_space<semaphore_mem>>) {add = true}
    %scan3A_122 = arith.constant 0 : i32
    %scan3A_123 = arith.constant 0 : i32
    %scan3A_124 = arith.constant 39 : i32
    %scan3A_125 = arith.addi %scan3A_123, %scan3A_124 : i32
    %scan3A_126 = arith.constant 1 : i32
    scf.for %scan3A_164 = %scan3A_123 to %scan3A_125 step %scan3A_126  : i32 {
      %mul3A_165 = arith.constant 2 : i32
      %mul3A_166 = arith.muli %mul3A_165, %scan3A_164 : i32
      %add3A_167 = arith.constant 1 : i32
      %add3A_168 = arith.addi %mul3A_166, %add3A_167 : i32
      %add3A_169 = arith.constant 0 : i32
      %add3A_170 = arith.addi %add3A_168, %add3A_169 : i32
      %dma_wait3A_171 = arith.constant 0 : i32
      %dma_wait3A_172 = arith.constant 0 : i32
      %dma_wait3A_173 = tpu.memref_slice %arg2[%dma_wait3A_171, %dma_wait3A_172] : memref<10000x128xf32, #tpu.memory_space<hbm>> -> memref<128x128xf32, #tpu.memory_space<hbm>>
      %dma_wait3A_174 = arith.constant 0 : i32
      %dma_wait3A_175 = arith.constant 0 : i32
      %dma_wait3A_176 = tpu.memref_slice %arg2[%dma_wait3A_174, %dma_wait3A_175] : memref<10000x128xf32, #tpu.memory_space<hbm>> -> memref<128x128xf32, #tpu.memory_space<hbm>>
      tpu.wait_dma2 semaphore(%arg14 : memref<!tpu.dma_semaphore, #tpu.memory_space<semaphore_mem>>) src(%dma_wait3A_176 : memref<128x128xf32, #tpu.memory_space<hbm>>) dst(%arg9 : memref<128x128xf32, #tpu.memory_space<vmem>>)
      %add3A_177 = arith.addi %mul3A_2, %add3A_170 : i32
      %add3A_178 = arith.constant 1 : i32
      %add3A_179 = arith.addi %add3A_177, %add3A_178 : i32
      %dma_start3A_180 = arith.constant 0 : i32
      %dma_start3A_181 = tpu.memref_slice %arg4[%add3A_179, %dma_start3A_180] : memref<2560x128xi32, #tpu.memory_space<hbm>> -> memref<1x128xi32, #tpu.memory_space<hbm>>
      %dma_start3A_182 = tpu.memref_squeeze %dma_start3A_181 : memref<1x128xi32, #tpu.memory_space<hbm>> -> memref<128xi32, #tpu.memory_space<hbm>>
      %dma_start3A_183 = arith.constant 0 : i32
      %dma_start3A_184 = tpu.memref_slice %arg4[%add3A_179, %dma_start3A_183] : memref<2560x128xi32, #tpu.memory_space<hbm>> -> memref<1x128xi32, #tpu.memory_space<hbm>>
      %dma_start3A_185 = tpu.memref_squeeze %dma_start3A_184 : memref<1x128xi32, #tpu.memory_space<hbm>> -> memref<128xi32, #tpu.memory_space<hbm>>
      tpu.enqueue_dma source(%dma_start3A_185 : memref<128xi32, #tpu.memory_space<hbm>>) target(%arg7 : memref<128xi32, #tpu.memory_space<vmem>>) target_semaphore(%arg16 : memref<!tpu.dma_semaphore, #tpu.memory_space<semaphore_mem>>)
      %add3A_186 = arith.constant 1 : i32
      %add3A_187 = arith.addi %add3A_170, %add3A_186 : i32
      %dma_start3A_188 = arith.constant 0 : i32
      %dma_start3A_189 = arith.constant 0 : i32
      %dma_start3A_190 = tpu.memref_slice %arg9[%dma_start3A_188, %dma_start3A_189] : memref<128x128xf32, #tpu.memory_space<vmem>> -> memref<32x128xf32, #tpu.memory_space<vmem>>
      %dma_start3A_191 = arith.constant 0 : i32
      %dma_start3A_192 = tpu.memref_slice %arg6[%add3A_187, %dma_start3A_191] : memref<80x128xi32, #tpu.memory_space<vmem>> -> memref<1x32xi32, #tpu.memory_space<vmem>>
      %dma_start3A_193 = tpu.memref_squeeze %dma_start3A_192 : memref<1x32xi32, #tpu.memory_space<vmem>> -> memref<32xi32, #tpu.memory_space<vmem>>
      %dma_start3A_194 = arith.constant 0 : i32
      %dma_start3A_195 = arith.constant 0 : i32
      %dma_start3A_196 = tpu.memref_slice %arg2[%dma_start3A_194, %dma_start3A_195] : memref<10000x128xf32, #tpu.memory_space<hbm>> -> memref<10000x128xf32, #tpu.memory_space<hbm>>
      tpu.enqueue_indirect_dma source(%dma_start3A_196 : memref<10000x128xf32, #tpu.memory_space<hbm>>) target(%dma_start3A_190 : memref<32x128xf32, #tpu.memory_space<vmem>>) offsets(%dma_start3A_193 : memref<32xi32, #tpu.memory_space<vmem>>) semaphore(%arg12 : memref<!tpu.dma_semaphore, #tpu.memory_space<semaphore_mem>>)
      %dma_start3A_197 = arith.constant 32 : i32
      %dma_start3A_198 = arith.constant 0 : i32
      %dma_start3A_199 = tpu.memref_slice %arg9[%dma_start3A_197, %dma_start3A_198] : memref<128x128xf32, #tpu.memory_space<vmem>> -> memref<32x128xf32, #tpu.memory_space<vmem>>
      %dma_start3A_200 = arith.constant 32 : i32
      %dma_start3A_201 = tpu.memref_slice %arg6[%add3A_187, %dma_start3A_200] : memref<80x128xi32, #tpu.memory_space<vmem>> -> memref<1x32xi32, #tpu.memory_space<vmem>>
      %dma_start3A_202 = tpu.memref_squeeze %dma_start3A_201 : memref<1x32xi32, #tpu.memory_space<vmem>> -> memref<32xi32, #tpu.memory_space<vmem>>
      %dma_start3A_203 = arith.constant 0 : i32
      %dma_start3A_204 = arith.constant 0 : i32
      %dma_start3A_205 = tpu.memref_slice %arg2[%dma_start3A_203, %dma_start3A_204] : memref<10000x128xf32, #tpu.memory_space<hbm>> -> memref<10000x128xf32, #tpu.memory_space<hbm>>
      tpu.enqueue_indirect_dma source(%dma_start3A_205 : memref<10000x128xf32, #tpu.memory_space<hbm>>) target(%dma_start3A_199 : memref<32x128xf32, #tpu.memory_space<vmem>>) offsets(%dma_start3A_202 : memref<32xi32, #tpu.memory_space<vmem>>) semaphore(%arg12 : memref<!tpu.dma_semaphore, #tpu.memory_space<semaphore_mem>>)
      %dma_start3A_206 = arith.constant 64 : i32
      %dma_start3A_207 = arith.constant 0 : i32
      %dma_start3A_208 = tpu.memref_slice %arg9[%dma_start3A_206, %dma_start3A_207] : memref<128x128xf32, #tpu.memory_space<vmem>> -> memref<32x128xf32, #tpu.memory_space<vmem>>
      %dma_start3A_209 = arith.constant 64 : i32
      %dma_start3A_210 = tpu.memref_slice %arg6[%add3A_187, %dma_start3A_209] : memref<80x128xi32, #tpu.memory_space<vmem>> -> memref<1x32xi32, #tpu.memory_space<vmem>>
      %dma_start3A_211 = tpu.memref_squeeze %dma_start3A_210 : memref<1x32xi32, #tpu.memory_space<vmem>> -> memref<32xi32, #tpu.memory_space<vmem>>
      %dma_start3A_212 = arith.constant 0 : i32
      %dma_start3A_213 = arith.constant 0 : i32
      %dma_start3A_214 = tpu.memref_slice %arg2[%dma_start3A_212, %dma_start3A_213] : memref<10000x128xf32, #tpu.memory_space<hbm>> -> memref<10000x128xf32, #tpu.memory_space<hbm>>
      tpu.enqueue_indirect_dma source(%dma_start3A_214 : memref<10000x128xf32, #tpu.memory_space<hbm>>) target(%dma_start3A_208 : memref<32x128xf32, #tpu.memory_space<vmem>>) offsets(%dma_start3A_211 : memref<32xi32, #tpu.memory_space<vmem>>) semaphore(%arg12 : memref<!tpu.dma_semaphore, #tpu.memory_space<semaphore_mem>>)
      %dma_start3A_215 = arith.constant 96 : i32
      %dma_start3A_216 = arith.constant 0 : i32
      %dma_start3A_217 = tpu.memref_slice %arg9[%dma_start3A_215, %dma_start3A_216] : memref<128x128xf32, #tpu.memory_space<vmem>> -> memref<32x128xf32, #tpu.memory_space<vmem>>
      %dma_start3A_218 = arith.constant 96 : i32
      %dma_start3A_219 = tpu.memref_slice %arg6[%add3A_187, %dma_start3A_218] : memref<80x128xi32, #tpu.memory_space<vmem>> -> memref<1x32xi32, #tpu.memory_space<vmem>>
      %dma_start3A_220 = tpu.memref_squeeze %dma_start3A_219 : memref<1x32xi32, #tpu.memory_space<vmem>> -> memref<32xi32, #tpu.memory_space<vmem>>
      %dma_start3A_221 = arith.constant 0 : i32
      %dma_start3A_222 = arith.constant 0 : i32
      %dma_start3A_223 = tpu.memref_slice %arg2[%dma_start3A_221, %dma_start3A_222] : memref<10000x128xf32, #tpu.memory_space<hbm>> -> memref<10000x128xf32, #tpu.memory_space<hbm>>
      tpu.enqueue_indirect_dma source(%dma_start3A_223 : memref<10000x128xf32, #tpu.memory_space<hbm>>) target(%dma_start3A_217 : memref<32x128xf32, #tpu.memory_space<vmem>>) offsets(%dma_start3A_220 : memref<32xi32, #tpu.memory_space<vmem>>) semaphore(%arg12 : memref<!tpu.dma_semaphore, #tpu.memory_space<semaphore_mem>>)
      %dma_wait3A_224 = arith.constant 0 : i32
      %dma_wait3A_225 = arith.constant 0 : i32
      %dma_wait3A_226 = tpu.memref_slice %arg2[%dma_wait3A_224, %dma_wait3A_225] : memref<10000x128xf32, #tpu.memory_space<hbm>> -> memref<128x128xf32, #tpu.memory_space<hbm>>
      %dma_wait3A_227 = arith.constant 0 : i32
      %dma_wait3A_228 = arith.constant 0 : i32
      %dma_wait3A_229 = tpu.memref_slice %arg2[%dma_wait3A_227, %dma_wait3A_228] : memref<10000x128xf32, #tpu.memory_space<hbm>> -> memref<128x128xf32, #tpu.memory_space<hbm>>
      tpu.wait_dma2 semaphore(%arg13 : memref<!tpu.dma_semaphore, #tpu.memory_space<semaphore_mem>>) src(%dma_wait3A_229 : memref<128x128xf32, #tpu.memory_space<hbm>>) dst(%arg10 : memref<128x128xf32, #tpu.memory_space<vmem>>)
      %add3A_230 = arith.addi %mul3A_2, %add3A_170 : i32
      %dma_wait3A_231 = arith.constant 0 : i32
      %dma_wait3A_232 = tpu.memref_slice %arg4[%add3A_230, %dma_wait3A_231] : memref<2560x128xi32, #tpu.memory_space<hbm>> -> memref<1x128xi32, #tpu.memory_space<hbm>>
      %dma_wait3A_233 = tpu.memref_squeeze %dma_wait3A_232 : memref<1x128xi32, #tpu.memory_space<hbm>> -> memref<128xi32, #tpu.memory_space<hbm>>
      %dma_wait3A_234 = arith.constant 0 : i32
      %dma_wait3A_235 = tpu.memref_slice %arg4[%add3A_230, %dma_wait3A_234] : memref<2560x128xi32, #tpu.memory_space<hbm>> -> memref<1x128xi32, #tpu.memory_space<hbm>>
      %dma_wait3A_236 = tpu.memref_squeeze %dma_wait3A_235 : memref<1x128xi32, #tpu.memory_space<hbm>> -> memref<128xi32, #tpu.memory_space<hbm>>
      tpu.wait_dma2 semaphore(%arg17 : memref<!tpu.dma_semaphore, #tpu.memory_space<semaphore_mem>>) src(%dma_wait3A_236 : memref<128xi32, #tpu.memory_space<hbm>>) dst(%arg8 : memref<128xi32, #tpu.memory_space<vmem>>)
      %dma_start3A_237 = arith.constant 0 : i32
      %dma_start3A_238 = arith.constant 0 : i32
      %dma_start3A_239 = tpu.memref_slice %arg11[%dma_start3A_237, %dma_start3A_238] : memref<10240x128xf32, #tpu.memory_space<vmem_shared>> -> memref<10240x128xf32, #tpu.memory_space<vmem_shared>>
      tpu.enqueue_indirect_dma source(%arg10 : memref<128x128xf32, #tpu.memory_space<vmem>>) target(%dma_start3A_239 : memref<10240x128xf32, #tpu.memory_space<vmem_shared>>) offsets(%arg8 : memref<128xi32, #tpu.memory_space<vmem>>) semaphore(%arg15 : memref<!tpu.dma_semaphore, #tpu.memory_space<semaphore_mem>>) {add = true}
      %mul3A_240 = arith.constant 2 : i32
      %mul3A_241 = arith.muli %mul3A_240, %scan3A_164 : i32
      %add3A_242 = arith.constant 1 : i32
      %add3A_243 = arith.addi %mul3A_241, %add3A_242 : i32
      %add3A_244 = arith.constant 1 : i32
      %add3A_245 = arith.addi %add3A_243, %add3A_244 : i32
      %dma_wait3A_246 = arith.constant 0 : i32
      %dma_wait3A_247 = arith.constant 0 : i32
      %dma_wait3A_248 = tpu.memref_slice %arg2[%dma_wait3A_246, %dma_wait3A_247] : memref<10000x128xf32, #tpu.memory_space<hbm>> -> memref<128x128xf32, #tpu.memory_space<hbm>>
      %dma_wait3A_249 = arith.constant 0 : i32
      %dma_wait3A_250 = arith.constant 0 : i32
      %dma_wait3A_251 = tpu.memref_slice %arg2[%dma_wait3A_249, %dma_wait3A_250] : memref<10000x128xf32, #tpu.memory_space<hbm>> -> memref<128x128xf32, #tpu.memory_space<hbm>>
      tpu.wait_dma2 semaphore(%arg15 : memref<!tpu.dma_semaphore, #tpu.memory_space<semaphore_mem>>) src(%dma_wait3A_251 : memref<128x128xf32, #tpu.memory_space<hbm>>) dst(%arg10 : memref<128x128xf32, #tpu.memory_space<vmem>>)
      %add3A_252 = arith.addi %mul3A_2, %add3A_245 : i32
      %add3A_253 = arith.constant 1 : i32
      %add3A_254 = arith.addi %add3A_252, %add3A_253 : i32
      %dma_start3A_255 = arith.constant 0 : i32
      %dma_start3A_256 = tpu.memref_slice %arg4[%add3A_254, %dma_start3A_255] : memref<2560x128xi32, #tpu.memory_space<hbm>> -> memref<1x128xi32, #tpu.memory_space<hbm>>
      %dma_start3A_257 = tpu.memref_squeeze %dma_start3A_256 : memref<1x128xi32, #tpu.memory_space<hbm>> -> memref<128xi32, #tpu.memory_space<hbm>>
      %dma_start3A_258 = arith.constant 0 : i32
      %dma_start3A_259 = tpu.memref_slice %arg4[%add3A_254, %dma_start3A_258] : memref<2560x128xi32, #tpu.memory_space<hbm>> -> memref<1x128xi32, #tpu.memory_space<hbm>>
      %dma_start3A_260 = tpu.memref_squeeze %dma_start3A_259 : memref<1x128xi32, #tpu.memory_space<hbm>> -> memref<128xi32, #tpu.memory_space<hbm>>
      tpu.enqueue_dma source(%dma_start3A_260 : memref<128xi32, #tpu.memory_space<hbm>>) target(%arg8 : memref<128xi32, #tpu.memory_space<vmem>>) target_semaphore(%arg17 : memref<!tpu.dma_semaphore, #tpu.memory_space<semaphore_mem>>)
      %add3A_261 = arith.constant 1 : i32
      %add3A_262 = arith.addi %add3A_245, %add3A_261 : i32
      %dma_start3A_263 = arith.constant 0 : i32
      %dma_start3A_264 = arith.constant 0 : i32
      %dma_start3A_265 = tpu.memref_slice %arg10[%dma_start3A_263, %dma_start3A_264] : memref<128x128xf32, #tpu.memory_space<vmem>> -> memref<32x128xf32, #tpu.memory_space<vmem>>
      %dma_start3A_266 = arith.constant 0 : i32
      %dma_start3A_267 = tpu.memref_slice %arg6[%add3A_262, %dma_start3A_266] : memref<80x128xi32, #tpu.memory_space<vmem>> -> memref<1x32xi32, #tpu.memory_space<vmem>>
      %dma_start3A_268 = tpu.memref_squeeze %dma_start3A_267 : memref<1x32xi32, #tpu.memory_space<vmem>> -> memref<32xi32, #tpu.memory_space<vmem>>
      %dma_start3A_269 = arith.constant 0 : i32
      %dma_start3A_270 = arith.constant 0 : i32
      %dma_start3A_271 = tpu.memref_slice %arg2[%dma_start3A_269, %dma_start3A_270] : memref<10000x128xf32, #tpu.memory_space<hbm>> -> memref<10000x128xf32, #tpu.memory_space<hbm>>
      tpu.enqueue_indirect_dma source(%dma_start3A_271 : memref<10000x128xf32, #tpu.memory_space<hbm>>) target(%dma_start3A_265 : memref<32x128xf32, #tpu.memory_space<vmem>>) offsets(%dma_start3A_268 : memref<32xi32, #tpu.memory_space<vmem>>) semaphore(%arg13 : memref<!tpu.dma_semaphore, #tpu.memory_space<semaphore_mem>>)
      %dma_start3A_272 = arith.constant 32 : i32
      %dma_start3A_273 = arith.constant 0 : i32
      %dma_start3A_274 = tpu.memref_slice %arg10[%dma_start3A_272, %dma_start3A_273] : memref<128x128xf32, #tpu.memory_space<vmem>> -> memref<32x128xf32, #tpu.memory_space<vmem>>
      %dma_start3A_275 = arith.constant 32 : i32
      %dma_start3A_276 = tpu.memref_slice %arg6[%add3A_262, %dma_start3A_275] : memref<80x128xi32, #tpu.memory_space<vmem>> -> memref<1x32xi32, #tpu.memory_space<vmem>>
      %dma_start3A_277 = tpu.memref_squeeze %dma_start3A_276 : memref<1x32xi32, #tpu.memory_space<vmem>> -> memref<32xi32, #tpu.memory_space<vmem>>
      %dma_start3A_278 = arith.constant 0 : i32
      %dma_start3A_279 = arith.constant 0 : i32
      %dma_start3A_280 = tpu.memref_slice %arg2[%dma_start3A_278, %dma_start3A_279] : memref<10000x128xf32, #tpu.memory_space<hbm>> -> memref<10000x128xf32, #tpu.memory_space<hbm>>
      tpu.enqueue_indirect_dma source(%dma_start3A_280 : memref<10000x128xf32, #tpu.memory_space<hbm>>) target(%dma_start3A_274 : memref<32x128xf32, #tpu.memory_space<vmem>>) offsets(%dma_start3A_277 : memref<32xi32, #tpu.memory_space<vmem>>) semaphore(%arg13 : memref<!tpu.dma_semaphore, #tpu.memory_space<semaphore_mem>>)
      %dma_start3A_281 = arith.constant 64 : i32
      %dma_start3A_282 = arith.constant 0 : i32
      %dma_start3A_283 = tpu.memref_slice %arg10[%dma_start3A_281, %dma_start3A_282] : memref<128x128xf32, #tpu.memory_space<vmem>> -> memref<32x128xf32, #tpu.memory_space<vmem>>
      %dma_start3A_284 = arith.constant 64 : i32
      %dma_start3A_285 = tpu.memref_slice %arg6[%add3A_262, %dma_start3A_284] : memref<80x128xi32, #tpu.memory_space<vmem>> -> memref<1x32xi32, #tpu.memory_space<vmem>>
      %dma_start3A_286 = tpu.memref_squeeze %dma_start3A_285 : memref<1x32xi32, #tpu.memory_space<vmem>> -> memref<32xi32, #tpu.memory_space<vmem>>
      %dma_start3A_287 = arith.constant 0 : i32
      %dma_start3A_288 = arith.constant 0 : i32
      %dma_start3A_289 = tpu.memref_slice %arg2[%dma_start3A_287, %dma_start3A_288] : memref<10000x128xf32, #tpu.memory_space<hbm>> -> memref<10000x128xf32, #tpu.memory_space<hbm>>
      tpu.enqueue_indirect_dma source(%dma_start3A_289 : memref<10000x128xf32, #tpu.memory_space<hbm>>) target(%dma_start3A_283 : memref<32x128xf32, #tpu.memory_space<vmem>>) offsets(%dma_start3A_286 : memref<32xi32, #tpu.memory_space<vmem>>) semaphore(%arg13 : memref<!tpu.dma_semaphore, #tpu.memory_space<semaphore_mem>>)
      %dma_start3A_290 = arith.constant 96 : i32
      %dma_start3A_291 = arith.constant 0 : i32
      %dma_start3A_292 = tpu.memref_slice %arg10[%dma_start3A_290, %dma_start3A_291] : memref<128x128xf32, #tpu.memory_space<vmem>> -> memref<32x128xf32, #tpu.memory_space<vmem>>
      %dma_start3A_293 = arith.constant 96 : i32
      %dma_start3A_294 = tpu.memref_slice %arg6[%add3A_262, %dma_start3A_293] : memref<80x128xi32, #tpu.memory_space<vmem>> -> memref<1x32xi32, #tpu.memory_space<vmem>>
      %dma_start3A_295 = tpu.memref_squeeze %dma_start3A_294 : memref<1x32xi32, #tpu.memory_space<vmem>> -> memref<32xi32, #tpu.memory_space<vmem>>
      %dma_start3A_296 = arith.constant 0 : i32
      %dma_start3A_297 = arith.constant 0 : i32
      %dma_start3A_298 = tpu.memref_slice %arg2[%dma_start3A_296, %dma_start3A_297] : memref<10000x128xf32, #tpu.memory_space<hbm>> -> memref<10000x128xf32, #tpu.memory_space<hbm>>
      tpu.enqueue_indirect_dma source(%dma_start3A_298 : memref<10000x128xf32, #tpu.memory_space<hbm>>) target(%dma_start3A_292 : memref<32x128xf32, #tpu.memory_space<vmem>>) offsets(%dma_start3A_295 : memref<32xi32, #tpu.memory_space<vmem>>) semaphore(%arg13 : memref<!tpu.dma_semaphore, #tpu.memory_space<semaphore_mem>>)
      %dma_wait3A_299 = arith.constant 0 : i32
      %dma_wait3A_300 = arith.constant 0 : i32
      %dma_wait3A_301 = tpu.memref_slice %arg2[%dma_wait3A_299, %dma_wait3A_300] : memref<10000x128xf32, #tpu.memory_space<hbm>> -> memref<128x128xf32, #tpu.memory_space<hbm>>
      %dma_wait3A_302 = arith.constant 0 : i32
      %dma_wait3A_303 = arith.constant 0 : i32
      %dma_wait3A_304 = tpu.memref_slice %arg2[%dma_wait3A_302, %dma_wait3A_303] : memref<10000x128xf32, #tpu.memory_space<hbm>> -> memref<128x128xf32, #tpu.memory_space<hbm>>
      tpu.wait_dma2 semaphore(%arg12 : memref<!tpu.dma_semaphore, #tpu.memory_space<semaphore_mem>>) src(%dma_wait3A_304 : memref<128x128xf32, #tpu.memory_space<hbm>>) dst(%arg9 : memref<128x128xf32, #tpu.memory_space<vmem>>)
      %add3A_305 = arith.addi %mul3A_2, %add3A_245 : i32
      %dma_wait3A_306 = arith.constant 0 : i32
      %dma_wait3A_307 = tpu.memref_slice %arg4[%add3A_305, %dma_wait3A_306] : memref<2560x128xi32, #tpu.memory_space<hbm>> -> memref<1x128xi32, #tpu.memory_space<hbm>>
      %dma_wait3A_308 = tpu.memref_squeeze %dma_wait3A_307 : memref<1x128xi32, #tpu.memory_space<hbm>> -> memref<128xi32, #tpu.memory_space<hbm>>
      %dma_wait3A_309 = arith.constant 0 : i32
      %dma_wait3A_310 = tpu.memref_slice %arg4[%add3A_305, %dma_wait3A_309] : memref<2560x128xi32, #tpu.memory_space<hbm>> -> memref<1x128xi32, #tpu.memory_space<hbm>>
      %dma_wait3A_311 = tpu.memref_squeeze %dma_wait3A_310 : memref<1x128xi32, #tpu.memory_space<hbm>> -> memref<128xi32, #tpu.memory_space<hbm>>
      tpu.wait_dma2 semaphore(%arg16 : memref<!tpu.dma_semaphore, #tpu.memory_space<semaphore_mem>>) src(%dma_wait3A_311 : memref<128xi32, #tpu.memory_space<hbm>>) dst(%arg7 : memref<128xi32, #tpu.memory_space<vmem>>)
      %dma_start3A_312 = arith.constant 0 : i32
      %dma_start3A_313 = arith.constant 0 : i32
      %dma_start3A_314 = tpu.memref_slice %arg11[%dma_start3A_312, %dma_start3A_313] : memref<10240x128xf32, #tpu.memory_space<vmem_shared>> -> memref<10240x128xf32, #tpu.memory_space<vmem_shared>>
      tpu.enqueue_indirect_dma source(%arg9 : memref<128x128xf32, #tpu.memory_space<vmem>>) target(%dma_start3A_314 : memref<10240x128xf32, #tpu.memory_space<vmem_shared>>) offsets(%arg7 : memref<128xi32, #tpu.memory_space<vmem>>) semaphore(%arg14 : memref<!tpu.dma_semaphore, #tpu.memory_space<semaphore_mem>>) {add = true}
    }
    %scan3A_127 = arith.constant 39 : i32
    %dma_wait3A_128 = arith.constant 0 : i32
    %dma_wait3A_129 = arith.constant 0 : i32
    %dma_wait3A_130 = tpu.memref_slice %arg2[%dma_wait3A_128, %dma_wait3A_129] : memref<10000x128xf32, #tpu.memory_space<hbm>> -> memref<128x128xf32, #tpu.memory_space<hbm>>
    %dma_wait3A_131 = arith.constant 0 : i32
    %dma_wait3A_132 = arith.constant 0 : i32
    %dma_wait3A_133 = tpu.memref_slice %arg2[%dma_wait3A_131, %dma_wait3A_132] : memref<10000x128xf32, #tpu.memory_space<hbm>> -> memref<128x128xf32, #tpu.memory_space<hbm>>
    tpu.wait_dma2 semaphore(%arg14 : memref<!tpu.dma_semaphore, #tpu.memory_space<semaphore_mem>>) src(%dma_wait3A_133 : memref<128x128xf32, #tpu.memory_space<hbm>>) dst(%arg9 : memref<128x128xf32, #tpu.memory_space<vmem>>)
    %dma_wait3A_134 = arith.constant 0 : i32
    %dma_wait3A_135 = arith.constant 0 : i32
    %dma_wait3A_136 = tpu.memref_slice %arg2[%dma_wait3A_134, %dma_wait3A_135] : memref<10000x128xf32, #tpu.memory_space<hbm>> -> memref<128x128xf32, #tpu.memory_space<hbm>>
    %dma_wait3A_137 = arith.constant 0 : i32
    %dma_wait3A_138 = arith.constant 0 : i32
    %dma_wait3A_139 = tpu.memref_slice %arg2[%dma_wait3A_137, %dma_wait3A_138] : memref<10000x128xf32, #tpu.memory_space<hbm>> -> memref<128x128xf32, #tpu.memory_space<hbm>>
    tpu.wait_dma2 semaphore(%arg13 : memref<!tpu.dma_semaphore, #tpu.memory_space<semaphore_mem>>) src(%dma_wait3A_139 : memref<128x128xf32, #tpu.memory_space<hbm>>) dst(%arg10 : memref<128x128xf32, #tpu.memory_space<vmem>>)
    %add3A_140 = arith.constant 79 : i32
    %add3A_141 = arith.addi %mul3A_2, %add3A_140 : i32
    %dma_wait3A_142 = arith.constant 0 : i32
    %dma_wait3A_143 = tpu.memref_slice %arg4[%add3A_141, %dma_wait3A_142] : memref<2560x128xi32, #tpu.memory_space<hbm>> -> memref<1x128xi32, #tpu.memory_space<hbm>>
    %dma_wait3A_144 = tpu.memref_squeeze %dma_wait3A_143 : memref<1x128xi32, #tpu.memory_space<hbm>> -> memref<128xi32, #tpu.memory_space<hbm>>
    %dma_wait3A_145 = arith.constant 0 : i32
    %dma_wait3A_146 = tpu.memref_slice %arg4[%add3A_141, %dma_wait3A_145] : memref<2560x128xi32, #tpu.memory_space<hbm>> -> memref<1x128xi32, #tpu.memory_space<hbm>>
    %dma_wait3A_147 = tpu.memref_squeeze %dma_wait3A_146 : memref<1x128xi32, #tpu.memory_space<hbm>> -> memref<128xi32, #tpu.memory_space<hbm>>
    tpu.wait_dma2 semaphore(%arg17 : memref<!tpu.dma_semaphore, #tpu.memory_space<semaphore_mem>>) src(%dma_wait3A_147 : memref<128xi32, #tpu.memory_space<hbm>>) dst(%arg8 : memref<128xi32, #tpu.memory_space<vmem>>)
    %dma_start3A_148 = arith.constant 0 : i32
    %dma_start3A_149 = arith.constant 0 : i32
    %dma_start3A_150 = tpu.memref_slice %arg11[%dma_start3A_148, %dma_start3A_149] : memref<10240x128xf32, #tpu.memory_space<vmem_shared>> -> memref<10240x128xf32, #tpu.memory_space<vmem_shared>>
    tpu.enqueue_indirect_dma source(%arg10 : memref<128x128xf32, #tpu.memory_space<vmem>>) target(%dma_start3A_150 : memref<10240x128xf32, #tpu.memory_space<vmem_shared>>) offsets(%arg8 : memref<128xi32, #tpu.memory_space<vmem>>) semaphore(%arg15 : memref<!tpu.dma_semaphore, #tpu.memory_space<semaphore_mem>>) {add = true}
    %dma_wait3A_151 = arith.constant 0 : i32
    %dma_wait3A_152 = arith.constant 0 : i32
    %dma_wait3A_153 = tpu.memref_slice %arg2[%dma_wait3A_151, %dma_wait3A_152] : memref<10000x128xf32, #tpu.memory_space<hbm>> -> memref<128x128xf32, #tpu.memory_space<hbm>>
    %dma_wait3A_154 = arith.constant 0 : i32
    %dma_wait3A_155 = arith.constant 0 : i32
    %dma_wait3A_156 = tpu.memref_slice %arg2[%dma_wait3A_154, %dma_wait3A_155] : memref<10000x128xf32, #tpu.memory_space<hbm>> -> memref<128x128xf32, #tpu.memory_space<hbm>>
    tpu.wait_dma2 semaphore(%arg15 : memref<!tpu.dma_semaphore, #tpu.memory_space<semaphore_mem>>) src(%dma_wait3A_156 : memref<128x128xf32, #tpu.memory_space<hbm>>) dst(%arg10 : memref<128x128xf32, #tpu.memory_space<vmem>>)
    %barrier3A_157 = arith.constant 0 : index
    tpu.barrier barrier_id(%barrier3A_157)
    %scan3A_158 = arith.constant 0 : i32
    %scan3A_159 = arith.constant 0 : i32
    %scan3A_160 = arith.constant 5 : i32
    %scan3A_161 = arith.addi %scan3A_159, %scan3A_160 : i32
    %scan3A_162 = arith.constant 1 : i32
    scf.for %scan3A_164 = %scan3A_159 to %scan3A_161 step %scan3A_162  : i32 {
      %mul3A_165 = arith.constant 640 : i32
      %mul3A_166 = arith.muli %arg1, %mul3A_165 : i32
      %mul3A_167 = arith.constant 128 : i32
      %mul3A_168 = arith.muli %scan3A_164, %mul3A_167 : i32
      %add3A_169 = arith.addi %mul3A_166, %mul3A_168 : i32
      "tpu.region"() ({
        %run_scoped3A = tpu.sem_alloc : memref<!tpu.dma_semaphore, #tpu.memory_space<semaphore_mem>>
        %dma_start3A_170 = arith.constant 0 : i32
        %dma_start3A_171 = tpu.memref_slice %arg11[%add3A_169, %dma_start3A_170] : memref<10240x128xf32, #tpu.memory_space<vmem_shared>> -> memref<128x128xf32, #tpu.memory_space<vmem_shared>>
        %dma_start3A_172 = arith.constant 0 : i32
        %dma_start3A_173 = tpu.memref_slice %arg11[%add3A_169, %dma_start3A_172] : memref<10240x128xf32, #tpu.memory_space<vmem_shared>> -> memref<128x128xf32, #tpu.memory_space<vmem_shared>>
        tpu.enqueue_dma source(%dma_start3A_173 : memref<128x128xf32, #tpu.memory_space<vmem_shared>>) target(%arg9 : memref<128x128xf32, #tpu.memory_space<vmem>>) target_semaphore(%run_scoped3A : memref<!tpu.dma_semaphore, #tpu.memory_space<semaphore_mem>>)
        %dma_wait3A_174 = arith.constant 0 : i32
        %dma_wait3A_175 = tpu.memref_slice %arg11[%add3A_169, %dma_wait3A_174] : memref<10240x128xf32, #tpu.memory_space<vmem_shared>> -> memref<128x128xf32, #tpu.memory_space<vmem_shared>>
        %dma_wait3A_176 = arith.constant 0 : i32
        %dma_wait3A_177 = tpu.memref_slice %arg11[%add3A_169, %dma_wait3A_176] : memref<10240x128xf32, #tpu.memory_space<vmem_shared>> -> memref<128x128xf32, #tpu.memory_space<vmem_shared>>
        tpu.wait_dma2 semaphore(%run_scoped3A : memref<!tpu.dma_semaphore, #tpu.memory_space<semaphore_mem>>) src(%dma_wait3A_177 : memref<128x128xf32, #tpu.memory_space<vmem_shared>>) dst(%arg9 : memref<128x128xf32, #tpu.memory_space<vmem>>)
        tpu.yield
      }) : () -> ()
      "tpu.region"() ({
        %run_scoped3A = tpu.sem_alloc : memref<!tpu.dma_semaphore, #tpu.memory_space<semaphore_mem>>
        %dma_start3A_170 = arith.constant 0 : i32
        %dma_start3A_171 = tpu.memref_slice %arg5[%arg0, %add3A_169, %dma_start3A_170] : memref<2x10240x128xf32, #tpu.memory_space<hbm>> -> memref<1x128x128xf32, #tpu.memory_space<hbm>>
        %dma_start3A_172 = tpu.memref_squeeze %dma_start3A_171 : memref<1x128x128xf32, #tpu.memory_space<hbm>> -> memref<128x128xf32, #tpu.memory_space<hbm>>
        %dma_start3A_173 = arith.constant 0 : i32
        %dma_start3A_174 = tpu.memref_slice %arg5[%arg0, %add3A_169, %dma_start3A_173] : memref<2x10240x128xf32, #tpu.memory_space<hbm>> -> memref<1x128x128xf32, #tpu.memory_space<hbm>>
        %dma_start3A_175 = tpu.memref_squeeze %dma_start3A_174 : memref<1x128x128xf32, #tpu.memory_space<hbm>> -> memref<128x128xf32, #tpu.memory_space<hbm>>
        tpu.enqueue_dma source(%arg9 : memref<128x128xf32, #tpu.memory_space<vmem>>) target(%dma_start3A_175 : memref<128x128xf32, #tpu.memory_space<hbm>>) target_semaphore(%run_scoped3A : memref<!tpu.dma_semaphore, #tpu.memory_space<semaphore_mem>>)
        %dma_wait3A_176 = arith.constant 0 : i32
        %dma_wait3A_177 = tpu.memref_slice %arg5[%arg0, %add3A_169, %dma_wait3A_176] : memref<2x10240x128xf32, #tpu.memory_space<hbm>> -> memref<1x128x128xf32, #tpu.memory_space<hbm>>
        %dma_wait3A_178 = tpu.memref_squeeze %dma_wait3A_177 : memref<1x128x128xf32, #tpu.memory_space<hbm>> -> memref<128x128xf32, #tpu.memory_space<hbm>>
        %dma_wait3A_179 = arith.constant 0 : i32
        %dma_wait3A_180 = tpu.memref_slice %arg5[%arg0, %add3A_169, %dma_wait3A_179] : memref<2x10240x128xf32, #tpu.memory_space<hbm>> -> memref<1x128x128xf32, #tpu.memory_space<hbm>>
        %dma_wait3A_181 = tpu.memref_squeeze %dma_wait3A_180 : memref<1x128x128xf32, #tpu.memory_space<hbm>> -> memref<128x128xf32, #tpu.memory_space<hbm>>
        tpu.wait_dma2 semaphore(%run_scoped3A : memref<!tpu.dma_semaphore, #tpu.memory_space<semaphore_mem>>) src(%arg9 : memref<128x128xf32, #tpu.memory_space<vmem>>) dst(%dma_wait3A_181 : memref<128x128xf32, #tpu.memory_space<hbm>>)
        tpu.yield
      }) : () -> ()
    }
    %scan3A_163 = arith.constant 5 : i32
    return
  }
}

#map = affine_map<(d0, d1) -> (0, 0)>
#map1 = affine_map<(d0, d1) -> (0, 0, 0)>
module attributes {stable_mosaic.version = 14 : i64} {
  func.func @_segsum_body(%arg0: i32, %arg1: i32, %arg2: memref<10000x128xf32, #tpu.memory_space<hbm>>, %arg3: memref<2560x128xi32, #tpu.memory_space<hbm>>, %arg4: memref<2560x128xi32, #tpu.memory_space<hbm>>, %arg5: memref<2x10240x128xf32, #tpu.memory_space<hbm>>, %arg6: memref<80x128xi32, #tpu.memory_space<vmem>>, %arg7: memref<128xi32, #tpu.memory_space<vmem>>, %arg8: memref<128xi32, #tpu.memory_space<vmem>>, %arg9: memref<128x128xf32, #tpu.memory_space<vmem>>, %arg10: memref<128x128xf32, #tpu.memory_space<vmem>>, %arg11: memref<10240x128xf32, #tpu.memory_space<vmem_shared>>, %arg12: memref<!tpu.dma_semaphore, #tpu.memory_space<semaphore_mem>>, %arg13: memref<!tpu.dma_semaphore, #tpu.memory_space<semaphore_mem>>, %arg14: memref<!tpu.dma_semaphore, #tpu.memory_space<semaphore_mem>>, %arg15: memref<!tpu.dma_semaphore, #tpu.memory_space<semaphore_mem>>, %arg16: memref<!tpu.dma_semaphore, #tpu.memory_space<semaphore_mem>>, %arg17: memref<!tpu.dma_semaphore, #tpu.memory_space<semaphore_mem>>) attributes {dimension_semantics = [#tpu.dimension_semantics<core_parallel>, #tpu.dimension_semantics<subcore_parallel>], iteration_bounds = array<i64: 2, 16>, scalar_prefetch = 0 : i64, scratch_operands = 12 : i64, tpu.core_type = #tpu.core_type<sc_vector_subcore>, window_params = [{transform_indices = #map}, {transform_indices = #map}, {transform_indices = #map}, {transform_indices = #map1}]} {
    %mul3A = arith.constant 2 : i32
    %mul3A_0 = arith.muli %arg1, %mul3A : i32
    %add3A = arith.addi %mul3A_0, %arg0 : i32
    %mul3A_1 = arith.constant 80 : i32
    %mul3A_2 = arith.muli %add3A, %mul3A_1 : i32
    %broadcast_in_dim3A = arith.constant 0.000000e+00 : f32
    %broadcast_in_dim3A_3 = vector.broadcast %broadcast_in_dim3A : f32 to vector<16xf32>
    %scan3A = arith.constant 0 : i32
    %scan3A_4 = arith.constant 0 : i32
    %scan3A_5 = arith.constant 128 : i32
    %scan3A_6 = arith.addi %scan3A_4, %scan3A_5 : i32
    %scan3A_7 = arith.constant 1 : i32
    scf.for %scan3A_164 = %scan3A_4 to %scan3A_6 step %scan3A_7  : i32 {
      %swap3A = arith.index_cast %scan3A_164 : i32 to index
      %swap3A_165 = arith.constant 0 : index
      %swap3A_166 = tpu.vector_load %arg9[%swap3A, %swap3A_165] {strides = array<i32>} : memref<128x128xf32, #tpu.memory_space<vmem>>, vector<1x16xf32>,
      %swap3A_167 = vector.shape_cast %swap3A_166 : vector<1x16xf32> to vector<16xf32>
      %swap3A_168 = vector.shape_cast %broadcast_in_dim3A_3 : vector<16xf32> to vector<1x16xf32>
      tpu.vector_store %arg9[%swap3A, %swap3A_165], %swap3A_168 {strides = array<i32>} : memref<128x128xf32, #tpu.memory_space<vmem>>, vector<1x16xf32>,
      %swap3A_169 = arith.index_cast %scan3A_164 : i32 to index
      %swap3A_170 = arith.constant 16 : index
      %swap3A_171 = tpu.vector_load %arg9[%swap3A_169, %swap3A_170] {strides = array<i32>} : memref<128x128xf32, #tpu.memory_space<vmem>>, vector<1x16xf32>,
      %swap3A_172 = vector.shape_cast %swap3A_171 : vector<1x16xf32> to vector<16xf32>
      %swap3A_173 = vector.shape_cast %broadcast_in_dim3A_3 : vector<16xf32> to vector<1x16xf32>
      tpu.vector_store %arg9[%swap3A_169, %swap3A_170], %swap3A_173 {strides = array<i32>} : memref<128x128xf32, #tpu.memory_space<vmem>>, vector<1x16xf32>,
      %swap3A_174 = arith.index_cast %scan3A_164 : i32 to index
      %swap3A_175 = arith.constant 32 : index
      %swap3A_176 = tpu.vector_load %arg9[%swap3A_174, %swap3A_175] {strides = array<i32>} : memref<128x128xf32, #tpu.memory_space<vmem>>, vector<1x16xf32>,
      %swap3A_177 = vector.shape_cast %swap3A_176 : vector<1x16xf32> to vector<16xf32>
      %swap3A_178 = vector.shape_cast %broadcast_in_dim3A_3 : vector<16xf32> to vector<1x16xf32>
      tpu.vector_store %arg9[%swap3A_174, %swap3A_175], %swap3A_178 {strides = array<i32>} : memref<128x128xf32, #tpu.memory_space<vmem>>, vector<1x16xf32>,
      %swap3A_179 = arith.index_cast %scan3A_164 : i32 to index
      %swap3A_180 = arith.constant 48 : index
      %swap3A_181 = tpu.vector_load %arg9[%swap3A_179, %swap3A_180] {strides = array<i32>} : memref<128x128xf32, #tpu.memory_space<vmem>>, vector<1x16xf32>,
      %swap3A_182 = vector.shape_cast %swap3A_181 : vector<1x16xf32> to vector<16xf32>
      %swap3A_183 = vector.shape_cast %broadcast_in_dim3A_3 : vector<16xf32> to vector<1x16xf32>
      tpu.vector_store %arg9[%swap3A_179, %swap3A_180], %swap3A_183 {strides = array<i32>} : memref<128x128xf32, #tpu.memory_space<vmem>>, vector<1x16xf32>,
      %swap3A_184 = arith.index_cast %scan3A_164 : i32 to index
      %swap3A_185 = arith.constant 64 : index
      %swap3A_186 = tpu.vector_load %arg9[%swap3A_184, %swap3A_185] {strides = array<i32>} : memref<128x128xf32, #tpu.memory_space<vmem>>, vector<1x16xf32>,
      %swap3A_187 = vector.shape_cast %swap3A_186 : vector<1x16xf32> to vector<16xf32>
      %swap3A_188 = vector.shape_cast %broadcast_in_dim3A_3 : vector<16xf32> to vector<1x16xf32>
      tpu.vector_store %arg9[%swap3A_184, %swap3A_185], %swap3A_188 {strides = array<i32>} : memref<128x128xf32, #tpu.memory_space<vmem>>, vector<1x16xf32>,
      %swap3A_189 = arith.index_cast %scan3A_164 : i32 to index
      %swap3A_190 = arith.constant 80 : index
      %swap3A_191 = tpu.vector_load %arg9[%swap3A_189, %swap3A_190] {strides = array<i32>} : memref<128x128xf32, #tpu.memory_space<vmem>>, vector<1x16xf32>,
      %swap3A_192 = vector.shape_cast %swap3A_191 : vector<1x16xf32> to vector<16xf32>
      %swap3A_193 = vector.shape_cast %broadcast_in_dim3A_3 : vector<16xf32> to vector<1x16xf32>
      tpu.vector_store %arg9[%swap3A_189, %swap3A_190], %swap3A_193 {strides = array<i32>} : memref<128x128xf32, #tpu.memory_space<vmem>>, vector<1x16xf32>,
      %swap3A_194 = arith.index_cast %scan3A_164 : i32 to index
      %swap3A_195 = arith.constant 96 : index
      %swap3A_196 = tpu.vector_load %arg9[%swap3A_194, %swap3A_195] {strides = array<i32>} : memref<128x128xf32, #tpu.memory_space<vmem>>, vector<1x16xf32>,
      %swap3A_197 = vector.shape_cast %swap3A_196 : vector<1x16xf32> to vector<16xf32>
      %swap3A_198 = vector.shape_cast %broadcast_in_dim3A_3 : vector<16xf32> to vector<1x16xf32>
      tpu.vector_store %arg9[%swap3A_194, %swap3A_195], %swap3A_198 {strides = array<i32>} : memref<128x128xf32, #tpu.memory_space<vmem>>, vector<1x16xf32>,
      %swap3A_199 = arith.index_cast %scan3A_164 : i32 to index
      %swap3A_200 = arith.constant 112 : index
      %swap3A_201 = tpu.vector_load %arg9[%swap3A_199, %swap3A_200] {strides = array<i32>} : memref<128x128xf32, #tpu.memory_space<vmem>>, vector<1x16xf32>,
      %swap3A_202 = vector.shape_cast %swap3A_201 : vector<1x16xf32> to vector<16xf32>
      %swap3A_203 = vector.shape_cast %broadcast_in_dim3A_3 : vector<16xf32> to vector<1x16xf32>
      tpu.vector_store %arg9[%swap3A_199, %swap3A_200], %swap3A_203 {strides = array<i32>} : memref<128x128xf32, #tpu.memory_space<vmem>>, vector<1x16xf32>,
    }
    %scan3A_8 = arith.constant 128 : i32
    %scan3A_9 = arith.constant 0 : i32
    %scan3A_10 = arith.constant 0 : i32
    %scan3A_11 = arith.constant 5 : i32
    %scan3A_12 = arith.addi %scan3A_10, %scan3A_11 : i32
    %scan3A_13 = arith.constant 1 : i32
    scf.for %scan3A_164 = %scan3A_10 to %scan3A_12 step %scan3A_13  : i32 {
      %mul3A_165 = arith.constant 640 : i32
      %mul3A_166 = arith.muli %arg1, %mul3A_165 : i32
      %mul3A_167 = arith.constant 128 : i32
      %mul3A_168 = arith.muli %scan3A_164, %mul3A_167 : i32
      %add3A_169 = arith.addi %mul3A_166, %mul3A_168 : i32
      "tpu.region"() ({
        %run_scoped3A = tpu.sem_alloc : memref<!tpu.dma_semaphore, #tpu.memory_space<semaphore_mem>>
        %dma_start3A_170 = arith.constant 0 : i32
        %dma_start3A_171 = tpu.memref_slice %arg11[%add3A_169, %dma_start3A_170] : memref<10240x128xf32, #tpu.memory_space<vmem_shared>> -> memref<128x128xf32, #tpu.memory_space<vmem_shared>>
        %dma_start3A_172 = arith.constant 0 : i32
        %dma_start3A_173 = tpu.memref_slice %arg11[%add3A_169, %dma_start3A_172] : memref<10240x128xf32, #tpu.memory_space<vmem_shared>> -> memref<128x128xf32, #tpu.memory_space<vmem_shared>>
        tpu.enqueue_dma source(%arg9 : memref<128x128xf32, #tpu.memory_space<vmem>>) target(%dma_start3A_173 : memref<128x128xf32, #tpu.memory_space<vmem_shared>>) target_semaphore(%run_scoped3A : memref<!tpu.dma_semaphore, #tpu.memory_space<semaphore_mem>>)
        %dma_wait3A_174 = arith.constant 0 : i32
        %dma_wait3A_175 = tpu.memref_slice %arg11[%add3A_169, %dma_wait3A_174] : memref<10240x128xf32, #tpu.memory_space<vmem_shared>> -> memref<128x128xf32, #tpu.memory_space<vmem_shared>>
        %dma_wait3A_176 = arith.constant 0 : i32
        %dma_wait3A_177 = tpu.memref_slice %arg11[%add3A_169, %dma_wait3A_176] : memref<10240x128xf32, #tpu.memory_space<vmem_shared>> -> memref<128x128xf32, #tpu.memory_space<vmem_shared>>
        tpu.wait_dma2 semaphore(%run_scoped3A : memref<!tpu.dma_semaphore, #tpu.memory_space<semaphore_mem>>) src(%arg9 : memref<128x128xf32, #tpu.memory_space<vmem>>) dst(%dma_wait3A_177 : memref<128x128xf32, #tpu.memory_space<vmem_shared>>)
        tpu.yield
      }) : () -> ()
    }
    %scan3A_14 = arith.constant 5 : i32
    %barrier3A = arith.constant 0 : index
    tpu.barrier barrier_id(%barrier3A)
    "tpu.region"() ({
      %run_scoped3A = tpu.sem_alloc : memref<!tpu.dma_semaphore, #tpu.memory_space<semaphore_mem>>
      %dma_start3A_164 = arith.constant 0 : i32
      %dma_start3A_165 = tpu.memref_slice %arg3[%mul3A_2, %dma_start3A_164] : memref<2560x128xi32, #tpu.memory_space<hbm>> -> memref<80x128xi32, #tpu.memory_space<hbm>>
      %dma_start3A_166 = arith.constant 0 : i32
      %dma_start3A_167 = tpu.memref_slice %arg3[%mul3A_2, %dma_start3A_166] : memref<2560x128xi32, #tpu.memory_space<hbm>> -> memref<80x128xi32, #tpu.memory_space<hbm>>
      tpu.enqueue_dma source(%dma_start3A_167 : memref<80x128xi32, #tpu.memory_space<hbm>>) target(%arg6 : memref<80x128xi32, #tpu.memory_space<vmem>>) target_semaphore(%run_scoped3A : memref<!tpu.dma_semaphore, #tpu.memory_space<semaphore_mem>>)
      %dma_wait3A_168 = arith.constant 0 : i32
      %dma_wait3A_169 = tpu.memref_slice %arg3[%mul3A_2, %dma_wait3A_168] : memref<2560x128xi32, #tpu.memory_space<hbm>> -> memref<80x128xi32, #tpu.memory_space<hbm>>
      %dma_wait3A_170 = arith.constant 0 : i32
      %dma_wait3A_171 = tpu.memref_slice %arg3[%mul3A_2, %dma_wait3A_170] : memref<2560x128xi32, #tpu.memory_space<hbm>> -> memref<80x128xi32, #tpu.memory_space<hbm>>
      tpu.wait_dma2 semaphore(%run_scoped3A : memref<!tpu.dma_semaphore, #tpu.memory_space<semaphore_mem>>) src(%dma_wait3A_171 : memref<80x128xi32, #tpu.memory_space<hbm>>) dst(%arg6 : memref<80x128xi32, #tpu.memory_space<vmem>>)
      tpu.yield
    }) : () -> ()
    %dma_start3A = arith.constant 0 : i32
    %dma_start3A_15 = tpu.memref_slice %arg4[%mul3A_2, %dma_start3A] : memref<2560x128xi32, #tpu.memory_space<hbm>> -> memref<1x128xi32, #tpu.memory_space<hbm>>
    %dma_start3A_16 = tpu.memref_squeeze %dma_start3A_15 : memref<1x128xi32, #tpu.memory_space<hbm>> -> memref<128xi32, #tpu.memory_space<hbm>>
    %dma_start3A_17 = arith.constant 0 : i32
    %dma_start3A_18 = tpu.memref_slice %arg4[%mul3A_2, %dma_start3A_17] : memref<2560x128xi32, #tpu.memory_space<hbm>> -> memref<1x128xi32, #tpu.memory_space<hbm>>
    %dma_start3A_19 = tpu.memref_squeeze %dma_start3A_18 : memref<1x128xi32, #tpu.memory_space<hbm>> -> memref<128xi32, #tpu.memory_space<hbm>>
    tpu.enqueue_dma source(%dma_start3A_19 : memref<128xi32, #tpu.memory_space<hbm>>) target(%arg7 : memref<128xi32, #tpu.memory_space<vmem>>) target_semaphore(%arg16 : memref<!tpu.dma_semaphore, #tpu.memory_space<semaphore_mem>>)
    %dma_start3A_20 = arith.constant 0 : i32
    %dma_start3A_21 = arith.constant 0 : i32
    %dma_start3A_22 = arith.constant 0 : i32
    %dma_start3A_23 = tpu.memref_slice %arg9[%dma_start3A_21, %dma_start3A_22] : memref<128x128xf32, #tpu.memory_space<vmem>> -> memref<32x128xf32, #tpu.memory_space<vmem>>
    %dma_start3A_24 = arith.constant 0 : i32
    %dma_start3A_25 = tpu.memref_slice %arg6[%dma_start3A_20, %dma_start3A_24] : memref<80x128xi32, #tpu.memory_space<vmem>> -> memref<1x32xi32, #tpu.memory_space<vmem>>
    %dma_start3A_26 = tpu.memref_squeeze %dma_start3A_25 : memref<1x32xi32, #tpu.memory_space<vmem>> -> memref<32xi32, #tpu.memory_space<vmem>>
    %dma_start3A_27 = arith.constant 0 : i32
    %dma_start3A_28 = arith.constant 0 : i32
    %dma_start3A_29 = tpu.memref_slice %arg2[%dma_start3A_27, %dma_start3A_28] : memref<10000x128xf32, #tpu.memory_space<hbm>> -> memref<10000x128xf32, #tpu.memory_space<hbm>>
    tpu.enqueue_indirect_dma source(%dma_start3A_29 : memref<10000x128xf32, #tpu.memory_space<hbm>>) target(%dma_start3A_23 : memref<32x128xf32, #tpu.memory_space<vmem>>) offsets(%dma_start3A_26 : memref<32xi32, #tpu.memory_space<vmem>>) semaphore(%arg12 : memref<!tpu.dma_semaphore, #tpu.memory_space<semaphore_mem>>)
    %dma_start3A_30 = arith.constant 0 : i32
    %dma_start3A_31 = arith.constant 32 : i32
    %dma_start3A_32 = arith.constant 0 : i32
    %dma_start3A_33 = tpu.memref_slice %arg9[%dma_start3A_31, %dma_start3A_32] : memref<128x128xf32, #tpu.memory_space<vmem>> -> memref<32x128xf32, #tpu.memory_space<vmem>>
    %dma_start3A_34 = arith.constant 32 : i32
    %dma_start3A_35 = tpu.memref_slice %arg6[%dma_start3A_30, %dma_start3A_34] : memref<80x128xi32, #tpu.memory_space<vmem>> -> memref<1x32xi32, #tpu.memory_space<vmem>>
    %dma_start3A_36 = tpu.memref_squeeze %dma_start3A_35 : memref<1x32xi32, #tpu.memory_space<vmem>> -> memref<32xi32, #tpu.memory_space<vmem>>
    %dma_start3A_37 = arith.constant 0 : i32
    %dma_start3A_38 = arith.constant 0 : i32
    %dma_start3A_39 = tpu.memref_slice %arg2[%dma_start3A_37, %dma_start3A_38] : memref<10000x128xf32, #tpu.memory_space<hbm>> -> memref<10000x128xf32, #tpu.memory_space<hbm>>
    tpu.enqueue_indirect_dma source(%dma_start3A_39 : memref<10000x128xf32, #tpu.memory_space<hbm>>) target(%dma_start3A_33 : memref<32x128xf32, #tpu.memory_space<vmem>>) offsets(%dma_start3A_36 : memref<32xi32, #tpu.memory_space<vmem>>) semaphore(%arg12 : memref<!tpu.dma_semaphore, #tpu.memory_space<semaphore_mem>>)
    %dma_start3A_40 = arith.constant 0 : i32
    %dma_start3A_41 = arith.constant 64 : i32
    %dma_start3A_42 = arith.constant 0 : i32
    %dma_start3A_43 = tpu.memref_slice %arg9[%dma_start3A_41, %dma_start3A_42] : memref<128x128xf32, #tpu.memory_space<vmem>> -> memref<32x128xf32, #tpu.memory_space<vmem>>
    %dma_start3A_44 = arith.constant 64 : i32
    %dma_start3A_45 = tpu.memref_slice %arg6[%dma_start3A_40, %dma_start3A_44] : memref<80x128xi32, #tpu.memory_space<vmem>> -> memref<1x32xi32, #tpu.memory_space<vmem>>
    %dma_start3A_46 = tpu.memref_squeeze %dma_start3A_45 : memref<1x32xi32, #tpu.memory_space<vmem>> -> memref<32xi32, #tpu.memory_space<vmem>>
    %dma_start3A_47 = arith.constant 0 : i32
    %dma_start3A_48 = arith.constant 0 : i32
    %dma_start3A_49 = tpu.memref_slice %arg2[%dma_start3A_47, %dma_start3A_48] : memref<10000x128xf32, #tpu.memory_space<hbm>> -> memref<10000x128xf32, #tpu.memory_space<hbm>>
    tpu.enqueue_indirect_dma source(%dma_start3A_49 : memref<10000x128xf32, #tpu.memory_space<hbm>>) target(%dma_start3A_43 : memref<32x128xf32, #tpu.memory_space<vmem>>) offsets(%dma_start3A_46 : memref<32xi32, #tpu.memory_space<vmem>>) semaphore(%arg12 : memref<!tpu.dma_semaphore, #tpu.memory_space<semaphore_mem>>)
    %dma_start3A_50 = arith.constant 0 : i32
    %dma_start3A_51 = arith.constant 96 : i32
    %dma_start3A_52 = arith.constant 0 : i32
    %dma_start3A_53 = tpu.memref_slice %arg9[%dma_start3A_51, %dma_start3A_52] : memref<128x128xf32, #tpu.memory_space<vmem>> -> memref<32x128xf32, #tpu.memory_space<vmem>>
    %dma_start3A_54 = arith.constant 96 : i32
    %dma_start3A_55 = tpu.memref_slice %arg6[%dma_start3A_50, %dma_start3A_54] : memref<80x128xi32, #tpu.memory_space<vmem>> -> memref<1x32xi32, #tpu.memory_space<vmem>>
    %dma_start3A_56 = tpu.memref_squeeze %dma_start3A_55 : memref<1x32xi32, #tpu.memory_space<vmem>> -> memref<32xi32, #tpu.memory_space<vmem>>
    %dma_start3A_57 = arith.constant 0 : i32
    %dma_start3A_58 = arith.constant 0 : i32
    %dma_start3A_59 = tpu.memref_slice %arg2[%dma_start3A_57, %dma_start3A_58] : memref<10000x128xf32, #tpu.memory_space<hbm>> -> memref<10000x128xf32, #tpu.memory_space<hbm>>
    tpu.enqueue_indirect_dma source(%dma_start3A_59 : memref<10000x128xf32, #tpu.memory_space<hbm>>) target(%dma_start3A_53 : memref<32x128xf32, #tpu.memory_space<vmem>>) offsets(%dma_start3A_56 : memref<32xi32, #tpu.memory_space<vmem>>) semaphore(%arg12 : memref<!tpu.dma_semaphore, #tpu.memory_space<semaphore_mem>>)
    %add3A_60 = arith.constant 1 : i32
    %add3A_61 = arith.addi %mul3A_2, %add3A_60 : i32
    %dma_start3A_62 = arith.constant 0 : i32
    %dma_start3A_63 = tpu.memref_slice %arg4[%add3A_61, %dma_start3A_62] : memref<2560x128xi32, #tpu.memory_space<hbm>> -> memref<1x128xi32, #tpu.memory_space<hbm>>
    %dma_start3A_64 = tpu.memref_squeeze %dma_start3A_63 : memref<1x128xi32, #tpu.memory_space<hbm>> -> memref<128xi32, #tpu.memory_space<hbm>>
    %dma_start3A_65 = arith.constant 0 : i32
    %dma_start3A_66 = tpu.memref_slice %arg4[%add3A_61, %dma_start3A_65] : memref<2560x128xi32, #tpu.memory_space<hbm>> -> memref<1x128xi32, #tpu.memory_space<hbm>>
    %dma_start3A_67 = tpu.memref_squeeze %dma_start3A_66 : memref<1x128xi32, #tpu.memory_space<hbm>> -> memref<128xi32, #tpu.memory_space<hbm>>
    tpu.enqueue_dma source(%dma_start3A_67 : memref<128xi32, #tpu.memory_space<hbm>>) target(%arg8 : memref<128xi32, #tpu.memory_space<vmem>>) target_semaphore(%arg17 : memref<!tpu.dma_semaphore, #tpu.memory_space<semaphore_mem>>)
    %dma_start3A_68 = arith.constant 1 : i32
    %dma_start3A_69 = arith.constant 0 : i32
    %dma_start3A_70 = arith.constant 0 : i32
    %dma_start3A_71 = tpu.memref_slice %arg10[%dma_start3A_69, %dma_start3A_70] : memref<128x128xf32, #tpu.memory_space<vmem>> -> memref<32x128xf32, #tpu.memory_space<vmem>>
    %dma_start3A_72 = arith.constant 0 : i32
    %dma_start3A_73 = tpu.memref_slice %arg6[%dma_start3A_68, %dma_start3A_72] : memref<80x128xi32, #tpu.memory_space<vmem>> -> memref<1x32xi32, #tpu.memory_space<vmem>>
    %dma_start3A_74 = tpu.memref_squeeze %dma_start3A_73 : memref<1x32xi32, #tpu.memory_space<vmem>> -> memref<32xi32, #tpu.memory_space<vmem>>
    %dma_start3A_75 = arith.constant 0 : i32
    %dma_start3A_76 = arith.constant 0 : i32
    %dma_start3A_77 = tpu.memref_slice %arg2[%dma_start3A_75, %dma_start3A_76] : memref<10000x128xf32, #tpu.memory_space<hbm>> -> memref<10000x128xf32, #tpu.memory_space<hbm>>
    tpu.enqueue_indirect_dma source(%dma_start3A_77 : memref<10000x128xf32, #tpu.memory_space<hbm>>) target(%dma_start3A_71 : memref<32x128xf32, #tpu.memory_space<vmem>>) offsets(%dma_start3A_74 : memref<32xi32, #tpu.memory_space<vmem>>) semaphore(%arg13 : memref<!tpu.dma_semaphore, #tpu.memory_space<semaphore_mem>>)
    %dma_start3A_78 = arith.constant 1 : i32
    %dma_start3A_79 = arith.constant 32 : i32
    %dma_start3A_80 = arith.constant 0 : i32
    %dma_start3A_81 = tpu.memref_slice %arg10[%dma_start3A_79, %dma_start3A_80] : memref<128x128xf32, #tpu.memory_space<vmem>> -> memref<32x128xf32, #tpu.memory_space<vmem>>
    %dma_start3A_82 = arith.constant 32 : i32
    %dma_start3A_83 = tpu.memref_slice %arg6[%dma_start3A_78, %dma_start3A_82] : memref<80x128xi32, #tpu.memory_space<vmem>> -> memref<1x32xi32, #tpu.memory_space<vmem>>
    %dma_start3A_84 = tpu.memref_squeeze %dma_start3A_83 : memref<1x32xi32, #tpu.memory_space<vmem>> -> memref<32xi32, #tpu.memory_space<vmem>>
    %dma_start3A_85 = arith.constant 0 : i32
    %dma_start3A_86 = arith.constant 0 : i32
    %dma_start3A_87 = tpu.memref_slice %arg2[%dma_start3A_85, %dma_start3A_86] : memref<10000x128xf32, #tpu.memory_space<hbm>> -> memref<10000x128xf32, #tpu.memory_space<hbm>>
    tpu.enqueue_indirect_dma source(%dma_start3A_87 : memref<10000x128xf32, #tpu.memory_space<hbm>>) target(%dma_start3A_81 : memref<32x128xf32, #tpu.memory_space<vmem>>) offsets(%dma_start3A_84 : memref<32xi32, #tpu.memory_space<vmem>>) semaphore(%arg13 : memref<!tpu.dma_semaphore, #tpu.memory_space<semaphore_mem>>)
    %dma_start3A_88 = arith.constant 1 : i32
    %dma_start3A_89 = arith.constant 64 : i32
    %dma_start3A_90 = arith.constant 0 : i32
    %dma_start3A_91 = tpu.memref_slice %arg10[%dma_start3A_89, %dma_start3A_90] : memref<128x128xf32, #tpu.memory_space<vmem>> -> memref<32x128xf32, #tpu.memory_space<vmem>>
    %dma_start3A_92 = arith.constant 64 : i32
    %dma_start3A_93 = tpu.memref_slice %arg6[%dma_start3A_88, %dma_start3A_92] : memref<80x128xi32, #tpu.memory_space<vmem>> -> memref<1x32xi32, #tpu.memory_space<vmem>>
    %dma_start3A_94 = tpu.memref_squeeze %dma_start3A_93 : memref<1x32xi32, #tpu.memory_space<vmem>> -> memref<32xi32, #tpu.memory_space<vmem>>
    %dma_start3A_95 = arith.constant 0 : i32
    %dma_start3A_96 = arith.constant 0 : i32
    %dma_start3A_97 = tpu.memref_slice %arg2[%dma_start3A_95, %dma_start3A_96] : memref<10000x128xf32, #tpu.memory_space<hbm>> -> memref<10000x128xf32, #tpu.memory_space<hbm>>
    tpu.enqueue_indirect_dma source(%dma_start3A_97 : memref<10000x128xf32, #tpu.memory_space<hbm>>) target(%dma_start3A_91 : memref<32x128xf32, #tpu.memory_space<vmem>>) offsets(%dma_start3A_94 : memref<32xi32, #tpu.memory_space<vmem>>) semaphore(%arg13 : memref<!tpu.dma_semaphore, #tpu.memory_space<semaphore_mem>>)
    %dma_start3A_98 = arith.constant 1 : i32
    %dma_start3A_99 = arith.constant 96 : i32
    %dma_start3A_100 = arith.constant 0 : i32
    %dma_start3A_101 = tpu.memref_slice %arg10[%dma_start3A_99, %dma_start3A_100] : memref<128x128xf32, #tpu.memory_space<vmem>> -> memref<32x128xf32, #tpu.memory_space<vmem>>
    %dma_start3A_102 = arith.constant 96 : i32
    %dma_start3A_103 = tpu.memref_slice %arg6[%dma_start3A_98, %dma_start3A_102] : memref<80x128xi32, #tpu.memory_space<vmem>> -> memref<1x32xi32, #tpu.memory_space<vmem>>
    %dma_start3A_104 = tpu.memref_squeeze %dma_start3A_103 : memref<1x32xi32, #tpu.memory_space<vmem>> -> memref<32xi32, #tpu.memory_space<vmem>>
    %dma_start3A_105 = arith.constant 0 : i32
    %dma_start3A_106 = arith.constant 0 : i32
    %dma_start3A_107 = tpu.memref_slice %arg2[%dma_start3A_105, %dma_start3A_106] : memref<10000x128xf32, #tpu.memory_space<hbm>> -> memref<10000x128xf32, #tpu.memory_space<hbm>>
    tpu.enqueue_indirect_dma source(%dma_start3A_107 : memref<10000x128xf32, #tpu.memory_space<hbm>>) target(%dma_start3A_101 : memref<32x128xf32, #tpu.memory_space<vmem>>) offsets(%dma_start3A_104 : memref<32xi32, #tpu.memory_space<vmem>>) semaphore(%arg13 : memref<!tpu.dma_semaphore, #tpu.memory_space<semaphore_mem>>)
    %dma_wait3A = arith.constant 0 : i32
    %dma_wait3A_108 = arith.constant 0 : i32
    %dma_wait3A_109 = tpu.memref_slice %arg2[%dma_wait3A, %dma_wait3A_108] : memref<10000x128xf32, #tpu.memory_space<hbm>> -> memref<128x128xf32, #tpu.memory_space<hbm>>
    %dma_wait3A_110 = arith.constant 0 : i32
    %dma_wait3A_111 = arith.constant 0 : i32
    %dma_wait3A_112 = tpu.memref_slice %arg2[%dma_wait3A_110, %dma_wait3A_111] : memref<10000x128xf32, #tpu.memory_space<hbm>> -> memref<128x128xf32, #tpu.memory_space<hbm>>
    tpu.wait_dma2 semaphore(%arg12 : memref<!tpu.dma_semaphore, #tpu.memory_space<semaphore_mem>>) src(%dma_wait3A_112 : memref<128x128xf32, #tpu.memory_space<hbm>>) dst(%arg9 : memref<128x128xf32, #tpu.memory_space<vmem>>)
    %dma_wait3A_113 = arith.constant 0 : i32
    %dma_wait3A_114 = tpu.memref_slice %arg4[%mul3A_2, %dma_wait3A_113] : memref<2560x128xi32, #tpu.memory_space<hbm>> -> memref<1x128xi32, #tpu.memory_space<hbm>>
    %dma_wait3A_115 = tpu.memref_squeeze %dma_wait3A_114 : memref<1x128xi32, #tpu.memory_space<hbm>> -> memref<128xi32, #tpu.memory_space<hbm>>
    %dma_wait3A_116 = arith.constant 0 : i32
    %dma_wait3A_117 = tpu.memref_slice %arg4[%mul3A_2, %dma_wait3A_116] : memref<2560x128xi32, #tpu.memory_space<hbm>> -> memref<1x128xi32, #tpu.memory_space<hbm>>
    %dma_wait3A_118 = tpu.memref_squeeze %dma_wait3A_117 : memref<1x128xi32, #tpu.memory_space<hbm>> -> memref<128xi32, #tpu.memory_space<hbm>>
    tpu.wait_dma2 semaphore(%arg16 : memref<!tpu.dma_semaphore, #tpu.memory_space<semaphore_mem>>) src(%dma_wait3A_118 : memref<128xi32, #tpu.memory_space<hbm>>) dst(%arg7 : memref<128xi32, #tpu.memory_space<vmem>>)
    %dma_start3A_119 = arith.constant 0 : i32
    %dma_start3A_120 = arith.constant 0 : i32
    %dma_start3A_121 = tpu.memref_slice %arg11[%dma_start3A_119, %dma_start3A_120] : memref<10240x128xf32, #tpu.memory_space<vmem_shared>> -> memref<10240x128xf32, #tpu.memory_space<vmem_shared>>
    tpu.enqueue_indirect_dma source(%arg9 : memref<128x128xf32, #tpu.memory_space<vmem>>) target(%dma_start3A_121 : memref<10240x128xf32, #tpu.memory_space<vmem_shared>>) offsets(%arg7 : memref<128xi32, #tpu.memory_space<vmem>>) semaphore(%arg14 : memref<!tpu.dma_semaphore, #tpu.memory_space<semaphore_mem>>) {add = true}
    %scan3A_122 = arith.constant 0 : i32
    %scan3A_123 = arith.constant 0 : i32
    %scan3A_124 = arith.constant 39 : i32
    %scan3A_125 = arith.addi %scan3A_123, %scan3A_124 : i32
    %scan3A_126 = arith.constant 1 : i32
    scf.for %scan3A_164 = %scan3A_123 to %scan3A_125 step %scan3A_126  : i32 {
      %mul3A_165 = arith.constant 2 : i32
      %mul3A_166 = arith.muli %mul3A_165, %scan3A_164 : i32
      %add3A_167 = arith.constant 1 : i32
      %add3A_168 = arith.addi %mul3A_166, %add3A_167 : i32
      %add3A_169 = arith.constant 0 : i32
      %add3A_170 = arith.addi %add3A_168, %add3A_169 : i32
      %dma_wait3A_171 = arith.constant 0 : i32
      %dma_wait3A_172 = arith.constant 0 : i32
      %dma_wait3A_173 = tpu.memref_slice %arg2[%dma_wait3A_171, %dma_wait3A_172] : memref<10000x128xf32, #tpu.memory_space<hbm>> -> memref<128x128xf32, #tpu.memory_space<hbm>>
      %dma_wait3A_174 = arith.constant 0 : i32
      %dma_wait3A_175 = arith.constant 0 : i32
      %dma_wait3A_176 = tpu.memref_slice %arg2[%dma_wait3A_174, %dma_wait3A_175] : memref<10000x128xf32, #tpu.memory_space<hbm>> -> memref<128x128xf32, #tpu.memory_space<hbm>>
      tpu.wait_dma2 semaphore(%arg14 : memref<!tpu.dma_semaphore, #tpu.memory_space<semaphore_mem>>) src(%dma_wait3A_176 : memref<128x128xf32, #tpu.memory_space<hbm>>) dst(%arg9 : memref<128x128xf32, #tpu.memory_space<vmem>>)
      %add3A_177 = arith.addi %mul3A_2, %add3A_170 : i32
      %add3A_178 = arith.constant 1 : i32
      %add3A_179 = arith.addi %add3A_177, %add3A_178 : i32
      %dma_start3A_180 = arith.constant 0 : i32
      %dma_start3A_181 = tpu.memref_slice %arg4[%add3A_179, %dma_start3A_180] : memref<2560x128xi32, #tpu.memory_space<hbm>> -> memref<1x128xi32, #tpu.memory_space<hbm>>
      %dma_start3A_182 = tpu.memref_squeeze %dma_start3A_181 : memref<1x128xi32, #tpu.memory_space<hbm>> -> memref<128xi32, #tpu.memory_space<hbm>>
      %dma_start3A_183 = arith.constant 0 : i32
      %dma_start3A_184 = tpu.memref_slice %arg4[%add3A_179, %dma_start3A_183] : memref<2560x128xi32, #tpu.memory_space<hbm>> -> memref<1x128xi32, #tpu.memory_space<hbm>>
      %dma_start3A_185 = tpu.memref_squeeze %dma_start3A_184 : memref<1x128xi32, #tpu.memory_space<hbm>> -> memref<128xi32, #tpu.memory_space<hbm>>
      tpu.enqueue_dma source(%dma_start3A_185 : memref<128xi32, #tpu.memory_space<hbm>>) target(%arg7 : memref<128xi32, #tpu.memory_space<vmem>>) target_semaphore(%arg16 : memref<!tpu.dma_semaphore, #tpu.memory_space<semaphore_mem>>)
      %add3A_186 = arith.constant 1 : i32
      %add3A_187 = arith.addi %add3A_170, %add3A_186 : i32
      %dma_start3A_188 = arith.constant 0 : i32
      %dma_start3A_189 = arith.constant 0 : i32
      %dma_start3A_190 = tpu.memref_slice %arg9[%dma_start3A_188, %dma_start3A_189] : memref<128x128xf32, #tpu.memory_space<vmem>> -> memref<32x128xf32, #tpu.memory_space<vmem>>
      %dma_start3A_191 = arith.constant 0 : i32
      %dma_start3A_192 = tpu.memref_slice %arg6[%add3A_187, %dma_start3A_191] : memref<80x128xi32, #tpu.memory_space<vmem>> -> memref<1x32xi32, #tpu.memory_space<vmem>>
      %dma_start3A_193 = tpu.memref_squeeze %dma_start3A_192 : memref<1x32xi32, #tpu.memory_space<vmem>> -> memref<32xi32, #tpu.memory_space<vmem>>
      %dma_start3A_194 = arith.constant 0 : i32
      %dma_start3A_195 = arith.constant 0 : i32
      %dma_start3A_196 = tpu.memref_slice %arg2[%dma_start3A_194, %dma_start3A_195] : memref<10000x128xf32, #tpu.memory_space<hbm>> -> memref<10000x128xf32, #tpu.memory_space<hbm>>
      tpu.enqueue_indirect_dma source(%dma_start3A_196 : memref<10000x128xf32, #tpu.memory_space<hbm>>) target(%dma_start3A_190 : memref<32x128xf32, #tpu.memory_space<vmem>>) offsets(%dma_start3A_193 : memref<32xi32, #tpu.memory_space<vmem>>) semaphore(%arg12 : memref<!tpu.dma_semaphore, #tpu.memory_space<semaphore_mem>>)
      %dma_start3A_197 = arith.constant 32 : i32
      %dma_start3A_198 = arith.constant 0 : i32
      %dma_start3A_199 = tpu.memref_slice %arg9[%dma_start3A_197, %dma_start3A_198] : memref<128x128xf32, #tpu.memory_space<vmem>> -> memref<32x128xf32, #tpu.memory_space<vmem>>
      %dma_start3A_200 = arith.constant 32 : i32
      %dma_start3A_201 = tpu.memref_slice %arg6[%add3A_187, %dma_start3A_200] : memref<80x128xi32, #tpu.memory_space<vmem>> -> memref<1x32xi32, #tpu.memory_space<vmem>>
      %dma_start3A_202 = tpu.memref_squeeze %dma_start3A_201 : memref<1x32xi32, #tpu.memory_space<vmem>> -> memref<32xi32, #tpu.memory_space<vmem>>
      %dma_start3A_203 = arith.constant 0 : i32
      %dma_start3A_204 = arith.constant 0 : i32
      %dma_start3A_205 = tpu.memref_slice %arg2[%dma_start3A_203, %dma_start3A_204] : memref<10000x128xf32, #tpu.memory_space<hbm>> -> memref<10000x128xf32, #tpu.memory_space<hbm>>
      tpu.enqueue_indirect_dma source(%dma_start3A_205 : memref<10000x128xf32, #tpu.memory_space<hbm>>) target(%dma_start3A_199 : memref<32x128xf32, #tpu.memory_space<vmem>>) offsets(%dma_start3A_202 : memref<32xi32, #tpu.memory_space<vmem>>) semaphore(%arg12 : memref<!tpu.dma_semaphore, #tpu.memory_space<semaphore_mem>>)
      %dma_start3A_206 = arith.constant 64 : i32
      %dma_start3A_207 = arith.constant 0 : i32
      %dma_start3A_208 = tpu.memref_slice %arg9[%dma_start3A_206, %dma_start3A_207] : memref<128x128xf32, #tpu.memory_space<vmem>> -> memref<32x128xf32, #tpu.memory_space<vmem>>
      %dma_start3A_209 = arith.constant 64 : i32
      %dma_start3A_210 = tpu.memref_slice %arg6[%add3A_187, %dma_start3A_209] : memref<80x128xi32, #tpu.memory_space<vmem>> -> memref<1x32xi32, #tpu.memory_space<vmem>>
      %dma_start3A_211 = tpu.memref_squeeze %dma_start3A_210 : memref<1x32xi32, #tpu.memory_space<vmem>> -> memref<32xi32, #tpu.memory_space<vmem>>
      %dma_start3A_212 = arith.constant 0 : i32
      %dma_start3A_213 = arith.constant 0 : i32
      %dma_start3A_214 = tpu.memref_slice %arg2[%dma_start3A_212, %dma_start3A_213] : memref<10000x128xf32, #tpu.memory_space<hbm>> -> memref<10000x128xf32, #tpu.memory_space<hbm>>
      tpu.enqueue_indirect_dma source(%dma_start3A_214 : memref<10000x128xf32, #tpu.memory_space<hbm>>) target(%dma_start3A_208 : memref<32x128xf32, #tpu.memory_space<vmem>>) offsets(%dma_start3A_211 : memref<32xi32, #tpu.memory_space<vmem>>) semaphore(%arg12 : memref<!tpu.dma_semaphore, #tpu.memory_space<semaphore_mem>>)
      %dma_start3A_215 = arith.constant 96 : i32
      %dma_start3A_216 = arith.constant 0 : i32
      %dma_start3A_217 = tpu.memref_slice %arg9[%dma_start3A_215, %dma_start3A_216] : memref<128x128xf32, #tpu.memory_space<vmem>> -> memref<32x128xf32, #tpu.memory_space<vmem>>
      %dma_start3A_218 = arith.constant 96 : i32
      %dma_start3A_219 = tpu.memref_slice %arg6[%add3A_187, %dma_start3A_218] : memref<80x128xi32, #tpu.memory_space<vmem>> -> memref<1x32xi32, #tpu.memory_space<vmem>>
      %dma_start3A_220 = tpu.memref_squeeze %dma_start3A_219 : memref<1x32xi32, #tpu.memory_space<vmem>> -> memref<32xi32, #tpu.memory_space<vmem>>
      %dma_start3A_221 = arith.constant 0 : i32
      %dma_start3A_222 = arith.constant 0 : i32
      %dma_start3A_223 = tpu.memref_slice %arg2[%dma_start3A_221, %dma_start3A_222] : memref<10000x128xf32, #tpu.memory_space<hbm>> -> memref<10000x128xf32, #tpu.memory_space<hbm>>
      tpu.enqueue_indirect_dma source(%dma_start3A_223 : memref<10000x128xf32, #tpu.memory_space<hbm>>) target(%dma_start3A_217 : memref<32x128xf32, #tpu.memory_space<vmem>>) offsets(%dma_start3A_220 : memref<32xi32, #tpu.memory_space<vmem>>) semaphore(%arg12 : memref<!tpu.dma_semaphore, #tpu.memory_space<semaphore_mem>>)
      %dma_wait3A_224 = arith.constant 0 : i32
      %dma_wait3A_225 = arith.constant 0 : i32
      %dma_wait3A_226 = tpu.memref_slice %arg2[%dma_wait3A_224, %dma_wait3A_225] : memref<10000x128xf32, #tpu.memory_space<hbm>> -> memref<128x128xf32, #tpu.memory_space<hbm>>
      %dma_wait3A_227 = arith.constant 0 : i32
      %dma_wait3A_228 = arith.constant 0 : i32
      %dma_wait3A_229 = tpu.memref_slice %arg2[%dma_wait3A_227, %dma_wait3A_228] : memref<10000x128xf32, #tpu.memory_space<hbm>> -> memref<128x128xf32, #tpu.memory_space<hbm>>
      tpu.wait_dma2 semaphore(%arg13 : memref<!tpu.dma_semaphore, #tpu.memory_space<semaphore_mem>>) src(%dma_wait3A_229 : memref<128x128xf32, #tpu.memory_space<hbm>>) dst(%arg10 : memref<128x128xf32, #tpu.memory_space<vmem>>)
      %add3A_230 = arith.addi %mul3A_2, %add3A_170 : i32
      %dma_wait3A_231 = arith.constant 0 : i32
      %dma_wait3A_232 = tpu.memref_slice %arg4[%add3A_230, %dma_wait3A_231] : memref<2560x128xi32, #tpu.memory_space<hbm>> -> memref<1x128xi32, #tpu.memory_space<hbm>>
      %dma_wait3A_233 = tpu.memref_squeeze %dma_wait3A_232 : memref<1x128xi32, #tpu.memory_space<hbm>> -> memref<128xi32, #tpu.memory_space<hbm>>
      %dma_wait3A_234 = arith.constant 0 : i32
      %dma_wait3A_235 = tpu.memref_slice %arg4[%add3A_230, %dma_wait3A_234] : memref<2560x128xi32, #tpu.memory_space<hbm>> -> memref<1x128xi32, #tpu.memory_space<hbm>>
      %dma_wait3A_236 = tpu.memref_squeeze %dma_wait3A_235 : memref<1x128xi32, #tpu.memory_space<hbm>> -> memref<128xi32, #tpu.memory_space<hbm>>
      tpu.wait_dma2 semaphore(%arg17 : memref<!tpu.dma_semaphore, #tpu.memory_space<semaphore_mem>>) src(%dma_wait3A_236 : memref<128xi32, #tpu.memory_space<hbm>>) dst(%arg8 : memref<128xi32, #tpu.memory_space<vmem>>)
      %dma_start3A_237 = arith.constant 0 : i32
      %dma_start3A_238 = arith.constant 0 : i32
      %dma_start3A_239 = tpu.memref_slice %arg11[%dma_start3A_237, %dma_start3A_238] : memref<10240x128xf32, #tpu.memory_space<vmem_shared>> -> memref<10240x128xf32, #tpu.memory_space<vmem_shared>>
      tpu.enqueue_indirect_dma source(%arg10 : memref<128x128xf32, #tpu.memory_space<vmem>>) target(%dma_start3A_239 : memref<10240x128xf32, #tpu.memory_space<vmem_shared>>) offsets(%arg8 : memref<128xi32, #tpu.memory_space<vmem>>) semaphore(%arg15 : memref<!tpu.dma_semaphore, #tpu.memory_space<semaphore_mem>>) {add = true}
      %mul3A_240 = arith.constant 2 : i32
      %mul3A_241 = arith.muli %mul3A_240, %scan3A_164 : i32
      %add3A_242 = arith.constant 1 : i32
      %add3A_243 = arith.addi %mul3A_241, %add3A_242 : i32
      %add3A_244 = arith.constant 1 : i32
      %add3A_245 = arith.addi %add3A_243, %add3A_244 : i32
      %dma_wait3A_246 = arith.constant 0 : i32
      %dma_wait3A_247 = arith.constant 0 : i32
      %dma_wait3A_248 = tpu.memref_slice %arg2[%dma_wait3A_246, %dma_wait3A_247] : memref<10000x128xf32, #tpu.memory_space<hbm>> -> memref<128x128xf32, #tpu.memory_space<hbm>>
      %dma_wait3A_249 = arith.constant 0 : i32
      %dma_wait3A_250 = arith.constant 0 : i32
      %dma_wait3A_251 = tpu.memref_slice %arg2[%dma_wait3A_249, %dma_wait3A_250] : memref<10000x128xf32, #tpu.memory_space<hbm>> -> memref<128x128xf32, #tpu.memory_space<hbm>>
      tpu.wait_dma2 semaphore(%arg15 : memref<!tpu.dma_semaphore, #tpu.memory_space<semaphore_mem>>) src(%dma_wait3A_251 : memref<128x128xf32, #tpu.memory_space<hbm>>) dst(%arg10 : memref<128x128xf32, #tpu.memory_space<vmem>>)
      %add3A_252 = arith.addi %mul3A_2, %add3A_245 : i32
      %add3A_253 = arith.constant 1 : i32
      %add3A_254 = arith.addi %add3A_252, %add3A_253 : i32
      %dma_start3A_255 = arith.constant 0 : i32
      %dma_start3A_256 = tpu.memref_slice %arg4[%add3A_254, %dma_start3A_255] : memref<2560x128xi32, #tpu.memory_space<hbm>> -> memref<1x128xi32, #tpu.memory_space<hbm>>
      %dma_start3A_257 = tpu.memref_squeeze %dma_start3A_256 : memref<1x128xi32, #tpu.memory_space<hbm>> -> memref<128xi32, #tpu.memory_space<hbm>>
      %dma_start3A_258 = arith.constant 0 : i32
      %dma_start3A_259 = tpu.memref_slice %arg4[%add3A_254, %dma_start3A_258] : memref<2560x128xi32, #tpu.memory_space<hbm>> -> memref<1x128xi32, #tpu.memory_space<hbm>>
      %dma_start3A_260 = tpu.memref_squeeze %dma_start3A_259 : memref<1x128xi32, #tpu.memory_space<hbm>> -> memref<128xi32, #tpu.memory_space<hbm>>
      tpu.enqueue_dma source(%dma_start3A_260 : memref<128xi32, #tpu.memory_space<hbm>>) target(%arg8 : memref<128xi32, #tpu.memory_space<vmem>>) target_semaphore(%arg17 : memref<!tpu.dma_semaphore, #tpu.memory_space<semaphore_mem>>)
      %add3A_261 = arith.constant 1 : i32
      %add3A_262 = arith.addi %add3A_245, %add3A_261 : i32
      %dma_start3A_263 = arith.constant 0 : i32
      %dma_start3A_264 = arith.constant 0 : i32
      %dma_start3A_265 = tpu.memref_slice %arg10[%dma_start3A_263, %dma_start3A_264] : memref<128x128xf32, #tpu.memory_space<vmem>> -> memref<32x128xf32, #tpu.memory_space<vmem>>
      %dma_start3A_266 = arith.constant 0 : i32
      %dma_start3A_267 = tpu.memref_slice %arg6[%add3A_262, %dma_start3A_266] : memref<80x128xi32, #tpu.memory_space<vmem>> -> memref<1x32xi32, #tpu.memory_space<vmem>>
      %dma_start3A_268 = tpu.memref_squeeze %dma_start3A_267 : memref<1x32xi32, #tpu.memory_space<vmem>> -> memref<32xi32, #tpu.memory_space<vmem>>
      %dma_start3A_269 = arith.constant 0 : i32
      %dma_start3A_270 = arith.constant 0 : i32
      %dma_start3A_271 = tpu.memref_slice %arg2[%dma_start3A_269, %dma_start3A_270] : memref<10000x128xf32, #tpu.memory_space<hbm>> -> memref<10000x128xf32, #tpu.memory_space<hbm>>
      tpu.enqueue_indirect_dma source(%dma_start3A_271 : memref<10000x128xf32, #tpu.memory_space<hbm>>) target(%dma_start3A_265 : memref<32x128xf32, #tpu.memory_space<vmem>>) offsets(%dma_start3A_268 : memref<32xi32, #tpu.memory_space<vmem>>) semaphore(%arg13 : memref<!tpu.dma_semaphore, #tpu.memory_space<semaphore_mem>>)
      %dma_start3A_272 = arith.constant 32 : i32
      %dma_start3A_273 = arith.constant 0 : i32
      %dma_start3A_274 = tpu.memref_slice %arg10[%dma_start3A_272, %dma_start3A_273] : memref<128x128xf32, #tpu.memory_space<vmem>> -> memref<32x128xf32, #tpu.memory_space<vmem>>
      %dma_start3A_275 = arith.constant 32 : i32
      %dma_start3A_276 = tpu.memref_slice %arg6[%add3A_262, %dma_start3A_275] : memref<80x128xi32, #tpu.memory_space<vmem>> -> memref<1x32xi32, #tpu.memory_space<vmem>>
      %dma_start3A_277 = tpu.memref_squeeze %dma_start3A_276 : memref<1x32xi32, #tpu.memory_space<vmem>> -> memref<32xi32, #tpu.memory_space<vmem>>
      %dma_start3A_278 = arith.constant 0 : i32
      %dma_start3A_279 = arith.constant 0 : i32
      %dma_start3A_280 = tpu.memref_slice %arg2[%dma_start3A_278, %dma_start3A_279] : memref<10000x128xf32, #tpu.memory_space<hbm>> -> memref<10000x128xf32, #tpu.memory_space<hbm>>
      tpu.enqueue_indirect_dma source(%dma_start3A_280 : memref<10000x128xf32, #tpu.memory_space<hbm>>) target(%dma_start3A_274 : memref<32x128xf32, #tpu.memory_space<vmem>>) offsets(%dma_start3A_277 : memref<32xi32, #tpu.memory_space<vmem>>) semaphore(%arg13 : memref<!tpu.dma_semaphore, #tpu.memory_space<semaphore_mem>>)
      %dma_start3A_281 = arith.constant 64 : i32
      %dma_start3A_282 = arith.constant 0 : i32
      %dma_start3A_283 = tpu.memref_slice %arg10[%dma_start3A_281, %dma_start3A_282] : memref<128x128xf32, #tpu.memory_space<vmem>> -> memref<32x128xf32, #tpu.memory_space<vmem>>
      %dma_start3A_284 = arith.constant 64 : i32
      %dma_start3A_285 = tpu.memref_slice %arg6[%add3A_262, %dma_start3A_284] : memref<80x128xi32, #tpu.memory_space<vmem>> -> memref<1x32xi32, #tpu.memory_space<vmem>>
      %dma_start3A_286 = tpu.memref_squeeze %dma_start3A_285 : memref<1x32xi32, #tpu.memory_space<vmem>> -> memref<32xi32, #tpu.memory_space<vmem>>
      %dma_start3A_287 = arith.constant 0 : i32
      %dma_start3A_288 = arith.constant 0 : i32
      %dma_start3A_289 = tpu.memref_slice %arg2[%dma_start3A_287, %dma_start3A_288] : memref<10000x128xf32, #tpu.memory_space<hbm>> -> memref<10000x128xf32, #tpu.memory_space<hbm>>
      tpu.enqueue_indirect_dma source(%dma_start3A_289 : memref<10000x128xf32, #tpu.memory_space<hbm>>) target(%dma_start3A_283 : memref<32x128xf32, #tpu.memory_space<vmem>>) offsets(%dma_start3A_286 : memref<32xi32, #tpu.memory_space<vmem>>) semaphore(%arg13 : memref<!tpu.dma_semaphore, #tpu.memory_space<semaphore_mem>>)
      %dma_start3A_290 = arith.constant 96 : i32
      %dma_start3A_291 = arith.constant 0 : i32
      %dma_start3A_292 = tpu.memref_slice %arg10[%dma_start3A_290, %dma_start3A_291] : memref<128x128xf32, #tpu.memory_space<vmem>> -> memref<32x128xf32, #tpu.memory_space<vmem>>
      %dma_start3A_293 = arith.constant 96 : i32
      %dma_start3A_294 = tpu.memref_slice %arg6[%add3A_262, %dma_start3A_293] : memref<80x128xi32, #tpu.memory_space<vmem>> -> memref<1x32xi32, #tpu.memory_space<vmem>>
      %dma_start3A_295 = tpu.memref_squeeze %dma_start3A_294 : memref<1x32xi32, #tpu.memory_space<vmem>> -> memref<32xi32, #tpu.memory_space<vmem>>
      %dma_start3A_296 = arith.constant 0 : i32
      %dma_start3A_297 = arith.constant 0 : i32
      %dma_start3A_298 = tpu.memref_slice %arg2[%dma_start3A_296, %dma_start3A_297] : memref<10000x128xf32, #tpu.memory_space<hbm>> -> memref<10000x128xf32, #tpu.memory_space<hbm>>
      tpu.enqueue_indirect_dma source(%dma_start3A_298 : memref<10000x128xf32, #tpu.memory_space<hbm>>) target(%dma_start3A_292 : memref<32x128xf32, #tpu.memory_space<vmem>>) offsets(%dma_start3A_295 : memref<32xi32, #tpu.memory_space<vmem>>) semaphore(%arg13 : memref<!tpu.dma_semaphore, #tpu.memory_space<semaphore_mem>>)
      %dma_wait3A_299 = arith.constant 0 : i32
      %dma_wait3A_300 = arith.constant 0 : i32
      %dma_wait3A_301 = tpu.memref_slice %arg2[%dma_wait3A_299, %dma_wait3A_300] : memref<10000x128xf32, #tpu.memory_space<hbm>> -> memref<128x128xf32, #tpu.memory_space<hbm>>
      %dma_wait3A_302 = arith.constant 0 : i32
      %dma_wait3A_303 = arith.constant 0 : i32
      %dma_wait3A_304 = tpu.memref_slice %arg2[%dma_wait3A_302, %dma_wait3A_303] : memref<10000x128xf32, #tpu.memory_space<hbm>> -> memref<128x128xf32, #tpu.memory_space<hbm>>
      tpu.wait_dma2 semaphore(%arg12 : memref<!tpu.dma_semaphore, #tpu.memory_space<semaphore_mem>>) src(%dma_wait3A_304 : memref<128x128xf32, #tpu.memory_space<hbm>>) dst(%arg9 : memref<128x128xf32, #tpu.memory_space<vmem>>)
      %add3A_305 = arith.addi %mul3A_2, %add3A_245 : i32
      %dma_wait3A_306 = arith.constant 0 : i32
      %dma_wait3A_307 = tpu.memref_slice %arg4[%add3A_305, %dma_wait3A_306] : memref<2560x128xi32, #tpu.memory_space<hbm>> -> memref<1x128xi32, #tpu.memory_space<hbm>>
      %dma_wait3A_308 = tpu.memref_squeeze %dma_wait3A_307 : memref<1x128xi32, #tpu.memory_space<hbm>> -> memref<128xi32, #tpu.memory_space<hbm>>
      %dma_wait3A_309 = arith.constant 0 : i32
      %dma_wait3A_310 = tpu.memref_slice %arg4[%add3A_305, %dma_wait3A_309] : memref<2560x128xi32, #tpu.memory_space<hbm>> -> memref<1x128xi32, #tpu.memory_space<hbm>>
      %dma_wait3A_311 = tpu.memref_squeeze %dma_wait3A_310 : memref<1x128xi32, #tpu.memory_space<hbm>> -> memref<128xi32, #tpu.memory_space<hbm>>
      tpu.wait_dma2 semaphore(%arg16 : memref<!tpu.dma_semaphore, #tpu.memory_space<semaphore_mem>>) src(%dma_wait3A_311 : memref<128xi32, #tpu.memory_space<hbm>>) dst(%arg7 : memref<128xi32, #tpu.memory_space<vmem>>)
      %dma_start3A_312 = arith.constant 0 : i32
      %dma_start3A_313 = arith.constant 0 : i32
      %dma_start3A_314 = tpu.memref_slice %arg11[%dma_start3A_312, %dma_start3A_313] : memref<10240x128xf32, #tpu.memory_space<vmem_shared>> -> memref<10240x128xf32, #tpu.memory_space<vmem_shared>>
      tpu.enqueue_indirect_dma source(%arg9 : memref<128x128xf32, #tpu.memory_space<vmem>>) target(%dma_start3A_314 : memref<10240x128xf32, #tpu.memory_space<vmem_shared>>) offsets(%arg7 : memref<128xi32, #tpu.memory_space<vmem>>) semaphore(%arg14 : memref<!tpu.dma_semaphore, #tpu.memory_space<semaphore_mem>>) {add = true}
    }
    %scan3A_127 = arith.constant 39 : i32
    %dma_wait3A_128 = arith.constant 0 : i32
    %dma_wait3A_129 = arith.constant 0 : i32
    %dma_wait3A_130 = tpu.memref_slice %arg2[%dma_wait3A_128, %dma_wait3A_129] : memref<10000x128xf32, #tpu.memory_space<hbm>> -> memref<128x128xf32, #tpu.memory_space<hbm>>
    %dma_wait3A_131 = arith.constant 0 : i32
    %dma_wait3A_132 = arith.constant 0 : i32
    %dma_wait3A_133 = tpu.memref_slice %arg2[%dma_wait3A_131, %dma_wait3A_132] : memref<10000x128xf32, #tpu.memory_space<hbm>> -> memref<128x128xf32, #tpu.memory_space<hbm>>
    tpu.wait_dma2 semaphore(%arg14 : memref<!tpu.dma_semaphore, #tpu.memory_space<semaphore_mem>>) src(%dma_wait3A_133 : memref<128x128xf32, #tpu.memory_space<hbm>>) dst(%arg9 : memref<128x128xf32, #tpu.memory_space<vmem>>)
    %dma_wait3A_134 = arith.constant 0 : i32
    %dma_wait3A_135 = arith.constant 0 : i32
    %dma_wait3A_136 = tpu.memref_slice %arg2[%dma_wait3A_134, %dma_wait3A_135] : memref<10000x128xf32, #tpu.memory_space<hbm>> -> memref<128x128xf32, #tpu.memory_space<hbm>>
    %dma_wait3A_137 = arith.constant 0 : i32
    %dma_wait3A_138 = arith.constant 0 : i32
    %dma_wait3A_139 = tpu.memref_slice %arg2[%dma_wait3A_137, %dma_wait3A_138] : memref<10000x128xf32, #tpu.memory_space<hbm>> -> memref<128x128xf32, #tpu.memory_space<hbm>>
    tpu.wait_dma2 semaphore(%arg13 : memref<!tpu.dma_semaphore, #tpu.memory_space<semaphore_mem>>) src(%dma_wait3A_139 : memref<128x128xf32, #tpu.memory_space<hbm>>) dst(%arg10 : memref<128x128xf32, #tpu.memory_space<vmem>>)
    %add3A_140 = arith.constant 79 : i32
    %add3A_141 = arith.addi %mul3A_2, %add3A_140 : i32
    %dma_wait3A_142 = arith.constant 0 : i32
    %dma_wait3A_143 = tpu.memref_slice %arg4[%add3A_141, %dma_wait3A_142] : memref<2560x128xi32, #tpu.memory_space<hbm>> -> memref<1x128xi32, #tpu.memory_space<hbm>>
    %dma_wait3A_144 = tpu.memref_squeeze %dma_wait3A_143 : memref<1x128xi32, #tpu.memory_space<hbm>> -> memref<128xi32, #tpu.memory_space<hbm>>
    %dma_wait3A_145 = arith.constant 0 : i32
    %dma_wait3A_146 = tpu.memref_slice %arg4[%add3A_141, %dma_wait3A_145] : memref<2560x128xi32, #tpu.memory_space<hbm>> -> memref<1x128xi32, #tpu.memory_space<hbm>>
    %dma_wait3A_147 = tpu.memref_squeeze %dma_wait3A_146 : memref<1x128xi32, #tpu.memory_space<hbm>> -> memref<128xi32, #tpu.memory_space<hbm>>
    tpu.wait_dma2 semaphore(%arg17 : memref<!tpu.dma_semaphore, #tpu.memory_space<semaphore_mem>>) src(%dma_wait3A_147 : memref<128xi32, #tpu.memory_space<hbm>>) dst(%arg8 : memref<128xi32, #tpu.memory_space<vmem>>)
    %dma_start3A_148 = arith.constant 0 : i32
    %dma_start3A_149 = arith.constant 0 : i32
    %dma_start3A_150 = tpu.memref_slice %arg11[%dma_start3A_148, %dma_start3A_149] : memref<10240x128xf32, #tpu.memory_space<vmem_shared>> -> memref<10240x128xf32, #tpu.memory_space<vmem_shared>>
    tpu.enqueue_indirect_dma source(%arg10 : memref<128x128xf32, #tpu.memory_space<vmem>>) target(%dma_start3A_150 : memref<10240x128xf32, #tpu.memory_space<vmem_shared>>) offsets(%arg8 : memref<128xi32, #tpu.memory_space<vmem>>) semaphore(%arg15 : memref<!tpu.dma_semaphore, #tpu.memory_space<semaphore_mem>>) {add = true}
    %dma_wait3A_151 = arith.constant 0 : i32
    %dma_wait3A_152 = arith.constant 0 : i32
    %dma_wait3A_153 = tpu.memref_slice %arg2[%dma_wait3A_151, %dma_wait3A_152] : memref<10000x128xf32, #tpu.memory_space<hbm>> -> memref<128x128xf32, #tpu.memory_space<hbm>>
    %dma_wait3A_154 = arith.constant 0 : i32
    %dma_wait3A_155 = arith.constant 0 : i32
    %dma_wait3A_156 = tpu.memref_slice %arg2[%dma_wait3A_154, %dma_wait3A_155] : memref<10000x128xf32, #tpu.memory_space<hbm>> -> memref<128x128xf32, #tpu.memory_space<hbm>>
    tpu.wait_dma2 semaphore(%arg15 : memref<!tpu.dma_semaphore, #tpu.memory_space<semaphore_mem>>) src(%dma_wait3A_156 : memref<128x128xf32, #tpu.memory_space<hbm>>) dst(%arg10 : memref<128x128xf32, #tpu.memory_space<vmem>>)
    %barrier3A_157 = arith.constant 0 : index
    tpu.barrier barrier_id(%barrier3A_157)
    %scan3A_158 = arith.constant 0 : i32
    %scan3A_159 = arith.constant 0 : i32
    %scan3A_160 = arith.constant 5 : i32
    %scan3A_161 = arith.addi %scan3A_159, %scan3A_160 : i32
    %scan3A_162 = arith.constant 1 : i32
    scf.for %scan3A_164 = %scan3A_159 to %scan3A_161 step %scan3A_162  : i32 {
      %mul3A_165 = arith.constant 640 : i32
      %mul3A_166 = arith.muli %arg1, %mul3A_165 : i32
      %mul3A_167 = arith.constant 128 : i32
      %mul3A_168 = arith.muli %scan3A_164, %mul3A_167 : i32
      %add3A_169 = arith.addi %mul3A_166, %mul3A_168 : i32
      "tpu.region"() ({
        %run_scoped3A = tpu.sem_alloc : memref<!tpu.dma_semaphore, #tpu.memory_space<semaphore_mem>>
        %dma_start3A_170 = arith.constant 0 : i32
        %dma_start3A_171 = tpu.memref_slice %arg11[%add3A_169, %dma_start3A_170] : memref<10240x128xf32, #tpu.memory_space<vmem_shared>> -> memref<128x128xf32, #tpu.memory_space<vmem_shared>>
        %dma_start3A_172 = arith.constant 0 : i32
        %dma_start3A_173 = tpu.memref_slice %arg11[%add3A_169, %dma_start3A_172] : memref<10240x128xf32, #tpu.memory_space<vmem_shared>> -> memref<128x128xf32, #tpu.memory_space<vmem_shared>>
        tpu.enqueue_dma source(%dma_start3A_173 : memref<128x128xf32, #tpu.memory_space<vmem_shared>>) target(%arg9 : memref<128x128xf32, #tpu.memory_space<vmem>>) target_semaphore(%run_scoped3A : memref<!tpu.dma_semaphore, #tpu.memory_space<semaphore_mem>>)
        %dma_wait3A_174 = arith.constant 0 : i32
        %dma_wait3A_175 = tpu.memref_slice %arg11[%add3A_169, %dma_wait3A_174] : memref<10240x128xf32, #tpu.memory_space<vmem_shared>> -> memref<128x128xf32, #tpu.memory_space<vmem_shared>>
        %dma_wait3A_176 = arith.constant 0 : i32
        %dma_wait3A_177 = tpu.memref_slice %arg11[%add3A_169, %dma_wait3A_176] : memref<10240x128xf32, #tpu.memory_space<vmem_shared>> -> memref<128x128xf32, #tpu.memory_space<vmem_shared>>
        tpu.wait_dma2 semaphore(%run_scoped3A : memref<!tpu.dma_semaphore, #tpu.memory_space<semaphore_mem>>) src(%dma_wait3A_177 : memref<128x128xf32, #tpu.memory_space<vmem_shared>>) dst(%arg9 : memref<128x128xf32, #tpu.memory_space<vmem>>)
        tpu.yield
      }) : () -> ()
      "tpu.region"() ({
        %run_scoped3A = tpu.sem_alloc : memref<!tpu.dma_semaphore, #tpu.memory_space<semaphore_mem>>
        %dma_start3A_170 = arith.constant 0 : i32
        %dma_start3A_171 = tpu.memref_slice %arg5[%arg0, %add3A_169, %dma_start3A_170] : memref<2x10240x128xf32, #tpu.memory_space<hbm>> -> memref<1x128x128xf32, #tpu.memory_space<hbm>>
        %dma_start3A_172 = tpu.memref_squeeze %dma_start3A_171 : memref<1x128x128xf32, #tpu.memory_space<hbm>> -> memref<128x128xf32, #tpu.memory_space<hbm>>
        %dma_start3A_173 = arith.constant 0 : i32
        %dma_start3A_174 = tpu.memref_slice %arg5[%arg0, %add3A_169, %dma_start3A_173] : memref<2x10240x128xf32, #tpu.memory_space<hbm>> -> memref<1x128x128xf32, #tpu.memory_space<hbm>>
        %dma_start3A_175 = tpu.memref_squeeze %dma_start3A_174 : memref<1x128x128xf32, #tpu.memory_space<hbm>> -> memref<128x128xf32, #tpu.memory_space<hbm>>
        tpu.enqueue_dma source(%arg9 : memref<128x128xf32, #tpu.memory_space<vmem>>) target(%dma_start3A_175 : memref<128x128xf32, #tpu.memory_space<hbm>>) target_semaphore(%run_scoped3A : memref<!tpu.dma_semaphore, #tpu.memory_space<semaphore_mem>>)
        %dma_wait3A_176 = arith.constant 0 : i32
        %dma_wait3A_177 = tpu.memref_slice %arg5[%arg0, %add3A_169, %dma_wait3A_176] : memref<2x10240x128xf32, #tpu.memory_space<hbm>> -> memref<1x128x128xf32, #tpu.memory_space<hbm>>
        %dma_wait3A_178 = tpu.memref_squeeze %dma_wait3A_177 : memref<1x128x128xf32, #tpu.memory_space<hbm>> -> memref<128x128xf32, #tpu.memory_space<hbm>>
        %dma_wait3A_179 = arith.constant 0 : i32
        %dma_wait3A_180 = tpu.memref_slice %arg5[%arg0, %add3A_169, %dma_wait3A_179] : memref<2x10240x128xf32, #tpu.memory_space<hbm>> -> memref<1x128x128xf32, #tpu.memory_space<hbm>>
        %dma_wait3A_181 = tpu.memref_squeeze %dma_wait3A_180 : memref<1x128x128xf32, #tpu.memory_space<hbm>> -> memref<128x128xf32, #tpu.memory_space<hbm>>
        tpu.wait_dma2 semaphore(%run_scoped3A : memref<!tpu.dma_semaphore, #tpu.memory_space<semaphore_mem>>) src(%arg9 : memref<128x128xf32, #tpu.memory_space<vmem>>) dst(%dma_wait3A_181 : memref<128x128xf32, #tpu.memory_space<hbm>>)
        tpu.yield
      }) : () -> ()
    }
    %scan3A_163 = arith.constant 5 : i32
    return
  }
}

module attributes {stable_mosaic.version = 14 : i64} {
  func.func @_mlp_body(%arg0: i32, %arg1: memref<2000x128xf32, #tpu.memory_space<vmem>>, %arg2: memref<2x2000x128xf32, #tpu.memory_space<vmem>>, %arg3: memref<128x128xf32, #tpu.memory_space<vmem>>, %arg4: memref<1x128xf32, #tpu.memory_space<vmem>>, %arg5: memref<128x128xf32, #tpu.memory_space<vmem>>, %arg6: memref<1x128xf32, #tpu.memory_space<vmem>>, %arg7: memref<2000x128xf32, #tpu.memory_space<vmem>>) attributes {dimension_semantics = [#tpu.dimension_semantics<arbitrary>], iteration_bounds = array<i64: 5>, scalar_prefetch = 0 : i64, scratch_operands = 0 : i64, tpu.core_type = #tpu.core_type<tc>, window_params = [{transform_indices = @transform_0, window_bounds = array<i64: 2000, 128>}, {transform_indices = @transform_1, window_bounds = array<i64: 2, 2000, 128>}, {pipeline_mode = #tpu.pipeline_mode<synchronous>, transform_indices = @transform_2, window_bounds = array<i64: 128, 128>}, {pipeline_mode = #tpu.pipeline_mode<synchronous>, transform_indices = @transform_3, window_bounds = array<i64: 1, 128>}, {pipeline_mode = #tpu.pipeline_mode<synchronous>, transform_indices = @transform_4, window_bounds = array<i64: 128, 128>}, {pipeline_mode = #tpu.pipeline_mode<synchronous>, transform_indices = @transform_5, window_bounds = array<i64: 1, 128>}, {transform_indices = @transform_6, window_bounds = array<i64: 2000, 128>}]} {
    %get3A = arith.constant 0 : index
    %get3A_0 = arith.constant 0 : index
    %get3A_1 = vector.load %arg1[%get3A, %get3A_0] : memref<2000x128xf32, #tpu.memory_space<vmem>>, vector<2000x128xf32>
    %get3A_2 = arith.constant 0 : index
    %get3A_3 = arith.constant 0 : index
    %get3A_4 = arith.constant 0 : index
    %get3A_5 = vector.load %arg2[%get3A_2, %get3A_3, %get3A_4] : memref<2x2000x128xf32, #tpu.memory_space<vmem>>, vector<1x2000x128xf32>
    %get3A_6 = vector.shape_cast %get3A_5 : vector<1x2000x128xf32> to vector<2000x128xf32>
    %add3A = arith.addf %get3A_1, %get3A_6 : vector<2000x128xf32>
    %get3A_7 = arith.constant 1 : index
    %get3A_8 = arith.constant 0 : index
    %get3A_9 = arith.constant 0 : index
    %get3A_10 = vector.load %arg2[%get3A_7, %get3A_8, %get3A_9] : memref<2x2000x128xf32, #tpu.memory_space<vmem>>, vector<1x2000x128xf32>
    %get3A_11 = vector.shape_cast %get3A_10 : vector<1x2000x128xf32> to vector<2000x128xf32>
    %add3A_12 = arith.addf %add3A, %get3A_11 : vector<2000x128xf32>
    %get3A_13 = arith.constant 0 : index
    %get3A_14 = arith.constant 0 : index
    %get3A_15 = vector.load %arg3[%get3A_13, %get3A_14] : memref<128x128xf32, #tpu.memory_space<vmem>>, vector<128x128xf32>
    %dot_general3A = arith.constant dense<0.000000e+00> : vector<2000x128xf32>
    %dot_general3A_16 = tpu.matmul %add3A_12, %get3A_15, %dot_general3A {dimension_numbers = #tpu.dot_dimension_numbers<[1], [0], [0], [1], [0, 0, 1, 1], [], []>, transpose_lhs_hint = false} : vector<2000x128xf32>, vector<128x128xf32>, vector<2000x128xf32> -> vector<2000x128xf32>
    %get3A_17 = arith.constant 0 : index
    %get3A_18 = arith.constant 0 : index
    %get3A_19 = vector.load %arg4[%get3A_17, %get3A_18] : memref<1x128xf32, #tpu.memory_space<vmem>>, vector<1x128xf32>
    %add3A_20 = vector.broadcast %get3A_19 : vector<1x128xf32> to vector<2000x128xf32>
    %add3A_21 = arith.addf %dot_general3A_16, %add3A_20 : vector<2000x128xf32>
    %max3A = arith.constant 0.000000e+00 : f32
    %max3A_22 = vector.broadcast %max3A : f32 to vector<2000x128xf32>
    %max3A_23 = arith.maximumf %add3A_21, %max3A_22 : vector<2000x128xf32>
    %get3A_24 = arith.constant 0 : index
    %get3A_25 = arith.constant 0 : index
    %get3A_26 = vector.load %arg5[%get3A_24, %get3A_25] : memref<128x128xf32, #tpu.memory_space<vmem>>, vector<128x128xf32>
    %dot_general3A_27 = arith.constant dense<0.000000e+00> : vector<2000x128xf32>
    %dot_general3A_28 = tpu.matmul %max3A_23, %get3A_26, %dot_general3A_27 {dimension_numbers = #tpu.dot_dimension_numbers<[1], [0], [0], [1], [0, 0, 1, 1], [], []>, transpose_lhs_hint = false} : vector<2000x128xf32>, vector<128x128xf32>, vector<2000x128xf32> -> vector<2000x128xf32>
    %get3A_29 = arith.constant 0 : index
    %get3A_30 = arith.constant 0 : index
    %get3A_31 = vector.load %arg6[%get3A_29, %get3A_30] : memref<1x128xf32, #tpu.memory_space<vmem>>, vector<1x128xf32>
    %add3A_32 = vector.broadcast %get3A_31 : vector<1x128xf32> to vector<2000x128xf32>
    %add3A_33 = arith.addf %dot_general3A_28, %add3A_32 : vector<2000x128xf32>
    %max3A_34 = arith.constant 0.000000e+00 : f32
    %max3A_35 = vector.broadcast %max3A_34 : f32 to vector<2000x128xf32>
    %max3A_36 = arith.maximumf %add3A_33, %max3A_35 : vector<2000x128xf32>
    %swap3A = arith.constant 0 : index
    %swap3A_37 = arith.constant 0 : index
    %swap3A_38 = vector.load %arg7[%swap3A, %swap3A_37] : memref<2000x128xf32, #tpu.memory_space<vmem>>, vector<2000x128xf32>
    tpu.vector_store %arg7[%swap3A, %swap3A_37], %max3A_36 {strides = array<i32>} : memref<2000x128xf32, #tpu.memory_space<vmem>>, vector<2000x128xf32>,
    return
  }
  func.func @transform_0(%arg0: i32) -> (i32, i32) {
    %c0_i32 = arith.constant 0 : i32
    %c0_i32_0 = arith.constant 0 : i32
    return %arg0, %c0_i32 : i32, i32
  }
  func.func @transform_1(%arg0: i32) -> (i32, i32, i32) {
    %c0_i32 = arith.constant 0 : i32
    %c0_i32_0 = arith.constant 0 : i32
    %c0_i32_1 = arith.constant 0 : i32
    return %c0_i32, %arg0, %c0_i32_0 : i32, i32, i32
  }
  func.func @transform_2(%arg0: i32) -> (i32, i32) {
    %c0_i32 = arith.constant 0 : i32
    %c0_i32_0 = arith.constant 0 : i32
    %c0_i32_1 = arith.constant 0 : i32
    return %c0_i32, %c0_i32_0 : i32, i32
  }
  func.func @transform_3(%arg0: i32) -> (i32, i32) {
    %c0_i32 = arith.constant 0 : i32
    %c0_i32_0 = arith.constant 0 : i32
    %c0_i32_1 = arith.constant 0 : i32
    return %c0_i32, %c0_i32_0 : i32, i32
  }
  func.func @transform_4(%arg0: i32) -> (i32, i32) {
    %c0_i32 = arith.constant 0 : i32
    %c0_i32_0 = arith.constant 0 : i32
    %c0_i32_1 = arith.constant 0 : i32
    return %c0_i32, %c0_i32_0 : i32, i32
  }
  func.func @transform_5(%arg0: i32) -> (i32, i32) {
    %c0_i32 = arith.constant 0 : i32
    %c0_i32_0 = arith.constant 0 : i32
    %c0_i32_1 = arith.constant 0 : i32
    return %c0_i32, %c0_i32_0 : i32, i32
  }
  func.func @transform_6(%arg0: i32) -> (i32, i32) {
    %c0_i32 = arith.constant 0 : i32
    %c0_i32_0 = arith.constant 0 : i32
    return %arg0, %c0_i32 : i32, i32
  }
}

module attributes {stable_mosaic.version = 14 : i64} {
  func.func @_pool_body(%arg0: i32, %arg1: memref<2000x128xf32, #tpu.memory_space<vmem>>, %arg2: memref<1x2000x1xi32, #tpu.memory_space<vmem>>, %arg3: memref<128x10xf32, #tpu.memory_space<vmem>>, %arg4: memref<1x10xf32, #tpu.memory_space<vmem>>, %arg5: memref<64x10xf32, #tpu.memory_space<vmem>>, %arg6: memref<64x128xf32, #tpu.memory_space<vmem>>) attributes {dimension_semantics = [#tpu.dimension_semantics<arbitrary>], iteration_bounds = array<i64: 5>, scalar_prefetch = 0 : i64, scratch_operands = 1 : i64, tpu.core_type = #tpu.core_type<tc>, window_params = [{transform_indices = @transform_0, window_bounds = array<i64: 2000, 128>}, {transform_indices = @transform_1, window_bounds = array<i64: 1, 2000, 1>}, {pipeline_mode = #tpu.pipeline_mode<synchronous>, transform_indices = @transform_2, window_bounds = array<i64: 128, 10>}, {pipeline_mode = #tpu.pipeline_mode<synchronous>, transform_indices = @transform_3, window_bounds = array<i64: 1, 10>}, {pipeline_mode = #tpu.pipeline_mode<synchronous>, transform_indices = @transform_4, window_bounds = array<i64: 64, 10>}]} {
    %eq3A = arith.constant 0 : i32
    %eq3A_0 = arith.cmpi eq, %arg0, %eq3A : i32
    %convert_element_type3A = arith.extui %eq3A_0 : i1 to i32
    %cond3A = arith.constant 0 : i32
    %cond3A_1 = arith.cmpi ne, %convert_element_type3A, %cond3A : i32
    scf.if %cond3A_1 {
      %broadcast_in_dim3A_719 = arith.constant 0xFF800000 : f32
      %broadcast_in_dim3A_720 = vector.broadcast %broadcast_in_dim3A_719 : f32 to vector<64x128xf32>
      %swap3A_721 = arith.constant 0 : index
      %swap3A_722 = arith.constant 0 : index
      %swap3A_723 = vector.load %arg6[%swap3A_721, %swap3A_722] : memref<64x128xf32, #tpu.memory_space<vmem>>, vector<64x128xf32>
      tpu.vector_store %arg6[%swap3A_721, %swap3A_722], %broadcast_in_dim3A_720 {strides = array<i32>} : memref<64x128xf32, #tpu.memory_space<vmem>>, vector<64x128xf32>,
    } else {
    }
    %get3A = arith.constant 0 : index
    %get3A_2 = arith.constant 0 : index
    %get3A_3 = arith.constant 0 : index
    %get3A_4 = vector.load %arg2[%get3A, %get3A_2, %get3A_3] : memref<1x2000x1xi32, #tpu.memory_space<vmem>>, vector<1x2000x1xi32>
    %get3A_5 = vector.shape_cast %get3A_4 : vector<1x2000x1xi32> to vector<2000x1xi32>
    %get3A_6 = arith.constant 0 : index
    %get3A_7 = arith.constant 0 : index
    %get3A_8 = vector.load %arg1[%get3A_6, %get3A_7] : memref<2000x128xf32, #tpu.memory_space<vmem>>, vector<2000x128xf32>
    %eq3A_9 = arith.constant 0 : i32
    %eq3A_10 = vector.broadcast %eq3A_9 : i32 to vector<2000x1xi32>
    %eq3A_11 = arith.cmpi eq, %get3A_5, %eq3A_10 : vector<2000x1xi32>
    %jit3A = arith.constant 0xFF800000 : f32
    %broadcast_in_dim3A = vector.shape_cast %eq3A_11 : vector<2000x1xi1> to vector<2000x1xi1>
    %broadcast_in_dim3A_12 = vector.broadcast %broadcast_in_dim3A : vector<2000x1xi1> to vector<2000x128xi1>
    %broadcast_in_dim3A_13 = vector.broadcast %jit3A : f32 to vector<2000x128xf32>
    %select_n3A = arith.select %broadcast_in_dim3A_12, %get3A_8, %broadcast_in_dim3A_13 : vector<2000x128xi1>, vector<2000x128xf32>
    %reduce_max3A = arith.constant dense<0xFF800000> : vector<128xf32>
    %reduce_max3A_14 = vector.multi_reduction <maximumf>, %select_n3A, %reduce_max3A [0] : vector<2000x128xf32> to vector<128xf32>
    %broadcast_in_dim3A_15 = vector.shape_cast %reduce_max3A_14 : vector<128xf32> to vector<1x128xf32>
    %eq3A_16 = arith.constant 1 : i32
    %eq3A_17 = vector.broadcast %eq3A_16 : i32 to vector<2000x1xi32>
    %eq3A_18 = arith.cmpi eq, %get3A_5, %eq3A_17 : vector<2000x1xi32>
    %jit3A_19 = arith.constant 0xFF800000 : f32
    %broadcast_in_dim3A_20 = vector.shape_cast %eq3A_18 : vector<2000x1xi1> to vector<2000x1xi1>
    %broadcast_in_dim3A_21 = vector.broadcast %broadcast_in_dim3A_20 : vector<2000x1xi1> to vector<2000x128xi1>
    %broadcast_in_dim3A_22 = vector.broadcast %jit3A_19 : f32 to vector<2000x128xf32>
    %select_n3A_23 = arith.select %broadcast_in_dim3A_21, %get3A_8, %broadcast_in_dim3A_22 : vector<2000x128xi1>, vector<2000x128xf32>
    %reduce_max3A_24 = arith.constant dense<0xFF800000> : vector<128xf32>
    %reduce_max3A_25 = vector.multi_reduction <maximumf>, %select_n3A_23, %reduce_max3A_24 [0] : vector<2000x128xf32> to vector<128xf32>
    %broadcast_in_dim3A_26 = vector.shape_cast %reduce_max3A_25 : vector<128xf32> to vector<1x128xf32>
    %eq3A_27 = arith.constant 2 : i32
    %eq3A_28 = vector.broadcast %eq3A_27 : i32 to vector<2000x1xi32>
    %eq3A_29 = arith.cmpi eq, %get3A_5, %eq3A_28 : vector<2000x1xi32>
    %jit3A_30 = arith.constant 0xFF800000 : f32
    %broadcast_in_dim3A_31 = vector.shape_cast %eq3A_29 : vector<2000x1xi1> to vector<2000x1xi1>
    %broadcast_in_dim3A_32 = vector.broadcast %broadcast_in_dim3A_31 : vector<2000x1xi1> to vector<2000x128xi1>
    %broadcast_in_dim3A_33 = vector.broadcast %jit3A_30 : f32 to vector<2000x128xf32>
    %select_n3A_34 = arith.select %broadcast_in_dim3A_32, %get3A_8, %broadcast_in_dim3A_33 : vector<2000x128xi1>, vector<2000x128xf32>
    %reduce_max3A_35 = arith.constant dense<0xFF800000> : vector<128xf32>
    %reduce_max3A_36 = vector.multi_reduction <maximumf>, %select_n3A_34, %reduce_max3A_35 [0] : vector<2000x128xf32> to vector<128xf32>
    %broadcast_in_dim3A_37 = vector.shape_cast %reduce_max3A_36 : vector<128xf32> to vector<1x128xf32>
    %eq3A_38 = arith.constant 3 : i32
    %eq3A_39 = vector.broadcast %eq3A_38 : i32 to vector<2000x1xi32>
    %eq3A_40 = arith.cmpi eq, %get3A_5, %eq3A_39 : vector<2000x1xi32>
    %jit3A_41 = arith.constant 0xFF800000 : f32
    %broadcast_in_dim3A_42 = vector.shape_cast %eq3A_40 : vector<2000x1xi1> to vector<2000x1xi1>
    %broadcast_in_dim3A_43 = vector.broadcast %broadcast_in_dim3A_42 : vector<2000x1xi1> to vector<2000x128xi1>
    %broadcast_in_dim3A_44 = vector.broadcast %jit3A_41 : f32 to vector<2000x128xf32>
    %select_n3A_45 = arith.select %broadcast_in_dim3A_43, %get3A_8, %broadcast_in_dim3A_44 : vector<2000x128xi1>, vector<2000x128xf32>
    %reduce_max3A_46 = arith.constant dense<0xFF800000> : vector<128xf32>
    %reduce_max3A_47 = vector.multi_reduction <maximumf>, %select_n3A_45, %reduce_max3A_46 [0] : vector<2000x128xf32> to vector<128xf32>
    %broadcast_in_dim3A_48 = vector.shape_cast %reduce_max3A_47 : vector<128xf32> to vector<1x128xf32>
    %eq3A_49 = arith.constant 4 : i32
    %eq3A_50 = vector.broadcast %eq3A_49 : i32 to vector<2000x1xi32>
    %eq3A_51 = arith.cmpi eq, %get3A_5, %eq3A_50 : vector<2000x1xi32>
    %jit3A_52 = arith.constant 0xFF800000 : f32
    %broadcast_in_dim3A_53 = vector.shape_cast %eq3A_51 : vector<2000x1xi1> to vector<2000x1xi1>
    %broadcast_in_dim3A_54 = vector.broadcast %broadcast_in_dim3A_53 : vector<2000x1xi1> to vector<2000x128xi1>
    %broadcast_in_dim3A_55 = vector.broadcast %jit3A_52 : f32 to vector<2000x128xf32>
    %select_n3A_56 = arith.select %broadcast_in_dim3A_54, %get3A_8, %broadcast_in_dim3A_55 : vector<2000x128xi1>, vector<2000x128xf32>
    %reduce_max3A_57 = arith.constant dense<0xFF800000> : vector<128xf32>
    %reduce_max3A_58 = vector.multi_reduction <maximumf>, %select_n3A_56, %reduce_max3A_57 [0] : vector<2000x128xf32> to vector<128xf32>
    %broadcast_in_dim3A_59 = vector.shape_cast %reduce_max3A_58 : vector<128xf32> to vector<1x128xf32>
    %eq3A_60 = arith.constant 5 : i32
    %eq3A_61 = vector.broadcast %eq3A_60 : i32 to vector<2000x1xi32>
    %eq3A_62 = arith.cmpi eq, %get3A_5, %eq3A_61 : vector<2000x1xi32>
    %jit3A_63 = arith.constant 0xFF800000 : f32
    %broadcast_in_dim3A_64 = vector.shape_cast %eq3A_62 : vector<2000x1xi1> to vector<2000x1xi1>
    %broadcast_in_dim3A_65 = vector.broadcast %broadcast_in_dim3A_64 : vector<2000x1xi1> to vector<2000x128xi1>
    %broadcast_in_dim3A_66 = vector.broadcast %jit3A_63 : f32 to vector<2000x128xf32>
    %select_n3A_67 = arith.select %broadcast_in_dim3A_65, %get3A_8, %broadcast_in_dim3A_66 : vector<2000x128xi1>, vector<2000x128xf32>
    %reduce_max3A_68 = arith.constant dense<0xFF800000> : vector<128xf32>
    %reduce_max3A_69 = vector.multi_reduction <maximumf>, %select_n3A_67, %reduce_max3A_68 [0] : vector<2000x128xf32> to vector<128xf32>
    %broadcast_in_dim3A_70 = vector.shape_cast %reduce_max3A_69 : vector<128xf32> to vector<1x128xf32>
    %eq3A_71 = arith.constant 6 : i32
    %eq3A_72 = vector.broadcast %eq3A_71 : i32 to vector<2000x1xi32>
    %eq3A_73 = arith.cmpi eq, %get3A_5, %eq3A_72 : vector<2000x1xi32>
    %jit3A_74 = arith.constant 0xFF800000 : f32
    %broadcast_in_dim3A_75 = vector.shape_cast %eq3A_73 : vector<2000x1xi1> to vector<2000x1xi1>
    %broadcast_in_dim3A_76 = vector.broadcast %broadcast_in_dim3A_75 : vector<2000x1xi1> to vector<2000x128xi1>
    %broadcast_in_dim3A_77 = vector.broadcast %jit3A_74 : f32 to vector<2000x128xf32>
    %select_n3A_78 = arith.select %broadcast_in_dim3A_76, %get3A_8, %broadcast_in_dim3A_77 : vector<2000x128xi1>, vector<2000x128xf32>
    %reduce_max3A_79 = arith.constant dense<0xFF800000> : vector<128xf32>
    %reduce_max3A_80 = vector.multi_reduction <maximumf>, %select_n3A_78, %reduce_max3A_79 [0] : vector<2000x128xf32> to vector<128xf32>
    %broadcast_in_dim3A_81 = vector.shape_cast %reduce_max3A_80 : vector<128xf32> to vector<1x128xf32>
    %eq3A_82 = arith.constant 7 : i32
    %eq3A_83 = vector.broadcast %eq3A_82 : i32 to vector<2000x1xi32>
    %eq3A_84 = arith.cmpi eq, %get3A_5, %eq3A_83 : vector<2000x1xi32>
    %jit3A_85 = arith.constant 0xFF800000 : f32
    %broadcast_in_dim3A_86 = vector.shape_cast %eq3A_84 : vector<2000x1xi1> to vector<2000x1xi1>
    %broadcast_in_dim3A_87 = vector.broadcast %broadcast_in_dim3A_86 : vector<2000x1xi1> to vector<2000x128xi1>
    %broadcast_in_dim3A_88 = vector.broadcast %jit3A_85 : f32 to vector<2000x128xf32>
    %select_n3A_89 = arith.select %broadcast_in_dim3A_87, %get3A_8, %broadcast_in_dim3A_88 : vector<2000x128xi1>, vector<2000x128xf32>
    %reduce_max3A_90 = arith.constant dense<0xFF800000> : vector<128xf32>
    %reduce_max3A_91 = vector.multi_reduction <maximumf>, %select_n3A_89, %reduce_max3A_90 [0] : vector<2000x128xf32> to vector<128xf32>
    %broadcast_in_dim3A_92 = vector.shape_cast %reduce_max3A_91 : vector<128xf32> to vector<1x128xf32>
    %eq3A_93 = arith.constant 8 : i32
    %eq3A_94 = vector.broadcast %eq3A_93 : i32 to vector<2000x1xi32>
    %eq3A_95 = arith.cmpi eq, %get3A_5, %eq3A_94 : vector<2000x1xi32>
    %jit3A_96 = arith.constant 0xFF800000 : f32
    %broadcast_in_dim3A_97 = vector.shape_cast %eq3A_95 : vector<2000x1xi1> to vector<2000x1xi1>
    %broadcast_in_dim3A_98 = vector.broadcast %broadcast_in_dim3A_97 : vector<2000x1xi1> to vector<2000x128xi1>
    %broadcast_in_dim3A_99 = vector.broadcast %jit3A_96 : f32 to vector<2000x128xf32>
    %select_n3A_100 = arith.select %broadcast_in_dim3A_98, %get3A_8, %broadcast_in_dim3A_99 : vector<2000x128xi1>, vector<2000x128xf32>
    %reduce_max3A_101 = arith.constant dense<0xFF800000> : vector<128xf32>
    %reduce_max3A_102 = vector.multi_reduction <maximumf>, %select_n3A_100, %reduce_max3A_101 [0] : vector<2000x128xf32> to vector<128xf32>
    %broadcast_in_dim3A_103 = vector.shape_cast %reduce_max3A_102 : vector<128xf32> to vector<1x128xf32>
    %eq3A_104 = arith.constant 9 : i32
    %eq3A_105 = vector.broadcast %eq3A_104 : i32 to vector<2000x1xi32>
    %eq3A_106 = arith.cmpi eq, %get3A_5, %eq3A_105 : vector<2000x1xi32>
    %jit3A_107 = arith.constant 0xFF800000 : f32
    %broadcast_in_dim3A_108 = vector.shape_cast %eq3A_106 : vector<2000x1xi1> to vector<2000x1xi1>
    %broadcast_in_dim3A_109 = vector.broadcast %broadcast_in_dim3A_108 : vector<2000x1xi1> to vector<2000x128xi1>
    %broadcast_in_dim3A_110 = vector.broadcast %jit3A_107 : f32 to vector<2000x128xf32>
    %select_n3A_111 = arith.select %broadcast_in_dim3A_109, %get3A_8, %broadcast_in_dim3A_110 : vector<2000x128xi1>, vector<2000x128xf32>
    %reduce_max3A_112 = arith.constant dense<0xFF800000> : vector<128xf32>
    %reduce_max3A_113 = vector.multi_reduction <maximumf>, %select_n3A_111, %reduce_max3A_112 [0] : vector<2000x128xf32> to vector<128xf32>
    %broadcast_in_dim3A_114 = vector.shape_cast %reduce_max3A_113 : vector<128xf32> to vector<1x128xf32>
    %eq3A_115 = arith.constant 10 : i32
    %eq3A_116 = vector.broadcast %eq3A_115 : i32 to vector<2000x1xi32>
    %eq3A_117 = arith.cmpi eq, %get3A_5, %eq3A_116 : vector<2000x1xi32>
    %jit3A_118 = arith.constant 0xFF800000 : f32
    %broadcast_in_dim3A_119 = vector.shape_cast %eq3A_117 : vector<2000x1xi1> to vector<2000x1xi1>
    %broadcast_in_dim3A_120 = vector.broadcast %broadcast_in_dim3A_119 : vector<2000x1xi1> to vector<2000x128xi1>
    %broadcast_in_dim3A_121 = vector.broadcast %jit3A_118 : f32 to vector<2000x128xf32>
    %select_n3A_122 = arith.select %broadcast_in_dim3A_120, %get3A_8, %broadcast_in_dim3A_121 : vector<2000x128xi1>, vector<2000x128xf32>
    %reduce_max3A_123 = arith.constant dense<0xFF800000> : vector<128xf32>
    %reduce_max3A_124 = vector.multi_reduction <maximumf>, %select_n3A_122, %reduce_max3A_123 [0] : vector<2000x128xf32> to vector<128xf32>
    %broadcast_in_dim3A_125 = vector.shape_cast %reduce_max3A_124 : vector<128xf32> to vector<1x128xf32>
    %eq3A_126 = arith.constant 11 : i32
    %eq3A_127 = vector.broadcast %eq3A_126 : i32 to vector<2000x1xi32>
    %eq3A_128 = arith.cmpi eq, %get3A_5, %eq3A_127 : vector<2000x1xi32>
    %jit3A_129 = arith.constant 0xFF800000 : f32
    %broadcast_in_dim3A_130 = vector.shape_cast %eq3A_128 : vector<2000x1xi1> to vector<2000x1xi1>
    %broadcast_in_dim3A_131 = vector.broadcast %broadcast_in_dim3A_130 : vector<2000x1xi1> to vector<2000x128xi1>
    %broadcast_in_dim3A_132 = vector.broadcast %jit3A_129 : f32 to vector<2000x128xf32>
    %select_n3A_133 = arith.select %broadcast_in_dim3A_131, %get3A_8, %broadcast_in_dim3A_132 : vector<2000x128xi1>, vector<2000x128xf32>
    %reduce_max3A_134 = arith.constant dense<0xFF800000> : vector<128xf32>
    %reduce_max3A_135 = vector.multi_reduction <maximumf>, %select_n3A_133, %reduce_max3A_134 [0] : vector<2000x128xf32> to vector<128xf32>
    %broadcast_in_dim3A_136 = vector.shape_cast %reduce_max3A_135 : vector<128xf32> to vector<1x128xf32>
    %eq3A_137 = arith.constant 12 : i32
    %eq3A_138 = vector.broadcast %eq3A_137 : i32 to vector<2000x1xi32>
    %eq3A_139 = arith.cmpi eq, %get3A_5, %eq3A_138 : vector<2000x1xi32>
    %jit3A_140 = arith.constant 0xFF800000 : f32
    %broadcast_in_dim3A_141 = vector.shape_cast %eq3A_139 : vector<2000x1xi1> to vector<2000x1xi1>
    %broadcast_in_dim3A_142 = vector.broadcast %broadcast_in_dim3A_141 : vector<2000x1xi1> to vector<2000x128xi1>
    %broadcast_in_dim3A_143 = vector.broadcast %jit3A_140 : f32 to vector<2000x128xf32>
    %select_n3A_144 = arith.select %broadcast_in_dim3A_142, %get3A_8, %broadcast_in_dim3A_143 : vector<2000x128xi1>, vector<2000x128xf32>
    %reduce_max3A_145 = arith.constant dense<0xFF800000> : vector<128xf32>
    %reduce_max3A_146 = vector.multi_reduction <maximumf>, %select_n3A_144, %reduce_max3A_145 [0] : vector<2000x128xf32> to vector<128xf32>
    %broadcast_in_dim3A_147 = vector.shape_cast %reduce_max3A_146 : vector<128xf32> to vector<1x128xf32>
    %eq3A_148 = arith.constant 13 : i32
    %eq3A_149 = vector.broadcast %eq3A_148 : i32 to vector<2000x1xi32>
    %eq3A_150 = arith.cmpi eq, %get3A_5, %eq3A_149 : vector<2000x1xi32>
    %jit3A_151 = arith.constant 0xFF800000 : f32
    %broadcast_in_dim3A_152 = vector.shape_cast %eq3A_150 : vector<2000x1xi1> to vector<2000x1xi1>
    %broadcast_in_dim3A_153 = vector.broadcast %broadcast_in_dim3A_152 : vector<2000x1xi1> to vector<2000x128xi1>
    %broadcast_in_dim3A_154 = vector.broadcast %jit3A_151 : f32 to vector<2000x128xf32>
    %select_n3A_155 = arith.select %broadcast_in_dim3A_153, %get3A_8, %broadcast_in_dim3A_154 : vector<2000x128xi1>, vector<2000x128xf32>
    %reduce_max3A_156 = arith.constant dense<0xFF800000> : vector<128xf32>
    %reduce_max3A_157 = vector.multi_reduction <maximumf>, %select_n3A_155, %reduce_max3A_156 [0] : vector<2000x128xf32> to vector<128xf32>
    %broadcast_in_dim3A_158 = vector.shape_cast %reduce_max3A_157 : vector<128xf32> to vector<1x128xf32>
    %eq3A_159 = arith.constant 14 : i32
    %eq3A_160 = vector.broadcast %eq3A_159 : i32 to vector<2000x1xi32>
    %eq3A_161 = arith.cmpi eq, %get3A_5, %eq3A_160 : vector<2000x1xi32>
    %jit3A_162 = arith.constant 0xFF800000 : f32
    %broadcast_in_dim3A_163 = vector.shape_cast %eq3A_161 : vector<2000x1xi1> to vector<2000x1xi1>
    %broadcast_in_dim3A_164 = vector.broadcast %broadcast_in_dim3A_163 : vector<2000x1xi1> to vector<2000x128xi1>
    %broadcast_in_dim3A_165 = vector.broadcast %jit3A_162 : f32 to vector<2000x128xf32>
    %select_n3A_166 = arith.select %broadcast_in_dim3A_164, %get3A_8, %broadcast_in_dim3A_165 : vector<2000x128xi1>, vector<2000x128xf32>
    %reduce_max3A_167 = arith.constant dense<0xFF800000> : vector<128xf32>
    %reduce_max3A_168 = vector.multi_reduction <maximumf>, %select_n3A_166, %reduce_max3A_167 [0] : vector<2000x128xf32> to vector<128xf32>
    %broadcast_in_dim3A_169 = vector.shape_cast %reduce_max3A_168 : vector<128xf32> to vector<1x128xf32>
    %eq3A_170 = arith.constant 15 : i32
    %eq3A_171 = vector.broadcast %eq3A_170 : i32 to vector<2000x1xi32>
    %eq3A_172 = arith.cmpi eq, %get3A_5, %eq3A_171 : vector<2000x1xi32>
    %jit3A_173 = arith.constant 0xFF800000 : f32
    %broadcast_in_dim3A_174 = vector.shape_cast %eq3A_172 : vector<2000x1xi1> to vector<2000x1xi1>
    %broadcast_in_dim3A_175 = vector.broadcast %broadcast_in_dim3A_174 : vector<2000x1xi1> to vector<2000x128xi1>
    %broadcast_in_dim3A_176 = vector.broadcast %jit3A_173 : f32 to vector<2000x128xf32>
    %select_n3A_177 = arith.select %broadcast_in_dim3A_175, %get3A_8, %broadcast_in_dim3A_176 : vector<2000x128xi1>, vector<2000x128xf32>
    %reduce_max3A_178 = arith.constant dense<0xFF800000> : vector<128xf32>
    %reduce_max3A_179 = vector.multi_reduction <maximumf>, %select_n3A_177, %reduce_max3A_178 [0] : vector<2000x128xf32> to vector<128xf32>
    %broadcast_in_dim3A_180 = vector.shape_cast %reduce_max3A_179 : vector<128xf32> to vector<1x128xf32>
    %eq3A_181 = arith.constant 16 : i32
    %eq3A_182 = vector.broadcast %eq3A_181 : i32 to vector<2000x1xi32>
    %eq3A_183 = arith.cmpi eq, %get3A_5, %eq3A_182 : vector<2000x1xi32>
    %jit3A_184 = arith.constant 0xFF800000 : f32
    %broadcast_in_dim3A_185 = vector.shape_cast %eq3A_183 : vector<2000x1xi1> to vector<2000x1xi1>
    %broadcast_in_dim3A_186 = vector.broadcast %broadcast_in_dim3A_185 : vector<2000x1xi1> to vector<2000x128xi1>
    %broadcast_in_dim3A_187 = vector.broadcast %jit3A_184 : f32 to vector<2000x128xf32>
    %select_n3A_188 = arith.select %broadcast_in_dim3A_186, %get3A_8, %broadcast_in_dim3A_187 : vector<2000x128xi1>, vector<2000x128xf32>
    %reduce_max3A_189 = arith.constant dense<0xFF800000> : vector<128xf32>
    %reduce_max3A_190 = vector.multi_reduction <maximumf>, %select_n3A_188, %reduce_max3A_189 [0] : vector<2000x128xf32> to vector<128xf32>
    %broadcast_in_dim3A_191 = vector.shape_cast %reduce_max3A_190 : vector<128xf32> to vector<1x128xf32>
    %eq3A_192 = arith.constant 17 : i32
    %eq3A_193 = vector.broadcast %eq3A_192 : i32 to vector<2000x1xi32>
    %eq3A_194 = arith.cmpi eq, %get3A_5, %eq3A_193 : vector<2000x1xi32>
    %jit3A_195 = arith.constant 0xFF800000 : f32
    %broadcast_in_dim3A_196 = vector.shape_cast %eq3A_194 : vector<2000x1xi1> to vector<2000x1xi1>
    %broadcast_in_dim3A_197 = vector.broadcast %broadcast_in_dim3A_196 : vector<2000x1xi1> to vector<2000x128xi1>
    %broadcast_in_dim3A_198 = vector.broadcast %jit3A_195 : f32 to vector<2000x128xf32>
    %select_n3A_199 = arith.select %broadcast_in_dim3A_197, %get3A_8, %broadcast_in_dim3A_198 : vector<2000x128xi1>, vector<2000x128xf32>
    %reduce_max3A_200 = arith.constant dense<0xFF800000> : vector<128xf32>
    %reduce_max3A_201 = vector.multi_reduction <maximumf>, %select_n3A_199, %reduce_max3A_200 [0] : vector<2000x128xf32> to vector<128xf32>
    %broadcast_in_dim3A_202 = vector.shape_cast %reduce_max3A_201 : vector<128xf32> to vector<1x128xf32>
    %eq3A_203 = arith.constant 18 : i32
    %eq3A_204 = vector.broadcast %eq3A_203 : i32 to vector<2000x1xi32>
    %eq3A_205 = arith.cmpi eq, %get3A_5, %eq3A_204 : vector<2000x1xi32>
    %jit3A_206 = arith.constant 0xFF800000 : f32
    %broadcast_in_dim3A_207 = vector.shape_cast %eq3A_205 : vector<2000x1xi1> to vector<2000x1xi1>
    %broadcast_in_dim3A_208 = vector.broadcast %broadcast_in_dim3A_207 : vector<2000x1xi1> to vector<2000x128xi1>
    %broadcast_in_dim3A_209 = vector.broadcast %jit3A_206 : f32 to vector<2000x128xf32>
    %select_n3A_210 = arith.select %broadcast_in_dim3A_208, %get3A_8, %broadcast_in_dim3A_209 : vector<2000x128xi1>, vector<2000x128xf32>
    %reduce_max3A_211 = arith.constant dense<0xFF800000> : vector<128xf32>
    %reduce_max3A_212 = vector.multi_reduction <maximumf>, %select_n3A_210, %reduce_max3A_211 [0] : vector<2000x128xf32> to vector<128xf32>
    %broadcast_in_dim3A_213 = vector.shape_cast %reduce_max3A_212 : vector<128xf32> to vector<1x128xf32>
    %eq3A_214 = arith.constant 19 : i32
    %eq3A_215 = vector.broadcast %eq3A_214 : i32 to vector<2000x1xi32>
    %eq3A_216 = arith.cmpi eq, %get3A_5, %eq3A_215 : vector<2000x1xi32>
    %jit3A_217 = arith.constant 0xFF800000 : f32
    %broadcast_in_dim3A_218 = vector.shape_cast %eq3A_216 : vector<2000x1xi1> to vector<2000x1xi1>
    %broadcast_in_dim3A_219 = vector.broadcast %broadcast_in_dim3A_218 : vector<2000x1xi1> to vector<2000x128xi1>
    %broadcast_in_dim3A_220 = vector.broadcast %jit3A_217 : f32 to vector<2000x128xf32>
    %select_n3A_221 = arith.select %broadcast_in_dim3A_219, %get3A_8, %broadcast_in_dim3A_220 : vector<2000x128xi1>, vector<2000x128xf32>
    %reduce_max3A_222 = arith.constant dense<0xFF800000> : vector<128xf32>
    %reduce_max3A_223 = vector.multi_reduction <maximumf>, %select_n3A_221, %reduce_max3A_222 [0] : vector<2000x128xf32> to vector<128xf32>
    %broadcast_in_dim3A_224 = vector.shape_cast %reduce_max3A_223 : vector<128xf32> to vector<1x128xf32>
    %eq3A_225 = arith.constant 20 : i32
    %eq3A_226 = vector.broadcast %eq3A_225 : i32 to vector<2000x1xi32>
    %eq3A_227 = arith.cmpi eq, %get3A_5, %eq3A_226 : vector<2000x1xi32>
    %jit3A_228 = arith.constant 0xFF800000 : f32
    %broadcast_in_dim3A_229 = vector.shape_cast %eq3A_227 : vector<2000x1xi1> to vector<2000x1xi1>
    %broadcast_in_dim3A_230 = vector.broadcast %broadcast_in_dim3A_229 : vector<2000x1xi1> to vector<2000x128xi1>
    %broadcast_in_dim3A_231 = vector.broadcast %jit3A_228 : f32 to vector<2000x128xf32>
    %select_n3A_232 = arith.select %broadcast_in_dim3A_230, %get3A_8, %broadcast_in_dim3A_231 : vector<2000x128xi1>, vector<2000x128xf32>
    %reduce_max3A_233 = arith.constant dense<0xFF800000> : vector<128xf32>
    %reduce_max3A_234 = vector.multi_reduction <maximumf>, %select_n3A_232, %reduce_max3A_233 [0] : vector<2000x128xf32> to vector<128xf32>
    %broadcast_in_dim3A_235 = vector.shape_cast %reduce_max3A_234 : vector<128xf32> to vector<1x128xf32>
    %eq3A_236 = arith.constant 21 : i32
    %eq3A_237 = vector.broadcast %eq3A_236 : i32 to vector<2000x1xi32>
    %eq3A_238 = arith.cmpi eq, %get3A_5, %eq3A_237 : vector<2000x1xi32>
    %jit3A_239 = arith.constant 0xFF800000 : f32
    %broadcast_in_dim3A_240 = vector.shape_cast %eq3A_238 : vector<2000x1xi1> to vector<2000x1xi1>
    %broadcast_in_dim3A_241 = vector.broadcast %broadcast_in_dim3A_240 : vector<2000x1xi1> to vector<2000x128xi1>
    %broadcast_in_dim3A_242 = vector.broadcast %jit3A_239 : f32 to vector<2000x128xf32>
    %select_n3A_243 = arith.select %broadcast_in_dim3A_241, %get3A_8, %broadcast_in_dim3A_242 : vector<2000x128xi1>, vector<2000x128xf32>
    %reduce_max3A_244 = arith.constant dense<0xFF800000> : vector<128xf32>
    %reduce_max3A_245 = vector.multi_reduction <maximumf>, %select_n3A_243, %reduce_max3A_244 [0] : vector<2000x128xf32> to vector<128xf32>
    %broadcast_in_dim3A_246 = vector.shape_cast %reduce_max3A_245 : vector<128xf32> to vector<1x128xf32>
    %eq3A_247 = arith.constant 22 : i32
    %eq3A_248 = vector.broadcast %eq3A_247 : i32 to vector<2000x1xi32>
    %eq3A_249 = arith.cmpi eq, %get3A_5, %eq3A_248 : vector<2000x1xi32>
    %jit3A_250 = arith.constant 0xFF800000 : f32
    %broadcast_in_dim3A_251 = vector.shape_cast %eq3A_249 : vector<2000x1xi1> to vector<2000x1xi1>
    %broadcast_in_dim3A_252 = vector.broadcast %broadcast_in_dim3A_251 : vector<2000x1xi1> to vector<2000x128xi1>
    %broadcast_in_dim3A_253 = vector.broadcast %jit3A_250 : f32 to vector<2000x128xf32>
    %select_n3A_254 = arith.select %broadcast_in_dim3A_252, %get3A_8, %broadcast_in_dim3A_253 : vector<2000x128xi1>, vector<2000x128xf32>
    %reduce_max3A_255 = arith.constant dense<0xFF800000> : vector<128xf32>
    %reduce_max3A_256 = vector.multi_reduction <maximumf>, %select_n3A_254, %reduce_max3A_255 [0] : vector<2000x128xf32> to vector<128xf32>
    %broadcast_in_dim3A_257 = vector.shape_cast %reduce_max3A_256 : vector<128xf32> to vector<1x128xf32>
    %eq3A_258 = arith.constant 23 : i32
    %eq3A_259 = vector.broadcast %eq3A_258 : i32 to vector<2000x1xi32>
    %eq3A_260 = arith.cmpi eq, %get3A_5, %eq3A_259 : vector<2000x1xi32>
    %jit3A_261 = arith.constant 0xFF800000 : f32
    %broadcast_in_dim3A_262 = vector.shape_cast %eq3A_260 : vector<2000x1xi1> to vector<2000x1xi1>
    %broadcast_in_dim3A_263 = vector.broadcast %broadcast_in_dim3A_262 : vector<2000x1xi1> to vector<2000x128xi1>
    %broadcast_in_dim3A_264 = vector.broadcast %jit3A_261 : f32 to vector<2000x128xf32>
    %select_n3A_265 = arith.select %broadcast_in_dim3A_263, %get3A_8, %broadcast_in_dim3A_264 : vector<2000x128xi1>, vector<2000x128xf32>
    %reduce_max3A_266 = arith.constant dense<0xFF800000> : vector<128xf32>
    %reduce_max3A_267 = vector.multi_reduction <maximumf>, %select_n3A_265, %reduce_max3A_266 [0] : vector<2000x128xf32> to vector<128xf32>
    %broadcast_in_dim3A_268 = vector.shape_cast %reduce_max3A_267 : vector<128xf32> to vector<1x128xf32>
    %eq3A_269 = arith.constant 24 : i32
    %eq3A_270 = vector.broadcast %eq3A_269 : i32 to vector<2000x1xi32>
    %eq3A_271 = arith.cmpi eq, %get3A_5, %eq3A_270 : vector<2000x1xi32>
    %jit3A_272 = arith.constant 0xFF800000 : f32
    %broadcast_in_dim3A_273 = vector.shape_cast %eq3A_271 : vector<2000x1xi1> to vector<2000x1xi1>
    %broadcast_in_dim3A_274 = vector.broadcast %broadcast_in_dim3A_273 : vector<2000x1xi1> to vector<2000x128xi1>
    %broadcast_in_dim3A_275 = vector.broadcast %jit3A_272 : f32 to vector<2000x128xf32>
    %select_n3A_276 = arith.select %broadcast_in_dim3A_274, %get3A_8, %broadcast_in_dim3A_275 : vector<2000x128xi1>, vector<2000x128xf32>
    %reduce_max3A_277 = arith.constant dense<0xFF800000> : vector<128xf32>
    %reduce_max3A_278 = vector.multi_reduction <maximumf>, %select_n3A_276, %reduce_max3A_277 [0] : vector<2000x128xf32> to vector<128xf32>
    %broadcast_in_dim3A_279 = vector.shape_cast %reduce_max3A_278 : vector<128xf32> to vector<1x128xf32>
    %eq3A_280 = arith.constant 25 : i32
    %eq3A_281 = vector.broadcast %eq3A_280 : i32 to vector<2000x1xi32>
    %eq3A_282 = arith.cmpi eq, %get3A_5, %eq3A_281 : vector<2000x1xi32>
    %jit3A_283 = arith.constant 0xFF800000 : f32
    %broadcast_in_dim3A_284 = vector.shape_cast %eq3A_282 : vector<2000x1xi1> to vector<2000x1xi1>
    %broadcast_in_dim3A_285 = vector.broadcast %broadcast_in_dim3A_284 : vector<2000x1xi1> to vector<2000x128xi1>
    %broadcast_in_dim3A_286 = vector.broadcast %jit3A_283 : f32 to vector<2000x128xf32>
    %select_n3A_287 = arith.select %broadcast_in_dim3A_285, %get3A_8, %broadcast_in_dim3A_286 : vector<2000x128xi1>, vector<2000x128xf32>
    %reduce_max3A_288 = arith.constant dense<0xFF800000> : vector<128xf32>
    %reduce_max3A_289 = vector.multi_reduction <maximumf>, %select_n3A_287, %reduce_max3A_288 [0] : vector<2000x128xf32> to vector<128xf32>
    %broadcast_in_dim3A_290 = vector.shape_cast %reduce_max3A_289 : vector<128xf32> to vector<1x128xf32>
    %eq3A_291 = arith.constant 26 : i32
    %eq3A_292 = vector.broadcast %eq3A_291 : i32 to vector<2000x1xi32>
    %eq3A_293 = arith.cmpi eq, %get3A_5, %eq3A_292 : vector<2000x1xi32>
    %jit3A_294 = arith.constant 0xFF800000 : f32
    %broadcast_in_dim3A_295 = vector.shape_cast %eq3A_293 : vector<2000x1xi1> to vector<2000x1xi1>
    %broadcast_in_dim3A_296 = vector.broadcast %broadcast_in_dim3A_295 : vector<2000x1xi1> to vector<2000x128xi1>
    %broadcast_in_dim3A_297 = vector.broadcast %jit3A_294 : f32 to vector<2000x128xf32>
    %select_n3A_298 = arith.select %broadcast_in_dim3A_296, %get3A_8, %broadcast_in_dim3A_297 : vector<2000x128xi1>, vector<2000x128xf32>
    %reduce_max3A_299 = arith.constant dense<0xFF800000> : vector<128xf32>
    %reduce_max3A_300 = vector.multi_reduction <maximumf>, %select_n3A_298, %reduce_max3A_299 [0] : vector<2000x128xf32> to vector<128xf32>
    %broadcast_in_dim3A_301 = vector.shape_cast %reduce_max3A_300 : vector<128xf32> to vector<1x128xf32>
    %eq3A_302 = arith.constant 27 : i32
    %eq3A_303 = vector.broadcast %eq3A_302 : i32 to vector<2000x1xi32>
    %eq3A_304 = arith.cmpi eq, %get3A_5, %eq3A_303 : vector<2000x1xi32>
    %jit3A_305 = arith.constant 0xFF800000 : f32
    %broadcast_in_dim3A_306 = vector.shape_cast %eq3A_304 : vector<2000x1xi1> to vector<2000x1xi1>
    %broadcast_in_dim3A_307 = vector.broadcast %broadcast_in_dim3A_306 : vector<2000x1xi1> to vector<2000x128xi1>
    %broadcast_in_dim3A_308 = vector.broadcast %jit3A_305 : f32 to vector<2000x128xf32>
    %select_n3A_309 = arith.select %broadcast_in_dim3A_307, %get3A_8, %broadcast_in_dim3A_308 : vector<2000x128xi1>, vector<2000x128xf32>
    %reduce_max3A_310 = arith.constant dense<0xFF800000> : vector<128xf32>
    %reduce_max3A_311 = vector.multi_reduction <maximumf>, %select_n3A_309, %reduce_max3A_310 [0] : vector<2000x128xf32> to vector<128xf32>
    %broadcast_in_dim3A_312 = vector.shape_cast %reduce_max3A_311 : vector<128xf32> to vector<1x128xf32>
    %eq3A_313 = arith.constant 28 : i32
    %eq3A_314 = vector.broadcast %eq3A_313 : i32 to vector<2000x1xi32>
    %eq3A_315 = arith.cmpi eq, %get3A_5, %eq3A_314 : vector<2000x1xi32>
    %jit3A_316 = arith.constant 0xFF800000 : f32
    %broadcast_in_dim3A_317 = vector.shape_cast %eq3A_315 : vector<2000x1xi1> to vector<2000x1xi1>
    %broadcast_in_dim3A_318 = vector.broadcast %broadcast_in_dim3A_317 : vector<2000x1xi1> to vector<2000x128xi1>
    %broadcast_in_dim3A_319 = vector.broadcast %jit3A_316 : f32 to vector<2000x128xf32>
    %select_n3A_320 = arith.select %broadcast_in_dim3A_318, %get3A_8, %broadcast_in_dim3A_319 : vector<2000x128xi1>, vector<2000x128xf32>
    %reduce_max3A_321 = arith.constant dense<0xFF800000> : vector<128xf32>
    %reduce_max3A_322 = vector.multi_reduction <maximumf>, %select_n3A_320, %reduce_max3A_321 [0] : vector<2000x128xf32> to vector<128xf32>
    %broadcast_in_dim3A_323 = vector.shape_cast %reduce_max3A_322 : vector<128xf32> to vector<1x128xf32>
    %eq3A_324 = arith.constant 29 : i32
    %eq3A_325 = vector.broadcast %eq3A_324 : i32 to vector<2000x1xi32>
    %eq3A_326 = arith.cmpi eq, %get3A_5, %eq3A_325 : vector<2000x1xi32>
    %jit3A_327 = arith.constant 0xFF800000 : f32
    %broadcast_in_dim3A_328 = vector.shape_cast %eq3A_326 : vector<2000x1xi1> to vector<2000x1xi1>
    %broadcast_in_dim3A_329 = vector.broadcast %broadcast_in_dim3A_328 : vector<2000x1xi1> to vector<2000x128xi1>
    %broadcast_in_dim3A_330 = vector.broadcast %jit3A_327 : f32 to vector<2000x128xf32>
    %select_n3A_331 = arith.select %broadcast_in_dim3A_329, %get3A_8, %broadcast_in_dim3A_330 : vector<2000x128xi1>, vector<2000x128xf32>
    %reduce_max3A_332 = arith.constant dense<0xFF800000> : vector<128xf32>
    %reduce_max3A_333 = vector.multi_reduction <maximumf>, %select_n3A_331, %reduce_max3A_332 [0] : vector<2000x128xf32> to vector<128xf32>
    %broadcast_in_dim3A_334 = vector.shape_cast %reduce_max3A_333 : vector<128xf32> to vector<1x128xf32>
    %eq3A_335 = arith.constant 30 : i32
    %eq3A_336 = vector.broadcast %eq3A_335 : i32 to vector<2000x1xi32>
    %eq3A_337 = arith.cmpi eq, %get3A_5, %eq3A_336 : vector<2000x1xi32>
    %jit3A_338 = arith.constant 0xFF800000 : f32
    %broadcast_in_dim3A_339 = vector.shape_cast %eq3A_337 : vector<2000x1xi1> to vector<2000x1xi1>
    %broadcast_in_dim3A_340 = vector.broadcast %broadcast_in_dim3A_339 : vector<2000x1xi1> to vector<2000x128xi1>
    %broadcast_in_dim3A_341 = vector.broadcast %jit3A_338 : f32 to vector<2000x128xf32>
    %select_n3A_342 = arith.select %broadcast_in_dim3A_340, %get3A_8, %broadcast_in_dim3A_341 : vector<2000x128xi1>, vector<2000x128xf32>
    %reduce_max3A_343 = arith.constant dense<0xFF800000> : vector<128xf32>
    %reduce_max3A_344 = vector.multi_reduction <maximumf>, %select_n3A_342, %reduce_max3A_343 [0] : vector<2000x128xf32> to vector<128xf32>
    %broadcast_in_dim3A_345 = vector.shape_cast %reduce_max3A_344 : vector<128xf32> to vector<1x128xf32>
    %eq3A_346 = arith.constant 31 : i32
    %eq3A_347 = vector.broadcast %eq3A_346 : i32 to vector<2000x1xi32>
    %eq3A_348 = arith.cmpi eq, %get3A_5, %eq3A_347 : vector<2000x1xi32>
    %jit3A_349 = arith.constant 0xFF800000 : f32
    %broadcast_in_dim3A_350 = vector.shape_cast %eq3A_348 : vector<2000x1xi1> to vector<2000x1xi1>
    %broadcast_in_dim3A_351 = vector.broadcast %broadcast_in_dim3A_350 : vector<2000x1xi1> to vector<2000x128xi1>
    %broadcast_in_dim3A_352 = vector.broadcast %jit3A_349 : f32 to vector<2000x128xf32>
    %select_n3A_353 = arith.select %broadcast_in_dim3A_351, %get3A_8, %broadcast_in_dim3A_352 : vector<2000x128xi1>, vector<2000x128xf32>
    %reduce_max3A_354 = arith.constant dense<0xFF800000> : vector<128xf32>
    %reduce_max3A_355 = vector.multi_reduction <maximumf>, %select_n3A_353, %reduce_max3A_354 [0] : vector<2000x128xf32> to vector<128xf32>
    %broadcast_in_dim3A_356 = vector.shape_cast %reduce_max3A_355 : vector<128xf32> to vector<1x128xf32>
    %eq3A_357 = arith.constant 32 : i32
    %eq3A_358 = vector.broadcast %eq3A_357 : i32 to vector<2000x1xi32>
    %eq3A_359 = arith.cmpi eq, %get3A_5, %eq3A_358 : vector<2000x1xi32>
    %jit3A_360 = arith.constant 0xFF800000 : f32
    %broadcast_in_dim3A_361 = vector.shape_cast %eq3A_359 : vector<2000x1xi1> to vector<2000x1xi1>
    %broadcast_in_dim3A_362 = vector.broadcast %broadcast_in_dim3A_361 : vector<2000x1xi1> to vector<2000x128xi1>
    %broadcast_in_dim3A_363 = vector.broadcast %jit3A_360 : f32 to vector<2000x128xf32>
    %select_n3A_364 = arith.select %broadcast_in_dim3A_362, %get3A_8, %broadcast_in_dim3A_363 : vector<2000x128xi1>, vector<2000x128xf32>
    %reduce_max3A_365 = arith.constant dense<0xFF800000> : vector<128xf32>
    %reduce_max3A_366 = vector.multi_reduction <maximumf>, %select_n3A_364, %reduce_max3A_365 [0] : vector<2000x128xf32> to vector<128xf32>
    %broadcast_in_dim3A_367 = vector.shape_cast %reduce_max3A_366 : vector<128xf32> to vector<1x128xf32>
    %eq3A_368 = arith.constant 33 : i32
    %eq3A_369 = vector.broadcast %eq3A_368 : i32 to vector<2000x1xi32>
    %eq3A_370 = arith.cmpi eq, %get3A_5, %eq3A_369 : vector<2000x1xi32>
    %jit3A_371 = arith.constant 0xFF800000 : f32
    %broadcast_in_dim3A_372 = vector.shape_cast %eq3A_370 : vector<2000x1xi1> to vector<2000x1xi1>
    %broadcast_in_dim3A_373 = vector.broadcast %broadcast_in_dim3A_372 : vector<2000x1xi1> to vector<2000x128xi1>
    %broadcast_in_dim3A_374 = vector.broadcast %jit3A_371 : f32 to vector<2000x128xf32>
    %select_n3A_375 = arith.select %broadcast_in_dim3A_373, %get3A_8, %broadcast_in_dim3A_374 : vector<2000x128xi1>, vector<2000x128xf32>
    %reduce_max3A_376 = arith.constant dense<0xFF800000> : vector<128xf32>
    %reduce_max3A_377 = vector.multi_reduction <maximumf>, %select_n3A_375, %reduce_max3A_376 [0] : vector<2000x128xf32> to vector<128xf32>
    %broadcast_in_dim3A_378 = vector.shape_cast %reduce_max3A_377 : vector<128xf32> to vector<1x128xf32>
    %eq3A_379 = arith.constant 34 : i32
    %eq3A_380 = vector.broadcast %eq3A_379 : i32 to vector<2000x1xi32>
    %eq3A_381 = arith.cmpi eq, %get3A_5, %eq3A_380 : vector<2000x1xi32>
    %jit3A_382 = arith.constant 0xFF800000 : f32
    %broadcast_in_dim3A_383 = vector.shape_cast %eq3A_381 : vector<2000x1xi1> to vector<2000x1xi1>
    %broadcast_in_dim3A_384 = vector.broadcast %broadcast_in_dim3A_383 : vector<2000x1xi1> to vector<2000x128xi1>
    %broadcast_in_dim3A_385 = vector.broadcast %jit3A_382 : f32 to vector<2000x128xf32>
    %select_n3A_386 = arith.select %broadcast_in_dim3A_384, %get3A_8, %broadcast_in_dim3A_385 : vector<2000x128xi1>, vector<2000x128xf32>
    %reduce_max3A_387 = arith.constant dense<0xFF800000> : vector<128xf32>
    %reduce_max3A_388 = vector.multi_reduction <maximumf>, %select_n3A_386, %reduce_max3A_387 [0] : vector<2000x128xf32> to vector<128xf32>
    %broadcast_in_dim3A_389 = vector.shape_cast %reduce_max3A_388 : vector<128xf32> to vector<1x128xf32>
    %eq3A_390 = arith.constant 35 : i32
    %eq3A_391 = vector.broadcast %eq3A_390 : i32 to vector<2000x1xi32>
    %eq3A_392 = arith.cmpi eq, %get3A_5, %eq3A_391 : vector<2000x1xi32>
    %jit3A_393 = arith.constant 0xFF800000 : f32
    %broadcast_in_dim3A_394 = vector.shape_cast %eq3A_392 : vector<2000x1xi1> to vector<2000x1xi1>
    %broadcast_in_dim3A_395 = vector.broadcast %broadcast_in_dim3A_394 : vector<2000x1xi1> to vector<2000x128xi1>
    %broadcast_in_dim3A_396 = vector.broadcast %jit3A_393 : f32 to vector<2000x128xf32>
    %select_n3A_397 = arith.select %broadcast_in_dim3A_395, %get3A_8, %broadcast_in_dim3A_396 : vector<2000x128xi1>, vector<2000x128xf32>
    %reduce_max3A_398 = arith.constant dense<0xFF800000> : vector<128xf32>
    %reduce_max3A_399 = vector.multi_reduction <maximumf>, %select_n3A_397, %reduce_max3A_398 [0] : vector<2000x128xf32> to vector<128xf32>
    %broadcast_in_dim3A_400 = vector.shape_cast %reduce_max3A_399 : vector<128xf32> to vector<1x128xf32>
    %eq3A_401 = arith.constant 36 : i32
    %eq3A_402 = vector.broadcast %eq3A_401 : i32 to vector<2000x1xi32>
    %eq3A_403 = arith.cmpi eq, %get3A_5, %eq3A_402 : vector<2000x1xi32>
    %jit3A_404 = arith.constant 0xFF800000 : f32
    %broadcast_in_dim3A_405 = vector.shape_cast %eq3A_403 : vector<2000x1xi1> to vector<2000x1xi1>
    %broadcast_in_dim3A_406 = vector.broadcast %broadcast_in_dim3A_405 : vector<2000x1xi1> to vector<2000x128xi1>
    %broadcast_in_dim3A_407 = vector.broadcast %jit3A_404 : f32 to vector<2000x128xf32>
    %select_n3A_408 = arith.select %broadcast_in_dim3A_406, %get3A_8, %broadcast_in_dim3A_407 : vector<2000x128xi1>, vector<2000x128xf32>
    %reduce_max3A_409 = arith.constant dense<0xFF800000> : vector<128xf32>
    %reduce_max3A_410 = vector.multi_reduction <maximumf>, %select_n3A_408, %reduce_max3A_409 [0] : vector<2000x128xf32> to vector<128xf32>
    %broadcast_in_dim3A_411 = vector.shape_cast %reduce_max3A_410 : vector<128xf32> to vector<1x128xf32>
    %eq3A_412 = arith.constant 37 : i32
    %eq3A_413 = vector.broadcast %eq3A_412 : i32 to vector<2000x1xi32>
    %eq3A_414 = arith.cmpi eq, %get3A_5, %eq3A_413 : vector<2000x1xi32>
    %jit3A_415 = arith.constant 0xFF800000 : f32
    %broadcast_in_dim3A_416 = vector.shape_cast %eq3A_414 : vector<2000x1xi1> to vector<2000x1xi1>
    %broadcast_in_dim3A_417 = vector.broadcast %broadcast_in_dim3A_416 : vector<2000x1xi1> to vector<2000x128xi1>
    %broadcast_in_dim3A_418 = vector.broadcast %jit3A_415 : f32 to vector<2000x128xf32>
    %select_n3A_419 = arith.select %broadcast_in_dim3A_417, %get3A_8, %broadcast_in_dim3A_418 : vector<2000x128xi1>, vector<2000x128xf32>
    %reduce_max3A_420 = arith.constant dense<0xFF800000> : vector<128xf32>
    %reduce_max3A_421 = vector.multi_reduction <maximumf>, %select_n3A_419, %reduce_max3A_420 [0] : vector<2000x128xf32> to vector<128xf32>
    %broadcast_in_dim3A_422 = vector.shape_cast %reduce_max3A_421 : vector<128xf32> to vector<1x128xf32>
    %eq3A_423 = arith.constant 38 : i32
    %eq3A_424 = vector.broadcast %eq3A_423 : i32 to vector<2000x1xi32>
    %eq3A_425 = arith.cmpi eq, %get3A_5, %eq3A_424 : vector<2000x1xi32>
    %jit3A_426 = arith.constant 0xFF800000 : f32
    %broadcast_in_dim3A_427 = vector.shape_cast %eq3A_425 : vector<2000x1xi1> to vector<2000x1xi1>
    %broadcast_in_dim3A_428 = vector.broadcast %broadcast_in_dim3A_427 : vector<2000x1xi1> to vector<2000x128xi1>
    %broadcast_in_dim3A_429 = vector.broadcast %jit3A_426 : f32 to vector<2000x128xf32>
    %select_n3A_430 = arith.select %broadcast_in_dim3A_428, %get3A_8, %broadcast_in_dim3A_429 : vector<2000x128xi1>, vector<2000x128xf32>
    %reduce_max3A_431 = arith.constant dense<0xFF800000> : vector<128xf32>
    %reduce_max3A_432 = vector.multi_reduction <maximumf>, %select_n3A_430, %reduce_max3A_431 [0] : vector<2000x128xf32> to vector<128xf32>
    %broadcast_in_dim3A_433 = vector.shape_cast %reduce_max3A_432 : vector<128xf32> to vector<1x128xf32>
    %eq3A_434 = arith.constant 39 : i32
    %eq3A_435 = vector.broadcast %eq3A_434 : i32 to vector<2000x1xi32>
    %eq3A_436 = arith.cmpi eq, %get3A_5, %eq3A_435 : vector<2000x1xi32>
    %jit3A_437 = arith.constant 0xFF800000 : f32
    %broadcast_in_dim3A_438 = vector.shape_cast %eq3A_436 : vector<2000x1xi1> to vector<2000x1xi1>
    %broadcast_in_dim3A_439 = vector.broadcast %broadcast_in_dim3A_438 : vector<2000x1xi1> to vector<2000x128xi1>
    %broadcast_in_dim3A_440 = vector.broadcast %jit3A_437 : f32 to vector<2000x128xf32>
    %select_n3A_441 = arith.select %broadcast_in_dim3A_439, %get3A_8, %broadcast_in_dim3A_440 : vector<2000x128xi1>, vector<2000x128xf32>
    %reduce_max3A_442 = arith.constant dense<0xFF800000> : vector<128xf32>
    %reduce_max3A_443 = vector.multi_reduction <maximumf>, %select_n3A_441, %reduce_max3A_442 [0] : vector<2000x128xf32> to vector<128xf32>
    %broadcast_in_dim3A_444 = vector.shape_cast %reduce_max3A_443 : vector<128xf32> to vector<1x128xf32>
    %eq3A_445 = arith.constant 40 : i32
    %eq3A_446 = vector.broadcast %eq3A_445 : i32 to vector<2000x1xi32>
    %eq3A_447 = arith.cmpi eq, %get3A_5, %eq3A_446 : vector<2000x1xi32>
    %jit3A_448 = arith.constant 0xFF800000 : f32
    %broadcast_in_dim3A_449 = vector.shape_cast %eq3A_447 : vector<2000x1xi1> to vector<2000x1xi1>
    %broadcast_in_dim3A_450 = vector.broadcast %broadcast_in_dim3A_449 : vector<2000x1xi1> to vector<2000x128xi1>
    %broadcast_in_dim3A_451 = vector.broadcast %jit3A_448 : f32 to vector<2000x128xf32>
    %select_n3A_452 = arith.select %broadcast_in_dim3A_450, %get3A_8, %broadcast_in_dim3A_451 : vector<2000x128xi1>, vector<2000x128xf32>
    %reduce_max3A_453 = arith.constant dense<0xFF800000> : vector<128xf32>
    %reduce_max3A_454 = vector.multi_reduction <maximumf>, %select_n3A_452, %reduce_max3A_453 [0] : vector<2000x128xf32> to vector<128xf32>
    %broadcast_in_dim3A_455 = vector.shape_cast %reduce_max3A_454 : vector<128xf32> to vector<1x128xf32>
    %eq3A_456 = arith.constant 41 : i32
    %eq3A_457 = vector.broadcast %eq3A_456 : i32 to vector<2000x1xi32>
    %eq3A_458 = arith.cmpi eq, %get3A_5, %eq3A_457 : vector<2000x1xi32>
    %jit3A_459 = arith.constant 0xFF800000 : f32
    %broadcast_in_dim3A_460 = vector.shape_cast %eq3A_458 : vector<2000x1xi1> to vector<2000x1xi1>
    %broadcast_in_dim3A_461 = vector.broadcast %broadcast_in_dim3A_460 : vector<2000x1xi1> to vector<2000x128xi1>
    %broadcast_in_dim3A_462 = vector.broadcast %jit3A_459 : f32 to vector<2000x128xf32>
    %select_n3A_463 = arith.select %broadcast_in_dim3A_461, %get3A_8, %broadcast_in_dim3A_462 : vector<2000x128xi1>, vector<2000x128xf32>
    %reduce_max3A_464 = arith.constant dense<0xFF800000> : vector<128xf32>
    %reduce_max3A_465 = vector.multi_reduction <maximumf>, %select_n3A_463, %reduce_max3A_464 [0] : vector<2000x128xf32> to vector<128xf32>
    %broadcast_in_dim3A_466 = vector.shape_cast %reduce_max3A_465 : vector<128xf32> to vector<1x128xf32>
    %eq3A_467 = arith.constant 42 : i32
    %eq3A_468 = vector.broadcast %eq3A_467 : i32 to vector<2000x1xi32>
    %eq3A_469 = arith.cmpi eq, %get3A_5, %eq3A_468 : vector<2000x1xi32>
    %jit3A_470 = arith.constant 0xFF800000 : f32
    %broadcast_in_dim3A_471 = vector.shape_cast %eq3A_469 : vector<2000x1xi1> to vector<2000x1xi1>
    %broadcast_in_dim3A_472 = vector.broadcast %broadcast_in_dim3A_471 : vector<2000x1xi1> to vector<2000x128xi1>
    %broadcast_in_dim3A_473 = vector.broadcast %jit3A_470 : f32 to vector<2000x128xf32>
    %select_n3A_474 = arith.select %broadcast_in_dim3A_472, %get3A_8, %broadcast_in_dim3A_473 : vector<2000x128xi1>, vector<2000x128xf32>
    %reduce_max3A_475 = arith.constant dense<0xFF800000> : vector<128xf32>
    %reduce_max3A_476 = vector.multi_reduction <maximumf>, %select_n3A_474, %reduce_max3A_475 [0] : vector<2000x128xf32> to vector<128xf32>
    %broadcast_in_dim3A_477 = vector.shape_cast %reduce_max3A_476 : vector<128xf32> to vector<1x128xf32>
    %eq3A_478 = arith.constant 43 : i32
    %eq3A_479 = vector.broadcast %eq3A_478 : i32 to vector<2000x1xi32>
    %eq3A_480 = arith.cmpi eq, %get3A_5, %eq3A_479 : vector<2000x1xi32>
    %jit3A_481 = arith.constant 0xFF800000 : f32
    %broadcast_in_dim3A_482 = vector.shape_cast %eq3A_480 : vector<2000x1xi1> to vector<2000x1xi1>
    %broadcast_in_dim3A_483 = vector.broadcast %broadcast_in_dim3A_482 : vector<2000x1xi1> to vector<2000x128xi1>
    %broadcast_in_dim3A_484 = vector.broadcast %jit3A_481 : f32 to vector<2000x128xf32>
    %select_n3A_485 = arith.select %broadcast_in_dim3A_483, %get3A_8, %broadcast_in_dim3A_484 : vector<2000x128xi1>, vector<2000x128xf32>
    %reduce_max3A_486 = arith.constant dense<0xFF800000> : vector<128xf32>
    %reduce_max3A_487 = vector.multi_reduction <maximumf>, %select_n3A_485, %reduce_max3A_486 [0] : vector<2000x128xf32> to vector<128xf32>
    %broadcast_in_dim3A_488 = vector.shape_cast %reduce_max3A_487 : vector<128xf32> to vector<1x128xf32>
    %eq3A_489 = arith.constant 44 : i32
    %eq3A_490 = vector.broadcast %eq3A_489 : i32 to vector<2000x1xi32>
    %eq3A_491 = arith.cmpi eq, %get3A_5, %eq3A_490 : vector<2000x1xi32>
    %jit3A_492 = arith.constant 0xFF800000 : f32
    %broadcast_in_dim3A_493 = vector.shape_cast %eq3A_491 : vector<2000x1xi1> to vector<2000x1xi1>
    %broadcast_in_dim3A_494 = vector.broadcast %broadcast_in_dim3A_493 : vector<2000x1xi1> to vector<2000x128xi1>
    %broadcast_in_dim3A_495 = vector.broadcast %jit3A_492 : f32 to vector<2000x128xf32>
    %select_n3A_496 = arith.select %broadcast_in_dim3A_494, %get3A_8, %broadcast_in_dim3A_495 : vector<2000x128xi1>, vector<2000x128xf32>
    %reduce_max3A_497 = arith.constant dense<0xFF800000> : vector<128xf32>
    %reduce_max3A_498 = vector.multi_reduction <maximumf>, %select_n3A_496, %reduce_max3A_497 [0] : vector<2000x128xf32> to vector<128xf32>
    %broadcast_in_dim3A_499 = vector.shape_cast %reduce_max3A_498 : vector<128xf32> to vector<1x128xf32>
    %eq3A_500 = arith.constant 45 : i32
    %eq3A_501 = vector.broadcast %eq3A_500 : i32 to vector<2000x1xi32>
    %eq3A_502 = arith.cmpi eq, %get3A_5, %eq3A_501 : vector<2000x1xi32>
    %jit3A_503 = arith.constant 0xFF800000 : f32
    %broadcast_in_dim3A_504 = vector.shape_cast %eq3A_502 : vector<2000x1xi1> to vector<2000x1xi1>
    %broadcast_in_dim3A_505 = vector.broadcast %broadcast_in_dim3A_504 : vector<2000x1xi1> to vector<2000x128xi1>
    %broadcast_in_dim3A_506 = vector.broadcast %jit3A_503 : f32 to vector<2000x128xf32>
    %select_n3A_507 = arith.select %broadcast_in_dim3A_505, %get3A_8, %broadcast_in_dim3A_506 : vector<2000x128xi1>, vector<2000x128xf32>
    %reduce_max3A_508 = arith.constant dense<0xFF800000> : vector<128xf32>
    %reduce_max3A_509 = vector.multi_reduction <maximumf>, %select_n3A_507, %reduce_max3A_508 [0] : vector<2000x128xf32> to vector<128xf32>
    %broadcast_in_dim3A_510 = vector.shape_cast %reduce_max3A_509 : vector<128xf32> to vector<1x128xf32>
    %eq3A_511 = arith.constant 46 : i32
    %eq3A_512 = vector.broadcast %eq3A_511 : i32 to vector<2000x1xi32>
    %eq3A_513 = arith.cmpi eq, %get3A_5, %eq3A_512 : vector<2000x1xi32>
    %jit3A_514 = arith.constant 0xFF800000 : f32
    %broadcast_in_dim3A_515 = vector.shape_cast %eq3A_513 : vector<2000x1xi1> to vector<2000x1xi1>
    %broadcast_in_dim3A_516 = vector.broadcast %broadcast_in_dim3A_515 : vector<2000x1xi1> to vector<2000x128xi1>
    %broadcast_in_dim3A_517 = vector.broadcast %jit3A_514 : f32 to vector<2000x128xf32>
    %select_n3A_518 = arith.select %broadcast_in_dim3A_516, %get3A_8, %broadcast_in_dim3A_517 : vector<2000x128xi1>, vector<2000x128xf32>
    %reduce_max3A_519 = arith.constant dense<0xFF800000> : vector<128xf32>
    %reduce_max3A_520 = vector.multi_reduction <maximumf>, %select_n3A_518, %reduce_max3A_519 [0] : vector<2000x128xf32> to vector<128xf32>
    %broadcast_in_dim3A_521 = vector.shape_cast %reduce_max3A_520 : vector<128xf32> to vector<1x128xf32>
    %eq3A_522 = arith.constant 47 : i32
    %eq3A_523 = vector.broadcast %eq3A_522 : i32 to vector<2000x1xi32>
    %eq3A_524 = arith.cmpi eq, %get3A_5, %eq3A_523 : vector<2000x1xi32>
    %jit3A_525 = arith.constant 0xFF800000 : f32
    %broadcast_in_dim3A_526 = vector.shape_cast %eq3A_524 : vector<2000x1xi1> to vector<2000x1xi1>
    %broadcast_in_dim3A_527 = vector.broadcast %broadcast_in_dim3A_526 : vector<2000x1xi1> to vector<2000x128xi1>
    %broadcast_in_dim3A_528 = vector.broadcast %jit3A_525 : f32 to vector<2000x128xf32>
    %select_n3A_529 = arith.select %broadcast_in_dim3A_527, %get3A_8, %broadcast_in_dim3A_528 : vector<2000x128xi1>, vector<2000x128xf32>
    %reduce_max3A_530 = arith.constant dense<0xFF800000> : vector<128xf32>
    %reduce_max3A_531 = vector.multi_reduction <maximumf>, %select_n3A_529, %reduce_max3A_530 [0] : vector<2000x128xf32> to vector<128xf32>
    %broadcast_in_dim3A_532 = vector.shape_cast %reduce_max3A_531 : vector<128xf32> to vector<1x128xf32>
    %eq3A_533 = arith.constant 48 : i32
    %eq3A_534 = vector.broadcast %eq3A_533 : i32 to vector<2000x1xi32>
    %eq3A_535 = arith.cmpi eq, %get3A_5, %eq3A_534 : vector<2000x1xi32>
    %jit3A_536 = arith.constant 0xFF800000 : f32
    %broadcast_in_dim3A_537 = vector.shape_cast %eq3A_535 : vector<2000x1xi1> to vector<2000x1xi1>
    %broadcast_in_dim3A_538 = vector.broadcast %broadcast_in_dim3A_537 : vector<2000x1xi1> to vector<2000x128xi1>
    %broadcast_in_dim3A_539 = vector.broadcast %jit3A_536 : f32 to vector<2000x128xf32>
    %select_n3A_540 = arith.select %broadcast_in_dim3A_538, %get3A_8, %broadcast_in_dim3A_539 : vector<2000x128xi1>, vector<2000x128xf32>
    %reduce_max3A_541 = arith.constant dense<0xFF800000> : vector<128xf32>
    %reduce_max3A_542 = vector.multi_reduction <maximumf>, %select_n3A_540, %reduce_max3A_541 [0] : vector<2000x128xf32> to vector<128xf32>
    %broadcast_in_dim3A_543 = vector.shape_cast %reduce_max3A_542 : vector<128xf32> to vector<1x128xf32>
    %eq3A_544 = arith.constant 49 : i32
    %eq3A_545 = vector.broadcast %eq3A_544 : i32 to vector<2000x1xi32>
    %eq3A_546 = arith.cmpi eq, %get3A_5, %eq3A_545 : vector<2000x1xi32>
    %jit3A_547 = arith.constant 0xFF800000 : f32
    %broadcast_in_dim3A_548 = vector.shape_cast %eq3A_546 : vector<2000x1xi1> to vector<2000x1xi1>
    %broadcast_in_dim3A_549 = vector.broadcast %broadcast_in_dim3A_548 : vector<2000x1xi1> to vector<2000x128xi1>
    %broadcast_in_dim3A_550 = vector.broadcast %jit3A_547 : f32 to vector<2000x128xf32>
    %select_n3A_551 = arith.select %broadcast_in_dim3A_549, %get3A_8, %broadcast_in_dim3A_550 : vector<2000x128xi1>, vector<2000x128xf32>
    %reduce_max3A_552 = arith.constant dense<0xFF800000> : vector<128xf32>
    %reduce_max3A_553 = vector.multi_reduction <maximumf>, %select_n3A_551, %reduce_max3A_552 [0] : vector<2000x128xf32> to vector<128xf32>
    %broadcast_in_dim3A_554 = vector.shape_cast %reduce_max3A_553 : vector<128xf32> to vector<1x128xf32>
    %eq3A_555 = arith.constant 50 : i32
    %eq3A_556 = vector.broadcast %eq3A_555 : i32 to vector<2000x1xi32>
    %eq3A_557 = arith.cmpi eq, %get3A_5, %eq3A_556 : vector<2000x1xi32>
    %jit3A_558 = arith.constant 0xFF800000 : f32
    %broadcast_in_dim3A_559 = vector.shape_cast %eq3A_557 : vector<2000x1xi1> to vector<2000x1xi1>
    %broadcast_in_dim3A_560 = vector.broadcast %broadcast_in_dim3A_559 : vector<2000x1xi1> to vector<2000x128xi1>
    %broadcast_in_dim3A_561 = vector.broadcast %jit3A_558 : f32 to vector<2000x128xf32>
    %select_n3A_562 = arith.select %broadcast_in_dim3A_560, %get3A_8, %broadcast_in_dim3A_561 : vector<2000x128xi1>, vector<2000x128xf32>
    %reduce_max3A_563 = arith.constant dense<0xFF800000> : vector<128xf32>
    %reduce_max3A_564 = vector.multi_reduction <maximumf>, %select_n3A_562, %reduce_max3A_563 [0] : vector<2000x128xf32> to vector<128xf32>
    %broadcast_in_dim3A_565 = vector.shape_cast %reduce_max3A_564 : vector<128xf32> to vector<1x128xf32>
    %eq3A_566 = arith.constant 51 : i32
    %eq3A_567 = vector.broadcast %eq3A_566 : i32 to vector<2000x1xi32>
    %eq3A_568 = arith.cmpi eq, %get3A_5, %eq3A_567 : vector<2000x1xi32>
    %jit3A_569 = arith.constant 0xFF800000 : f32
    %broadcast_in_dim3A_570 = vector.shape_cast %eq3A_568 : vector<2000x1xi1> to vector<2000x1xi1>
    %broadcast_in_dim3A_571 = vector.broadcast %broadcast_in_dim3A_570 : vector<2000x1xi1> to vector<2000x128xi1>
    %broadcast_in_dim3A_572 = vector.broadcast %jit3A_569 : f32 to vector<2000x128xf32>
    %select_n3A_573 = arith.select %broadcast_in_dim3A_571, %get3A_8, %broadcast_in_dim3A_572 : vector<2000x128xi1>, vector<2000x128xf32>
    %reduce_max3A_574 = arith.constant dense<0xFF800000> : vector<128xf32>
    %reduce_max3A_575 = vector.multi_reduction <maximumf>, %select_n3A_573, %reduce_max3A_574 [0] : vector<2000x128xf32> to vector<128xf32>
    %broadcast_in_dim3A_576 = vector.shape_cast %reduce_max3A_575 : vector<128xf32> to vector<1x128xf32>
    %eq3A_577 = arith.constant 52 : i32
    %eq3A_578 = vector.broadcast %eq3A_577 : i32 to vector<2000x1xi32>
    %eq3A_579 = arith.cmpi eq, %get3A_5, %eq3A_578 : vector<2000x1xi32>
    %jit3A_580 = arith.constant 0xFF800000 : f32
    %broadcast_in_dim3A_581 = vector.shape_cast %eq3A_579 : vector<2000x1xi1> to vector<2000x1xi1>
    %broadcast_in_dim3A_582 = vector.broadcast %broadcast_in_dim3A_581 : vector<2000x1xi1> to vector<2000x128xi1>
    %broadcast_in_dim3A_583 = vector.broadcast %jit3A_580 : f32 to vector<2000x128xf32>
    %select_n3A_584 = arith.select %broadcast_in_dim3A_582, %get3A_8, %broadcast_in_dim3A_583 : vector<2000x128xi1>, vector<2000x128xf32>
    %reduce_max3A_585 = arith.constant dense<0xFF800000> : vector<128xf32>
    %reduce_max3A_586 = vector.multi_reduction <maximumf>, %select_n3A_584, %reduce_max3A_585 [0] : vector<2000x128xf32> to vector<128xf32>
    %broadcast_in_dim3A_587 = vector.shape_cast %reduce_max3A_586 : vector<128xf32> to vector<1x128xf32>
    %eq3A_588 = arith.constant 53 : i32
    %eq3A_589 = vector.broadcast %eq3A_588 : i32 to vector<2000x1xi32>
    %eq3A_590 = arith.cmpi eq, %get3A_5, %eq3A_589 : vector<2000x1xi32>
    %jit3A_591 = arith.constant 0xFF800000 : f32
    %broadcast_in_dim3A_592 = vector.shape_cast %eq3A_590 : vector<2000x1xi1> to vector<2000x1xi1>
    %broadcast_in_dim3A_593 = vector.broadcast %broadcast_in_dim3A_592 : vector<2000x1xi1> to vector<2000x128xi1>
    %broadcast_in_dim3A_594 = vector.broadcast %jit3A_591 : f32 to vector<2000x128xf32>
    %select_n3A_595 = arith.select %broadcast_in_dim3A_593, %get3A_8, %broadcast_in_dim3A_594 : vector<2000x128xi1>, vector<2000x128xf32>
    %reduce_max3A_596 = arith.constant dense<0xFF800000> : vector<128xf32>
    %reduce_max3A_597 = vector.multi_reduction <maximumf>, %select_n3A_595, %reduce_max3A_596 [0] : vector<2000x128xf32> to vector<128xf32>
    %broadcast_in_dim3A_598 = vector.shape_cast %reduce_max3A_597 : vector<128xf32> to vector<1x128xf32>
    %eq3A_599 = arith.constant 54 : i32
    %eq3A_600 = vector.broadcast %eq3A_599 : i32 to vector<2000x1xi32>
    %eq3A_601 = arith.cmpi eq, %get3A_5, %eq3A_600 : vector<2000x1xi32>
    %jit3A_602 = arith.constant 0xFF800000 : f32
    %broadcast_in_dim3A_603 = vector.shape_cast %eq3A_601 : vector<2000x1xi1> to vector<2000x1xi1>
    %broadcast_in_dim3A_604 = vector.broadcast %broadcast_in_dim3A_603 : vector<2000x1xi1> to vector<2000x128xi1>
    %broadcast_in_dim3A_605 = vector.broadcast %jit3A_602 : f32 to vector<2000x128xf32>
    %select_n3A_606 = arith.select %broadcast_in_dim3A_604, %get3A_8, %broadcast_in_dim3A_605 : vector<2000x128xi1>, vector<2000x128xf32>
    %reduce_max3A_607 = arith.constant dense<0xFF800000> : vector<128xf32>
    %reduce_max3A_608 = vector.multi_reduction <maximumf>, %select_n3A_606, %reduce_max3A_607 [0] : vector<2000x128xf32> to vector<128xf32>
    %broadcast_in_dim3A_609 = vector.shape_cast %reduce_max3A_608 : vector<128xf32> to vector<1x128xf32>
    %eq3A_610 = arith.constant 55 : i32
    %eq3A_611 = vector.broadcast %eq3A_610 : i32 to vector<2000x1xi32>
    %eq3A_612 = arith.cmpi eq, %get3A_5, %eq3A_611 : vector<2000x1xi32>
    %jit3A_613 = arith.constant 0xFF800000 : f32
    %broadcast_in_dim3A_614 = vector.shape_cast %eq3A_612 : vector<2000x1xi1> to vector<2000x1xi1>
    %broadcast_in_dim3A_615 = vector.broadcast %broadcast_in_dim3A_614 : vector<2000x1xi1> to vector<2000x128xi1>
    %broadcast_in_dim3A_616 = vector.broadcast %jit3A_613 : f32 to vector<2000x128xf32>
    %select_n3A_617 = arith.select %broadcast_in_dim3A_615, %get3A_8, %broadcast_in_dim3A_616 : vector<2000x128xi1>, vector<2000x128xf32>
    %reduce_max3A_618 = arith.constant dense<0xFF800000> : vector<128xf32>
    %reduce_max3A_619 = vector.multi_reduction <maximumf>, %select_n3A_617, %reduce_max3A_618 [0] : vector<2000x128xf32> to vector<128xf32>
    %broadcast_in_dim3A_620 = vector.shape_cast %reduce_max3A_619 : vector<128xf32> to vector<1x128xf32>
    %eq3A_621 = arith.constant 56 : i32
    %eq3A_622 = vector.broadcast %eq3A_621 : i32 to vector<2000x1xi32>
    %eq3A_623 = arith.cmpi eq, %get3A_5, %eq3A_622 : vector<2000x1xi32>
    %jit3A_624 = arith.constant 0xFF800000 : f32
    %broadcast_in_dim3A_625 = vector.shape_cast %eq3A_623 : vector<2000x1xi1> to vector<2000x1xi1>
    %broadcast_in_dim3A_626 = vector.broadcast %broadcast_in_dim3A_625 : vector<2000x1xi1> to vector<2000x128xi1>
    %broadcast_in_dim3A_627 = vector.broadcast %jit3A_624 : f32 to vector<2000x128xf32>
    %select_n3A_628 = arith.select %broadcast_in_dim3A_626, %get3A_8, %broadcast_in_dim3A_627 : vector<2000x128xi1>, vector<2000x128xf32>
    %reduce_max3A_629 = arith.constant dense<0xFF800000> : vector<128xf32>
    %reduce_max3A_630 = vector.multi_reduction <maximumf>, %select_n3A_628, %reduce_max3A_629 [0] : vector<2000x128xf32> to vector<128xf32>
    %broadcast_in_dim3A_631 = vector.shape_cast %reduce_max3A_630 : vector<128xf32> to vector<1x128xf32>
    %eq3A_632 = arith.constant 57 : i32
    %eq3A_633 = vector.broadcast %eq3A_632 : i32 to vector<2000x1xi32>
    %eq3A_634 = arith.cmpi eq, %get3A_5, %eq3A_633 : vector<2000x1xi32>
    %jit3A_635 = arith.constant 0xFF800000 : f32
    %broadcast_in_dim3A_636 = vector.shape_cast %eq3A_634 : vector<2000x1xi1> to vector<2000x1xi1>
    %broadcast_in_dim3A_637 = vector.broadcast %broadcast_in_dim3A_636 : vector<2000x1xi1> to vector<2000x128xi1>
    %broadcast_in_dim3A_638 = vector.broadcast %jit3A_635 : f32 to vector<2000x128xf32>
    %select_n3A_639 = arith.select %broadcast_in_dim3A_637, %get3A_8, %broadcast_in_dim3A_638 : vector<2000x128xi1>, vector<2000x128xf32>
    %reduce_max3A_640 = arith.constant dense<0xFF800000> : vector<128xf32>
    %reduce_max3A_641 = vector.multi_reduction <maximumf>, %select_n3A_639, %reduce_max3A_640 [0] : vector<2000x128xf32> to vector<128xf32>
    %broadcast_in_dim3A_642 = vector.shape_cast %reduce_max3A_641 : vector<128xf32> to vector<1x128xf32>
    %eq3A_643 = arith.constant 58 : i32
    %eq3A_644 = vector.broadcast %eq3A_643 : i32 to vector<2000x1xi32>
    %eq3A_645 = arith.cmpi eq, %get3A_5, %eq3A_644 : vector<2000x1xi32>
    %jit3A_646 = arith.constant 0xFF800000 : f32
    %broadcast_in_dim3A_647 = vector.shape_cast %eq3A_645 : vector<2000x1xi1> to vector<2000x1xi1>
    %broadcast_in_dim3A_648 = vector.broadcast %broadcast_in_dim3A_647 : vector<2000x1xi1> to vector<2000x128xi1>
    %broadcast_in_dim3A_649 = vector.broadcast %jit3A_646 : f32 to vector<2000x128xf32>
    %select_n3A_650 = arith.select %broadcast_in_dim3A_648, %get3A_8, %broadcast_in_dim3A_649 : vector<2000x128xi1>, vector<2000x128xf32>
    %reduce_max3A_651 = arith.constant dense<0xFF800000> : vector<128xf32>
    %reduce_max3A_652 = vector.multi_reduction <maximumf>, %select_n3A_650, %reduce_max3A_651 [0] : vector<2000x128xf32> to vector<128xf32>
    %broadcast_in_dim3A_653 = vector.shape_cast %reduce_max3A_652 : vector<128xf32> to vector<1x128xf32>
    %eq3A_654 = arith.constant 59 : i32
    %eq3A_655 = vector.broadcast %eq3A_654 : i32 to vector<2000x1xi32>
    %eq3A_656 = arith.cmpi eq, %get3A_5, %eq3A_655 : vector<2000x1xi32>
    %jit3A_657 = arith.constant 0xFF800000 : f32
    %broadcast_in_dim3A_658 = vector.shape_cast %eq3A_656 : vector<2000x1xi1> to vector<2000x1xi1>
    %broadcast_in_dim3A_659 = vector.broadcast %broadcast_in_dim3A_658 : vector<2000x1xi1> to vector<2000x128xi1>
    %broadcast_in_dim3A_660 = vector.broadcast %jit3A_657 : f32 to vector<2000x128xf32>
    %select_n3A_661 = arith.select %broadcast_in_dim3A_659, %get3A_8, %broadcast_in_dim3A_660 : vector<2000x128xi1>, vector<2000x128xf32>
    %reduce_max3A_662 = arith.constant dense<0xFF800000> : vector<128xf32>
    %reduce_max3A_663 = vector.multi_reduction <maximumf>, %select_n3A_661, %reduce_max3A_662 [0] : vector<2000x128xf32> to vector<128xf32>
    %broadcast_in_dim3A_664 = vector.shape_cast %reduce_max3A_663 : vector<128xf32> to vector<1x128xf32>
    %eq3A_665 = arith.constant 60 : i32
    %eq3A_666 = vector.broadcast %eq3A_665 : i32 to vector<2000x1xi32>
    %eq3A_667 = arith.cmpi eq, %get3A_5, %eq3A_666 : vector<2000x1xi32>
    %jit3A_668 = arith.constant 0xFF800000 : f32
    %broadcast_in_dim3A_669 = vector.shape_cast %eq3A_667 : vector<2000x1xi1> to vector<2000x1xi1>
    %broadcast_in_dim3A_670 = vector.broadcast %broadcast_in_dim3A_669 : vector<2000x1xi1> to vector<2000x128xi1>
    %broadcast_in_dim3A_671 = vector.broadcast %jit3A_668 : f32 to vector<2000x128xf32>
    %select_n3A_672 = arith.select %broadcast_in_dim3A_670, %get3A_8, %broadcast_in_dim3A_671 : vector<2000x128xi1>, vector<2000x128xf32>
    %reduce_max3A_673 = arith.constant dense<0xFF800000> : vector<128xf32>
    %reduce_max3A_674 = vector.multi_reduction <maximumf>, %select_n3A_672, %reduce_max3A_673 [0] : vector<2000x128xf32> to vector<128xf32>
    %broadcast_in_dim3A_675 = vector.shape_cast %reduce_max3A_674 : vector<128xf32> to vector<1x128xf32>
    %eq3A_676 = arith.constant 61 : i32
    %eq3A_677 = vector.broadcast %eq3A_676 : i32 to vector<2000x1xi32>
    %eq3A_678 = arith.cmpi eq, %get3A_5, %eq3A_677 : vector<2000x1xi32>
    %jit3A_679 = arith.constant 0xFF800000 : f32
    %broadcast_in_dim3A_680 = vector.shape_cast %eq3A_678 : vector<2000x1xi1> to vector<2000x1xi1>
    %broadcast_in_dim3A_681 = vector.broadcast %broadcast_in_dim3A_680 : vector<2000x1xi1> to vector<2000x128xi1>
    %broadcast_in_dim3A_682 = vector.broadcast %jit3A_679 : f32 to vector<2000x128xf32>
    %select_n3A_683 = arith.select %broadcast_in_dim3A_681, %get3A_8, %broadcast_in_dim3A_682 : vector<2000x128xi1>, vector<2000x128xf32>
    %reduce_max3A_684 = arith.constant dense<0xFF800000> : vector<128xf32>
    %reduce_max3A_685 = vector.multi_reduction <maximumf>, %select_n3A_683, %reduce_max3A_684 [0] : vector<2000x128xf32> to vector<128xf32>
    %broadcast_in_dim3A_686 = vector.shape_cast %reduce_max3A_685 : vector<128xf32> to vector<1x128xf32>
    %eq3A_687 = arith.constant 62 : i32
    %eq3A_688 = vector.broadcast %eq3A_687 : i32 to vector<2000x1xi32>
    %eq3A_689 = arith.cmpi eq, %get3A_5, %eq3A_688 : vector<2000x1xi32>
    %jit3A_690 = arith.constant 0xFF800000 : f32
    %broadcast_in_dim3A_691 = vector.shape_cast %eq3A_689 : vector<2000x1xi1> to vector<2000x1xi1>
    %broadcast_in_dim3A_692 = vector.broadcast %broadcast_in_dim3A_691 : vector<2000x1xi1> to vector<2000x128xi1>
    %broadcast_in_dim3A_693 = vector.broadcast %jit3A_690 : f32 to vector<2000x128xf32>
    %select_n3A_694 = arith.select %broadcast_in_dim3A_692, %get3A_8, %broadcast_in_dim3A_693 : vector<2000x128xi1>, vector<2000x128xf32>
    %reduce_max3A_695 = arith.constant dense<0xFF800000> : vector<128xf32>
    %reduce_max3A_696 = vector.multi_reduction <maximumf>, %select_n3A_694, %reduce_max3A_695 [0] : vector<2000x128xf32> to vector<128xf32>
    %broadcast_in_dim3A_697 = vector.shape_cast %reduce_max3A_696 : vector<128xf32> to vector<1x128xf32>
    %eq3A_698 = arith.constant 63 : i32
    %eq3A_699 = vector.broadcast %eq3A_698 : i32 to vector<2000x1xi32>
    %eq3A_700 = arith.cmpi eq, %get3A_5, %eq3A_699 : vector<2000x1xi32>
    %jit3A_701 = arith.constant 0xFF800000 : f32
    %broadcast_in_dim3A_702 = vector.shape_cast %eq3A_700 : vector<2000x1xi1> to vector<2000x1xi1>
    %broadcast_in_dim3A_703 = vector.broadcast %broadcast_in_dim3A_702 : vector<2000x1xi1> to vector<2000x128xi1>
    %broadcast_in_dim3A_704 = vector.broadcast %jit3A_701 : f32 to vector<2000x128xf32>
    %select_n3A_705 = arith.select %broadcast_in_dim3A_703, %get3A_8, %broadcast_in_dim3A_704 : vector<2000x128xi1>, vector<2000x128xf32>
    %reduce_max3A_706 = arith.constant dense<0xFF800000> : vector<128xf32>
    %reduce_max3A_707 = vector.multi_reduction <maximumf>, %select_n3A_705, %reduce_max3A_706 [0] : vector<2000x128xf32> to vector<128xf32>
    %broadcast_in_dim3A_708 = vector.shape_cast %reduce_max3A_707 : vector<128xf32> to vector<1x128xf32>
    %get3A_709 = arith.constant 0 : index
    %get3A_710 = arith.constant 0 : index
    %get3A_711 = vector.load %arg6[%get3A_709, %get3A_710] : memref<64x128xf32, #tpu.memory_space<vmem>>, vector<64x128xf32>
    %concatenate3A = tpu.concatenate %broadcast_in_dim3A_15, %broadcast_in_dim3A_26, %broadcast_in_dim3A_37, %broadcast_in_dim3A_48, %broadcast_in_dim3A_59, %broadcast_in_dim3A_70, %broadcast_in_dim3A_81, %broadcast_in_dim3A_92, %broadcast_in_dim3A_103, %broadcast_in_dim3A_114, %broadcast_in_dim3A_125, %broadcast_in_dim3A_136, %broadcast_in_dim3A_147, %broadcast_in_dim3A_158, %broadcast_in_dim3A_169, %broadcast_in_dim3A_180, %broadcast_in_dim3A_191, %broadcast_in_dim3A_202, %broadcast_in_dim3A_213, %broadcast_in_dim3A_224, %broadcast_in_dim3A_235, %broadcast_in_dim3A_246, %broadcast_in_dim3A_257, %broadcast_in_dim3A_268, %broadcast_in_dim3A_279, %broadcast_in_dim3A_290, %broadcast_in_dim3A_301, %broadcast_in_dim3A_312, %broadcast_in_dim3A_323, %broadcast_in_dim3A_334, %broadcast_in_dim3A_345, %broadcast_in_dim3A_356, %broadcast_in_dim3A_367, %broadcast_in_dim3A_378, %broadcast_in_dim3A_389, %broadcast_in_dim3A_400, %broadcast_in_dim3A_411, %broadcast_in_dim3A_422, %broadcast_in_dim3A_433, %broadcast_in_dim3A_444, %broadcast_in_dim3A_455, %broadcast_in_dim3A_466, %broadcast_in_dim3A_477, %broadcast_in_dim3A_488, %broadcast_in_dim3A_499, %broadcast_in_dim3A_510, %broadcast_in_dim3A_521, %broadcast_in_dim3A_532, %broadcast_in_dim3A_543, %broadcast_in_dim3A_554, %broadcast_in_dim3A_565, %broadcast_in_dim3A_576, %broadcast_in_dim3A_587, %broadcast_in_dim3A_598, %broadcast_in_dim3A_609, %broadcast_in_dim3A_620, %broadcast_in_dim3A_631, %broadcast_in_dim3A_642, %broadcast_in_dim3A_653, %broadcast_in_dim3A_664, %broadcast_in_dim3A_675, %broadcast_in_dim3A_686, %broadcast_in_dim3A_697, %broadcast_in_dim3A_708 in 0 : vector<1x128xf32>, vector<1x128xf32>, vector<1x128xf32>, vector<1x128xf32>, vector<1x128xf32>, vector<1x128xf32>, vector<1x128xf32>, vector<1x128xf32>, vector<1x128xf32>, vector<1x128xf32>, vector<1x128xf32>, vector<1x128xf32>, vector<1x128xf32>, vector<1x128xf32>, vector<1x128xf32>, vector<1x128xf32>, vector<1x128xf32>, vector<1x128xf32>, vector<1x128xf32>, vector<1x128xf32>, vector<1x128xf32>, vector<1x128xf32>, vector<1x128xf32>, vector<1x128xf32>, vector<1x128xf32>, vector<1x128xf32>, vector<1x128xf32>, vector<1x128xf32>, vector<1x128xf32>, vector<1x128xf32>, vector<1x128xf32>, vector<1x128xf32>, vector<1x128xf32>, vector<1x128xf32>, vector<1x128xf32>, vector<1x128xf32>, vector<1x128xf32>, vector<1x128xf32>, vector<1x128xf32>, vector<1x128xf32>, vector<1x128xf32>, vector<1x128xf32>, vector<1x128xf32>, vector<1x128xf32>, vector<1x128xf32>, vector<1x128xf32>, vector<1x128xf32>, vector<1x128xf32>, vector<1x128xf32>, vector<1x128xf32>, vector<1x128xf32>, vector<1x128xf32>, vector<1x128xf32>, vector<1x128xf32>, vector<1x128xf32>, vector<1x128xf32>, vector<1x128xf32>, vector<1x128xf32>, vector<1x128xf32>, vector<1x128xf32>, vector<1x128xf32>, vector<1x128xf32>, vector<1x128xf32>, vector<1x128xf32> -> vector<64x128xf32>
    %max3A = arith.maximumf %get3A_711, %concatenate3A : vector<64x128xf32>
    %swap3A = arith.constant 0 : index
    %swap3A_712 = arith.constant 0 : index
    %swap3A_713 = vector.load %arg6[%swap3A, %swap3A_712] : memref<64x128xf32, #tpu.memory_space<vmem>>, vector<64x128xf32>
    tpu.vector_store %arg6[%swap3A, %swap3A_712], %max3A {strides = array<i32>} : memref<64x128xf32, #tpu.memory_space<vmem>>, vector<64x128xf32>,
    %eq3A_714 = arith.constant 4 : i32
    %eq3A_715 = arith.cmpi eq, %arg0, %eq3A_714 : i32
    %convert_element_type3A_716 = arith.extui %eq3A_715 : i1 to i32
    %cond3A_717 = arith.constant 0 : i32
    %cond3A_718 = arith.cmpi ne, %convert_element_type3A_716, %cond3A_717 : i32
    scf.if %cond3A_718 {
      %get3A_719 = arith.constant 0 : index
      %get3A_720 = arith.constant 0 : index
      %get3A_721 = vector.load %arg6[%get3A_719, %get3A_720] : memref<64x128xf32, #tpu.memory_space<vmem>>, vector<64x128xf32>
      %get3A_722 = arith.constant 0 : index
      %get3A_723 = arith.constant 0 : index
      %get3A_724 = vector.load %arg3[%get3A_722, %get3A_723] : memref<128x10xf32, #tpu.memory_space<vmem>>, vector<128x10xf32>
      %dot_general3A = arith.constant dense<0.000000e+00> : vector<64x10xf32>
      %dot_general3A_725 = tpu.matmul %get3A_721, %get3A_724, %dot_general3A {dimension_numbers = #tpu.dot_dimension_numbers<[1], [0], [0], [1], [0, 0, 1, 1], [], []>, transpose_lhs_hint = false} : vector<64x128xf32>, vector<128x10xf32>, vector<64x10xf32> -> vector<64x10xf32>
      %get3A_726 = arith.constant 0 : index
      %get3A_727 = arith.constant 0 : index
      %get3A_728 = vector.load %arg4[%get3A_726, %get3A_727] : memref<1x10xf32, #tpu.memory_space<vmem>>, vector<1x10xf32>
      %add3A = vector.broadcast %get3A_728 : vector<1x10xf32> to vector<64x10xf32>
      %add3A_729 = arith.addf %dot_general3A_725, %add3A : vector<64x10xf32>
      %reduce_max3A_730 = arith.constant dense<0xFF800000> : vector<64xf32>
      %reduce_max3A_731 = vector.multi_reduction <maximumf>, %add3A_729, %reduce_max3A_730 [1] : vector<64x10xf32> to vector<64xf32>
      %broadcast_in_dim3A_732 = vector.shape_cast %reduce_max3A_731 : vector<64xf32> to vector<64x1xf32>
      %sub3A = vector.broadcast %broadcast_in_dim3A_732 : vector<64x1xf32> to vector<64x10xf32>
      %sub3A_733 = arith.subf %add3A_729, %sub3A : vector<64x10xf32>
      %exp3A = math.exp %sub3A_733 : vector<64x10xf32>
      %reduce_sum3A = arith.constant dense<0.000000e+00> : vector<64xf32>
      %reduce_sum3A_734 = vector.multi_reduction <add>, %exp3A, %reduce_sum3A [1] : vector<64x10xf32> to vector<64xf32>
      %broadcast_in_dim3A_735 = vector.shape_cast %reduce_sum3A_734 : vector<64xf32> to vector<64x1xf32>
      %log3A = math.log %broadcast_in_dim3A_735 : vector<64x1xf32>
      %add3A_736 = arith.addf %log3A, %broadcast_in_dim3A_732 : vector<64x1xf32>
      %sub3A_737 = vector.broadcast %add3A_736 : vector<64x1xf32> to vector<64x10xf32>
      %sub3A_738 = arith.subf %add3A_729, %sub3A_737 : vector<64x10xf32>
      %swap3A_739 = arith.constant 0 : index
      %swap3A_740 = arith.constant 0 : index
      %swap3A_741 = vector.load %arg5[%swap3A_739, %swap3A_740] : memref<64x10xf32, #tpu.memory_space<vmem>>, vector<64x10xf32>
      tpu.vector_store %arg5[%swap3A_739, %swap3A_740], %sub3A_738 {strides = array<i32>} : memref<64x10xf32, #tpu.memory_space<vmem>>, vector<64x10xf32>,
    } else {
    }
    return
  }
  func.func @transform_0(%arg0: i32) -> (i32, i32) {
    %c0_i32 = arith.constant 0 : i32
    %c0_i32_0 = arith.constant 0 : i32
    return %arg0, %c0_i32 : i32, i32
  }
  func.func @transform_1(%arg0: i32) -> (i32, i32, i32) {
    %c0_i32 = arith.constant 0 : i32
    %c0_i32_0 = arith.constant 0 : i32
    %c0_i32_1 = arith.constant 0 : i32
    return %arg0, %c0_i32, %c0_i32_0 : i32, i32, i32
  }
  func.func @transform_2(%arg0: i32) -> (i32, i32) {
    %c0_i32 = arith.constant 0 : i32
    %c0_i32_0 = arith.constant 0 : i32
    %c0_i32_1 = arith.constant 0 : i32
    return %c0_i32, %c0_i32_0 : i32, i32
  }
  func.func @transform_3(%arg0: i32) -> (i32, i32) {
    %c0_i32 = arith.constant 0 : i32
    %c0_i32_0 = arith.constant 0 : i32
    %c0_i32_1 = arith.constant 0 : i32
    return %c0_i32, %c0_i32_0 : i32, i32
  }
  func.func @transform_4(%arg0: i32) -> (i32, i32) {
    %c0_i32 = arith.constant 0 : i32
    %c0_i32_0 = arith.constant 0 : i32
    %c0_i32_1 = arith.constant 0 : i32
    return %c0_i32, %c0_i32_0 : i32, i32
  }
}

</mosaic_0001>

<sc_bundles>
// kernel: kernel.12.cloned.1.call-start
scs
__scs_entry_jumppad:
0x0: {  	(pc) =	sbr.rel $0x88, $3  }
0x1: {  	(tag) =	ssettag $0x0;
	lr =	simm.s32 $0x1  }
0x2: {  	[smem:$0x3F98] =	sst lr;
	_ =	strace $0xD0000000  }
0x3: {  	_ = 	snop  }
0x4: {  	_ = 	snop  }
0x5: {  	_ = 	snop  }
0x6: {  	_ = 	snop  }
0x7: {  	_ = 	snop  }
__scs_overlays_trampoline_lowered:
0x8: {  	[smem:$0x3FA7] =	sst s0  }
0x9: {  	[smem:$0x3FA8] =	sst s1  }
0xa: {  	[smem:$0x3FA9] =	sst s2  }
0xb: {  	[smem:$0x3FAA] =	sst s3  }
0xc: {  	[smem:$0x3FAB] =	sst s4  }
0xd: {  	[smem:$0x3FAC] =	sst s5  }
0xe: {  	[smem:$0x3FAD] =	sst s6  }
0xf: {  	[smem:$0x3FAE] =	sst s7  }
0x10: {  	[smem:$0x3FAF] =	sst s8  }
0x11: {  	[smem:$0x3FB0] =	sst s9;
	s0 =	simm.s32 @!p0 $0x0  }
0x12: {  	s1 =	sld [smem:$0x3F96];
	s0 =	simm.s32 @p0 $0x1  }
0x13: {  	[smem:$0x3FB1] =	sst s0;
	s0 =	simm.s32 @!p1 $0x0  }
0x14: {  	s2 =	sld [smem:$0x3F95];
	s0 =	simm.s32 @p1 $0x1  }
0x15: {  	[smem:$0x3FB2] =	sst s0;
	s0 =	simm.s32 @!p2 $0x0  }
0x16: {  	s3 =	sld [smem:$0x3FDB];
	s0 =	simm.s32 @p2 $0x1  }
0x17: {  	s4 =	simm.s32 $0x1BF5;
	[smem:$0x3FB4] =	sst s0  }
0x18: {  	s0 =	sld [smem:$0x3F97];
	_ =	swait.ge [sflag:s4], $0x0  }
0x19: {  	s7 =	sld [smem:$0x3F98]  }
0x1a: {  	s8 =	sadd.s32 $0xFFFFE003, lr  }
0x1b: {  	s9 =	sadd.s32 $0xFFFFFEF7, lr;
	s5 =	simm.s32 $0xFFFFFFFF;
	p2 =	slt.u32 s8, $0xFFFFF086  }
0x1c: {  	p1 =	slt.u32 s9, $0xF7A;
	s5 =	simm.s32 @!p2 $0x0  }
0x1d: {  	s5 =	simm.s32 @p1 $0x1;
	p0 =	seq.s32 s7, s2  }
0x1e: {  	s7 =	smul.u32 @!p0 $0xF7A, s2;
	p2 =	seq.s32 @!p0 s5, $0x0  }
0x1f: {  	s9 =	smul.u32 $0xF7A, s1;
	s8 =	simm.s32 @!p0 $0x1BF5;
	p2 =	por !p2, p0  }
0x20: {  	[sflag:s8] =	ssyncset.s32 @!p0 $0xFFFFF086;
	s6 =	sadd.s32 @!p0 s3, s7;
	s7 =	simm.s32 @!p0 $0x108  }
0x21: {  	s3 =	sadd.s32 s3, s9;
	s6 =	sadd.s32 @!p0 $0x88, s6;
	s7 =	simm.s32 @p2 $0x1082  }
0x22: {  	[simem:s7], [sflag:s8] =	dma.local @!p0 [hbm:s6], $0xF7A  }
0x23: {  	s9 =	sor.u32 $0xD0000000, s2;
	s6 =	simm.s32 $0x108;
	_ =	swait.ge @!p0 [sflag:s8], $0x0  }
0x24: {  	s3 =	sadd.s32 $0x88, s3;
	s6 =	simm.s32 @!p1 $0x1082;
	[sflag:s4] =	ssyncset.s32 $0xFFFFF086  }
0x25: {  	[simem:s6], [sflag:s4] =	dma.local [hbm:s3], $0xF7A  }
0x26: {  	[smem:$0x3F98] =	sst s1;
	(tag) =	ssettag s2;
	_ =	strace s9  }
0x27: {  	s1 =	sld [smem:$0x3FA8]  }
0x28: {  	s2 =	sld [smem:$0x3FA9]  }
0x29: {  	s4 =	sld [smem:$0x3FAB]  }
0x2a: {  	p0 =	seq.s32 s5, $0x0;
	s5 =	sld [smem:$0x3FAC]  }
0x2b: {  	s6 =	sld [smem:$0x3FAD]  }
0x2c: {  	s7 =	sld [smem:$0x3FAE]  }
0x2d: {  	s3 =	simm.s32 $0x108;
	s8 =	sld [smem:$0x3FAF]  }
0x2e: {  	s3 =	simm.s32 @!p0 $0x1082;
	s9 =	sld [smem:$0x3FB0]  }
0x2f: {  	lr =	sadd.s32 s0, s3;
	s0 =	sld [smem:$0x3FA7]  }
0x30: {  	s3 =	sld [smem:$0x3FAA]  }
0x31: {  	[smem:$0x3FB3] =	sst s10  }
0x32: {  	s10 =	sld [smem:$0x3FB1];
	_ =	sdelay $0x3  }
0x33: {  	p0 =	seq.s32 s10, $0x1;
	s10 =	sld [smem:$0x3FB3];
	_ =	sdelay $0x3  }
0x34: {  	[smem:$0x3FB3] =	sst s10  }
0x35: {  	s10 =	sld [smem:$0x3FB2];
	_ =	sdelay $0x3  }
0x36: {  	p1 =	seq.s32 s10, $0x1;
	s10 =	sld [smem:$0x3FB3];
	_ =	sdelay $0x3  }
0x37: {  	[smem:$0x3FB3] =	sst s10  }
0x38: {  	s10 =	sld [smem:$0x3FB4]  }
0x39: {  	_ = 	snop;
	(pc) =	sbr.ind lr, $3  }
0x3a: {  	_ = 	snop  }
0x3b: {  	_ = 	snop  }
0x3c: {  	p2 =	seq.s32 s10, $0x1;
	s10 =	sld [smem:$0x3FB3]  }
0x3d: {  	_ =	shalt  }
0x3e: {  	_ =	shalt  }
0x3f: {  	_ =	shalt  }
0x40: {  	_ =	shalt  }
0x41: {  	_ =	shalt  }
0x42: {  	_ =	shalt  }
0x43: {  	_ =	shalt  }
0x44: {  	_ =	shalt  }
0x45: {  	_ =	shalt  }
0x46: {  	_ =	shalt  }
0x47: {  	_ =	shalt  }
0x48: {  	_ =	shalt  }
0x49: {  	_ =	shalt  }
0x4a: {  	_ =	shalt  }
0x4b: {  	_ =	shalt  }
0x4c: {  	_ =	shalt  }
0x4d: {  	_ =	shalt  }
0x4e: {  	_ =	shalt  }
0x4f: {  	_ =	shalt  }
0x50: {  	_ =	shalt  }
0x51: {  	_ =	shalt  }
0x52: {  	_ =	shalt  }
0x53: {  	_ =	shalt  }
0x54: {  	_ =	shalt  }
0x55: {  	_ =	shalt  }
0x56: {  	_ =	shalt  }
0x57: {  	_ =	shalt  }
0x58: {  	_ =	shalt  }
0x59: {  	_ =	shalt  }
0x5a: {  	_ =	shalt  }
0x5b: {  	_ =	shalt  }
0x5c: {  	_ =	shalt  }
0x5d: {  	_ =	shalt  }
0x5e: {  	_ =	shalt  }
0x5f: {  	_ =	shalt  }
0x60: {  	_ =	shalt  }
0x61: {  	_ =	shalt  }
0x62: {  	_ =	shalt  }
0x63: {  	_ =	shalt  }
0x64: {  	_ =	shalt  }
0x65: {  	_ =	shalt  }
0x66: {  	_ =	shalt  }
0x67: {  	_ =	shalt  }
0x68: {  	_ =	shalt  }
0x69: {  	_ =	shalt  }
0x6a: {  	_ =	shalt  }
0x6b: {  	_ =	shalt  }
0x6c: {  	_ =	shalt  }
0x6d: {  	_ =	shalt  }
0x6e: {  	_ =	shalt  }
0x6f: {  	_ =	shalt  }
0x70: {  	_ =	shalt  }
0x71: {  	_ =	shalt  }
0x72: {  	_ =	shalt  }
0x73: {  	_ =	shalt  }
0x74: {  	_ =	shalt  }
0x75: {  	_ =	shalt  }
0x76: {  	_ =	shalt  }
0x77: {  	_ =	shalt  }
0x78: {  	_ =	shalt  }
0x79: {  	_ =	shalt  }
0x7a: {  	_ =	shalt  }
0x7b: {  	_ =	shalt  }
0x7c: {  	_ =	shalt  }
0x7d: {  	_ =	shalt  }
0x7e: {  	_ =	shalt  }
0x7f: {  	_ =	shalt  }
0x80: {  	_ =	shalt  }
0x81: {  	_ =	shalt  }
0x82: {  	_ =	shalt  }
0x83: {  	_ =	shalt  }
0x84: {  	_ =	shalt  }
0x85: {  	_ =	shalt  }
0x86: {  	_ =	shalt  }
0x87: {  	_ =	shalt  }
.Lfunc_end0:
.L_simem_size_0:
called_computation.1_lowered:
.L_overlay_start_0:
0x88: {  	s2 =	sld [smem:$0x3FD9]  }
0x89: {  	s3 =	sld [smem:$0x3FFE];
	_ =	sdelay $0x1  }
0x8a: {  	s1 =	srdreg.scid  }
0x8b: {  	s0 =	sand.u32 $0x1, s1  }
0x8c: {  	s16 =	sshll.u32 s0, $0xA;
	s2 =	sadd.s32 s3, s2  }
0x8d: {  	s2 =	sadd.s32 s2, s16  }
0x8e: {  	[smem:$0x3FBF] =	sst s2  }
0x8f: {  	_ = 	snop  }
0x90: {  	(tm) =	ssettm $0x1  }
0x91: {  	s17 =	sld [smem:$0x3FFB];
	_ =	sdelay $0x3  }
0x92: {  	_ =	strace s17  }
0x93: {  	s2 =	sld [smem:$0x3FFC];
	_ =	sdelay $0x3  }
0x94: {  	_ =	strace s2  }
0x95: {  	s2 =	sld [smem:$0x3FFD];
	_ =	sdelay $0x3  }
0x96: {  	_ =	strace s2  }
0x97: {  	_ =	strace $0x8FFFFFFF  }
0x98: {  	s18 =	sld [smem:$0x3FDB];
	_ =	sdelay $0x1  }
0x99: {  	s19 =	simm.s32 $_scs_section_size  }
0x9a: {  	s4 =	simm.s32 $_size__tile_overlayer_lowered;
	s5 =	simm.s32 $_tile_overlayer_lowered  }
0x9b: {  	s22 =	simm.s32 $0x1BFF;
	s21 =	sshll.u32 s5, $0x1;
	s2 =	sadd.s32 s19, s18  }
0x9c: {  	s6 =	simm.s32 $0x0;
	s20 =	sshll.u32 s4, $0x1;
	s4 =	sadd.s32 s21, s2  }
0x9d: {  	[timem:s6], [sflag:s22] =	dma.local [hbm:s4], s20  }
0x9e: {  	_ =	swait.ge [sflag:s22], s20  }
0x9f: {  	s3 =	ssub.s32 $0x0, s20;
	[sflag:s22] =	ssyncset.done $0x0  }
0xa0: {  	[sflag:s22] =	ssyncadd.s32 s3;
	_ =	sdelay $0x1  }
0xa1: {  	s23 =	simm.s32 $0x1B8B  }
0xa2: {  	_ =	swait.ge [sflag:s23], $0x1  }
0xa3: {  	[sflag:s23] =	ssyncset.done $0x0  }
0xa4: {  	s25 =	simm.s32 $0x1B8E;
	s24 =	sld [smem:$0x3FFE];
	[sflag:s23] =	ssyncadd.s32 $0xFFFFFFFF  }
0xa5: {  	s26 =	simm.s32 $execute0_lowered;
	[smem:$0x3FD2] =	sst s25  }
0xa6: {  	s4 =	sshll.u32 s26, $0x1;
	_ =	strace $0x80000049;
	[dreg:$0x1] =	wrdreg $0xFFFFFFFF  }
0xa7: {  	s28 =	simm.s32 $_size_execute0_lowered;
	s2 =	sadd.s32 s2, s4;
	[dreg:$0x0] =	wrdreg $0x0  }
0xa8: {  	s4 =	sshll.u32 s28, $0x1;
	[dreg:$0x2] =	wrdreg s2  }
0xa9: {  	[dreg:$0x3] =	wrdreg s4  }
0xaa: {  	[dreg:$0x4] =	wrdreg $0xC0  }
0xab: {  	_ =	task [dreg:s6], $0x5FFFF  }
0xac: {  	[dreg:$0x1] =	wrdreg $0xFFFFFFFF  }
0xad: {  	[dreg:$0x0] =	wrdreg $0x60  }
0xae: {  	[dreg:$0x2] =	wrdreg s24  }
0xaf: {  	[dreg:$0x3] =	wrdreg $0xA9000  }
0xb0: {  	[dreg:$0x4] =	wrdreg $0x9  }
0xb1: {  	_ =	task.clear_ibuf [dreg:s6], $0x5FFFF;
	_ =	strace $0x90000049  }
0xb2: {  	s29 =	simm.s32 $0x9;
	_ =	strace $0x8000004B  }
0xb3: {  	_ =	swait.ge [sflag:s29], $0x1  }
0xb4: {  	[sflag:s29] =	ssyncadd.s32 $0xFFFFFFFF  }
0xb5: {  	_ =	strace $0x9000004B  }
0xb6: {  	_ =	sfence  }
0xb7: {  	s30 =	sld [smem:$0x0];
	_ =	sdelay $0x2  }
0xb8: {  	s31 =	sshll.u32 s1, $0xD;
	s1 =	sshrl.u32 s1, $0x2  }
0xb9: {  	s3 =	sand.u32 $0x4000, s31;
	s1 =	sadd.s32 s1, s30  }
0xba: {  	s0 =	sor.u32 s3, s0;
	s1 =	sshll.u32 s1, $0x11  }
0xbb: {  	s0 =	sor.u32 s1, s0  }
0xbc: {  	s0 =	sadd.s32 $0x8F2B, s0  }
0xbd: {  	[sflag:s0] =	ssyncadd.remote.s32 $0x1  }
0xbe: {  	_ =	sfence.sel $0xFFFF  }
0xbf: {  	[dreg:$0x0] =	wrdreg $0xFFFFFFFF;
	(pc) =	sbr.abs _section_cstart, $3  }
0xc0: {  	[dreg:$0x1] =	wrdreg $0xFFFFFFFF  }
0xc1: {  	_ =	task.clear_ibuf [dreg:s6], $0x2FFFF;
	_ =	strace $0x9FFFFFFF  }
0xc2: {  	(tm) =	ssettm $0x7FFFFFFF  }
0xc3: {  	_ =	shalt  }
tec
execute0_lowered:
.L_overlay_start_1:
0x0: {  	(tag) =	ssettag $0x1  }
0x1: {  	s0 =	rddreg [dreg:$0x0]  }
0x2: {  	s1 =	srdreg.scid;
	s11 =	stileid.u32  }
0x3: {  	s2 =	rddreg [dreg:$0x1];
	s3 =	simm.s32 $0x0;
	s28 =	simm.s32 $0x2800  }
0x4: {  	s29 =	simm.s32 $0x3900;
	s31 =	simm.s32 $0x4900;
	s9 =	smul.u32 $0x50000, s11  }
0x5: {  	s30 =	simm.s32 $0x2880;
	s1 =	sand.u32 $0x1, s1;
	s25 =	smul.u32 $0x14000, s11  }
0x6: {  	s4 =	sshll.u32 s11, $0x1;
	[smem:$0x7FF] =	sst s3;
	s11 =	smul.u32 $0xA00, s11  }
0x7: {  	s5 =	sadd.s32 $0x3000, s0;
	s4 =	sor.u32 s1, s4;
	s24 =	smul.u32 $0x140000, s1  }
0x8: {  	_ =	strace $0x8000004A;
	s6 =	ssub.s32 $0x2, s1;
	s1 =	smul.u32 $0x500, s1  }
0x9: {  	s7 =	smul.u32 $0x500, s4;
	s4 =	sadd.s32 $0x17000, s0;
	s10 =	sshrl.u32 s6, $0x1  }
0xa: {  	s23 =	sshrl.u32 s9, $0x2;
	s17 =	sadd.s32 $0x4000, s25;
	s20 =	sadd.s32 $0x8000, s25  }
0xb: {  	s22 =	sadd.s32 $0xC000, s25;
	s10 =	ssub.s32 s6, s10;
	s6 =	sadd.s32 s23, s2  }
0xc: {  	s15 =	sadd.s32 s24, s25;
	s19 =	sadd.s32 s24, s17;
	s21 =	sadd.s32 s24, s20  }
0xd: {  	s23 =	sadd.s32 s24, s22;
	s8 =	sadd.s32 s7, s0;
	s12 =	sadd.s32 s5, s7  }
0xe: {  	s0 =	sadd.s32 $0x3E200, s0;
	s13 =	sadd.s32 $0x4000, s6;
	[dreg:$0x4] =	wrdreg s12  }
0xf: {  	s14 =	sadd.s32 $0x8000, s6;
	s16 =	sadd.s32 $0xC000, s6;
	[dreg:$0x8] =	wrdreg s13  }
0x10: {  	s18 =	sadd.s32 $0x10000, s6;
	s7 =	sadd.s32 $0x10000, s25;
	[dreg:$0x9] =	wrdreg s14  }
0x11: {  	s8 =	sadd.s32 $0xD000, s8;
	s26 =	sadd.s32 $0x10, s12;
	[dreg:$0xa] =	wrdreg s16  }
0x12: {  	s12 =	smax.u32 s10, $0x1;
	[dreg:$0xb] =	wrdreg s18;
	s10 =	sadd.s32 s17, s2  }
0x13: {  	s9 =	sadd.s32 s24, s7;
	s13 =	simm.s32 $0x5;
	[dreg:$0x5] =	wrdreg s8  }
0x14: {  	s14 =	simm.s32 $0x20;
	s16 =	simm.s32 $0x6;
	[dreg:$0x6] =	wrdreg s26  }
0x15: {  	s17 =	simm.s32 $0x4;
	s18 =	simm.s32 $0x0;
	[dreg:$0x7] =	wrdreg s12  }
0x16: {  	s8 =	sshrl.u32 s15, $0x3;
	[dreg:$0xd] =	wrdreg s10;
	s10 =	sadd.s32 s20, s2  }
0x17: {  	s20 =	sadd.s32 s1, s11;
	s1 =	sshrl.u32 s23, $0x3;
	s24 =	sshrl.u32 s9, $0x3  }
0x18: {  	s26 =	sadd.s32 s7, s2;
	s9 =	simm.s32 $0x7900;
	s11 =	simm.s32 $0x9900  }
0x19: {  	s12 =	simm.s32 $0x1;
	s7 =	simm.s32 $0x3;
	[dreg:$0xf] =	wrdreg s10  }
0x1a: {  	s15 =	simm.s32 $0x2;
	s8 =	sadd.s32 s0, s8;
	[dreg:$0x14] =	wrdreg s26  }
0x1b: {  	s1 =	sadd.s32 s0, s1;
	[dreg:$0xc] =	wrdreg s8;
	s8 =	sshrl.u32 s19, $0x3  }
0x1c: {  	s25 =	sadd.s32 s5, s20;
	[dreg:$0x12] =	wrdreg s1;
	s8 =	sadd.s32 s0, s8  }
0x1d: {  	s26 =	simm.s32 $0x7;
	[dreg:$0xe] =	wrdreg s8;
	s8 =	sshrl.u32 s21, $0x3  }
0x1e: {  	s10 =	simm.s32 $0x8900;
	[dreg:$0x3] =	wrdreg s25;
	s8 =	sadd.s32 s0, s8  }
0x1f: {  	s25 =	simm.s32 $0x2900;
	s0 =	sadd.s32 s0, s24;
	[dreg:$0x10] =	wrdreg s8  }
0x20: {  	s1 =	simm.s32 $0x80;
	s8 =	sadd.s32 s22, s2;
	[dreg:$0x13] =	wrdreg s0  }
0x21: {  	v0 =	vimm.f32 $0.0e+00;
	s0 =	simm.s32 $0x5900;
	[dreg:$0x11] =	wrdreg s8;
	s8 =	simm.s32 $0x6900  }
.LBB2_1:
0x22: {  	s19 =	simm.s32 $0x0;
	s21 =	simm.s32 $0x200  }
.LBB2_2:
0x23: {  	p0 =	sne.s32 s21, $0xFE00;
	[tilespmem:s19+$0x2970] =	vst v0  }
0x24: {  	[tilespmem:s19+$0x2900] =	vst v0  }
0x25: {  	[tilespmem:s19+$0x2910] =	vst v0  }
.Ltmp0:
0x26: {  	[tilespmem:s19+$0x2920] =	vst v0;
	(pc) =	sbr.rel @p0 .LBB2_2-.Ltmp0, $4  }
0x27: {  	[tilespmem:s19+$0x2930] =	vst v0  }
0x28: {  	[tilespmem:s19+$0x2940] =	vst v0  }
0x29: {  	[tilespmem:s19+$0x2950] =	vst v0  }
0x2a: {  	[tilespmem:s19+$0x2960] =	vst v0;
	s19 =	sshra.s32 s21, $0x2;
	s21 =	sadd.s32 $0x200, s21  }
0x2b: {  	[tilespmem:s19+$0x2970] =	vst v0  }
0x2c: {  	[tilespmem:s19+$0x2900] =	vst v0  }
0x2d: {  	[tilespmem:s19+$0x2910] =	vst v0  }
0x2e: {  	[tilespmem:s19+$0x2920] =	vst v0  }
0x2f: {  	[tilespmem:s19+$0x2930] =	vst v0  }
0x30: {  	[tilespmem:s19+$0x2940] =	vst v0  }
0x31: {  	[tilespmem:s19+$0x2950] =	vst v0  }
0x32: {  	[tilespmem:s19+$0x2960] =	vst v0  }
0x33: {  	[spmem:s6] =	stream.linear.scatter [tilespmem:s25], [sflag:$0x7], $0x4000, $0x38;
	[tilespmem:$0x1E900] =	vst v63  }
0x34: {  	_ =	swait.ge [sflag:s26], $0x4000  }
0x35: {  	[sflag:s26] =	ssyncset.done $0x0  }
0x36: {  	s22 =	rddreg [dreg:$0x8];
	[sflag:s26] =	ssyncadd.s32 $0xFFFFC000  }
0x37: {  	[spmem:s22] =	stream.linear.scatter [tilespmem:s25], [sflag:$0x7], $0x4000, $0x38;
	[tilespmem:$0x1E900] =	vst v63  }
0x38: {  	_ =	swait.ge [sflag:s26], $0x4000  }
0x39: {  	[sflag:s26] =	ssyncset.done $0x0  }
0x3a: {  	s23 =	rddreg [dreg:$0x9];
	[sflag:s26] =	ssyncadd.s32 $0xFFFFC000  }
0x3b: {  	[spmem:s23] =	stream.linear.scatter [tilespmem:s25], [sflag:$0x7], $0x4000, $0x38;
	[tilespmem:$0x1E900] =	vst v63  }
0x3c: {  	_ =	swait.ge [sflag:s26], $0x4000  }
0x3d: {  	[sflag:s26] =	ssyncset.done $0x0  }
0x3e: {  	s24 =	rddreg [dreg:$0xa];
	[sflag:s26] =	ssyncadd.s32 $0xFFFFC000  }
0x3f: {  	[spmem:s24] =	stream.linear.scatter [tilespmem:s25], [sflag:$0x7], $0x4000, $0x38;
	[tilespmem:$0x1E900] =	vst v63  }
0x40: {  	_ =	swait.ge [sflag:s26], $0x4000  }
0x41: {  	[sflag:s26] =	ssyncset.done $0x0  }
0x42: {  	s21 =	rddreg [dreg:$0xb];
	[sflag:s26] =	ssyncadd.s32 $0xFFFFC000  }
0x43: {  	[spmem:s21] =	stream.linear.scatter [tilespmem:s25], [sflag:$0x7], $0x4000, $0x38;
	[tilespmem:$0x1E900] =	vst v63  }
0x44: {  	_ =	swait.ge [sflag:s26], $0x4000  }
0x45: {  	[sflag:s26] =	ssyncset.done $0x0  }
0x46: {  	[sflag:s26] =	ssyncadd.s32 $0xFFFFC000  }
0x47: {  	[bflag:$0x0] =	sbarrier.arrive $0xFFFF  }
0x48: {  	s19 =	simm.s32 $0x0;
	s21 =	rddreg [dreg:$0x5]  }
0x49: {  	[tilespmem:s19], [sflag:$0x7] =	stream.linear.gather [hbm4b:s21+s19], $0x2800, $0x38;
	[tilespmem:$0x1E900] =	vst v63  }
0x4a: {  	_ =	swait.ge [sflag:s26], $0x2800  }
0x4b: {  	[sflag:s26] =	ssyncset.done $0x0  }
0x4c: {  	s22 =	rddreg [dreg:$0x4];
	[sflag:s26] =	ssyncadd.s32 $0xFFFFD800  }
0x4d: {  	[tilespmem:s28], [sflag:$0x5] =	stream.linear.gather [hbm4b:s22+s19], $0x80, $0x38;
	[tilespmem:$0x1E900] =	vst v63  }
0x4e: {  	s21 =	simm.s32 $0x20  }
0x4f: {  	[tilespmem:s25], [sflag:$0x1] =	stream.indirect.gather [hbm4b:s4+s21], $0x80, s19, s21, $0xb8;
	[tilespmem:$0x1E900] =	vst v63  }
0x50: {  	_ = 	snop  }
0x51: {  	[tilespmem:s29], [sflag:$0x1] =	stream.indirect.gather [hbm4b:s4+s21], $0x80, s21, s21, $0xb8;
	[tilespmem:$0x1E900] =	vst v63  }
0x52: {  	s22 =	simm.s32 $0x40  }
0x53: {  	[tilespmem:s31], [sflag:$0x1] =	stream.indirect.gather [hbm4b:s4+s21], $0x80, s22, s21, $0xb8;
	[tilespmem:$0x1E900] =	vst v63  }
0x54: {  	s23 =	simm.s32 $0x60  }
0x55: {  	[tilespmem:s0], [sflag:$0x1] =	stream.indirect.gather [hbm4b:s4+s21], $0x80, s23, s21, $0xb8;
	[tilespmem:$0x1E900] =	vst v63  }
0x56: {  	s24 =	rddreg [dreg:$0x6]  }
0x57: {  	[tilespmem:s30], [sflag:$0x6] =	stream.linear.gather [hbm4b:s24+s19], $0x80, $0x38;
	[tilespmem:$0x1E900] =	vst v63  }
0x58: {  	_ = 	snop  }
0x59: {  	[tilespmem:s8], [sflag:$0x2] =	stream.indirect.gather [hbm4b:s4+s21], $0x80, s1, s21, $0xb8;
	[tilespmem:$0x1E900] =	vst v63  }
0x5a: {  	s22 =	simm.s32 $0xA0  }
0x5b: {  	[tilespmem:s9], [sflag:$0x2] =	stream.indirect.gather [hbm4b:s4+s21], $0x80, s22, s21, $0xb8;
	[tilespmem:$0x1E900] =	vst v63  }
0x5c: {  	s23 =	simm.s32 $0xC0  }
0x5d: {  	[tilespmem:s10], [sflag:$0x2] =	stream.indirect.gather [hbm4b:s4+s21], $0x80, s23, s21, $0xb8;
	[tilespmem:$0x1E900] =	vst v63  }
0x5e: {  	s24 =	simm.s32 $0xE0  }
0x5f: {  	[tilespmem:s11], [sflag:$0x2] =	stream.indirect.gather [hbm4b:s4+s21], $0x80, s24, s21, $0xb8;
	[tilespmem:$0x1E900] =	vst v63  }
0x60: {  	_ =	swait.ge [sflag:s12], $0x4000  }
0x61: {  	[sflag:s12] =	ssyncset.done $0x0  }
0x62: {  	[sflag:s12] =	ssyncadd.s32 $0xFFFFC000  }
0x63: {  	_ =	swait.ge [sflag:s13], $0x80  }
0x64: {  	[sflag:s13] =	ssyncset.done $0x0  }
0x65: {  	[sflag:s13] =	ssyncadd.s32 $0xFFFFFF80  }
0x66: {  	[spmem:s2] =	stream.indirect.scatter.add.f32 [tilespmem:s25], [sflag:$0x3], $0x80, s28, s1, $0xb8;
	[tilespmem:$0x1E900] =	vst v63  }
0x67: {  	_ =	swait.ge [sflag:s7], $0x4000  }
0x68: {  	s22 =	rddreg [dreg:$0x3];
	[sflag:s7] =	ssyncset.done $0x0  }
0x69: {  	[sflag:s7] =	ssyncadd.s32 $0xFFFFC000;
	s19 =	sadd.s32 $0x20, s22  }
0x6a: {  	[tilespmem:s28], [sflag:$0x5] =	stream.linear.gather [hbm4b:s19+s3], $0x80, $0x38;
	[tilespmem:$0x1E900] =	vst v63  }
0x6b: {  	s23 =	simm.s32 $0x100  }
0x6c: {  	[tilespmem:s25], [sflag:$0x1] =	stream.indirect.gather [hbm4b:s4+s14], $0x80, s23, s14, $0xb8;
	[tilespmem:$0x1E900] =	vst v63  }
0x6d: {  	s24 =	simm.s32 $0x120  }
0x6e: {  	[tilespmem:s29], [sflag:$0x1] =	stream.indirect.gather [hbm4b:s4+s14], $0x80, s24, s14, $0xb8;
	[tilespmem:$0x1E900] =	vst v63  }
0x6f: {  	s22 =	simm.s32 $0x140  }
0x70: {  	[tilespmem:s31], [sflag:$0x1] =	stream.indirect.gather [hbm4b:s4+s14], $0x80, s22, s14, $0xb8;
	[tilespmem:$0x1E900] =	vst v63  }
0x71: {  	s23 =	simm.s32 $0x160  }
0x72: {  	[tilespmem:s0], [sflag:$0x1] =	stream.indirect.gather [hbm4b:s4+s14], $0x80, s23, s14, $0xb8;
	[tilespmem:$0x1E900] =	vst v63  }
0x73: {  	_ =	swait.ge [sflag:s15], $0x4000  }
0x74: {  	[sflag:s15] =	ssyncset.done $0x0  }
0x75: {  	[sflag:s15] =	ssyncadd.s32 $0xFFFFC000  }
0x76: {  	_ =	swait.ge [sflag:s16], $0x80  }
0x77: {  	[sflag:s16] =	ssyncset.done $0x0  }
0x78: {  	s21 =	sand.u32 $0x60, s21;
	s24 =	sadd.s32 $0x20, s20;
	[sflag:s16] =	ssyncadd.s32 $0xFFFFFF80  }
0x79: {  	[spmem:s2] =	stream.indirect.scatter.add.f32 [tilespmem:s8], [sflag:$0x4], $0x80, s30, s1, $0xb8;
	[tilespmem:$0x1E900] =	vst v63  }
0x7a: {  	s21 =	sadd.s32 s21, s5;
	s19 =	sand.u32 $0xFFFFF80, s24;
	_ =	swait.ge [sflag:s17], $0x4000  }
0x7b: {  	s19 =	sadd.s32 s19, s21;
	[sflag:s17] =	ssyncset.done $0x0  }
0x7c: {  	s19 =	sadd.s32 $0x10, s19;
	[sflag:s17] =	ssyncadd.s32 $0xFFFFC000  }
0x7d: {  	[tilespmem:s30], [sflag:$0x6] =	stream.linear.gather [hbm4b:s19+s3], $0x80, $0x38;
	[tilespmem:$0x1E900] =	vst v63  }
0x7e: {  	s21 =	simm.s32 $0x180  }
0x7f: {  	[tilespmem:s8], [sflag:$0x2] =	stream.indirect.gather [hbm4b:s4+s14], $0x80, s21, s14, $0xb8;
	[tilespmem:$0x1E900] =	vst v63  }
0x80: {  	s22 =	simm.s32 $0x1A0  }
0x81: {  	[tilespmem:s9], [sflag:$0x2] =	stream.indirect.gather [hbm4b:s4+s14], $0x80, s22, s14, $0xb8;
	[tilespmem:$0x1E900] =	vst v63  }
0x82: {  	s23 =	simm.s32 $0x1C0  }
0x83: {  	[tilespmem:s10], [sflag:$0x2] =	stream.indirect.gather [hbm4b:s4+s14], $0x80, s23, s14, $0xb8;
	[tilespmem:$0x1E900] =	vst v63  }
0x84: {  	s24 =	simm.s32 $0x1E0  }
0x85: {  	[tilespmem:s11], [sflag:$0x2] =	stream.indirect.gather [hbm4b:s4+s14], $0x80, s24, s14, $0xb8;
	[tilespmem:$0x1E900] =	vst v63  }
0x86: {  	_ =	swait.ge [sflag:s12], $0x4000  }
0x87: {  	[sflag:s12] =	ssyncset.done $0x0  }
0x88: {  	[sflag:s12] =	ssyncadd.s32 $0xFFFFC000  }
0x89: {  	_ =	swait.ge [sflag:s13], $0x80  }
0x8a: {  	[sflag:s13] =	ssyncset.done $0x0  }
0x8b: {  	s19 =	simm.s32 $0x400;
	s21 =	simm.s32 $0x40;
	[sflag:s13] =	ssyncadd.s32 $0xFFFFFF80  }
.LBB2_4:
0x8c: {  	[spmem:s2] =	stream.indirect.scatter.add.f32 [tilespmem:s25], [sflag:$0x3], $0x80, s28, s1, $0xb8;
	[tilespmem:$0x1E900] =	vst v63  }
0x8d: {  	_ =	swait.ge [sflag:s7], $0x4000  }
0x8e: {  	s22 =	smov.u32 s19;
	s23 =	rddreg [dreg:$0x3];
	[sflag:s7] =	ssyncset.done $0x0  }
0x8f: {  	s22 =	sshra.s32 s22, $0x2;
	[sflag:s7] =	ssyncadd.s32 $0xFFFFC000;
	s23 =	sadd.s32 s21, s23  }
0x90: {  	[tilespmem:s28], [sflag:$0x5] =	stream.linear.gather [hbm4b:s23+s3], $0x80, $0x38;
	[tilespmem:$0x1E900] =	vst v63  }
0x91: {  	s24 =	sadd.s32 $0x100, s22  }
0x92: {  	[tilespmem:s25], [sflag:$0x1] =	stream.indirect.gather [hbm4b:s4+s14], $0x80, s24, s14, $0xb8;
	[tilespmem:$0x1E900] =	vst v63  }
0x93: {  	s24 =	sadd.s32 $0x120, s22  }
0x94: {  	[tilespmem:s29], [sflag:$0x1] =	stream.indirect.gather [hbm4b:s4+s14], $0x80, s24, s14, $0xb8;
	[tilespmem:$0x1E900] =	vst v63  }
0x95: {  	s24 =	sadd.s32 $0x140, s22  }
0x96: {  	[tilespmem:s31], [sflag:$0x1] =	stream.indirect.gather [hbm4b:s4+s14], $0x80, s24, s14, $0xb8;
	[tilespmem:$0x1E900] =	vst v63  }
0x97: {  	s24 =	sadd.s32 $0x160, s22  }
0x98: {  	[tilespmem:s0], [sflag:$0x1] =	stream.indirect.gather [hbm4b:s4+s14], $0x80, s24, s14, $0xb8;
	[tilespmem:$0x1E900] =	vst v63  }
0x99: {  	_ =	swait.ge [sflag:s15], $0x4000  }
0x9a: {  	[sflag:s15] =	ssyncset.done $0x0  }
0x9b: {  	[sflag:s15] =	ssyncadd.s32 $0xFFFFC000  }
0x9c: {  	_ =	swait.ge [sflag:s16], $0x80  }
0x9d: {  	[sflag:s16] =	ssyncset.done $0x0  }
0x9e: {  	s23 =	sadd.s32 s21, s20;
	s24 =	sand.u32 $0x60, s21;
	[sflag:s16] =	ssyncadd.s32 $0xFFFFFF80  }
0x9f: {  	[spmem:s2] =	stream.indirect.scatter.add.f32 [tilespmem:s8], [sflag:$0x4], $0x80, s30, s1, $0xb8;
	[tilespmem:$0x1E900] =	vst v63  }
0xa0: {  	s23 =	sand.u32 $0xFFFFF80, s23;
	s24 =	sadd.s32 s24, s5;
	_ =	swait.ge [sflag:s17], $0x4000  }
0xa1: {  	s23 =	sadd.s32 s23, s24;
	[sflag:s17] =	ssyncset.done $0x0  }
0xa2: {  	s23 =	sadd.s32 $0x10, s23;
	[sflag:s17] =	ssyncadd.s32 $0xFFFFC000  }
0xa3: {  	[tilespmem:s30], [sflag:$0x6] =	stream.linear.gather [hbm4b:s23+s3], $0x80, $0x38;
	[tilespmem:$0x1E900] =	vst v63  }
0xa4: {  	s24 =	sadd.s32 $0x180, s22  }
0xa5: {  	[tilespmem:s8], [sflag:$0x2] =	stream.indirect.gather [hbm4b:s4+s14], $0x80, s24, s14, $0xb8;
	[tilespmem:$0x1E900] =	vst v63  }
0xa6: {  	s24 =	sadd.s32 $0x1A0, s22  }
0xa7: {  	[tilespmem:s9], [sflag:$0x2] =	stream.indirect.gather [hbm4b:s4+s14], $0x80, s24, s14, $0xb8;
	[tilespmem:$0x1E900] =	vst v63  }
0xa8: {  	s24 =	sadd.s32 $0x1C0, s22  }
0xa9: {  	[tilespmem:s10], [sflag:$0x2] =	stream.indirect.gather [hbm4b:s4+s14], $0x80, s24, s14, $0xb8;
	[tilespmem:$0x1E900] =	vst v63  }
0xaa: {  	s22 =	sadd.s32 $0x1E0, s22  }
0xab: {  	[tilespmem:s11], [sflag:$0x2] =	stream.indirect.gather [hbm4b:s4+s14], $0x80, s22, s14, $0xb8;
	[tilespmem:$0x1E900] =	vst v63  }
0xac: {  	p0 =	sne.s32 s19, $0x9800;
	_ =	swait.ge [sflag:s12], $0x4000  }
.Ltmp1:
0xad: {  	[sflag:s12] =	ssyncset.done $0x0;
	(pc) =	sbr.rel @p0 .LBB2_4-.Ltmp1, $4  }
0xae: {  	[sflag:s12] =	ssyncadd.s32 $0xFFFFC000  }
0xaf: {  	_ =	swait.ge [sflag:s13], $0x80  }
0xb0: {  	[sflag:s13] =	ssyncset.done $0x0  }
0xb1: {  	s19 =	sadd.s32 $0x400, s19;
	s21 =	sadd.s32 $0x20, s21;
	[sflag:s13] =	ssyncadd.s32 $0xFFFFFF80  }
0xb2: {  	[spmem:s2] =	stream.indirect.scatter.add.f32 [tilespmem:s25], [sflag:$0x3], $0x80, s28, s1, $0xb8;
	[tilespmem:$0x1E900] =	vst v63  }
0xb3: {  	_ =	swait.ge [sflag:s7], $0x4000  }
0xb4: {  	[sflag:s7] =	ssyncset.done $0x0  }
0xb5: {  	[sflag:s7] =	ssyncadd.s32 $0xFFFFC000  }
0xb6: {  	_ =	swait.ge [sflag:s15], $0x4000  }
0xb7: {  	[sflag:s15] =	ssyncset.done $0x0  }
0xb8: {  	[sflag:s15] =	ssyncadd.s32 $0xFFFFC000  }
0xb9: {  	_ =	swait.ge [sflag:s16], $0x80  }
0xba: {  	[sflag:s16] =	ssyncset.done $0x0  }
0xbb: {  	[sflag:s16] =	ssyncadd.s32 $0xFFFFFF80  }
0xbc: {  	[spmem:s2] =	stream.indirect.scatter.add.f32 [tilespmem:s8], [sflag:$0x4], $0x80, s30, s1, $0xb8;
	[tilespmem:$0x1E900] =	vst v63  }
0xbd: {  	_ =	swait.ge [sflag:s17], $0x4000  }
0xbe: {  	[sflag:s17] =	ssyncset.done $0x0  }
0xbf: {  	[sflag:s17] =	ssyncadd.s32 $0xFFFFC000  }
0xc0: {  	[bflag:$0x0] =	sbarrier.arrive $0xFFFF  }
0xc1: {  	[tilespmem:s25], [sflag:$0x7] =	stream.linear.gather [spmem:s6], $0x4000, $0x38;
	[tilespmem:$0x1E900] =	vst v63  }
0xc2: {  	_ =	swait.ge [sflag:s26], $0x4000  }
0xc3: {  	[sflag:s26] =	ssyncset.done $0x0  }
0xc4: {  	s19 =	rddreg [dreg:$0xc];
	[sflag:s26] =	ssyncadd.s32 $0xFFFFC000  }
0xc5: {  	[hbm4b:s19+s3] =	stream.linear.scatter [tilespmem:s25], [sflag:$0x7], $0x4000, $0x38;
	[tilespmem:$0x1E900] =	vst v63  }
0xc6: {  	_ =	swait.ge [sflag:s26], $0x4000  }
0xc7: {  	[sflag:s26] =	ssyncset.done $0x0  }
0xc8: {  	s24 =	rddreg [dreg:$0xd];
	[sflag:s26] =	ssyncadd.s32 $0xFFFFC000  }
0xc9: {  	[tilespmem:s25], [sflag:$0x7] =	stream.linear.gather [spmem:s24], $0x4000, $0x38;
	[tilespmem:$0x1E900] =	vst v63  }
0xca: {  	_ =	swait.ge [sflag:s26], $0x4000  }
0xcb: {  	[sflag:s26] =	ssyncset.done $0x0  }
0xcc: {  	s21 =	rddreg [dreg:$0xe];
	[sflag:s26] =	ssyncadd.s32 $0xFFFFC000  }
0xcd: {  	[hbm4b:s21+s3] =	stream.linear.scatter [tilespmem:s25], [sflag:$0x7], $0x4000, $0x38;
	[tilespmem:$0x1E900] =	vst v63  }
0xce: {  	_ =	swait.ge [sflag:s26], $0x4000  }
0xcf: {  	[sflag:s26] =	ssyncset.done $0x0  }
0xd0: {  	s22 =	rddreg [dreg:$0xf];
	[sflag:s26] =	ssyncadd.s32 $0xFFFFC000  }
0xd1: {  	[tilespmem:s25], [sflag:$0x7] =	stream.linear.gather [spmem:s22], $0x4000, $0x38;
	[tilespmem:$0x1E900] =	vst v63  }
0xd2: {  	_ =	swait.ge [sflag:s26], $0x4000  }
0xd3: {  	[sflag:s26] =	ssyncset.done $0x0  }
0xd4: {  	s23 =	rddreg [dreg:$0x10];
	[sflag:s26] =	ssyncadd.s32 $0xFFFFC000  }
0xd5: {  	[hbm4b:s23+s3] =	stream.linear.scatter [tilespmem:s25], [sflag:$0x7], $0x4000, $0x38;
	[tilespmem:$0x1E900] =	vst v63  }
0xd6: {  	_ =	swait.ge [sflag:s26], $0x4000  }
0xd7: {  	[sflag:s26] =	ssyncset.done $0x0  }
0xd8: {  	s24 =	rddreg [dreg:$0x11];
	[sflag:s26] =	ssyncadd.s32 $0xFFFFC000  }
0xd9: {  	[tilespmem:s25], [sflag:$0x7] =	stream.linear.gather [spmem:s24], $0x4000, $0x38;
	[tilespmem:$0x1E900] =	vst v63  }
0xda: {  	_ =	swait.ge [sflag:s26], $0x4000  }
0xdb: {  	[sflag:s26] =	ssyncset.done $0x0  }
0xdc: {  	s21 =	rddreg [dreg:$0x12];
	[sflag:s26] =	ssyncadd.s32 $0xFFFFC000  }
0xdd: {  	[hbm4b:s21+s3] =	stream.linear.scatter [tilespmem:s25], [sflag:$0x7], $0x4000, $0x38;
	[tilespmem:$0x1E900] =	vst v63  }
0xde: {  	_ =	swait.ge [sflag:s26], $0x4000  }
0xdf: {  	[sflag:s26] =	ssyncset.done $0x0  }
0xe0: {  	s22 =	rddreg [dreg:$0x14];
	[sflag:s26] =	ssyncadd.s32 $0xFFFFC000  }
0xe1: {  	[tilespmem:s25], [sflag:$0x7] =	stream.linear.gather [spmem:s22], $0x4000, $0x38;
	[tilespmem:$0x1E900] =	vst v63  }
0xe2: {  	_ =	swait.ge [sflag:s26], $0x4000  }
0xe3: {  	[sflag:s26] =	ssyncset.done $0x0  }
0xe4: {  	s23 =	rddreg [dreg:$0x13];
	[sflag:s26] =	ssyncadd.s32 $0xFFFFC000  }
0xe5: {  	[hbm4b:s23+s3] =	stream.linear.scatter [tilespmem:s25], [sflag:$0x7], $0x4000, $0x38;
	[tilespmem:$0x1E900] =	vst v63  }
0xe6: {  	_ =	swait.ge [sflag:s26], $0x4000  }
0xe7: {  	s18 =	sadd.s32 $0x1, s18;
	s24 =	rddreg [dreg:$0x7]  }
0xe8: {  	p0 =	sne.s32 s18, s24  }
.Ltmp2:
0xe9: {  	_ = 	snop;
	(pc) =	sbr.rel @p0 .LBB2_1-.Ltmp2, $3  }
0xea: {  	_ =	sdelay $0x1  }
0xeb: {  	[sflag:s26] =	ssyncset.done $0x0  }
0xec: {  	[sflag:s26] =	ssyncadd.s32 $0xFFFFC000  }
0xed: {  	_ =	sfence.sel $0x180000  }
0xee: {  	[bflag:$0x0] =	sbarrier.arrive $0xFFFF  }
0xef: {  	_ =	strace $0x9000004A  }
0xf0: {  	s0 =	stileid.u32;
	[bflag:$0x2] =	sbarrier.arrive $0xFFFF  }
0xf1: {  	p0 =	sne.s32 s0, $0x0;
	s0 =	rddreg [dreg:$0x2]  }
0xf2: {  	s0 =	sadd.s32 @!p0 $0x100000, s0  }
0xf3: {  	[sflag:s0] =	ssyncadd.tile.s32 @!p0 $0x1;
	_ =	shalt  }
.Lfunc_end2:
_tile_overlayer_lowered:
.L_overlay_start_2:
0xf4: {  	(tag) =	ssettag $0x2  }
0xf5: {  	s0 =	rddreg [dreg:$0x0];
	s2 =	stileid.u32  }
0xf6: {  	s1 =	rddreg [dreg:$0x1];
	p0 =	sne.s32 s2, $0x0  }
0xf7: {  	s3 =	rddreg [dreg:$0x2];
	[bflag:$0x3] =	sbarrier.arrive $0xFFFF;
	s2 =	simm.s32 @!p0 $0x1C07  }
0xf8: {  	[timem:s3], [sflag:s2] =	dma.local @!p0 [hbm:s0], s1  }
0xf9: {  	s0 =	simm.s32 @!p0 $0x7  }
0xfa: {  	_ =	swait.ge @!p0 [sflag:s0], s1  }
0xfb: {  	s1 =	ssub.s32 @!p0 $0x0, s1;
	[sflag:s0] =	ssyncset.done @!p0 $0x0  }
0xfc: {  	[sflag:s0] =	ssyncadd.s32 @!p0 s1  }
0xfd: {  	[bflag:$0x3] =	sbarrier.arrive $0xFFFF  }
0xfe: {  	_ =	shalt  }

// kernel: kernel.15.cloned.1.call-start
scs
__scs_entry_jumppad:
0x0: {  	(pc) =	sbr.rel $0x88, $3  }
0x1: {  	(tag) =	ssettag $0x0;
	lr =	simm.s32 $0x1  }
0x2: {  	[smem:$0x3F98] =	sst lr;
	_ =	strace $0xD0000000  }
0x3: {  	_ = 	snop  }
0x4: {  	_ = 	snop  }
0x5: {  	_ = 	snop  }
0x6: {  	_ = 	snop  }
0x7: {  	_ = 	snop  }
__scs_overlays_trampoline_lowered:
0x8: {  	[smem:$0x3FA7] =	sst s0  }
0x9: {  	[smem:$0x3FA8] =	sst s1  }
0xa: {  	[smem:$0x3FA9] =	sst s2  }
0xb: {  	[smem:$0x3FAA] =	sst s3  }
0xc: {  	[smem:$0x3FAB] =	sst s4  }
0xd: {  	[smem:$0x3FAC] =	sst s5  }
0xe: {  	[smem:$0x3FAD] =	sst s6  }
0xf: {  	[smem:$0x3FAE] =	sst s7  }
0x10: {  	[smem:$0x3FAF] =	sst s8  }
0x11: {  	[smem:$0x3FB0] =	sst s9;
	s0 =	simm.s32 @!p0 $0x0  }
0x12: {  	s1 =	sld [smem:$0x3F96];
	s0 =	simm.s32 @p0 $0x1  }
0x13: {  	[smem:$0x3FB1] =	sst s0;
	s0 =	simm.s32 @!p1 $0x0  }
0x14: {  	s2 =	sld [smem:$0x3F95];
	s0 =	simm.s32 @p1 $0x1  }
0x15: {  	[smem:$0x3FB2] =	sst s0;
	s0 =	simm.s32 @!p2 $0x0  }
0x16: {  	s3 =	sld [smem:$0x3FDB];
	s0 =	simm.s32 @p2 $0x1  }
0x17: {  	s4 =	simm.s32 $0x1BF5;
	[smem:$0x3FB4] =	sst s0  }
0x18: {  	s0 =	sld [smem:$0x3F97];
	_ =	swait.ge [sflag:s4], $0x0  }
0x19: {  	s7 =	sld [smem:$0x3F98]  }
0x1a: {  	s8 =	sadd.s32 $0xFFFFE003, lr  }
0x1b: {  	s9 =	sadd.s32 $0xFFFFFEF7, lr;
	s5 =	simm.s32 $0xFFFFFFFF;
	p2 =	slt.u32 s8, $0xFFFFF086  }
0x1c: {  	p1 =	slt.u32 s9, $0xF7A;
	s5 =	simm.s32 @!p2 $0x0  }
0x1d: {  	s5 =	simm.s32 @p1 $0x1;
	p0 =	seq.s32 s7, s2  }
0x1e: {  	s7 =	smul.u32 @!p0 $0xF7A, s2;
	p2 =	seq.s32 @!p0 s5, $0x0  }
0x1f: {  	s9 =	smul.u32 $0xF7A, s1;
	s8 =	simm.s32 @!p0 $0x1BF5;
	p2 =	por !p2, p0  }
0x20: {  	[sflag:s8] =	ssyncset.s32 @!p0 $0xFFFFF086;
	s6 =	sadd.s32 @!p0 s3, s7;
	s7 =	simm.s32 @!p0 $0x108  }
0x21: {  	s3 =	sadd.s32 s3, s9;
	s6 =	sadd.s32 @!p0 $0x88, s6;
	s7 =	simm.s32 @p2 $0x1082  }
0x22: {  	[simem:s7], [sflag:s8] =	dma.local @!p0 [hbm:s6], $0xF7A  }
0x23: {  	s9 =	sor.u32 $0xD0000000, s2;
	s6 =	simm.s32 $0x108;
	_ =	swait.ge @!p0 [sflag:s8], $0x0  }
0x24: {  	s3 =	sadd.s32 $0x88, s3;
	s6 =	simm.s32 @!p1 $0x1082;
	[sflag:s4] =	ssyncset.s32 $0xFFFFF086  }
0x25: {  	[simem:s6], [sflag:s4] =	dma.local [hbm:s3], $0xF7A  }
0x26: {  	[smem:$0x3F98] =	sst s1;
	(tag) =	ssettag s2;
	_ =	strace s9  }
0x27: {  	s1 =	sld [smem:$0x3FA8]  }
0x28: {  	s2 =	sld [smem:$0x3FA9]  }
0x29: {  	s4 =	sld [smem:$0x3FAB]  }
0x2a: {  	p0 =	seq.s32 s5, $0x0;
	s5 =	sld [smem:$0x3FAC]  }
0x2b: {  	s6 =	sld [smem:$0x3FAD]  }
0x2c: {  	s7 =	sld [smem:$0x3FAE]  }
0x2d: {  	s3 =	simm.s32 $0x108;
	s8 =	sld [smem:$0x3FAF]  }
0x2e: {  	s3 =	simm.s32 @!p0 $0x1082;
	s9 =	sld [smem:$0x3FB0]  }
0x2f: {  	lr =	sadd.s32 s0, s3;
	s0 =	sld [smem:$0x3FA7]  }
0x30: {  	s3 =	sld [smem:$0x3FAA]  }
0x31: {  	[smem:$0x3FB3] =	sst s10  }
0x32: {  	s10 =	sld [smem:$0x3FB1];
	_ =	sdelay $0x3  }
0x33: {  	p0 =	seq.s32 s10, $0x1;
	s10 =	sld [smem:$0x3FB3];
	_ =	sdelay $0x3  }
0x34: {  	[smem:$0x3FB3] =	sst s10  }
0x35: {  	s10 =	sld [smem:$0x3FB2];
	_ =	sdelay $0x3  }
0x36: {  	p1 =	seq.s32 s10, $0x1;
	s10 =	sld [smem:$0x3FB3];
	_ =	sdelay $0x3  }
0x37: {  	[smem:$0x3FB3] =	sst s10  }
0x38: {  	s10 =	sld [smem:$0x3FB4]  }
0x39: {  	_ = 	snop;
	(pc) =	sbr.ind lr, $3  }
0x3a: {  	_ = 	snop  }
0x3b: {  	_ = 	snop  }
0x3c: {  	p2 =	seq.s32 s10, $0x1;
	s10 =	sld [smem:$0x3FB3]  }
0x3d: {  	_ =	shalt  }
0x3e: {  	_ =	shalt  }
0x3f: {  	_ =	shalt  }
0x40: {  	_ =	shalt  }
0x41: {  	_ =	shalt  }
0x42: {  	_ =	shalt  }
0x43: {  	_ =	shalt  }
0x44: {  	_ =	shalt  }
0x45: {  	_ =	shalt  }
0x46: {  	_ =	shalt  }
0x47: {  	_ =	shalt  }
0x48: {  	_ =	shalt  }
0x49: {  	_ =	shalt  }
0x4a: {  	_ =	shalt  }
0x4b: {  	_ =	shalt  }
0x4c: {  	_ =	shalt  }
0x4d: {  	_ =	shalt  }
0x4e: {  	_ =	shalt  }
0x4f: {  	_ =	shalt  }
0x50: {  	_ =	shalt  }
0x51: {  	_ =	shalt  }
0x52: {  	_ =	shalt  }
0x53: {  	_ =	shalt  }
0x54: {  	_ =	shalt  }
0x55: {  	_ =	shalt  }
0x56: {  	_ =	shalt  }
0x57: {  	_ =	shalt  }
0x58: {  	_ =	shalt  }
0x59: {  	_ =	shalt  }
0x5a: {  	_ =	shalt  }
0x5b: {  	_ =	shalt  }
0x5c: {  	_ =	shalt  }
0x5d: {  	_ =	shalt  }
0x5e: {  	_ =	shalt  }
0x5f: {  	_ =	shalt  }
0x60: {  	_ =	shalt  }
0x61: {  	_ =	shalt  }
0x62: {  	_ =	shalt  }
0x63: {  	_ =	shalt  }
0x64: {  	_ =	shalt  }
0x65: {  	_ =	shalt  }
0x66: {  	_ =	shalt  }
0x67: {  	_ =	shalt  }
0x68: {  	_ =	shalt  }
0x69: {  	_ =	shalt  }
0x6a: {  	_ =	shalt  }
0x6b: {  	_ =	shalt  }
0x6c: {  	_ =	shalt  }
0x6d: {  	_ =	shalt  }
0x6e: {  	_ =	shalt  }
0x6f: {  	_ =	shalt  }
0x70: {  	_ =	shalt  }
0x71: {  	_ =	shalt  }
0x72: {  	_ =	shalt  }
0x73: {  	_ =	shalt  }
0x74: {  	_ =	shalt  }
0x75: {  	_ =	shalt  }
0x76: {  	_ =	shalt  }
0x77: {  	_ =	shalt  }
0x78: {  	_ =	shalt  }
0x79: {  	_ =	shalt  }
0x7a: {  	_ =	shalt  }
0x7b: {  	_ =	shalt  }
0x7c: {  	_ =	shalt  }
0x7d: {  	_ =	shalt  }
0x7e: {  	_ =	shalt  }
0x7f: {  	_ =	shalt  }
0x80: {  	_ =	shalt  }
0x81: {  	_ =	shalt  }
0x82: {  	_ =	shalt  }
0x83: {  	_ =	shalt  }
0x84: {  	_ =	shalt  }
0x85: {  	_ =	shalt  }
0x86: {  	_ =	shalt  }
0x87: {  	_ =	shalt  }
.Lfunc_end0:
.L_simem_size_0:
called_computation.2_lowered:
.L_overlay_start_0:
0x88: {  	s2 =	sld [smem:$0x3FD9]  }
0x89: {  	s3 =	sld [smem:$0x3FFE];
	_ =	sdelay $0x1  }
0x8a: {  	s1 =	srdreg.scid  }
0x8b: {  	s0 =	sand.u32 $0x1, s1  }
0x8c: {  	s16 =	sshll.u32 s0, $0xA;
	s2 =	sadd.s32 s3, s2  }
0x8d: {  	s2 =	sadd.s32 s2, s16  }
0x8e: {  	[smem:$0x3FBF] =	sst s2  }
0x8f: {  	_ = 	snop  }
0x90: {  	(tm) =	ssettm $0x1  }
0x91: {  	s17 =	sld [smem:$0x3FFB];
	_ =	sdelay $0x3  }
0x92: {  	_ =	strace s17  }
0x93: {  	s2 =	sld [smem:$0x3FFC];
	_ =	sdelay $0x3  }
0x94: {  	_ =	strace s2  }
0x95: {  	s2 =	sld [smem:$0x3FFD];
	_ =	sdelay $0x3  }
0x96: {  	_ =	strace s2  }
0x97: {  	_ =	strace $0x8FFFFFFF  }
0x98: {  	s18 =	sld [smem:$0x3FDB];
	_ =	sdelay $0x1  }
0x99: {  	s19 =	simm.s32 $_scs_section_size  }
0x9a: {  	s4 =	simm.s32 $_size__tile_overlayer_lowered;
	s5 =	simm.s32 $_tile_overlayer_lowered  }
0x9b: {  	s22 =	simm.s32 $0x1BFF;
	s21 =	sshll.u32 s5, $0x1;
	s2 =	sadd.s32 s19, s18  }
0x9c: {  	s6 =	simm.s32 $0x0;
	s20 =	sshll.u32 s4, $0x1;
	s4 =	sadd.s32 s21, s2  }
0x9d: {  	[timem:s6], [sflag:s22] =	dma.local [hbm:s4], s20  }
0x9e: {  	_ =	swait.ge [sflag:s22], s20  }
0x9f: {  	s3 =	ssub.s32 $0x0, s20;
	[sflag:s22] =	ssyncset.done $0x0  }
0xa0: {  	[sflag:s22] =	ssyncadd.s32 s3;
	_ =	sdelay $0x1  }
0xa1: {  	s23 =	simm.s32 $0x1B8B  }
0xa2: {  	_ =	swait.ge [sflag:s23], $0x1  }
0xa3: {  	[sflag:s23] =	ssyncset.done $0x0  }
0xa4: {  	s25 =	simm.s32 $0x1B8E;
	s24 =	sld [smem:$0x3FFE];
	[sflag:s23] =	ssyncadd.s32 $0xFFFFFFFF  }
0xa5: {  	s26 =	simm.s32 $execute0_lowered;
	[smem:$0x3FD2] =	sst s25  }
0xa6: {  	s4 =	sshll.u32 s26, $0x1;
	_ =	strace $0x8000004C;
	[dreg:$0x1] =	wrdreg $0xFFFFFFFF  }
0xa7: {  	s28 =	simm.s32 $_size_execute0_lowered;
	s2 =	sadd.s32 s2, s4;
	[dreg:$0x0] =	wrdreg $0x0  }
0xa8: {  	s4 =	sshll.u32 s28, $0x1;
	[dreg:$0x2] =	wrdreg s2  }
0xa9: {  	[dreg:$0x3] =	wrdreg s4  }
0xaa: {  	[dreg:$0x4] =	wrdreg $0xC0  }
0xab: {  	_ =	task [dreg:s6], $0x5FFFF  }
0xac: {  	[dreg:$0x1] =	wrdreg $0xFFFFFFFF  }
0xad: {  	[dreg:$0x0] =	wrdreg $0x60  }
0xae: {  	[dreg:$0x2] =	wrdreg s24  }
0xaf: {  	[dreg:$0x3] =	wrdreg $0xA9000  }
0xb0: {  	[dreg:$0x4] =	wrdreg $0x9  }
0xb1: {  	_ =	task.clear_ibuf [dreg:s6], $0x5FFFF;
	_ =	strace $0x9000004C  }
0xb2: {  	s29 =	simm.s32 $0x9;
	_ =	strace $0x8000004E  }
0xb3: {  	_ =	swait.ge [sflag:s29], $0x1  }
0xb4: {  	[sflag:s29] =	ssyncadd.s32 $0xFFFFFFFF  }
0xb5: {  	_ =	strace $0x9000004E  }
0xb6: {  	_ =	sfence  }
0xb7: {  	s30 =	sld [smem:$0x0];
	_ =	sdelay $0x2  }
0xb8: {  	s31 =	sshll.u32 s1, $0xD;
	s1 =	sshrl.u32 s1, $0x2  }
0xb9: {  	s3 =	sand.u32 $0x4000, s31;
	s1 =	sadd.s32 s1, s30  }
0xba: {  	s0 =	sor.u32 s3, s0;
	s1 =	sshll.u32 s1, $0x11  }
0xbb: {  	s0 =	sor.u32 s1, s0  }
0xbc: {  	s0 =	sadd.s32 $0x8F2B, s0  }
0xbd: {  	[sflag:s0] =	ssyncadd.remote.s32 $0x1  }
0xbe: {  	_ =	sfence.sel $0xFFFF  }
0xbf: {  	[dreg:$0x0] =	wrdreg $0xFFFFFFFF;
	(pc) =	sbr.abs _section_cstart, $3  }
0xc0: {  	[dreg:$0x1] =	wrdreg $0xFFFFFFFF  }
0xc1: {  	_ =	task.clear_ibuf [dreg:s6], $0x2FFFF;
	_ =	strace $0x9FFFFFFF  }
0xc2: {  	(tm) =	ssettm $0x7FFFFFFF  }
0xc3: {  	_ =	shalt  }
tec
execute0_lowered:
.L_overlay_start_1:
0x0: {  	(tag) =	ssettag $0x1  }
0x1: {  	s0 =	rddreg [dreg:$0x0]  }
0x2: {  	s1 =	srdreg.scid;
	s11 =	stileid.u32  }
0x3: {  	s2 =	rddreg [dreg:$0x1];
	s3 =	simm.s32 $0x0;
	s28 =	simm.s32 $0x2800  }
0x4: {  	s29 =	simm.s32 $0x3900;
	s31 =	simm.s32 $0x4900;
	s9 =	smul.u32 $0x50000, s11  }
0x5: {  	s30 =	simm.s32 $0x2880;
	s1 =	sand.u32 $0x1, s1;
	s25 =	smul.u32 $0x14000, s11  }
0x6: {  	s4 =	sshll.u32 s11, $0x1;
	[smem:$0x7FF] =	sst s3;
	s11 =	smul.u32 $0xA00, s11  }
0x7: {  	s5 =	sadd.s32 $0x3000, s0;
	s4 =	sor.u32 s1, s4;
	s24 =	smul.u32 $0x140000, s1  }
0x8: {  	_ =	strace $0x8000004D;
	s6 =	ssub.s32 $0x2, s1;
	s1 =	smul.u32 $0x500, s1  }
0x9: {  	s7 =	smul.u32 $0x500, s4;
	s4 =	sadd.s32 $0x17000, s0;
	s10 =	sshrl.u32 s6, $0x1  }
0xa: {  	s23 =	sshrl.u32 s9, $0x2;
	s17 =	sadd.s32 $0x4000, s25;
	s20 =	sadd.s32 $0x8000, s25  }
0xb: {  	s22 =	sadd.s32 $0xC000, s25;
	s10 =	ssub.s32 s6, s10;
	s6 =	sadd.s32 s23, s2  }
0xc: {  	s15 =	sadd.s32 s24, s25;
	s19 =	sadd.s32 s24, s17;
	s21 =	sadd.s32 s24, s20  }
0xd: {  	s23 =	sadd.s32 s24, s22;
	s8 =	sadd.s32 s7, s0;
	s12 =	sadd.s32 s5, s7  }
0xe: {  	s0 =	sadd.s32 $0x3E200, s0;
	s13 =	sadd.s32 $0x4000, s6;
	[dreg:$0x4] =	wrdreg s12  }
0xf: {  	s14 =	sadd.s32 $0x8000, s6;
	s16 =	sadd.s32 $0xC000, s6;
	[dreg:$0x8] =	wrdreg s13  }
0x10: {  	s18 =	sadd.s32 $0x10000, s6;
	s7 =	sadd.s32 $0x10000, s25;
	[dreg:$0x9] =	wrdreg s14  }
0x11: {  	s8 =	sadd.s32 $0xD000, s8;
	s26 =	sadd.s32 $0x10, s12;
	[dreg:$0xa] =	wrdreg s16  }
0x12: {  	s12 =	smax.u32 s10, $0x1;
	[dreg:$0xb] =	wrdreg s18;
	s10 =	sadd.s32 s17, s2  }
0x13: {  	s9 =	sadd.s32 s24, s7;
	s13 =	simm.s32 $0x5;
	[dreg:$0x5] =	wrdreg s8  }
0x14: {  	s14 =	simm.s32 $0x20;
	s16 =	simm.s32 $0x6;
	[dreg:$0x6] =	wrdreg s26  }
0x15: {  	s17 =	simm.s32 $0x4;
	s18 =	simm.s32 $0x0;
	[dreg:$0x7] =	wrdreg s12  }
0x16: {  	s8 =	sshrl.u32 s15, $0x3;
	[dreg:$0xd] =	wrdreg s10;
	s10 =	sadd.s32 s20, s2  }
0x17: {  	s20 =	sadd.s32 s1, s11;
	s1 =	sshrl.u32 s23, $0x3;
	s24 =	sshrl.u32 s9, $0x3  }
0x18: {  	s26 =	sadd.s32 s7, s2;
	s9 =	simm.s32 $0x7900;
	s11 =	simm.s32 $0x9900  }
0x19: {  	s12 =	simm.s32 $0x1;
	s7 =	simm.s32 $0x3;
	[dreg:$0xf] =	wrdreg s10  }
0x1a: {  	s15 =	simm.s32 $0x2;
	s8 =	sadd.s32 s0, s8;
	[dreg:$0x14] =	wrdreg s26  }
0x1b: {  	s1 =	sadd.s32 s0, s1;
	[dreg:$0xc] =	wrdreg s8;
	s8 =	sshrl.u32 s19, $0x3  }
0x1c: {  	s25 =	sadd.s32 s5, s20;
	[dreg:$0x12] =	wrdreg s1;
	s8 =	sadd.s32 s0, s8  }
0x1d: {  	s26 =	simm.s32 $0x7;
	[dreg:$0xe] =	wrdreg s8;
	s8 =	sshrl.u32 s21, $0x3  }
0x1e: {  	s10 =	simm.s32 $0x8900;
	[dreg:$0x3] =	wrdreg s25;
	s8 =	sadd.s32 s0, s8  }
0x1f: {  	s25 =	simm.s32 $0x2900;
	s0 =	sadd.s32 s0, s24;
	[dreg:$0x10] =	wrdreg s8  }
0x20: {  	s1 =	simm.s32 $0x80;
	s8 =	sadd.s32 s22, s2;
	[dreg:$0x13] =	wrdreg s0  }
0x21: {  	v0 =	vimm.f32 $0.0e+00;
	s0 =	simm.s32 $0x5900;
	[dreg:$0x11] =	wrdreg s8;
	s8 =	simm.s32 $0x6900  }
.LBB2_1:
0x22: {  	s19 =	simm.s32 $0x0;
	s21 =	simm.s32 $0x200  }
.LBB2_2:
0x23: {  	p0 =	sne.s32 s21, $0xFE00;
	[tilespmem:s19+$0x2970] =	vst v0  }
0x24: {  	[tilespmem:s19+$0x2900] =	vst v0  }
0x25: {  	[tilespmem:s19+$0x2910] =	vst v0  }
.Ltmp0:
0x26: {  	[tilespmem:s19+$0x2920] =	vst v0;
	(pc) =	sbr.rel @p0 .LBB2_2-.Ltmp0, $4  }
0x27: {  	[tilespmem:s19+$0x2930] =	vst v0  }
0x28: {  	[tilespmem:s19+$0x2940] =	vst v0  }
0x29: {  	[tilespmem:s19+$0x2950] =	vst v0  }
0x2a: {  	[tilespmem:s19+$0x2960] =	vst v0;
	s19 =	sshra.s32 s21, $0x2;
	s21 =	sadd.s32 $0x200, s21  }
0x2b: {  	[tilespmem:s19+$0x2970] =	vst v0  }
0x2c: {  	[tilespmem:s19+$0x2900] =	vst v0  }
0x2d: {  	[tilespmem:s19+$0x2910] =	vst v0  }
0x2e: {  	[tilespmem:s19+$0x2920] =	vst v0  }
0x2f: {  	[tilespmem:s19+$0x2930] =	vst v0  }
0x30: {  	[tilespmem:s19+$0x2940] =	vst v0  }
0x31: {  	[tilespmem:s19+$0x2950] =	vst v0  }
0x32: {  	[tilespmem:s19+$0x2960] =	vst v0  }
0x33: {  	[spmem:s6] =	stream.linear.scatter [tilespmem:s25], [sflag:$0x7], $0x4000, $0x38;
	[tilespmem:$0x1E900] =	vst v63  }
0x34: {  	_ =	swait.ge [sflag:s26], $0x4000  }
0x35: {  	[sflag:s26] =	ssyncset.done $0x0  }
0x36: {  	s22 =	rddreg [dreg:$0x8];
	[sflag:s26] =	ssyncadd.s32 $0xFFFFC000  }
0x37: {  	[spmem:s22] =	stream.linear.scatter [tilespmem:s25], [sflag:$0x7], $0x4000, $0x38;
	[tilespmem:$0x1E900] =	vst v63  }
0x38: {  	_ =	swait.ge [sflag:s26], $0x4000  }
0x39: {  	[sflag:s26] =	ssyncset.done $0x0  }
0x3a: {  	s23 =	rddreg [dreg:$0x9];
	[sflag:s26] =	ssyncadd.s32 $0xFFFFC000  }
0x3b: {  	[spmem:s23] =	stream.linear.scatter [tilespmem:s25], [sflag:$0x7], $0x4000, $0x38;
	[tilespmem:$0x1E900] =	vst v63  }
0x3c: {  	_ =	swait.ge [sflag:s26], $0x4000  }
0x3d: {  	[sflag:s26] =	ssyncset.done $0x0  }
0x3e: {  	s24 =	rddreg [dreg:$0xa];
	[sflag:s26] =	ssyncadd.s32 $0xFFFFC000  }
0x3f: {  	[spmem:s24] =	stream.linear.scatter [tilespmem:s25], [sflag:$0x7], $0x4000, $0x38;
	[tilespmem:$0x1E900] =	vst v63  }
0x40: {  	_ =	swait.ge [sflag:s26], $0x4000  }
0x41: {  	[sflag:s26] =	ssyncset.done $0x0  }
0x42: {  	s21 =	rddreg [dreg:$0xb];
	[sflag:s26] =	ssyncadd.s32 $0xFFFFC000  }
0x43: {  	[spmem:s21] =	stream.linear.scatter [tilespmem:s25], [sflag:$0x7], $0x4000, $0x38;
	[tilespmem:$0x1E900] =	vst v63  }
0x44: {  	_ =	swait.ge [sflag:s26], $0x4000  }
0x45: {  	[sflag:s26] =	ssyncset.done $0x0  }
0x46: {  	[sflag:s26] =	ssyncadd.s32 $0xFFFFC000  }
0x47: {  	[bflag:$0x0] =	sbarrier.arrive $0xFFFF  }
0x48: {  	s19 =	simm.s32 $0x0;
	s21 =	rddreg [dreg:$0x5]  }
0x49: {  	[tilespmem:s19], [sflag:$0x7] =	stream.linear.gather [hbm4b:s21+s19], $0x2800, $0x38;
	[tilespmem:$0x1E900] =	vst v63  }
0x4a: {  	_ =	swait.ge [sflag:s26], $0x2800  }
0x4b: {  	[sflag:s26] =	ssyncset.done $0x0  }
0x4c: {  	s22 =	rddreg [dreg:$0x4];
	[sflag:s26] =	ssyncadd.s32 $0xFFFFD800  }
0x4d: {  	[tilespmem:s28], [sflag:$0x5] =	stream.linear.gather [hbm4b:s22+s19], $0x80, $0x38;
	[tilespmem:$0x1E900] =	vst v63  }
0x4e: {  	s21 =	simm.s32 $0x20  }
0x4f: {  	[tilespmem:s25], [sflag:$0x1] =	stream.indirect.gather [hbm4b:s4+s21], $0x80, s19, s21, $0xb8;
	[tilespmem:$0x1E900] =	vst v63  }
0x50: {  	_ = 	snop  }
0x51: {  	[tilespmem:s29], [sflag:$0x1] =	stream.indirect.gather [hbm4b:s4+s21], $0x80, s21, s21, $0xb8;
	[tilespmem:$0x1E900] =	vst v63  }
0x52: {  	s22 =	simm.s32 $0x40  }
0x53: {  	[tilespmem:s31], [sflag:$0x1] =	stream.indirect.gather [hbm4b:s4+s21], $0x80, s22, s21, $0xb8;
	[tilespmem:$0x1E900] =	vst v63  }
0x54: {  	s23 =	simm.s32 $0x60  }
0x55: {  	[tilespmem:s0], [sflag:$0x1] =	stream.indirect.gather [hbm4b:s4+s21], $0x80, s23, s21, $0xb8;
	[tilespmem:$0x1E900] =	vst v63  }
0x56: {  	s24 =	rddreg [dreg:$0x6]  }
0x57: {  	[tilespmem:s30], [sflag:$0x6] =	stream.linear.gather [hbm4b:s24+s19], $0x80, $0x38;
	[tilespmem:$0x1E900] =	vst v63  }
0x58: {  	_ = 	snop  }
0x59: {  	[tilespmem:s8], [sflag:$0x2] =	stream.indirect.gather [hbm4b:s4+s21], $0x80, s1, s21, $0xb8;
	[tilespmem:$0x1E900] =	vst v63  }
0x5a: {  	s22 =	simm.s32 $0xA0  }
0x5b: {  	[tilespmem:s9], [sflag:$0x2] =	stream.indirect.gather [hbm4b:s4+s21], $0x80, s22, s21, $0xb8;
	[tilespmem:$0x1E900] =	vst v63  }
0x5c: {  	s23 =	simm.s32 $0xC0  }
0x5d: {  	[tilespmem:s10], [sflag:$0x2] =	stream.indirect.gather [hbm4b:s4+s21], $0x80, s23, s21, $0xb8;
	[tilespmem:$0x1E900] =	vst v63  }
0x5e: {  	s24 =	simm.s32 $0xE0  }
0x5f: {  	[tilespmem:s11], [sflag:$0x2] =	stream.indirect.gather [hbm4b:s4+s21], $0x80, s24, s21, $0xb8;
	[tilespmem:$0x1E900] =	vst v63  }
0x60: {  	_ =	swait.ge [sflag:s12], $0x4000  }
0x61: {  	[sflag:s12] =	ssyncset.done $0x0  }
0x62: {  	[sflag:s12] =	ssyncadd.s32 $0xFFFFC000  }
0x63: {  	_ =	swait.ge [sflag:s13], $0x80  }
0x64: {  	[sflag:s13] =	ssyncset.done $0x0  }
0x65: {  	[sflag:s13] =	ssyncadd.s32 $0xFFFFFF80  }
0x66: {  	[spmem:s2] =	stream.indirect.scatter.add.f32 [tilespmem:s25], [sflag:$0x3], $0x80, s28, s1, $0xb8;
	[tilespmem:$0x1E900] =	vst v63  }
0x67: {  	_ =	swait.ge [sflag:s7], $0x4000  }
0x68: {  	s22 =	rddreg [dreg:$0x3];
	[sflag:s7] =	ssyncset.done $0x0  }
0x69: {  	[sflag:s7] =	ssyncadd.s32 $0xFFFFC000;
	s19 =	sadd.s32 $0x20, s22  }
0x6a: {  	[tilespmem:s28], [sflag:$0x5] =	stream.linear.gather [hbm4b:s19+s3], $0x80, $0x38;
	[tilespmem:$0x1E900] =	vst v63  }
0x6b: {  	s23 =	simm.s32 $0x100  }
0x6c: {  	[tilespmem:s25], [sflag:$0x1] =	stream.indirect.gather [hbm4b:s4+s14], $0x80, s23, s14, $0xb8;
	[tilespmem:$0x1E900] =	vst v63  }
0x6d: {  	s24 =	simm.s32 $0x120  }
0x6e: {  	[tilespmem:s29], [sflag:$0x1] =	stream.indirect.gather [hbm4b:s4+s14], $0x80, s24, s14, $0xb8;
	[tilespmem:$0x1E900] =	vst v63  }
0x6f: {  	s22 =	simm.s32 $0x140  }
0x70: {  	[tilespmem:s31], [sflag:$0x1] =	stream.indirect.gather [hbm4b:s4+s14], $0x80, s22, s14, $0xb8;
	[tilespmem:$0x1E900] =	vst v63  }
0x71: {  	s23 =	simm.s32 $0x160  }
0x72: {  	[tilespmem:s0], [sflag:$0x1] =	stream.indirect.gather [hbm4b:s4+s14], $0x80, s23, s14, $0xb8;
	[tilespmem:$0x1E900] =	vst v63  }
0x73: {  	_ =	swait.ge [sflag:s15], $0x4000  }
0x74: {  	[sflag:s15] =	ssyncset.done $0x0  }
0x75: {  	[sflag:s15] =	ssyncadd.s32 $0xFFFFC000  }
0x76: {  	_ =	swait.ge [sflag:s16], $0x80  }
0x77: {  	[sflag:s16] =	ssyncset.done $0x0  }
0x78: {  	s21 =	sand.u32 $0x60, s21;
	s24 =	sadd.s32 $0x20, s20;
	[sflag:s16] =	ssyncadd.s32 $0xFFFFFF80  }
0x79: {  	[spmem:s2] =	stream.indirect.scatter.add.f32 [tilespmem:s8], [sflag:$0x4], $0x80, s30, s1, $0xb8;
	[tilespmem:$0x1E900] =	vst v63  }
0x7a: {  	s21 =	sadd.s32 s21, s5;
	s19 =	sand.u32 $0xFFFFF80, s24;
	_ =	swait.ge [sflag:s17], $0x4000  }
0x7b: {  	s19 =	sadd.s32 s19, s21;
	[sflag:s17] =	ssyncset.done $0x0  }
0x7c: {  	s19 =	sadd.s32 $0x10, s19;
	[sflag:s17] =	ssyncadd.s32 $0xFFFFC000  }
0x7d: {  	[tilespmem:s30], [sflag:$0x6] =	stream.linear.gather [hbm4b:s19+s3], $0x80, $0x38;
	[tilespmem:$0x1E900] =	vst v63  }
0x7e: {  	s21 =	simm.s32 $0x180  }
0x7f: {  	[tilespmem:s8], [sflag:$0x2] =	stream.indirect.gather [hbm4b:s4+s14], $0x80, s21, s14, $0xb8;
	[tilespmem:$0x1E900] =	vst v63  }
0x80: {  	s22 =	simm.s32 $0x1A0  }
0x81: {  	[tilespmem:s9], [sflag:$0x2] =	stream.indirect.gather [hbm4b:s4+s14], $0x80, s22, s14, $0xb8;
	[tilespmem:$0x1E900] =	vst v63  }
0x82: {  	s23 =	simm.s32 $0x1C0  }
0x83: {  	[tilespmem:s10], [sflag:$0x2] =	stream.indirect.gather [hbm4b:s4+s14], $0x80, s23, s14, $0xb8;
	[tilespmem:$0x1E900] =	vst v63  }
0x84: {  	s24 =	simm.s32 $0x1E0  }
0x85: {  	[tilespmem:s11], [sflag:$0x2] =	stream.indirect.gather [hbm4b:s4+s14], $0x80, s24, s14, $0xb8;
	[tilespmem:$0x1E900] =	vst v63  }
0x86: {  	_ =	swait.ge [sflag:s12], $0x4000  }
0x87: {  	[sflag:s12] =	ssyncset.done $0x0  }
0x88: {  	[sflag:s12] =	ssyncadd.s32 $0xFFFFC000  }
0x89: {  	_ =	swait.ge [sflag:s13], $0x80  }
0x8a: {  	[sflag:s13] =	ssyncset.done $0x0  }
0x8b: {  	s19 =	simm.s32 $0x400;
	s21 =	simm.s32 $0x40;
	[sflag:s13] =	ssyncadd.s32 $0xFFFFFF80  }
.LBB2_4:
0x8c: {  	[spmem:s2] =	stream.indirect.scatter.add.f32 [tilespmem:s25], [sflag:$0x3], $0x80, s28, s1, $0xb8;
	[tilespmem:$0x1E900] =	vst v63  }
0x8d: {  	_ =	swait.ge [sflag:s7], $0x4000  }
0x8e: {  	s22 =	smov.u32 s19;
	s23 =	rddreg [dreg:$0x3];
	[sflag:s7] =	ssyncset.done $0x0  }
0x8f: {  	s22 =	sshra.s32 s22, $0x2;
	[sflag:s7] =	ssyncadd.s32 $0xFFFFC000;
	s23 =	sadd.s32 s21, s23  }
0x90: {  	[tilespmem:s28], [sflag:$0x5] =	stream.linear.gather [hbm4b:s23+s3], $0x80, $0x38;
	[tilespmem:$0x1E900] =	vst v63  }
0x91: {  	s24 =	sadd.s32 $0x100, s22  }
0x92: {  	[tilespmem:s25], [sflag:$0x1] =	stream.indirect.gather [hbm4b:s4+s14], $0x80, s24, s14, $0xb8;
	[tilespmem:$0x1E900] =	vst v63  }
0x93: {  	s24 =	sadd.s32 $0x120, s22  }
0x94: {  	[tilespmem:s29], [sflag:$0x1] =	stream.indirect.gather [hbm4b:s4+s14], $0x80, s24, s14, $0xb8;
	[tilespmem:$0x1E900] =	vst v63  }
0x95: {  	s24 =	sadd.s32 $0x140, s22  }
0x96: {  	[tilespmem:s31], [sflag:$0x1] =	stream.indirect.gather [hbm4b:s4+s14], $0x80, s24, s14, $0xb8;
	[tilespmem:$0x1E900] =	vst v63  }
0x97: {  	s24 =	sadd.s32 $0x160, s22  }
0x98: {  	[tilespmem:s0], [sflag:$0x1] =	stream.indirect.gather [hbm4b:s4+s14], $0x80, s24, s14, $0xb8;
	[tilespmem:$0x1E900] =	vst v63  }
0x99: {  	_ =	swait.ge [sflag:s15], $0x4000  }
0x9a: {  	[sflag:s15] =	ssyncset.done $0x0  }
0x9b: {  	[sflag:s15] =	ssyncadd.s32 $0xFFFFC000  }
0x9c: {  	_ =	swait.ge [sflag:s16], $0x80  }
0x9d: {  	[sflag:s16] =	ssyncset.done $0x0  }
0x9e: {  	s23 =	sadd.s32 s21, s20;
	s24 =	sand.u32 $0x60, s21;
	[sflag:s16] =	ssyncadd.s32 $0xFFFFFF80  }
0x9f: {  	[spmem:s2] =	stream.indirect.scatter.add.f32 [tilespmem:s8], [sflag:$0x4], $0x80, s30, s1, $0xb8;
	[tilespmem:$0x1E900] =	vst v63  }
0xa0: {  	s23 =	sand.u32 $0xFFFFF80, s23;
	s24 =	sadd.s32 s24, s5;
	_ =	swait.ge [sflag:s17], $0x4000  }
0xa1: {  	s23 =	sadd.s32 s23, s24;
	[sflag:s17] =	ssyncset.done $0x0  }
0xa2: {  	s23 =	sadd.s32 $0x10, s23;
	[sflag:s17] =	ssyncadd.s32 $0xFFFFC000  }
0xa3: {  	[tilespmem:s30], [sflag:$0x6] =	stream.linear.gather [hbm4b:s23+s3], $0x80, $0x38;
	[tilespmem:$0x1E900] =	vst v63  }
0xa4: {  	s24 =	sadd.s32 $0x180, s22  }
0xa5: {  	[tilespmem:s8], [sflag:$0x2] =	stream.indirect.gather [hbm4b:s4+s14], $0x80, s24, s14, $0xb8;
	[tilespmem:$0x1E900] =	vst v63  }
0xa6: {  	s24 =	sadd.s32 $0x1A0, s22  }
0xa7: {  	[tilespmem:s9], [sflag:$0x2] =	stream.indirect.gather [hbm4b:s4+s14], $0x80, s24, s14, $0xb8;
	[tilespmem:$0x1E900] =	vst v63  }
0xa8: {  	s24 =	sadd.s32 $0x1C0, s22  }
0xa9: {  	[tilespmem:s10], [sflag:$0x2] =	stream.indirect.gather [hbm4b:s4+s14], $0x80, s24, s14, $0xb8;
	[tilespmem:$0x1E900] =	vst v63  }
0xaa: {  	s22 =	sadd.s32 $0x1E0, s22  }
0xab: {  	[tilespmem:s11], [sflag:$0x2] =	stream.indirect.gather [hbm4b:s4+s14], $0x80, s22, s14, $0xb8;
	[tilespmem:$0x1E900] =	vst v63  }
0xac: {  	p0 =	sne.s32 s19, $0x9800;
	_ =	swait.ge [sflag:s12], $0x4000  }
.Ltmp1:
0xad: {  	[sflag:s12] =	ssyncset.done $0x0;
	(pc) =	sbr.rel @p0 .LBB2_4-.Ltmp1, $4  }
0xae: {  	[sflag:s12] =	ssyncadd.s32 $0xFFFFC000  }
0xaf: {  	_ =	swait.ge [sflag:s13], $0x80  }
0xb0: {  	[sflag:s13] =	ssyncset.done $0x0  }
0xb1: {  	s19 =	sadd.s32 $0x400, s19;
	s21 =	sadd.s32 $0x20, s21;
	[sflag:s13] =	ssyncadd.s32 $0xFFFFFF80  }
0xb2: {  	[spmem:s2] =	stream.indirect.scatter.add.f32 [tilespmem:s25], [sflag:$0x3], $0x80, s28, s1, $0xb8;
	[tilespmem:$0x1E900] =	vst v63  }
0xb3: {  	_ =	swait.ge [sflag:s7], $0x4000  }
0xb4: {  	[sflag:s7] =	ssyncset.done $0x0  }
0xb5: {  	[sflag:s7] =	ssyncadd.s32 $0xFFFFC000  }
0xb6: {  	_ =	swait.ge [sflag:s15], $0x4000  }
0xb7: {  	[sflag:s15] =	ssyncset.done $0x0  }
0xb8: {  	[sflag:s15] =	ssyncadd.s32 $0xFFFFC000  }
0xb9: {  	_ =	swait.ge [sflag:s16], $0x80  }
0xba: {  	[sflag:s16] =	ssyncset.done $0x0  }
0xbb: {  	[sflag:s16] =	ssyncadd.s32 $0xFFFFFF80  }
0xbc: {  	[spmem:s2] =	stream.indirect.scatter.add.f32 [tilespmem:s8], [sflag:$0x4], $0x80, s30, s1, $0xb8;
	[tilespmem:$0x1E900] =	vst v63  }
0xbd: {  	_ =	swait.ge [sflag:s17], $0x4000  }
0xbe: {  	[sflag:s17] =	ssyncset.done $0x0  }
0xbf: {  	[sflag:s17] =	ssyncadd.s32 $0xFFFFC000  }
0xc0: {  	[bflag:$0x0] =	sbarrier.arrive $0xFFFF  }
0xc1: {  	[tilespmem:s25], [sflag:$0x7] =	stream.linear.gather [spmem:s6], $0x4000, $0x38;
	[tilespmem:$0x1E900] =	vst v63  }
0xc2: {  	_ =	swait.ge [sflag:s26], $0x4000  }
0xc3: {  	[sflag:s26] =	ssyncset.done $0x0  }
0xc4: {  	s19 =	rddreg [dreg:$0xc];
	[sflag:s26] =	ssyncadd.s32 $0xFFFFC000  }
0xc5: {  	[hbm4b:s19+s3] =	stream.linear.scatter [tilespmem:s25], [sflag:$0x7], $0x4000, $0x38;
	[tilespmem:$0x1E900] =	vst v63  }
0xc6: {  	_ =	swait.ge [sflag:s26], $0x4000  }
0xc7: {  	[sflag:s26] =	ssyncset.done $0x0  }
0xc8: {  	s24 =	rddreg [dreg:$0xd];
	[sflag:s26] =	ssyncadd.s32 $0xFFFFC000  }
0xc9: {  	[tilespmem:s25], [sflag:$0x7] =	stream.linear.gather [spmem:s24], $0x4000, $0x38;
	[tilespmem:$0x1E900] =	vst v63  }
0xca: {  	_ =	swait.ge [sflag:s26], $0x4000  }
0xcb: {  	[sflag:s26] =	ssyncset.done $0x0  }
0xcc: {  	s21 =	rddreg [dreg:$0xe];
	[sflag:s26] =	ssyncadd.s32 $0xFFFFC000  }
0xcd: {  	[hbm4b:s21+s3] =	stream.linear.scatter [tilespmem:s25], [sflag:$0x7], $0x4000, $0x38;
	[tilespmem:$0x1E900] =	vst v63  }
0xce: {  	_ =	swait.ge [sflag:s26], $0x4000  }
0xcf: {  	[sflag:s26] =	ssyncset.done $0x0  }
0xd0: {  	s22 =	rddreg [dreg:$0xf];
	[sflag:s26] =	ssyncadd.s32 $0xFFFFC000  }
0xd1: {  	[tilespmem:s25], [sflag:$0x7] =	stream.linear.gather [spmem:s22], $0x4000, $0x38;
	[tilespmem:$0x1E900] =	vst v63  }
0xd2: {  	_ =	swait.ge [sflag:s26], $0x4000  }
0xd3: {  	[sflag:s26] =	ssyncset.done $0x0  }
0xd4: {  	s23 =	rddreg [dreg:$0x10];
	[sflag:s26] =	ssyncadd.s32 $0xFFFFC000  }
0xd5: {  	[hbm4b:s23+s3] =	stream.linear.scatter [tilespmem:s25], [sflag:$0x7], $0x4000, $0x38;
	[tilespmem:$0x1E900] =	vst v63  }
0xd6: {  	_ =	swait.ge [sflag:s26], $0x4000  }
0xd7: {  	[sflag:s26] =	ssyncset.done $0x0  }
0xd8: {  	s24 =	rddreg [dreg:$0x11];
	[sflag:s26] =	ssyncadd.s32 $0xFFFFC000  }
0xd9: {  	[tilespmem:s25], [sflag:$0x7] =	stream.linear.gather [spmem:s24], $0x4000, $0x38;
	[tilespmem:$0x1E900] =	vst v63  }
0xda: {  	_ =	swait.ge [sflag:s26], $0x4000  }
0xdb: {  	[sflag:s26] =	ssyncset.done $0x0  }
0xdc: {  	s21 =	rddreg [dreg:$0x12];
	[sflag:s26] =	ssyncadd.s32 $0xFFFFC000  }
0xdd: {  	[hbm4b:s21+s3] =	stream.linear.scatter [tilespmem:s25], [sflag:$0x7], $0x4000, $0x38;
	[tilespmem:$0x1E900] =	vst v63  }
0xde: {  	_ =	swait.ge [sflag:s26], $0x4000  }
0xdf: {  	[sflag:s26] =	ssyncset.done $0x0  }
0xe0: {  	s22 =	rddreg [dreg:$0x14];
	[sflag:s26] =	ssyncadd.s32 $0xFFFFC000  }
0xe1: {  	[tilespmem:s25], [sflag:$0x7] =	stream.linear.gather [spmem:s22], $0x4000, $0x38;
	[tilespmem:$0x1E900] =	vst v63  }
0xe2: {  	_ =	swait.ge [sflag:s26], $0x4000  }
0xe3: {  	[sflag:s26] =	ssyncset.done $0x0  }
0xe4: {  	s23 =	rddreg [dreg:$0x13];
	[sflag:s26] =	ssyncadd.s32 $0xFFFFC000  }
0xe5: {  	[hbm4b:s23+s3] =	stream.linear.scatter [tilespmem:s25], [sflag:$0x7], $0x4000, $0x38;
	[tilespmem:$0x1E900] =	vst v63  }
0xe6: {  	_ =	swait.ge [sflag:s26], $0x4000  }
0xe7: {  	s18 =	sadd.s32 $0x1, s18;
	s24 =	rddreg [dreg:$0x7]  }
0xe8: {  	p0 =	sne.s32 s18, s24  }
.Ltmp2:
0xe9: {  	_ = 	snop;
	(pc) =	sbr.rel @p0 .LBB2_1-.Ltmp2, $3  }
0xea: {  	_ =	sdelay $0x1  }
0xeb: {  	[sflag:s26] =	ssyncset.done $0x0  }
0xec: {  	[sflag:s26] =	ssyncadd.s32 $0xFFFFC000  }
0xed: {  	_ =	sfence.sel $0x180000  }
0xee: {  	[bflag:$0x0] =	sbarrier.arrive $0xFFFF  }
0xef: {  	_ =	strace $0x9000004D  }
0xf0: {  	s0 =	stileid.u32;
	[bflag:$0x2] =	sbarrier.arrive $0xFFFF  }
0xf1: {  	p0 =	sne.s32 s0, $0x0;
	s0 =	rddreg [dreg:$0x2]  }
0xf2: {  	s0 =	sadd.s32 @!p0 $0x100000, s0  }
0xf3: {  	[sflag:s0] =	ssyncadd.tile.s32 @!p0 $0x1;
	_ =	shalt  }
.Lfunc_end2:
_tile_overlayer_lowered:
.L_overlay_start_2:
0xf4: {  	(tag) =	ssettag $0x2  }
0xf5: {  	s0 =	rddreg [dreg:$0x0];
	s2 =	stileid.u32  }
0xf6: {  	s1 =	rddreg [dreg:$0x1];
	p0 =	sne.s32 s2, $0x0  }
0xf7: {  	s3 =	rddreg [dreg:$0x2];
	[bflag:$0x3] =	sbarrier.arrive $0xFFFF;
	s2 =	simm.s32 @!p0 $0x1C07  }
0xf8: {  	[timem:s3], [sflag:s2] =	dma.local @!p0 [hbm:s0], s1  }
0xf9: {  	s0 =	simm.s32 @!p0 $0x7  }
0xfa: {  	_ =	swait.ge @!p0 [sflag:s0], s1  }
0xfb: {  	s1 =	ssub.s32 @!p0 $0x0, s1;
	[sflag:s0] =	ssyncset.done @!p0 $0x0  }
0xfc: {  	[sflag:s0] =	ssyncadd.s32 @!p0 s1  }
0xfd: {  	[bflag:$0x3] =	sbarrier.arrive $0xFFFF  }
0xfe: {  	_ =	shalt  }

// kernel: kernel.9.cloned.1.call-start
scs
__scs_entry_jumppad:
0x0: {  	(pc) =	sbr.rel $0x88, $3  }
0x1: {  	(tag) =	ssettag $0x0;
	lr =	simm.s32 $0x1  }
0x2: {  	[smem:$0x3F98] =	sst lr;
	_ =	strace $0xD0000000  }
0x3: {  	_ = 	snop  }
0x4: {  	_ = 	snop  }
0x5: {  	_ = 	snop  }
0x6: {  	_ = 	snop  }
0x7: {  	_ = 	snop  }
__scs_overlays_trampoline_lowered:
0x8: {  	[smem:$0x3FA7] =	sst s0  }
0x9: {  	[smem:$0x3FA8] =	sst s1  }
0xa: {  	[smem:$0x3FA9] =	sst s2  }
0xb: {  	[smem:$0x3FAA] =	sst s3  }
0xc: {  	[smem:$0x3FAB] =	sst s4  }
0xd: {  	[smem:$0x3FAC] =	sst s5  }
0xe: {  	[smem:$0x3FAD] =	sst s6  }
0xf: {  	[smem:$0x3FAE] =	sst s7  }
0x10: {  	[smem:$0x3FAF] =	sst s8  }
0x11: {  	[smem:$0x3FB0] =	sst s9;
	s0 =	simm.s32 @!p0 $0x0  }
0x12: {  	s1 =	sld [smem:$0x3F96];
	s0 =	simm.s32 @p0 $0x1  }
0x13: {  	[smem:$0x3FB1] =	sst s0;
	s0 =	simm.s32 @!p1 $0x0  }
0x14: {  	s2 =	sld [smem:$0x3F95];
	s0 =	simm.s32 @p1 $0x1  }
0x15: {  	[smem:$0x3FB2] =	sst s0;
	s0 =	simm.s32 @!p2 $0x0  }
0x16: {  	s3 =	sld [smem:$0x3FDB];
	s0 =	simm.s32 @p2 $0x1  }
0x17: {  	s4 =	simm.s32 $0x1BF5;
	[smem:$0x3FB4] =	sst s0  }
0x18: {  	s0 =	sld [smem:$0x3F97];
	_ =	swait.ge [sflag:s4], $0x0  }
0x19: {  	s7 =	sld [smem:$0x3F98]  }
0x1a: {  	s8 =	sadd.s32 $0xFFFFE003, lr  }
0x1b: {  	s9 =	sadd.s32 $0xFFFFFEF7, lr;
	s5 =	simm.s32 $0xFFFFFFFF;
	p2 =	slt.u32 s8, $0xFFFFF086  }
0x1c: {  	p1 =	slt.u32 s9, $0xF7A;
	s5 =	simm.s32 @!p2 $0x0  }
0x1d: {  	s5 =	simm.s32 @p1 $0x1;
	p0 =	seq.s32 s7, s2  }
0x1e: {  	s7 =	smul.u32 @!p0 $0xF7A, s2;
	p2 =	seq.s32 @!p0 s5, $0x0  }
0x1f: {  	s9 =	smul.u32 $0xF7A, s1;
	s8 =	simm.s32 @!p0 $0x1BF5;
	p2 =	por !p2, p0  }
0x20: {  	[sflag:s8] =	ssyncset.s32 @!p0 $0xFFFFF086;
	s6 =	sadd.s32 @!p0 s3, s7;
	s7 =	simm.s32 @!p0 $0x108  }
0x21: {  	s3 =	sadd.s32 s3, s9;
	s6 =	sadd.s32 @!p0 $0x88, s6;
	s7 =	simm.s32 @p2 $0x1082  }
0x22: {  	[simem:s7], [sflag:s8] =	dma.local @!p0 [hbm:s6], $0xF7A  }
0x23: {  	s9 =	sor.u32 $0xD0000000, s2;
	s6 =	simm.s32 $0x108;
	_ =	swait.ge @!p0 [sflag:s8], $0x0  }
0x24: {  	s3 =	sadd.s32 $0x88, s3;
	s6 =	simm.s32 @!p1 $0x1082;
	[sflag:s4] =	ssyncset.s32 $0xFFFFF086  }
0x25: {  	[simem:s6], [sflag:s4] =	dma.local [hbm:s3], $0xF7A  }
0x26: {  	[smem:$0x3F98] =	sst s1;
	(tag) =	ssettag s2;
	_ =	strace s9  }
0x27: {  	s1 =	sld [smem:$0x3FA8]  }
0x28: {  	s2 =	sld [smem:$0x3FA9]  }
0x29: {  	s4 =	sld [smem:$0x3FAB]  }
0x2a: {  	p0 =	seq.s32 s5, $0x0;
	s5 =	sld [smem:$0x3FAC]  }
0x2b: {  	s6 =	sld [smem:$0x3FAD]  }
0x2c: {  	s7 =	sld [smem:$0x3FAE]  }
0x2d: {  	s3 =	simm.s32 $0x108;
	s8 =	sld [smem:$0x3FAF]  }
0x2e: {  	s3 =	simm.s32 @!p0 $0x1082;
	s9 =	sld [smem:$0x3FB0]  }
0x2f: {  	lr =	sadd.s32 s0, s3;
	s0 =	sld [smem:$0x3FA7]  }
0x30: {  	s3 =	sld [smem:$0x3FAA]  }
0x31: {  	[smem:$0x3FB3] =	sst s10  }
0x32: {  	s10 =	sld [smem:$0x3FB1];
	_ =	sdelay $0x3  }
0x33: {  	p0 =	seq.s32 s10, $0x1;
	s10 =	sld [smem:$0x3FB3];
	_ =	sdelay $0x3  }
0x34: {  	[smem:$0x3FB3] =	sst s10  }
0x35: {  	s10 =	sld [smem:$0x3FB2];
	_ =	sdelay $0x3  }
0x36: {  	p1 =	seq.s32 s10, $0x1;
	s10 =	sld [smem:$0x3FB3];
	_ =	sdelay $0x3  }
0x37: {  	[smem:$0x3FB3] =	sst s10  }
0x38: {  	s10 =	sld [smem:$0x3FB4]  }
0x39: {  	_ = 	snop;
	(pc) =	sbr.ind lr, $3  }
0x3a: {  	_ = 	snop  }
0x3b: {  	_ = 	snop  }
0x3c: {  	p2 =	seq.s32 s10, $0x1;
	s10 =	sld [smem:$0x3FB3]  }
0x3d: {  	_ =	shalt  }
0x3e: {  	_ =	shalt  }
0x3f: {  	_ =	shalt  }
0x40: {  	_ =	shalt  }
0x41: {  	_ =	shalt  }
0x42: {  	_ =	shalt  }
0x43: {  	_ =	shalt  }
0x44: {  	_ =	shalt  }
0x45: {  	_ =	shalt  }
0x46: {  	_ =	shalt  }
0x47: {  	_ =	shalt  }
0x48: {  	_ =	shalt  }
0x49: {  	_ =	shalt  }
0x4a: {  	_ =	shalt  }
0x4b: {  	_ =	shalt  }
0x4c: {  	_ =	shalt  }
0x4d: {  	_ =	shalt  }
0x4e: {  	_ =	shalt  }
0x4f: {  	_ =	shalt  }
0x50: {  	_ =	shalt  }
0x51: {  	_ =	shalt  }
0x52: {  	_ =	shalt  }
0x53: {  	_ =	shalt  }
0x54: {  	_ =	shalt  }
0x55: {  	_ =	shalt  }
0x56: {  	_ =	shalt  }
0x57: {  	_ =	shalt  }
0x58: {  	_ =	shalt  }
0x59: {  	_ =	shalt  }
0x5a: {  	_ =	shalt  }
0x5b: {  	_ =	shalt  }
0x5c: {  	_ =	shalt  }
0x5d: {  	_ =	shalt  }
0x5e: {  	_ =	shalt  }
0x5f: {  	_ =	shalt  }
0x60: {  	_ =	shalt  }
0x61: {  	_ =	shalt  }
0x62: {  	_ =	shalt  }
0x63: {  	_ =	shalt  }
0x64: {  	_ =	shalt  }
0x65: {  	_ =	shalt  }
0x66: {  	_ =	shalt  }
0x67: {  	_ =	shalt  }
0x68: {  	_ =	shalt  }
0x69: {  	_ =	shalt  }
0x6a: {  	_ =	shalt  }
0x6b: {  	_ =	shalt  }
0x6c: {  	_ =	shalt  }
0x6d: {  	_ =	shalt  }
0x6e: {  	_ =	shalt  }
0x6f: {  	_ =	shalt  }
0x70: {  	_ =	shalt  }
0x71: {  	_ =	shalt  }
0x72: {  	_ =	shalt  }
0x73: {  	_ =	shalt  }
0x74: {  	_ =	shalt  }
0x75: {  	_ =	shalt  }
0x76: {  	_ =	shalt  }
0x77: {  	_ =	shalt  }
0x78: {  	_ =	shalt  }
0x79: {  	_ =	shalt  }
0x7a: {  	_ =	shalt  }
0x7b: {  	_ =	shalt  }
0x7c: {  	_ =	shalt  }
0x7d: {  	_ =	shalt  }
0x7e: {  	_ =	shalt  }
0x7f: {  	_ =	shalt  }
0x80: {  	_ =	shalt  }
0x81: {  	_ =	shalt  }
0x82: {  	_ =	shalt  }
0x83: {  	_ =	shalt  }
0x84: {  	_ =	shalt  }
0x85: {  	_ =	shalt  }
0x86: {  	_ =	shalt  }
0x87: {  	_ =	shalt  }
.Lfunc_end0:
.L_simem_size_0:
called_computation_lowered:
.L_overlay_start_0:
0x88: {  	s2 =	sld [smem:$0x3FD9]  }
0x89: {  	s3 =	sld [smem:$0x3FFE];
	_ =	sdelay $0x1  }
0x8a: {  	s1 =	srdreg.scid  }
0x8b: {  	s0 =	sand.u32 $0x1, s1  }
0x8c: {  	s17 =	sshll.u32 s0, $0xA;
	s2 =	sadd.s32 s3, s2  }
0x8d: {  	s2 =	sadd.s32 s2, s17  }
0x8e: {  	[smem:$0x3FBF] =	sst s2  }
0x8f: {  	_ = 	snop  }
0x90: {  	s2 =	sld [smem:$0x3FC9];
	(tm) =	ssettm $0x1  }
0x91: {  	s18 =	sld [smem:$0x3FFB];
	_ =	sdelay $0x3  }
0x92: {  	_ =	strace s18  }
0x93: {  	s3 =	sld [smem:$0x3FFC];
	_ =	sdelay $0x3  }
0x94: {  	_ =	strace s3  }
0x95: {  	s3 =	sld [smem:$0x3FFD];
	_ =	sdelay $0x3  }
0x96: {  	_ =	strace s3  }
0x97: {  	_ =	strace $0x8FFFFFFF  }
0x98: {  	s19 =	sld [smem:$0x3FDB];
	_ =	sdelay $0x1  }
0x99: {  	s4 =	simm.s32 $_scs_section_size  }
0x9a: {  	s5 =	simm.s32 $_size__tile_overlayer_lowered;
	s6 =	simm.s32 $_tile_overlayer_lowered  }
0x9b: {  	s22 =	simm.s32 $0x1BFF;
	s21 =	sshll.u32 s6, $0x1;
	s3 =	sadd.s32 s4, s19  }
0x9c: {  	s7 =	simm.s32 $0x0;
	s20 =	sshll.u32 s5, $0x1;
	s5 =	sadd.s32 s21, s3  }
0x9d: {  	[timem:s7], [sflag:s22] =	dma.local [hbm:s5], s20  }
0x9e: {  	_ =	swait.ge [sflag:s22], s20  }
0x9f: {  	s4 =	ssub.s32 $0x0, s20;
	[sflag:s22] =	ssyncset.done $0x0  }
0xa0: {  	[sflag:s22] =	ssyncadd.s32 s4;
	_ =	sdelay $0x1  }
0xa1: {  	s23 =	simm.s32 $0x1B8B  }
0xa2: {  	_ =	swait.ge [sflag:s23], $0x1  }
0xa3: {  	[sflag:s23] =	ssyncset.done $0x0  }
0xa4: {  	s25 =	simm.s32 $0x1B8E;
	s24 =	sld [smem:$0x3FFE];
	[sflag:s23] =	ssyncadd.s32 $0xFFFFFFFF  }
0xa5: {  	s26 =	simm.s32 $execute0_lowered;
	[smem:$0x3FD2] =	sst s25  }
0xa6: {  	s5 =	sshll.u32 s26, $0x1;
	_ =	strace $0x80000046;
	[dreg:$0x1] =	wrdreg $0xFFFFFFFF  }
0xa7: {  	s28 =	simm.s32 $_size_execute0_lowered;
	s3 =	sadd.s32 s3, s5;
	[dreg:$0x0] =	wrdreg $0x0  }
0xa8: {  	s5 =	sshll.u32 s28, $0x1;
	[dreg:$0x2] =	wrdreg s3  }
0xa9: {  	[dreg:$0x3] =	wrdreg s5  }
0xaa: {  	[dreg:$0x4] =	wrdreg $0xC0  }
0xab: {  	_ =	task [dreg:s7], $0x5FFFF  }
0xac: {  	[dreg:$0x1] =	wrdreg $0xFFFFFFFF  }
0xad: {  	[dreg:$0x0] =	wrdreg $0x60  }
0xae: {  	[dreg:$0x2] =	wrdreg s2  }
0xaf: {  	[dreg:$0x3] =	wrdreg s24  }
0xb0: {  	[dreg:$0x4] =	wrdreg $0xA9000  }
0xb1: {  	[dreg:$0x5] =	wrdreg $0x9  }
0xb2: {  	_ =	task.clear_ibuf [dreg:s7], $0x6FFFF;
	_ =	strace $0x90000046  }
0xb3: {  	s29 =	simm.s32 $0x9;
	_ =	strace $0x80000048  }
0xb4: {  	_ =	swait.ge [sflag:s29], $0x1  }
0xb5: {  	[sflag:s29] =	ssyncadd.s32 $0xFFFFFFFF  }
0xb6: {  	_ =	strace $0x90000048  }
0xb7: {  	_ =	sfence  }
0xb8: {  	s30 =	sld [smem:$0x0];
	_ =	sdelay $0x2  }
0xb9: {  	s31 =	sshll.u32 s1, $0xD;
	s1 =	sshrl.u32 s1, $0x2  }
0xba: {  	s3 =	sand.u32 $0x4000, s31;
	s1 =	sadd.s32 s1, s30  }
0xbb: {  	s0 =	sor.u32 s3, s0;
	s1 =	sshll.u32 s1, $0x11  }
0xbc: {  	s0 =	sor.u32 s1, s0  }
0xbd: {  	s0 =	sadd.s32 $0x8F2B, s0  }
0xbe: {  	[sflag:s0] =	ssyncadd.remote.s32 $0x1  }
0xbf: {  	_ =	sfence.sel $0xFFFF  }
0xc0: {  	[dreg:$0x0] =	wrdreg $0xFFFFFFFF;
	(pc) =	sbr.abs _section_cstart, $3  }
0xc1: {  	[dreg:$0x1] =	wrdreg $0xFFFFFFFF  }
0xc2: {  	_ =	task.clear_ibuf [dreg:s7], $0x2FFFF;
	_ =	strace $0x9FFFFFFF  }
0xc3: {  	(tm) =	ssettm $0x7FFFFFFF  }
tec
execute0_lowered:
.L_overlay_start_1:
0x0: {  	(tag) =	ssettag $0x1  }
0x1: {  	s1 =	rddreg [dreg:$0x0]  }
0x2: {  	s0 =	rddreg [dreg:$0x1];
	s2 =	srdreg.scid  }
0x3: {  	s11 =	stileid.u32;
	s3 =	rddreg [dreg:$0x2];
	s4 =	simm.s32 $0x0  }
0x4: {  	s28 =	simm.s32 $0x2800;
	s29 =	simm.s32 $0x3900;
	s9 =	smul.u32 $0x50000, s11  }
0x5: {  	s31 =	simm.s32 $0x4900;
	s30 =	simm.s32 $0x2880;
	s25 =	smul.u32 $0x14000, s11  }
0x6: {  	s2 =	sand.u32 $0x1, s2;
	s5 =	sshll.u32 s11, $0x1;
	s11 =	smul.u32 $0xA00, s11  }
0x7: {  	[smem:$0x7FF] =	sst s4;
	s5 =	sor.u32 s2, s5;
	s24 =	smul.u32 $0x140000, s2  }
0x8: {  	_ =	strace $0x80000047;
	s6 =	ssub.s32 $0x2, s2;
	s2 =	smul.u32 $0x500, s2  }
0x9: {  	s7 =	smul.u32 $0x500, s5;
	s5 =	sadd.s32 $0x3000, s0;
	s10 =	sshrl.u32 s6, $0x1  }
0xa: {  	s23 =	sshrl.u32 s9, $0x2;
	s17 =	sadd.s32 $0x4000, s25;
	s20 =	sadd.s32 $0x8000, s25  }
0xb: {  	s22 =	sadd.s32 $0xC000, s25;
	s10 =	ssub.s32 s6, s10;
	s6 =	sadd.s32 s23, s3  }
0xc: {  	s15 =	sadd.s32 s24, s25;
	s19 =	sadd.s32 s24, s17;
	s21 =	sadd.s32 s24, s20  }
0xd: {  	s23 =	sadd.s32 s24, s22;
	s8 =	sadd.s32 s7, s0;
	s12 =	sadd.s32 s5, s7  }
0xe: {  	s0 =	sadd.s32 $0x17000, s0;
	s13 =	sadd.s32 $0x4000, s6;
	[dreg:$0x5] =	wrdreg s12  }
0xf: {  	s14 =	sadd.s32 $0x8000, s6;
	s16 =	sadd.s32 $0xC000, s6;
	[dreg:$0x9] =	wrdreg s13  }
0x10: {  	s18 =	sadd.s32 $0x10000, s6;
	s7 =	sadd.s32 $0x10000, s25;
	[dreg:$0xa] =	wrdreg s14  }
0x11: {  	s8 =	sadd.s32 $0xD000, s8;
	s26 =	sadd.s32 $0x10, s12;
	[dreg:$0xb] =	wrdreg s16  }
0x12: {  	s12 =	smax.u32 s10, $0x1;
	[dreg:$0xc] =	wrdreg s18;
	s10 =	sadd.s32 s17, s3  }
0x13: {  	s9 =	sadd.s32 s24, s7;
	s13 =	simm.s32 $0x5;
	[dreg:$0x6] =	wrdreg s8  }
0x14: {  	s14 =	simm.s32 $0x20;
	s16 =	simm.s32 $0x6;
	[dreg:$0x7] =	wrdreg s26  }
0x15: {  	s17 =	simm.s32 $0x4;
	s18 =	simm.s32 $0x0;
	[dreg:$0x8] =	wrdreg s12  }
0x16: {  	s8 =	sshrl.u32 s15, $0x3;
	[dreg:$0xe] =	wrdreg s10;
	s10 =	sadd.s32 s20, s3  }
0x17: {  	s20 =	sadd.s32 s2, s11;
	s2 =	sshrl.u32 s23, $0x3;
	s24 =	sshrl.u32 s9, $0x3  }
0x18: {  	s26 =	sadd.s32 s7, s3;
	s9 =	simm.s32 $0x7900;
	s11 =	simm.s32 $0x9900  }
0x19: {  	s12 =	simm.s32 $0x1;
	s7 =	simm.s32 $0x3;
	[dreg:$0x10] =	wrdreg s10  }
0x1a: {  	s15 =	simm.s32 $0x2;
	s8 =	sadd.s32 s0, s8;
	[dreg:$0x15] =	wrdreg s26  }
0x1b: {  	s2 =	sadd.s32 s0, s2;
	[dreg:$0xd] =	wrdreg s8;
	s8 =	sshrl.u32 s19, $0x3  }
0x1c: {  	s25 =	sadd.s32 s5, s20;
	[dreg:$0x13] =	wrdreg s2;
	s8 =	sadd.s32 s0, s8  }
0x1d: {  	s26 =	simm.s32 $0x7;
	[dreg:$0xf] =	wrdreg s8;
	s8 =	sshrl.u32 s21, $0x3  }
0x1e: {  	s10 =	simm.s32 $0x8900;
	[dreg:$0x4] =	wrdreg s25;
	s8 =	sadd.s32 s0, s8  }
0x1f: {  	s25 =	simm.s32 $0x2900;
	s0 =	sadd.s32 s0, s24;
	[dreg:$0x11] =	wrdreg s8  }
0x20: {  	s2 =	simm.s32 $0x80;
	s8 =	sadd.s32 s22, s3;
	[dreg:$0x14] =	wrdreg s0  }
0x21: {  	v0 =	vimm.f32 $0.0e+00;
	s0 =	simm.s32 $0x5900;
	[dreg:$0x12] =	wrdreg s8;
	s8 =	simm.s32 $0x6900  }
.LBB2_1:
0x22: {  	s19 =	simm.s32 $0x0;
	s21 =	simm.s32 $0x200  }
.LBB2_2:
0x23: {  	p0 =	sne.s32 s21, $0xFE00;
	[tilespmem:s19+$0x2970] =	vst v0  }
0x24: {  	[tilespmem:s19+$0x2900] =	vst v0  }
0x25: {  	[tilespmem:s19+$0x2910] =	vst v0  }
.Ltmp0:
0x26: {  	[tilespmem:s19+$0x2920] =	vst v0;
	(pc) =	sbr.rel @p0 .LBB2_2-.Ltmp0, $4  }
0x27: {  	[tilespmem:s19+$0x2930] =	vst v0  }
0x28: {  	[tilespmem:s19+$0x2940] =	vst v0  }
0x29: {  	[tilespmem:s19+$0x2950] =	vst v0  }
0x2a: {  	[tilespmem:s19+$0x2960] =	vst v0;
	s19 =	sshra.s32 s21, $0x2;
	s21 =	sadd.s32 $0x200, s21  }
0x2b: {  	[tilespmem:s19+$0x2970] =	vst v0  }
0x2c: {  	[tilespmem:s19+$0x2900] =	vst v0  }
0x2d: {  	[tilespmem:s19+$0x2910] =	vst v0  }
0x2e: {  	[tilespmem:s19+$0x2920] =	vst v0  }
0x2f: {  	[tilespmem:s19+$0x2930] =	vst v0  }
0x30: {  	[tilespmem:s19+$0x2940] =	vst v0  }
0x31: {  	[tilespmem:s19+$0x2950] =	vst v0  }
0x32: {  	[tilespmem:s19+$0x2960] =	vst v0  }
0x33: {  	[spmem:s6] =	stream.linear.scatter [tilespmem:s25], [sflag:$0x7], $0x4000, $0x38;
	[tilespmem:$0x1E900] =	vst v63  }
0x34: {  	_ =	swait.ge [sflag:s26], $0x4000  }
0x35: {  	[sflag:s26] =	ssyncset.done $0x0  }
0x36: {  	s22 =	rddreg [dreg:$0x9];
	[sflag:s26] =	ssyncadd.s32 $0xFFFFC000  }
0x37: {  	[spmem:s22] =	stream.linear.scatter [tilespmem:s25], [sflag:$0x7], $0x4000, $0x38;
	[tilespmem:$0x1E900] =	vst v63  }
0x38: {  	_ =	swait.ge [sflag:s26], $0x4000  }
0x39: {  	[sflag:s26] =	ssyncset.done $0x0  }
0x3a: {  	s23 =	rddreg [dreg:$0xa];
	[sflag:s26] =	ssyncadd.s32 $0xFFFFC000  }
0x3b: {  	[spmem:s23] =	stream.linear.scatter [tilespmem:s25], [sflag:$0x7], $0x4000, $0x38;
	[tilespmem:$0x1E900] =	vst v63  }
0x3c: {  	_ =	swait.ge [sflag:s26], $0x4000  }
0x3d: {  	[sflag:s26] =	ssyncset.done $0x0  }
0x3e: {  	s24 =	rddreg [dreg:$0xb];
	[sflag:s26] =	ssyncadd.s32 $0xFFFFC000  }
0x3f: {  	[spmem:s24] =	stream.linear.scatter [tilespmem:s25], [sflag:$0x7], $0x4000, $0x38;
	[tilespmem:$0x1E900] =	vst v63  }
0x40: {  	_ =	swait.ge [sflag:s26], $0x4000  }
0x41: {  	[sflag:s26] =	ssyncset.done $0x0  }
0x42: {  	s21 =	rddreg [dreg:$0xc];
	[sflag:s26] =	ssyncadd.s32 $0xFFFFC000  }
0x43: {  	[spmem:s21] =	stream.linear.scatter [tilespmem:s25], [sflag:$0x7], $0x4000, $0x38;
	[tilespmem:$0x1E900] =	vst v63  }
0x44: {  	_ =	swait.ge [sflag:s26], $0x4000  }
0x45: {  	[sflag:s26] =	ssyncset.done $0x0  }
0x46: {  	[sflag:s26] =	ssyncadd.s32 $0xFFFFC000  }
0x47: {  	[bflag:$0x0] =	sbarrier.arrive $0xFFFF  }
0x48: {  	s19 =	simm.s32 $0x0;
	s21 =	rddreg [dreg:$0x6]  }
0x49: {  	[tilespmem:s19], [sflag:$0x7] =	stream.linear.gather [hbm4b:s21+s19], $0x2800, $0x38;
	[tilespmem:$0x1E900] =	vst v63  }
0x4a: {  	_ =	swait.ge [sflag:s26], $0x2800  }
0x4b: {  	[sflag:s26] =	ssyncset.done $0x0  }
0x4c: {  	s22 =	rddreg [dreg:$0x5];
	[sflag:s26] =	ssyncadd.s32 $0xFFFFD800  }
0x4d: {  	[tilespmem:s28], [sflag:$0x5] =	stream.linear.gather [hbm4b:s22+s19], $0x80, $0x38;
	[tilespmem:$0x1E900] =	vst v63  }
0x4e: {  	s21 =	simm.s32 $0x20  }
0x4f: {  	[tilespmem:s25], [sflag:$0x1] =	stream.indirect.gather [hbm4b:s1+s21], $0x80, s19, s21, $0xb8;
	[tilespmem:$0x1E900] =	vst v63  }
0x50: {  	_ = 	snop  }
0x51: {  	[tilespmem:s29], [sflag:$0x1] =	stream.indirect.gather [hbm4b:s1+s21], $0x80, s21, s21, $0xb8;
	[tilespmem:$0x1E900] =	vst v63  }
0x52: {  	s22 =	simm.s32 $0x40  }
0x53: {  	[tilespmem:s31], [sflag:$0x1] =	stream.indirect.gather [hbm4b:s1+s21], $0x80, s22, s21, $0xb8;
	[tilespmem:$0x1E900] =	vst v63  }
0x54: {  	s23 =	simm.s32 $0x60  }
0x55: {  	[tilespmem:s0], [sflag:$0x1] =	stream.indirect.gather [hbm4b:s1+s21], $0x80, s23, s21, $0xb8;
	[tilespmem:$0x1E900] =	vst v63  }
0x56: {  	s24 =	rddreg [dreg:$0x7]  }
0x57: {  	[tilespmem:s30], [sflag:$0x6] =	stream.linear.gather [hbm4b:s24+s19], $0x80, $0x38;
	[tilespmem:$0x1E900] =	vst v63  }
0x58: {  	_ = 	snop  }
0x59: {  	[tilespmem:s8], [sflag:$0x2] =	stream.indirect.gather [hbm4b:s1+s21], $0x80, s2, s21, $0xb8;
	[tilespmem:$0x1E900] =	vst v63  }
0x5a: {  	s22 =	simm.s32 $0xA0  }
0x5b: {  	[tilespmem:s9], [sflag:$0x2] =	stream.indirect.gather [hbm4b:s1+s21], $0x80, s22, s21, $0xb8;
	[tilespmem:$0x1E900] =	vst v63  }
0x5c: {  	s23 =	simm.s32 $0xC0  }
0x5d: {  	[tilespmem:s10], [sflag:$0x2] =	stream.indirect.gather [hbm4b:s1+s21], $0x80, s23, s21, $0xb8;
	[tilespmem:$0x1E900] =	vst v63  }
0x5e: {  	s24 =	simm.s32 $0xE0  }
0x5f: {  	[tilespmem:s11], [sflag:$0x2] =	stream.indirect.gather [hbm4b:s1+s21], $0x80, s24, s21, $0xb8;
	[tilespmem:$0x1E900] =	vst v63  }
0x60: {  	_ =	swait.ge [sflag:s12], $0x4000  }
0x61: {  	[sflag:s12] =	ssyncset.done $0x0  }
0x62: {  	[sflag:s12] =	ssyncadd.s32 $0xFFFFC000  }
0x63: {  	_ =	swait.ge [sflag:s13], $0x80  }
0x64: {  	[sflag:s13] =	ssyncset.done $0x0  }
0x65: {  	[sflag:s13] =	ssyncadd.s32 $0xFFFFFF80  }
0x66: {  	[spmem:s3] =	stream.indirect.scatter.add.f32 [tilespmem:s25], [sflag:$0x3], $0x80, s28, s2, $0xb8;
	[tilespmem:$0x1E900] =	vst v63  }
0x67: {  	_ =	swait.ge [sflag:s7], $0x4000  }
0x68: {  	s22 =	rddreg [dreg:$0x4];
	[sflag:s7] =	ssyncset.done $0x0  }
0x69: {  	[sflag:s7] =	ssyncadd.s32 $0xFFFFC000;
	s19 =	sadd.s32 $0x20, s22  }
0x6a: {  	[tilespmem:s28], [sflag:$0x5] =	stream.linear.gather [hbm4b:s19+s4], $0x80, $0x38;
	[tilespmem:$0x1E900] =	vst v63  }
0x6b: {  	s23 =	simm.s32 $0x100  }
0x6c: {  	[tilespmem:s25], [sflag:$0x1] =	stream.indirect.gather [hbm4b:s1+s14], $0x80, s23, s14, $0xb8;
	[tilespmem:$0x1E900] =	vst v63  }
0x6d: {  	s24 =	simm.s32 $0x120  }
0x6e: {  	[tilespmem:s29], [sflag:$0x1] =	stream.indirect.gather [hbm4b:s1+s14], $0x80, s24, s14, $0xb8;
	[tilespmem:$0x1E900] =	vst v63  }
0x6f: {  	s22 =	simm.s32 $0x140  }
0x70: {  	[tilespmem:s31], [sflag:$0x1] =	stream.indirect.gather [hbm4b:s1+s14], $0x80, s22, s14, $0xb8;
	[tilespmem:$0x1E900] =	vst v63  }
0x71: {  	s23 =	simm.s32 $0x160  }
0x72: {  	[tilespmem:s0], [sflag:$0x1] =	stream.indirect.gather [hbm4b:s1+s14], $0x80, s23, s14, $0xb8;
	[tilespmem:$0x1E900] =	vst v63  }
0x73: {  	_ =	swait.ge [sflag:s15], $0x4000  }
0x74: {  	[sflag:s15] =	ssyncset.done $0x0  }
0x75: {  	[sflag:s15] =	ssyncadd.s32 $0xFFFFC000  }
0x76: {  	_ =	swait.ge [sflag:s16], $0x80  }
0x77: {  	[sflag:s16] =	ssyncset.done $0x0  }
0x78: {  	s21 =	sand.u32 $0x60, s21;
	s24 =	sadd.s32 $0x20, s20;
	[sflag:s16] =	ssyncadd.s32 $0xFFFFFF80  }
0x79: {  	[spmem:s3] =	stream.indirect.scatter.add.f32 [tilespmem:s8], [sflag:$0x4], $0x80, s30, s2, $0xb8;
	[tilespmem:$0x1E900] =	vst v63  }
0x7a: {  	s21 =	sadd.s32 s21, s5;
	s19 =	sand.u32 $0xFFFFF80, s24;
	_ =	swait.ge [sflag:s17], $0x4000  }
0x7b: {  	s19 =	sadd.s32 s19, s21;
	[sflag:s17] =	ssyncset.done $0x0  }
0x7c: {  	s19 =	sadd.s32 $0x10, s19;
	[sflag:s17] =	ssyncadd.s32 $0xFFFFC000  }
0x7d: {  	[tilespmem:s30], [sflag:$0x6] =	stream.linear.gather [hbm4b:s19+s4], $0x80, $0x38;
	[tilespmem:$0x1E900] =	vst v63  }
0x7e: {  	s21 =	simm.s32 $0x180  }
0x7f: {  	[tilespmem:s8], [sflag:$0x2] =	stream.indirect.gather [hbm4b:s1+s14], $0x80, s21, s14, $0xb8;
	[tilespmem:$0x1E900] =	vst v63  }
0x80: {  	s22 =	simm.s32 $0x1A0  }
0x81: {  	[tilespmem:s9], [sflag:$0x2] =	stream.indirect.gather [hbm4b:s1+s14], $0x80, s22, s14, $0xb8;
	[tilespmem:$0x1E900] =	vst v63  }
0x82: {  	s23 =	simm.s32 $0x1C0  }
0x83: {  	[tilespmem:s10], [sflag:$0x2] =	stream.indirect.gather [hbm4b:s1+s14], $0x80, s23, s14, $0xb8;
	[tilespmem:$0x1E900] =	vst v63  }
0x84: {  	s24 =	simm.s32 $0x1E0  }
0x85: {  	[tilespmem:s11], [sflag:$0x2] =	stream.indirect.gather [hbm4b:s1+s14], $0x80, s24, s14, $0xb8;
	[tilespmem:$0x1E900] =	vst v63  }
0x86: {  	_ =	swait.ge [sflag:s12], $0x4000  }
0x87: {  	[sflag:s12] =	ssyncset.done $0x0  }
0x88: {  	[sflag:s12] =	ssyncadd.s32 $0xFFFFC000  }
0x89: {  	_ =	swait.ge [sflag:s13], $0x80  }
0x8a: {  	[sflag:s13] =	ssyncset.done $0x0  }
0x8b: {  	s19 =	simm.s32 $0x400;
	s21 =	simm.s32 $0x40;
	[sflag:s13] =	ssyncadd.s32 $0xFFFFFF80  }
.LBB2_4:
0x8c: {  	[spmem:s3] =	stream.indirect.scatter.add.f32 [tilespmem:s25], [sflag:$0x3], $0x80, s28, s2, $0xb8;
	[tilespmem:$0x1E900] =	vst v63  }
0x8d: {  	_ =	swait.ge [sflag:s7], $0x4000  }
0x8e: {  	s22 =	smov.u32 s19;
	s23 =	rddreg [dreg:$0x4];
	[sflag:s7] =	ssyncset.done $0x0  }
0x8f: {  	s22 =	sshra.s32 s22, $0x2;
	[sflag:s7] =	ssyncadd.s32 $0xFFFFC000;
	s23 =	sadd.s32 s21, s23  }
0x90: {  	[tilespmem:s28], [sflag:$0x5] =	stream.linear.gather [hbm4b:s23+s4], $0x80, $0x38;
	[tilespmem:$0x1E900] =	vst v63  }
0x91: {  	s24 =	sadd.s32 $0x100, s22  }
0x92: {  	[tilespmem:s25], [sflag:$0x1] =	stream.indirect.gather [hbm4b:s1+s14], $0x80, s24, s14, $0xb8;
	[tilespmem:$0x1E900] =	vst v63  }
0x93: {  	s24 =	sadd.s32 $0x120, s22  }
0x94: {  	[tilespmem:s29], [sflag:$0x1] =	stream.indirect.gather [hbm4b:s1+s14], $0x80, s24, s14, $0xb8;
	[tilespmem:$0x1E900] =	vst v63  }
0x95: {  	s24 =	sadd.s32 $0x140, s22  }
0x96: {  	[tilespmem:s31], [sflag:$0x1] =	stream.indirect.gather [hbm4b:s1+s14], $0x80, s24, s14, $0xb8;
	[tilespmem:$0x1E900] =	vst v63  }
0x97: {  	s24 =	sadd.s32 $0x160, s22  }
0x98: {  	[tilespmem:s0], [sflag:$0x1] =	stream.indirect.gather [hbm4b:s1+s14], $0x80, s24, s14, $0xb8;
	[tilespmem:$0x1E900] =	vst v63  }
0x99: {  	_ =	swait.ge [sflag:s15], $0x4000  }
0x9a: {  	[sflag:s15] =	ssyncset.done $0x0  }
0x9b: {  	[sflag:s15] =	ssyncadd.s32 $0xFFFFC000  }
0x9c: {  	_ =	swait.ge [sflag:s16], $0x80  }
0x9d: {  	[sflag:s16] =	ssyncset.done $0x0  }
0x9e: {  	s23 =	sadd.s32 s21, s20;
	s24 =	sand.u32 $0x60, s21;
	[sflag:s16] =	ssyncadd.s32 $0xFFFFFF80  }
0x9f: {  	[spmem:s3] =	stream.indirect.scatter.add.f32 [tilespmem:s8], [sflag:$0x4], $0x80, s30, s2, $0xb8;
	[tilespmem:$0x1E900] =	vst v63  }
0xa0: {  	s23 =	sand.u32 $0xFFFFF80, s23;
	s24 =	sadd.s32 s24, s5;
	_ =	swait.ge [sflag:s17], $0x4000  }
0xa1: {  	s23 =	sadd.s32 s23, s24;
	[sflag:s17] =	ssyncset.done $0x0  }
0xa2: {  	s23 =	sadd.s32 $0x10, s23;
	[sflag:s17] =	ssyncadd.s32 $0xFFFFC000  }
0xa3: {  	[tilespmem:s30], [sflag:$0x6] =	stream.linear.gather [hbm4b:s23+s4], $0x80, $0x38;
	[tilespmem:$0x1E900] =	vst v63  }
0xa4: {  	s24 =	sadd.s32 $0x180, s22  }
0xa5: {  	[tilespmem:s8], [sflag:$0x2] =	stream.indirect.gather [hbm4b:s1+s14], $0x80, s24, s14, $0xb8;
	[tilespmem:$0x1E900] =	vst v63  }
0xa6: {  	s24 =	sadd.s32 $0x1A0, s22  }
0xa7: {  	[tilespmem:s9], [sflag:$0x2] =	stream.indirect.gather [hbm4b:s1+s14], $0x80, s24, s14, $0xb8;
	[tilespmem:$0x1E900] =	vst v63  }
0xa8: {  	s24 =	sadd.s32 $0x1C0, s22  }
0xa9: {  	[tilespmem:s10], [sflag:$0x2] =	stream.indirect.gather [hbm4b:s1+s14], $0x80, s24, s14, $0xb8;
	[tilespmem:$0x1E900] =	vst v63  }
0xaa: {  	s22 =	sadd.s32 $0x1E0, s22  }
0xab: {  	[tilespmem:s11], [sflag:$0x2] =	stream.indirect.gather [hbm4b:s1+s14], $0x80, s22, s14, $0xb8;
	[tilespmem:$0x1E900] =	vst v63  }
0xac: {  	p0 =	sne.s32 s19, $0x9800;
	_ =	swait.ge [sflag:s12], $0x4000  }
.Ltmp1:
0xad: {  	[sflag:s12] =	ssyncset.done $0x0;
	(pc) =	sbr.rel @p0 .LBB2_4-.Ltmp1, $4  }
0xae: {  	[sflag:s12] =	ssyncadd.s32 $0xFFFFC000  }
0xaf: {  	_ =	swait.ge [sflag:s13], $0x80  }
0xb0: {  	[sflag:s13] =	ssyncset.done $0x0  }
0xb1: {  	s19 =	sadd.s32 $0x400, s19;
	s21 =	sadd.s32 $0x20, s21;
	[sflag:s13] =	ssyncadd.s32 $0xFFFFFF80  }
0xb2: {  	[spmem:s3] =	stream.indirect.scatter.add.f32 [tilespmem:s25], [sflag:$0x3], $0x80, s28, s2, $0xb8;
	[tilespmem:$0x1E900] =	vst v63  }
0xb3: {  	_ =	swait.ge [sflag:s7], $0x4000  }
0xb4: {  	[sflag:s7] =	ssyncset.done $0x0  }
0xb5: {  	[sflag:s7] =	ssyncadd.s32 $0xFFFFC000  }
0xb6: {  	_ =	swait.ge [sflag:s15], $0x4000  }
0xb7: {  	[sflag:s15] =	ssyncset.done $0x0  }
0xb8: {  	[sflag:s15] =	ssyncadd.s32 $0xFFFFC000  }
0xb9: {  	_ =	swait.ge [sflag:s16], $0x80  }
0xba: {  	[sflag:s16] =	ssyncset.done $0x0  }
0xbb: {  	[sflag:s16] =	ssyncadd.s32 $0xFFFFFF80  }
0xbc: {  	[spmem:s3] =	stream.indirect.scatter.add.f32 [tilespmem:s8], [sflag:$0x4], $0x80, s30, s2, $0xb8;
	[tilespmem:$0x1E900] =	vst v63  }
0xbd: {  	_ =	swait.ge [sflag:s17], $0x4000  }
0xbe: {  	[sflag:s17] =	ssyncset.done $0x0  }
0xbf: {  	[sflag:s17] =	ssyncadd.s32 $0xFFFFC000  }
0xc0: {  	[bflag:$0x0] =	sbarrier.arrive $0xFFFF  }
0xc1: {  	[tilespmem:s25], [sflag:$0x7] =	stream.linear.gather [spmem:s6], $0x4000, $0x38;
	[tilespmem:$0x1E900] =	vst v63  }
0xc2: {  	_ =	swait.ge [sflag:s26], $0x4000  }
0xc3: {  	[sflag:s26] =	ssyncset.done $0x0  }
0xc4: {  	s19 =	rddreg [dreg:$0xd];
	[sflag:s26] =	ssyncadd.s32 $0xFFFFC000  }
0xc5: {  	[hbm4b:s19+s4] =	stream.linear.scatter [tilespmem:s25], [sflag:$0x7], $0x4000, $0x38;
	[tilespmem:$0x1E900] =	vst v63  }
0xc6: {  	_ =	swait.ge [sflag:s26], $0x4000  }
0xc7: {  	[sflag:s26] =	ssyncset.done $0x0  }
0xc8: {  	s24 =	rddreg [dreg:$0xe];
	[sflag:s26] =	ssyncadd.s32 $0xFFFFC000  }
0xc9: {  	[tilespmem:s25], [sflag:$0x7] =	stream.linear.gather [spmem:s24], $0x4000, $0x38;
	[tilespmem:$0x1E900] =	vst v63  }
0xca: {  	_ =	swait.ge [sflag:s26], $0x4000  }
0xcb: {  	[sflag:s26] =	ssyncset.done $0x0  }
0xcc: {  	s21 =	rddreg [dreg:$0xf];
	[sflag:s26] =	ssyncadd.s32 $0xFFFFC000  }
0xcd: {  	[hbm4b:s21+s4] =	stream.linear.scatter [tilespmem:s25], [sflag:$0x7], $0x4000, $0x38;
	[tilespmem:$0x1E900] =	vst v63  }
0xce: {  	_ =	swait.ge [sflag:s26], $0x4000  }
0xcf: {  	[sflag:s26] =	ssyncset.done $0x0  }
0xd0: {  	s22 =	rddreg [dreg:$0x10];
	[sflag:s26] =	ssyncadd.s32 $0xFFFFC000  }
0xd1: {  	[tilespmem:s25], [sflag:$0x7] =	stream.linear.gather [spmem:s22], $0x4000, $0x38;
	[tilespmem:$0x1E900] =	vst v63  }
0xd2: {  	_ =	swait.ge [sflag:s26], $0x4000  }
0xd3: {  	[sflag:s26] =	ssyncset.done $0x0  }
0xd4: {  	s23 =	rddreg [dreg:$0x11];
	[sflag:s26] =	ssyncadd.s32 $0xFFFFC000  }
0xd5: {  	[hbm4b:s23+s4] =	stream.linear.scatter [tilespmem:s25], [sflag:$0x7], $0x4000, $0x38;
	[tilespmem:$0x1E900] =	vst v63  }
0xd6: {  	_ =	swait.ge [sflag:s26], $0x4000  }
0xd7: {  	[sflag:s26] =	ssyncset.done $0x0  }
0xd8: {  	s24 =	rddreg [dreg:$0x12];
	[sflag:s26] =	ssyncadd.s32 $0xFFFFC000  }
0xd9: {  	[tilespmem:s25], [sflag:$0x7] =	stream.linear.gather [spmem:s24], $0x4000, $0x38;
	[tilespmem:$0x1E900] =	vst v63  }
0xda: {  	_ =	swait.ge [sflag:s26], $0x4000  }
0xdb: {  	[sflag:s26] =	ssyncset.done $0x0  }
0xdc: {  	s21 =	rddreg [dreg:$0x13];
	[sflag:s26] =	ssyncadd.s32 $0xFFFFC000  }
0xdd: {  	[hbm4b:s21+s4] =	stream.linear.scatter [tilespmem:s25], [sflag:$0x7], $0x4000, $0x38;
	[tilespmem:$0x1E900] =	vst v63  }
0xde: {  	_ =	swait.ge [sflag:s26], $0x4000  }
0xdf: {  	[sflag:s26] =	ssyncset.done $0x0  }
0xe0: {  	s22 =	rddreg [dreg:$0x15];
	[sflag:s26] =	ssyncadd.s32 $0xFFFFC000  }
0xe1: {  	[tilespmem:s25], [sflag:$0x7] =	stream.linear.gather [spmem:s22], $0x4000, $0x38;
	[tilespmem:$0x1E900] =	vst v63  }
0xe2: {  	_ =	swait.ge [sflag:s26], $0x4000  }
0xe3: {  	[sflag:s26] =	ssyncset.done $0x0  }
0xe4: {  	s23 =	rddreg [dreg:$0x14];
	[sflag:s26] =	ssyncadd.s32 $0xFFFFC000  }
0xe5: {  	[hbm4b:s23+s4] =	stream.linear.scatter [tilespmem:s25], [sflag:$0x7], $0x4000, $0x38;
	[tilespmem:$0x1E900] =	vst v63  }
0xe6: {  	_ =	swait.ge [sflag:s26], $0x4000  }
0xe7: {  	s18 =	sadd.s32 $0x1, s18;
	s24 =	rddreg [dreg:$0x8]  }
0xe8: {  	p0 =	sne.s32 s18, s24  }
.Ltmp2:
0xe9: {  	_ = 	snop;
	(pc) =	sbr.rel @p0 .LBB2_1-.Ltmp2, $3  }
0xea: {  	_ =	sdelay $0x1  }
0xeb: {  	[sflag:s26] =	ssyncset.done $0x0  }
0xec: {  	[sflag:s26] =	ssyncadd.s32 $0xFFFFC000  }
0xed: {  	_ =	sfence.sel $0x180000  }
0xee: {  	[bflag:$0x0] =	sbarrier.arrive $0xFFFF  }
0xef: {  	_ =	strace $0x90000047  }
0xf0: {  	s0 =	stileid.u32;
	[bflag:$0x2] =	sbarrier.arrive $0xFFFF  }
0xf1: {  	p0 =	sne.s32 s0, $0x0;
	s0 =	rddreg [dreg:$0x3]  }
0xf2: {  	s0 =	sadd.s32 @!p0 $0x100000, s0  }
0xf3: {  	[sflag:s0] =	ssyncadd.tile.s32 @!p0 $0x1;
	_ =	shalt  }
.Lfunc_end2:
_tile_overlayer_lowered:
.L_overlay_start_2:
0xf4: {  	(tag) =	ssettag $0x2  }
0xf5: {  	s0 =	rddreg [dreg:$0x0];
	s2 =	stileid.u32  }
0xf6: {  	s1 =	rddreg [dreg:$0x1];
	p0 =	sne.s32 s2, $0x0  }
0xf7: {  	s3 =	rddreg [dreg:$0x2];
	[bflag:$0x3] =	sbarrier.arrive $0xFFFF;
	s2 =	simm.s32 @!p0 $0x1C07  }
0xf8: {  	[timem:s3], [sflag:s2] =	dma.local @!p0 [hbm:s0], s1  }
0xf9: {  	s0 =	simm.s32 @!p0 $0x7  }
0xfa: {  	_ =	swait.ge @!p0 [sflag:s0], s1  }
0xfb: {  	s1 =	ssub.s32 @!p0 $0x0, s1;
	[sflag:s0] =	ssyncset.done @!p0 $0x0  }
0xfc: {  	[sflag:s0] =	ssyncadd.s32 @!p0 s1  }
0xfd: {  	[bflag:$0x3] =	sbarrier.arrive $0xFFFF  }
0xfe: {  	_ =	shalt  }

</sc_bundles>
